<compile_context>
chip_gen: v7x
topology: tpu7x:2x2x1
jax: 0.10.2.dev20260603
libtpu: 0.0.44.dev20260713+nightly
codegen_flags: <defaults>
</compile_context>

<pallas_src>
import dataclasses
import functools

import jax
import jax.numpy as jnp
from jax import lax
from jax.experimental import pallas as pl
from jax.experimental.pallas import tpu as pltpu
from jax.experimental.pallas import tpu_sc as plsc

V = 100000
D = 64
B = 16384
C = 20
K = 20

NC = 2
NS = 16
NW = NC * NS
L = 16

NB = 16
EPW = B // NW
NSTEPS = EPW // NB

IDX_CHUNK = 64
NCHUNK = NB * C // IDX_CHUNK
PAD = 32 - C


def _sc_body(emb, ctxi, tgti, negi, out1, out2p,
             ctx_idx0, neg_idx0, tgt_idx0, ctx_idx1, neg_idx1, tgt_idx1,
             ctx_rows0, neg_rows0, tgt_rows0, ctx_rows1, neg_rows1, tgt_rows1,
             ybuf, fbuf, out1_buf,
             isem0, isem1, gsem0, gsem1):
  wid = lax.axis_index("s") * NC + lax.axis_index("c")
  iota = lax.iota(jnp.int32, L)
  colbase = iota * L

  idxb = [(ctx_idx0, neg_idx0, tgt_idx0), (ctx_idx1, neg_idx1, tgt_idx1)]
  rowb = [(ctx_rows0, neg_rows0, tgt_rows0), (ctx_rows1, neg_rows1, tgt_rows1)]
  isem = [isem0, isem1]
  gsem = [gsem0, gsem1]

  zero = jnp.zeros((L,), jnp.float32)

  def colsum(buf, r0):
    base = colbase + r0 * L
    v = plsc.load_gather(buf, [base])
    for j in range(1, L):
      v = v + plsc.load_gather(buf, [base + j])
    return v

  def idx_descs(s, p):
    ibase = wid * (EPW * C) + s * (NB * C)
    tbase = wid * EPW + s * NB
    cv, nv, tv = idxb[p]
    return [
        pltpu.make_async_copy(ctxi.at[pl.ds(ibase, NB * C)], cv, isem[p]),
        pltpu.make_async_copy(negi.at[pl.ds(ibase, NB * C)], nv, isem[p]),
        pltpu.make_async_copy(tgti.at[pl.ds(tbase, NB)], tv, isem[p]),
    ]

  def gather_descs(p):
    cv, nv, tv = idxb[p]
    cr, nr, tr = rowb[p]
    descs = [pltpu.make_async_copy(emb.at[tv], tr, gsem[p])]
    for i in range(NCHUNK):
      sl = pl.ds(i * IDX_CHUNK, IDX_CHUNK)
      descs.append(pltpu.make_async_copy(emb.at[cv.at[sl]], cr.at[sl], gsem[p]))
      descs.append(pltpu.make_async_copy(emb.at[nv.at[sl]], nr.at[sl], gsem[p]))
    return descs

  perm = {k: (iota ^ k).reshape(L, 1) for k in (8, 4, 2, 1)}
  mask = {k: (iota & k) == 0 for k in (8, 4, 2, 1)}
  lane4 = (iota & 3) == 0
  zf = jnp.zeros((L,), jnp.float32)
  gdn = lax.GatherDimensionNumbers(
      offset_dims=(), collapsed_slice_dims=(0,), start_index_map=(0,))

  def shuf(v, k):
    return v + lax.gather(v, perm[k], gdn, slice_sizes=(1,),
                          mode=lax.GatherScatterMode.PROMISE_IN_BOUNDS)

  def comb(x, y, k):
    return jnp.where(mask[k], shuf(x, k), shuf(y, k))

  def red20(ps):
    cur = ps[:16]
    for k in (8, 4, 2, 1):
      cur = [comb(cur[2 * i], cur[2 * i + 1], k) for i in range(len(cur) // 2)]
    u = comb(ps[16], ps[17], 8)
    v = comb(ps[18], ps[19], 8)
    for k in (4, 2, 1):
      u, v = shuf(u, k), shuf(v, k)
    w = jnp.where(mask[4], u, v)
    return jnp.exp(cur[0]), jnp.where(lane4, jnp.exp(w), zf)

  def element(b):
    cr, nr, tr = element.rows
    t = [tr[b, pl.ds(j * L, L)] for j in range(4)]
    rowbase = b * C
    cps, nps = [], []
    for c in range(C):
      r = [cr[rowbase + c, pl.ds(j * L, L)] for j in range(4)]
      cps.append((r[0] * t[0] + r[1] * t[1]) + (r[2] * t[2] + r[3] * t[3]))
      for j in range(4):
        if c == 0:
          out1_buf[b, pl.ds(j * L, L)] = r[j]
        else:
          plsc.addupdate(out1_buf.at[b, pl.ds(j * L, L)], r[j])
    for k in range(K):
      r = [nr[rowbase + k, pl.ds(j * L, L)] for j in range(4)]
      nps.append((r[0] * t[0] + r[1] * t[1]) + (r[2] * t[2] + r[3] * t[3]))
    ch, ct = red20(cps)
    nh, nt = red20(nps)
    ybuf[pl.ds(b * L, L)] = ch + ct
    fbuf[pl.ds(b * L, L)] = nh + nt

  def compute(s, p, acc):
    element.rows = rowb[p]

    @pl.loop(0, NB)
    def _(b):
      element(b)

    y_vec = colsum(ybuf, 0)
    f_vec = colsum(fbuf, 0)
    pltpu.sync_copy(out1_buf, out1.at[pl.ds(wid * EPW + s * NB, NB)])
    return acc + y_vec / f_vec

  for d in idx_descs(0, 0):
    d.start()
  for d in idx_descs(0, 0):
    d.wait()
  for d in gather_descs(0):
    d.start()
  for d in idx_descs(1, 1):
    d.start()

  def body(t, acc):
    for p in (0, 1):
      s = 2 * t + p

      @pl.when(s < NSTEPS - 1)
      def _():
        for d in idx_descs(0, 1 - p):
          d.wait()
        for d in gather_descs(1 - p):
          d.start()

      for d in gather_descs(p):
        d.wait()

      @pl.when(s < NSTEPS - 2)
      def _():
        for d in idx_descs(s + 2, p):
          d.start()

      acc = compute(s, p, acc)
    return acc

  acc = lax.fori_loop(0, NSTEPS // 2, body, zero)
  ybuf[pl.ds(0, L)] = acc
  pltpu.sync_copy(ybuf.at[pl.ds(0, L)], out2p.at[pl.ds(wid * L, L)])


@jax.jit
def _run(x_context, y_target, neg_samples, embedding):
  ctxi = x_context.reshape(B * C)
  negi = neg_samples.reshape(B * K)
  tgti = y_target.reshape(B)

  mesh = plsc.VectorSubcoreMesh(core_axis_name="c", subcore_axis_name="s")
  cp = pltpu.CompilerParams()
  if "needs_layout_passes" in pltpu.CompilerParams.__dataclass_fields__:
    cp = dataclasses.replace(cp, needs_layout_passes=False)
  if "use_tc_tiling_on_sc" in pltpu.CompilerParams.__dataclass_fields__:
    cp = dataclasses.replace(cp, use_tc_tiling_on_sc=False)
  sc = functools.partial(
      pl.kernel,
      compiler_params=cp,
      out_type=(
          jax.ShapeDtypeStruct((B, D), jnp.float32),
          jax.ShapeDtypeStruct((NW * L,), jnp.float32),
      ),
      mesh=mesh,
      scratch_types=(
          [pltpu.VMEM((NB * C,), jnp.int32),
           pltpu.VMEM((NB * K,), jnp.int32),
           pltpu.VMEM((NB,), jnp.int32)] * 2 +
          [pltpu.VMEM((NB * C, D), jnp.float32),
           pltpu.VMEM((NB * K, D), jnp.float32),
           pltpu.VMEM((NB, D), jnp.float32)] * 2 +
          [pltpu.VMEM((NB * L,), jnp.float32),
           pltpu.VMEM((NB * L,), jnp.float32),
           pltpu.VMEM((NB, D), jnp.float32),
           pltpu.SemaphoreType.DMA,
           pltpu.SemaphoreType.DMA,
           pltpu.SemaphoreType.DMA,
           pltpu.SemaphoreType.DMA]
      ),
  )(_sc_body)
  out1, out2p = sc(embedding, ctxi, tgti, negi)
  return out1, jnp.sum(out2p)


def kernel(x_context, y_target, neg_samples, embedding):
  return _run(x_context, y_target, neg_samples, embedding)

# --- scband reference (transcript-rebuilt; emitter-appended) ---
"""Pipeline reference for scband-skipgram-model-41437844471996 (READ-ONLY COPY).

The authoritative reference and input builder live on the scoring server;
editing this copy changes nothing except your own understanding.
"""

import jax, jax.numpy as jnp
import numpy as np

V = 100000
D = 64
B = 16384
C = 20
K = 20

def setup_inputs(seed: int = 0):
    key = jax.random.key(seed)
    k1, k2, k3, k4 = jax.random.split(key, 4)
    x_context = jax.random.randint(k1, (B, 1, C), 0, V, dtype=jnp.int32)
    y_target = jax.random.randint(k2, (B, 1, 1), 0, V, dtype=jnp.int32)
    neg_samples = jax.random.randint(k3, (B, 1, K), 0, V, dtype=jnp.int32)
    embedding = jax.random.normal(k4, (V, D), dtype=jnp.float32) * 0.05
    embedding = embedding.at[0].set(0.0)  # padding_idx=0 row zeroed
    return {"x_context": x_context, "y_target": y_target, "neg_samples": neg_samples, "embedding": embedding}

def reference(x_context, y_target, neg_samples, embedding):
    # y_target = self.embedding(y_target)
    y_t = jnp.take(embedding, y_target, axis=0)            # [B,1,1,D]
    # y_context = self.embedding(x_context)
    y_c = jnp.take(embedding, x_context, axis=0)           # [B,1,C,D]
    # y = matmul(y_context, y_target.transpose(2,3)).exp().squeeze().sum(-1)
    y = jnp.sum(jnp.squeeze(jnp.exp(jnp.matmul(y_c, jnp.swapaxes(y_t, 2, 3)))), axis=-1)  # [B]
    # neg_samples = self.embedding(neg_samples)
    ns = jnp.take(embedding, neg_samples, axis=0)          # [B,1,K,D]
    # fenmu = matmul(neg_samples, y_target.transpose(2,3)).squeeze().exp().sum(-1)
    fenmu = jnp.sum(jnp.exp(jnp.squeeze(jnp.matmul(ns, jnp.swapaxes(y_t, 2, 3)))), axis=-1)  # [B]
    prob_of_y_tar = y / fenmu                               # [B]
    out1 = jnp.squeeze(jnp.sum(jnp.squeeze(y_c), axis=1))   # [B,D]
    out2 = jnp.sum(prob_of_y_tar, axis=-1)                  # scalar
    return (out1, out2)

if __name__ == "__main__":
    import jax
    _d = setup_inputs()
    print(jax.jit(kernel)(*tuple(_d.values())))

</pallas_src>

<mosaic_0001>
#map = affine_map<(d0, d1) -> (0, 0)>
#map1 = affine_map<(d0, d1) -> (0)>
module attributes {stable_mosaic.version = 14 : i64} {
  func.func @_sc_body(%arg0: i32, %arg1: i32, %arg2: memref<100000x64xf32, #tpu.memory_space<hbm>>, %arg3: memref<327680xi32, #tpu.memory_space<hbm>>, %arg4: memref<16384xi32, #tpu.memory_space<hbm>>, %arg5: memref<327680xi32, #tpu.memory_space<hbm>>, %arg6: memref<16384x64xf32, #tpu.memory_space<hbm>>, %arg7: memref<512xf32, #tpu.memory_space<hbm>>, %arg8: memref<320xi32, #tpu.memory_space<vmem>>, %arg9: memref<320xi32, #tpu.memory_space<vmem>>, %arg10: memref<16xi32, #tpu.memory_space<vmem>>, %arg11: memref<320xi32, #tpu.memory_space<vmem>>, %arg12: memref<320xi32, #tpu.memory_space<vmem>>, %arg13: memref<16xi32, #tpu.memory_space<vmem>>, %arg14: memref<320x64xf32, #tpu.memory_space<vmem>>, %arg15: memref<320x64xf32, #tpu.memory_space<vmem>>, %arg16: memref<16x64xf32, #tpu.memory_space<vmem>>, %arg17: memref<320x64xf32, #tpu.memory_space<vmem>>, %arg18: memref<320x64xf32, #tpu.memory_space<vmem>>, %arg19: memref<16x64xf32, #tpu.memory_space<vmem>>, %arg20: memref<256xf32, #tpu.memory_space<vmem>>, %arg21: memref<256xf32, #tpu.memory_space<vmem>>, %arg22: memref<16x64xf32, #tpu.memory_space<vmem>>, %arg23: memref<!tpu.dma_semaphore, #tpu.memory_space<semaphore_mem>>, %arg24: memref<!tpu.dma_semaphore, #tpu.memory_space<semaphore_mem>>, %arg25: memref<!tpu.dma_semaphore, #tpu.memory_space<semaphore_mem>>, %arg26: memref<!tpu.dma_semaphore, #tpu.memory_space<semaphore_mem>>) attributes {dimension_semantics = [#tpu.dimension_semantics<core_parallel>, #tpu.dimension_semantics<subcore_parallel>], iteration_bounds = array<i64: 2, 16>, scalar_prefetch = 0 : i64, scratch_operands = 19 : i64, tpu.core_type = #tpu.core_type<sc_vector_subcore>, window_params = [{transform_indices = #map}, {transform_indices = #map1}, {transform_indices = #map1}, {transform_indices = #map1}, {transform_indices = #map}, {transform_indices = #map1}]} {
    %mul3A = arith.constant 2 : i32
    %mul3A_0 = arith.muli %arg1, %mul3A : i32
    %add3A = arith.addi %mul3A_0, %arg0 : i32
    %iota3A = tpu.iota {dimensions = array<i32: 0>} : vector<16xi32>
    %mul3A_1 = arith.constant 16 : i32
    %mul3A_2 = vector.broadcast %mul3A_1 : i32 to vector<16xi32>
    %mul3A_3 = arith.muli %iota3A, %mul3A_2 : vector<16xi32>
    %broadcast_in_dim3A = arith.constant 0.000000e+00 : f32
    %broadcast_in_dim3A_4 = vector.broadcast %broadcast_in_dim3A : f32 to vector<16xf32>
    %xor3A = arith.constant 8 : i32
    %xor3A_5 = vector.broadcast %xor3A : i32 to vector<16xi32>
    %xor3A_6 = arith.xori %iota3A, %xor3A_5 : vector<16xi32>
    %reshape3A = vector.shape_cast %xor3A_6 : vector<16xi32> to vector<16x1xi32>
    %xor3A_7 = arith.constant 4 : i32
    %xor3A_8 = vector.broadcast %xor3A_7 : i32 to vector<16xi32>
    %xor3A_9 = arith.xori %iota3A, %xor3A_8 : vector<16xi32>
    %reshape3A_10 = vector.shape_cast %xor3A_9 : vector<16xi32> to vector<16x1xi32>
    %xor3A_11 = arith.constant 2 : i32
    %xor3A_12 = vector.broadcast %xor3A_11 : i32 to vector<16xi32>
    %xor3A_13 = arith.xori %iota3A, %xor3A_12 : vector<16xi32>
    %reshape3A_14 = vector.shape_cast %xor3A_13 : vector<16xi32> to vector<16x1xi32>
    %xor3A_15 = arith.constant 1 : i32
    %xor3A_16 = vector.broadcast %xor3A_15 : i32 to vector<16xi32>
    %xor3A_17 = arith.xori %iota3A, %xor3A_16 : vector<16xi32>
    %reshape3A_18 = vector.shape_cast %xor3A_17 : vector<16xi32> to vector<16x1xi32>
    %and3A = arith.constant 8 : i32
    %and3A_19 = vector.broadcast %and3A : i32 to vector<16xi32>
    %and3A_20 = arith.andi %iota3A, %and3A_19 : vector<16xi32>
    %eq3A = arith.constant 0 : i32
    %eq3A_21 = vector.broadcast %eq3A : i32 to vector<16xi32>
    %eq3A_22 = arith.cmpi eq, %and3A_20, %eq3A_21 : vector<16xi32>
    %and3A_23 = arith.constant 4 : i32
    %and3A_24 = vector.broadcast %and3A_23 : i32 to vector<16xi32>
    %and3A_25 = arith.andi %iota3A, %and3A_24 : vector<16xi32>
    %eq3A_26 = arith.constant 0 : i32
    %eq3A_27 = vector.broadcast %eq3A_26 : i32 to vector<16xi32>
    %eq3A_28 = arith.cmpi eq, %and3A_25, %eq3A_27 : vector<16xi32>
    %and3A_29 = arith.constant 2 : i32
    %and3A_30 = vector.broadcast %and3A_29 : i32 to vector<16xi32>
    %and3A_31 = arith.andi %iota3A, %and3A_30 : vector<16xi32>
    %eq3A_32 = arith.constant 0 : i32
    %eq3A_33 = vector.broadcast %eq3A_32 : i32 to vector<16xi32>
    %eq3A_34 = arith.cmpi eq, %and3A_31, %eq3A_33 : vector<16xi32>
    %and3A_35 = arith.constant 1 : i32
    %and3A_36 = vector.broadcast %and3A_35 : i32 to vector<16xi32>
    %and3A_37 = arith.andi %iota3A, %and3A_36 : vector<16xi32>
    %eq3A_38 = arith.constant 0 : i32
    %eq3A_39 = vector.broadcast %eq3A_38 : i32 to vector<16xi32>
    %eq3A_40 = arith.cmpi eq, %and3A_37, %eq3A_39 : vector<16xi32>
    %and3A_41 = arith.constant 3 : i32
    %and3A_42 = vector.broadcast %and3A_41 : i32 to vector<16xi32>
    %and3A_43 = arith.andi %iota3A, %and3A_42 : vector<16xi32>
    %eq3A_44 = arith.constant 0 : i32
    %eq3A_45 = vector.broadcast %eq3A_44 : i32 to vector<16xi32>
    %eq3A_46 = arith.cmpi eq, %and3A_43, %eq3A_45 : vector<16xi32>
    %broadcast_in_dim3A_47 = arith.constant 0.000000e+00 : f32
    %broadcast_in_dim3A_48 = vector.broadcast %broadcast_in_dim3A_47 : f32 to vector<16xf32>
    %mul3A_49 = arith.constant 10240 : i32
    %mul3A_50 = arith.muli %add3A, %mul3A_49 : i32
    %add3A_51 = arith.constant 0 : i32
    %add3A_52 = arith.addi %mul3A_50, %add3A_51 : i32
    %mul3A_53 = arith.constant 512 : i32
    %mul3A_54 = arith.muli %add3A, %mul3A_53 : i32
    %add3A_55 = arith.constant 0 : i32
    %add3A_56 = arith.addi %mul3A_54, %add3A_55 : i32
    %dma_start3A = tpu.memref_slice %arg3[%add3A_52] : memref<327680xi32, #tpu.memory_space<hbm>> -> memref<320xi32, #tpu.memory_space<hbm>>
    %dma_start3A_57 = tpu.memref_slice %arg3[%add3A_52] : memref<327680xi32, #tpu.memory_space<hbm>> -> memref<320xi32, #tpu.memory_space<hbm>>
    tpu.enqueue_dma source(%dma_start3A_57 : memref<320xi32, #tpu.memory_space<hbm>>) target(%arg8 : memref<320xi32, #tpu.memory_space<vmem>>) target_semaphore(%arg23 : memref<!tpu.dma_semaphore, #tpu.memory_space<semaphore_mem>>)
    %dma_start3A_58 = tpu.memref_slice %arg5[%add3A_52] : memref<327680xi32, #tpu.memory_space<hbm>> -> memref<320xi32, #tpu.memory_space<hbm>>
    %dma_start3A_59 = tpu.memref_slice %arg5[%add3A_52] : memref<327680xi32, #tpu.memory_space<hbm>> -> memref<320xi32, #tpu.memory_space<hbm>>
    tpu.enqueue_dma source(%dma_start3A_59 : memref<320xi32, #tpu.memory_space<hbm>>) target(%arg9 : memref<320xi32, #tpu.memory_space<vmem>>) target_semaphore(%arg23 : memref<!tpu.dma_semaphore, #tpu.memory_space<semaphore_mem>>)
    %dma_start3A_60 = tpu.memref_slice %arg4[%add3A_56] : memref<16384xi32, #tpu.memory_space<hbm>> -> memref<16xi32, #tpu.memory_space<hbm>>
    %dma_start3A_61 = tpu.memref_slice %arg4[%add3A_56] : memref<16384xi32, #tpu.memory_space<hbm>> -> memref<16xi32, #tpu.memory_space<hbm>>
    tpu.enqueue_dma source(%dma_start3A_61 : memref<16xi32, #tpu.memory_space<hbm>>) target(%arg10 : memref<16xi32, #tpu.memory_space<vmem>>) target_semaphore(%arg23 : memref<!tpu.dma_semaphore, #tpu.memory_space<semaphore_mem>>)
    %mul3A_62 = arith.constant 10240 : i32
    %mul3A_63 = arith.muli %add3A, %mul3A_62 : i32
    %add3A_64 = arith.constant 0 : i32
    %add3A_65 = arith.addi %mul3A_63, %add3A_64 : i32
    %mul3A_66 = arith.constant 512 : i32
    %mul3A_67 = arith.muli %add3A, %mul3A_66 : i32
    %add3A_68 = arith.constant 0 : i32
    %add3A_69 = arith.addi %mul3A_67, %add3A_68 : i32
    %dma_wait3A = tpu.memref_slice %arg3[%add3A_65] : memref<327680xi32, #tpu.memory_space<hbm>> -> memref<320xi32, #tpu.memory_space<hbm>>
    %dma_wait3A_70 = tpu.memref_slice %arg3[%add3A_65] : memref<327680xi32, #tpu.memory_space<hbm>> -> memref<320xi32, #tpu.memory_space<hbm>>
    tpu.wait_dma2 semaphore(%arg23 : memref<!tpu.dma_semaphore, #tpu.memory_space<semaphore_mem>>) src(%dma_wait3A_70 : memref<320xi32, #tpu.memory_space<hbm>>) dst(%arg8 : memref<320xi32, #tpu.memory_space<vmem>>)
    %dma_wait3A_71 = tpu.memref_slice %arg5[%add3A_65] : memref<327680xi32, #tpu.memory_space<hbm>> -> memref<320xi32, #tpu.memory_space<hbm>>
    %dma_wait3A_72 = tpu.memref_slice %arg5[%add3A_65] : memref<327680xi32, #tpu.memory_space<hbm>> -> memref<320xi32, #tpu.memory_space<hbm>>
    tpu.wait_dma2 semaphore(%arg23 : memref<!tpu.dma_semaphore, #tpu.memory_space<semaphore_mem>>) src(%dma_wait3A_72 : memref<320xi32, #tpu.memory_space<hbm>>) dst(%arg9 : memref<320xi32, #tpu.memory_space<vmem>>)
    %dma_wait3A_73 = tpu.memref_slice %arg4[%add3A_69] : memref<16384xi32, #tpu.memory_space<hbm>> -> memref<16xi32, #tpu.memory_space<hbm>>
    %dma_wait3A_74 = tpu.memref_slice %arg4[%add3A_69] : memref<16384xi32, #tpu.memory_space<hbm>> -> memref<16xi32, #tpu.memory_space<hbm>>
    tpu.wait_dma2 semaphore(%arg23 : memref<!tpu.dma_semaphore, #tpu.memory_space<semaphore_mem>>) src(%dma_wait3A_74 : memref<16xi32, #tpu.memory_space<hbm>>) dst(%arg10 : memref<16xi32, #tpu.memory_space<vmem>>)
    %dma_start3A_75 = arith.constant 0 : i32
    %dma_start3A_76 = arith.constant 0 : i32
    %dma_start3A_77 = tpu.memref_slice %arg2[%dma_start3A_75, %dma_start3A_76] : memref<100000x64xf32, #tpu.memory_space<hbm>> -> memref<100000x64xf32, #tpu.memory_space<hbm>>
    tpu.enqueue_indirect_dma source(%dma_start3A_77 : memref<100000x64xf32, #tpu.memory_space<hbm>>) target(%arg16 : memref<16x64xf32, #tpu.memory_space<vmem>>) offsets(%arg10 : memref<16xi32, #tpu.memory_space<vmem>>) semaphore(%arg25 : memref<!tpu.dma_semaphore, #tpu.memory_space<semaphore_mem>>)
    %dma_start3A_78 = arith.constant 0 : i32
    %dma_start3A_79 = arith.constant 0 : i32
    %dma_start3A_80 = tpu.memref_slice %arg14[%dma_start3A_78, %dma_start3A_79] : memref<320x64xf32, #tpu.memory_space<vmem>> -> memref<64x64xf32, #tpu.memory_space<vmem>>
    %dma_start3A_81 = arith.constant 0 : i32
    %dma_start3A_82 = tpu.memref_slice %arg8[%dma_start3A_81] : memref<320xi32, #tpu.memory_space<vmem>> -> memref<64xi32, #tpu.memory_space<vmem>>
    %dma_start3A_83 = arith.constant 0 : i32
    %dma_start3A_84 = arith.constant 0 : i32
    %dma_start3A_85 = tpu.memref_slice %arg2[%dma_start3A_83, %dma_start3A_84] : memref<100000x64xf32, #tpu.memory_space<hbm>> -> memref<100000x64xf32, #tpu.memory_space<hbm>>
    tpu.enqueue_indirect_dma source(%dma_start3A_85 : memref<100000x64xf32, #tpu.memory_space<hbm>>) target(%dma_start3A_80 : memref<64x64xf32, #tpu.memory_space<vmem>>) offsets(%dma_start3A_82 : memref<64xi32, #tpu.memory_space<vmem>>) semaphore(%arg25 : memref<!tpu.dma_semaphore, #tpu.memory_space<semaphore_mem>>)
    %dma_start3A_86 = arith.constant 0 : i32
    %dma_start3A_87 = arith.constant 0 : i32
    %dma_start3A_88 = tpu.memref_slice %arg15[%dma_start3A_86, %dma_start3A_87] : memref<320x64xf32, #tpu.memory_space<vmem>> -> memref<64x64xf32, #tpu.memory_space<vmem>>
    %dma_start3A_89 = arith.constant 0 : i32
    %dma_start3A_90 = tpu.memref_slice %arg9[%dma_start3A_89] : memref<320xi32, #tpu.memory_space<vmem>> -> memref<64xi32, #tpu.memory_space<vmem>>
    %dma_start3A_91 = arith.constant 0 : i32
    %dma_start3A_92 = arith.constant 0 : i32
    %dma_start3A_93 = tpu.memref_slice %arg2[%dma_start3A_91, %dma_start3A_92] : memref<100000x64xf32, #tpu.memory_space<hbm>> -> memref<100000x64xf32, #tpu.memory_space<hbm>>
    tpu.enqueue_indirect_dma source(%dma_start3A_93 : memref<100000x64xf32, #tpu.memory_space<hbm>>) target(%dma_start3A_88 : memref<64x64xf32, #tpu.memory_space<vmem>>) offsets(%dma_start3A_90 : memref<64xi32, #tpu.memory_space<vmem>>) semaphore(%arg25 : memref<!tpu.dma_semaphore, #tpu.memory_space<semaphore_mem>>)
    %dma_start3A_94 = arith.constant 64 : i32
    %dma_start3A_95 = arith.constant 0 : i32
    %dma_start3A_96 = tpu.memref_slice %arg14[%dma_start3A_94, %dma_start3A_95] : memref<320x64xf32, #tpu.memory_space<vmem>> -> memref<64x64xf32, #tpu.memory_space<vmem>>
    %dma_start3A_97 = arith.constant 64 : i32
    %dma_start3A_98 = tpu.memref_slice %arg8[%dma_start3A_97] : memref<320xi32, #tpu.memory_space<vmem>> -> memref<64xi32, #tpu.memory_space<vmem>>
    %dma_start3A_99 = arith.constant 0 : i32
    %dma_start3A_100 = arith.constant 0 : i32
    %dma_start3A_101 = tpu.memref_slice %arg2[%dma_start3A_99, %dma_start3A_100] : memref<100000x64xf32, #tpu.memory_space<hbm>> -> memref<100000x64xf32, #tpu.memory_space<hbm>>
    tpu.enqueue_indirect_dma source(%dma_start3A_101 : memref<100000x64xf32, #tpu.memory_space<hbm>>) target(%dma_start3A_96 : memref<64x64xf32, #tpu.memory_space<vmem>>) offsets(%dma_start3A_98 : memref<64xi32, #tpu.memory_space<vmem>>) semaphore(%arg25 : memref<!tpu.dma_semaphore, #tpu.memory_space<semaphore_mem>>)
    %dma_start3A_102 = arith.constant 64 : i32
    %dma_start3A_103 = arith.constant 0 : i32
    %dma_start3A_104 = tpu.memref_slice %arg15[%dma_start3A_102, %dma_start3A_103] : memref<320x64xf32, #tpu.memory_space<vmem>> -> memref<64x64xf32, #tpu.memory_space<vmem>>
    %dma_start3A_105 = arith.constant 64 : i32
    %dma_start3A_106 = tpu.memref_slice %arg9[%dma_start3A_105] : memref<320xi32, #tpu.memory_space<vmem>> -> memref<64xi32, #tpu.memory_space<vmem>>
    %dma_start3A_107 = arith.constant 0 : i32
    %dma_start3A_108 = arith.constant 0 : i32
    %dma_start3A_109 = tpu.memref_slice %arg2[%dma_start3A_107, %dma_start3A_108] : memref<100000x64xf32, #tpu.memory_space<hbm>> -> memref<100000x64xf32, #tpu.memory_space<hbm>>
    tpu.enqueue_indirect_dma source(%dma_start3A_109 : memref<100000x64xf32, #tpu.memory_space<hbm>>) target(%dma_start3A_104 : memref<64x64xf32, #tpu.memory_space<vmem>>) offsets(%dma_start3A_106 : memref<64xi32, #tpu.memory_space<vmem>>) semaphore(%arg25 : memref<!tpu.dma_semaphore, #tpu.memory_space<semaphore_mem>>)
    %dma_start3A_110 = arith.constant 128 : i32
    %dma_start3A_111 = arith.constant 0 : i32
    %dma_start3A_112 = tpu.memref_slice %arg14[%dma_start3A_110, %dma_start3A_111] : memref<320x64xf32, #tpu.memory_space<vmem>> -> memref<64x64xf32, #tpu.memory_space<vmem>>
    %dma_start3A_113 = arith.constant 128 : i32
    %dma_start3A_114 = tpu.memref_slice %arg8[%dma_start3A_113] : memref<320xi32, #tpu.memory_space<vmem>> -> memref<64xi32, #tpu.memory_space<vmem>>
    %dma_start3A_115 = arith.constant 0 : i32
    %dma_start3A_116 = arith.constant 0 : i32
    %dma_start3A_117 = tpu.memref_slice %arg2[%dma_start3A_115, %dma_start3A_116] : memref<100000x64xf32, #tpu.memory_space<hbm>> -> memref<100000x64xf32, #tpu.memory_space<hbm>>
    tpu.enqueue_indirect_dma source(%dma_start3A_117 : memref<100000x64xf32, #tpu.memory_space<hbm>>) target(%dma_start3A_112 : memref<64x64xf32, #tpu.memory_space<vmem>>) offsets(%dma_start3A_114 : memref<64xi32, #tpu.memory_space<vmem>>) semaphore(%arg25 : memref<!tpu.dma_semaphore, #tpu.memory_space<semaphore_mem>>)
    %dma_start3A_118 = arith.constant 128 : i32
    %dma_start3A_119 = arith.constant 0 : i32
    %dma_start3A_120 = tpu.memref_slice %arg15[%dma_start3A_118, %dma_start3A_119] : memref<320x64xf32, #tpu.memory_space<vmem>> -> memref<64x64xf32, #tpu.memory_space<vmem>>
    %dma_start3A_121 = arith.constant 128 : i32
    %dma_start3A_122 = tpu.memref_slice %arg9[%dma_start3A_121] : memref<320xi32, #tpu.memory_space<vmem>> -> memref<64xi32, #tpu.memory_space<vmem>>
    %dma_start3A_123 = arith.constant 0 : i32
    %dma_start3A_124 = arith.constant 0 : i32
    %dma_start3A_125 = tpu.memref_slice %arg2[%dma_start3A_123, %dma_start3A_124] : memref<100000x64xf32, #tpu.memory_space<hbm>> -> memref<100000x64xf32, #tpu.memory_space<hbm>>
    tpu.enqueue_indirect_dma source(%dma_start3A_125 : memref<100000x64xf32, #tpu.memory_space<hbm>>) target(%dma_start3A_120 : memref<64x64xf32, #tpu.memory_space<vmem>>) offsets(%dma_start3A_122 : memref<64xi32, #tpu.memory_space<vmem>>) semaphore(%arg25 : memref<!tpu.dma_semaphore, #tpu.memory_space<semaphore_mem>>)
    %dma_start3A_126 = arith.constant 192 : i32
    %dma_start3A_127 = arith.constant 0 : i32
    %dma_start3A_128 = tpu.memref_slice %arg14[%dma_start3A_126, %dma_start3A_127] : memref<320x64xf32, #tpu.memory_space<vmem>> -> memref<64x64xf32, #tpu.memory_space<vmem>>
    %dma_start3A_129 = arith.constant 192 : i32
    %dma_start3A_130 = tpu.memref_slice %arg8[%dma_start3A_129] : memref<320xi32, #tpu.memory_space<vmem>> -> memref<64xi32, #tpu.memory_space<vmem>>
    %dma_start3A_131 = arith.constant 0 : i32
    %dma_start3A_132 = arith.constant 0 : i32
    %dma_start3A_133 = tpu.memref_slice %arg2[%dma_start3A_131, %dma_start3A_132] : memref<100000x64xf32, #tpu.memory_space<hbm>> -> memref<100000x64xf32, #tpu.memory_space<hbm>>
    tpu.enqueue_indirect_dma source(%dma_start3A_133 : memref<100000x64xf32, #tpu.memory_space<hbm>>) target(%dma_start3A_128 : memref<64x64xf32, #tpu.memory_space<vmem>>) offsets(%dma_start3A_130 : memref<64xi32, #tpu.memory_space<vmem>>) semaphore(%arg25 : memref<!tpu.dma_semaphore, #tpu.memory_space<semaphore_mem>>)
    %dma_start3A_134 = arith.constant 192 : i32
    %dma_start3A_135 = arith.constant 0 : i32
    %dma_start3A_136 = tpu.memref_slice %arg15[%dma_start3A_134, %dma_start3A_135] : memref<320x64xf32, #tpu.memory_space<vmem>> -> memref<64x64xf32, #tpu.memory_space<vmem>>
    %dma_start3A_137 = arith.constant 192 : i32
    %dma_start3A_138 = tpu.memref_slice %arg9[%dma_start3A_137] : memref<320xi32, #tpu.memory_space<vmem>> -> memref<64xi32, #tpu.memory_space<vmem>>
    %dma_start3A_139 = arith.constant 0 : i32
    %dma_start3A_140 = arith.constant 0 : i32
    %dma_start3A_141 = tpu.memref_slice %arg2[%dma_start3A_139, %dma_start3A_140] : memref<100000x64xf32, #tpu.memory_space<hbm>> -> memref<100000x64xf32, #tpu.memory_space<hbm>>
    tpu.enqueue_indirect_dma source(%dma_start3A_141 : memref<100000x64xf32, #tpu.memory_space<hbm>>) target(%dma_start3A_136 : memref<64x64xf32, #tpu.memory_space<vmem>>) offsets(%dma_start3A_138 : memref<64xi32, #tpu.memory_space<vmem>>) semaphore(%arg25 : memref<!tpu.dma_semaphore, #tpu.memory_space<semaphore_mem>>)
    %dma_start3A_142 = arith.constant 256 : i32
    %dma_start3A_143 = arith.constant 0 : i32
    %dma_start3A_144 = tpu.memref_slice %arg14[%dma_start3A_142, %dma_start3A_143] : memref<320x64xf32, #tpu.memory_space<vmem>> -> memref<64x64xf32, #tpu.memory_space<vmem>>
    %dma_start3A_145 = arith.constant 256 : i32
    %dma_start3A_146 = tpu.memref_slice %arg8[%dma_start3A_145] : memref<320xi32, #tpu.memory_space<vmem>> -> memref<64xi32, #tpu.memory_space<vmem>>
    %dma_start3A_147 = arith.constant 0 : i32
    %dma_start3A_148 = arith.constant 0 : i32
    %dma_start3A_149 = tpu.memref_slice %arg2[%dma_start3A_147, %dma_start3A_148] : memref<100000x64xf32, #tpu.memory_space<hbm>> -> memref<100000x64xf32, #tpu.memory_space<hbm>>
    tpu.enqueue_indirect_dma source(%dma_start3A_149 : memref<100000x64xf32, #tpu.memory_space<hbm>>) target(%dma_start3A_144 : memref<64x64xf32, #tpu.memory_space<vmem>>) offsets(%dma_start3A_146 : memref<64xi32, #tpu.memory_space<vmem>>) semaphore(%arg25 : memref<!tpu.dma_semaphore, #tpu.memory_space<semaphore_mem>>)
    %dma_start3A_150 = arith.constant 256 : i32
    %dma_start3A_151 = arith.constant 0 : i32
    %dma_start3A_152 = tpu.memref_slice %arg15[%dma_start3A_150, %dma_start3A_151] : memref<320x64xf32, #tpu.memory_space<vmem>> -> memref<64x64xf32, #tpu.memory_space<vmem>>
    %dma_start3A_153 = arith.constant 256 : i32
    %dma_start3A_154 = tpu.memref_slice %arg9[%dma_start3A_153] : memref<320xi32, #tpu.memory_space<vmem>> -> memref<64xi32, #tpu.memory_space<vmem>>
    %dma_start3A_155 = arith.constant 0 : i32
    %dma_start3A_156 = arith.constant 0 : i32
    %dma_start3A_157 = tpu.memref_slice %arg2[%dma_start3A_155, %dma_start3A_156] : memref<100000x64xf32, #tpu.memory_space<hbm>> -> memref<100000x64xf32, #tpu.memory_space<hbm>>
    tpu.enqueue_indirect_dma source(%dma_start3A_157 : memref<100000x64xf32, #tpu.memory_space<hbm>>) target(%dma_start3A_152 : memref<64x64xf32, #tpu.memory_space<vmem>>) offsets(%dma_start3A_154 : memref<64xi32, #tpu.memory_space<vmem>>) semaphore(%arg25 : memref<!tpu.dma_semaphore, #tpu.memory_space<semaphore_mem>>)
    %mul3A_158 = arith.constant 10240 : i32
    %mul3A_159 = arith.muli %add3A, %mul3A_158 : i32
    %add3A_160 = arith.constant 320 : i32
    %add3A_161 = arith.addi %mul3A_159, %add3A_160 : i32
    %mul3A_162 = arith.constant 512 : i32
    %mul3A_163 = arith.muli %add3A, %mul3A_162 : i32
    %add3A_164 = arith.constant 16 : i32
    %add3A_165 = arith.addi %mul3A_163, %add3A_164 : i32
    %dma_start3A_166 = tpu.memref_slice %arg3[%add3A_161] : memref<327680xi32, #tpu.memory_space<hbm>> -> memref<320xi32, #tpu.memory_space<hbm>>
    %dma_start3A_167 = tpu.memref_slice %arg3[%add3A_161] : memref<327680xi32, #tpu.memory_space<hbm>> -> memref<320xi32, #tpu.memory_space<hbm>>
    tpu.enqueue_dma source(%dma_start3A_167 : memref<320xi32, #tpu.memory_space<hbm>>) target(%arg11 : memref<320xi32, #tpu.memory_space<vmem>>) target_semaphore(%arg24 : memref<!tpu.dma_semaphore, #tpu.memory_space<semaphore_mem>>)
    %dma_start3A_168 = tpu.memref_slice %arg5[%add3A_161] : memref<327680xi32, #tpu.memory_space<hbm>> -> memref<320xi32, #tpu.memory_space<hbm>>
    %dma_start3A_169 = tpu.memref_slice %arg5[%add3A_161] : memref<327680xi32, #tpu.memory_space<hbm>> -> memref<320xi32, #tpu.memory_space<hbm>>
    tpu.enqueue_dma source(%dma_start3A_169 : memref<320xi32, #tpu.memory_space<hbm>>) target(%arg12 : memref<320xi32, #tpu.memory_space<vmem>>) target_semaphore(%arg24 : memref<!tpu.dma_semaphore, #tpu.memory_space<semaphore_mem>>)
    %dma_start3A_170 = tpu.memref_slice %arg4[%add3A_165] : memref<16384xi32, #tpu.memory_space<hbm>> -> memref<16xi32, #tpu.memory_space<hbm>>
    %dma_start3A_171 = tpu.memref_slice %arg4[%add3A_165] : memref<16384xi32, #tpu.memory_space<hbm>> -> memref<16xi32, #tpu.memory_space<hbm>>
    tpu.enqueue_dma source(%dma_start3A_171 : memref<16xi32, #tpu.memory_space<hbm>>) target(%arg13 : memref<16xi32, #tpu.memory_space<vmem>>) target_semaphore(%arg24 : memref<!tpu.dma_semaphore, #tpu.memory_space<semaphore_mem>>)
    %scan3A = arith.constant 0 : i32
    %scan3A_172 = arith.constant 16 : i32
    %scan3A_173 = arith.addi %scan3A, %scan3A_172 : i32
    %scan3A_174 = arith.constant 1 : i32
    %scan3A_175 = scf.for %scan3A_180 = %scan3A to %scan3A_173 step %scan3A_174 iter_args(%scan3A_181 = %broadcast_in_dim3A_4) -> (vector<16xf32>)  : i32 {
      %mul3A_182 = arith.constant 2 : i32
      %mul3A_183 = arith.muli %mul3A_182, %scan3A_180 : i32
      %add3A_184 = arith.constant 0 : i32
      %add3A_185 = arith.addi %mul3A_183, %add3A_184 : i32
      %lt3A = arith.constant 31 : i32
      %lt3A_186 = arith.cmpi slt, %add3A_185, %lt3A : i32
      %convert_element_type3A = arith.extui %lt3A_186 : i1 to i32
      %cond3A = arith.constant 0 : i32
      %cond3A_187 = arith.cmpi ne, %convert_element_type3A, %cond3A : i32
      scf.if %cond3A_187 {
        %mul3A_711 = arith.constant 10240 : i32
        %mul3A_712 = arith.muli %add3A, %mul3A_711 : i32
        %add3A_713 = arith.constant 0 : i32
        %add3A_714 = arith.addi %mul3A_712, %add3A_713 : i32
        %mul3A_715 = arith.constant 512 : i32
        %mul3A_716 = arith.muli %add3A, %mul3A_715 : i32
        %add3A_717 = arith.constant 0 : i32
        %add3A_718 = arith.addi %mul3A_716, %add3A_717 : i32
        %dma_wait3A_719 = tpu.memref_slice %arg3[%add3A_714] : memref<327680xi32, #tpu.memory_space<hbm>> -> memref<320xi32, #tpu.memory_space<hbm>>
        %dma_wait3A_720 = tpu.memref_slice %arg3[%add3A_714] : memref<327680xi32, #tpu.memory_space<hbm>> -> memref<320xi32, #tpu.memory_space<hbm>>
        tpu.wait_dma2 semaphore(%arg24 : memref<!tpu.dma_semaphore, #tpu.memory_space<semaphore_mem>>) src(%dma_wait3A_720 : memref<320xi32, #tpu.memory_space<hbm>>) dst(%arg11 : memref<320xi32, #tpu.memory_space<vmem>>)
        %dma_wait3A_721 = tpu.memref_slice %arg5[%add3A_714] : memref<327680xi32, #tpu.memory_space<hbm>> -> memref<320xi32, #tpu.memory_space<hbm>>
        %dma_wait3A_722 = tpu.memref_slice %arg5[%add3A_714] : memref<327680xi32, #tpu.memory_space<hbm>> -> memref<320xi32, #tpu.memory_space<hbm>>
        tpu.wait_dma2 semaphore(%arg24 : memref<!tpu.dma_semaphore, #tpu.memory_space<semaphore_mem>>) src(%dma_wait3A_722 : memref<320xi32, #tpu.memory_space<hbm>>) dst(%arg12 : memref<320xi32, #tpu.memory_space<vmem>>)
        %dma_wait3A_723 = tpu.memref_slice %arg4[%add3A_718] : memref<16384xi32, #tpu.memory_space<hbm>> -> memref<16xi32, #tpu.memory_space<hbm>>
        %dma_wait3A_724 = tpu.memref_slice %arg4[%add3A_718] : memref<16384xi32, #tpu.memory_space<hbm>> -> memref<16xi32, #tpu.memory_space<hbm>>
        tpu.wait_dma2 semaphore(%arg24 : memref<!tpu.dma_semaphore, #tpu.memory_space<semaphore_mem>>) src(%dma_wait3A_724 : memref<16xi32, #tpu.memory_space<hbm>>) dst(%arg13 : memref<16xi32, #tpu.memory_space<vmem>>)
        %dma_start3A_725 = arith.constant 0 : i32
        %dma_start3A_726 = arith.constant 0 : i32
        %dma_start3A_727 = tpu.memref_slice %arg2[%dma_start3A_725, %dma_start3A_726] : memref<100000x64xf32, #tpu.memory_space<hbm>> -> memref<100000x64xf32, #tpu.memory_space<hbm>>
        tpu.enqueue_indirect_dma source(%dma_start3A_727 : memref<100000x64xf32, #tpu.memory_space<hbm>>) target(%arg19 : memref<16x64xf32, #tpu.memory_space<vmem>>) offsets(%arg13 : memref<16xi32, #tpu.memory_space<vmem>>) semaphore(%arg26 : memref<!tpu.dma_semaphore, #tpu.memory_space<semaphore_mem>>)
        %dma_start3A_728 = arith.constant 0 : i32
        %dma_start3A_729 = arith.constant 0 : i32
        %dma_start3A_730 = tpu.memref_slice %arg17[%dma_start3A_728, %dma_start3A_729] : memref<320x64xf32, #tpu.memory_space<vmem>> -> memref<64x64xf32, #tpu.memory_space<vmem>>
        %dma_start3A_731 = arith.constant 0 : i32
        %dma_start3A_732 = tpu.memref_slice %arg11[%dma_start3A_731] : memref<320xi32, #tpu.memory_space<vmem>> -> memref<64xi32, #tpu.memory_space<vmem>>
        %dma_start3A_733 = arith.constant 0 : i32
        %dma_start3A_734 = arith.constant 0 : i32
        %dma_start3A_735 = tpu.memref_slice %arg2[%dma_start3A_733, %dma_start3A_734] : memref<100000x64xf32, #tpu.memory_space<hbm>> -> memref<100000x64xf32, #tpu.memory_space<hbm>>
        tpu.enqueue_indirect_dma source(%dma_start3A_735 : memref<100000x64xf32, #tpu.memory_space<hbm>>) target(%dma_start3A_730 : memref<64x64xf32, #tpu.memory_space<vmem>>) offsets(%dma_start3A_732 : memref<64xi32, #tpu.memory_space<vmem>>) semaphore(%arg26 : memref<!tpu.dma_semaphore, #tpu.memory_space<semaphore_mem>>)
        %dma_start3A_736 = arith.constant 0 : i32
        %dma_start3A_737 = arith.constant 0 : i32
        %dma_start3A_738 = tpu.memref_slice %arg18[%dma_start3A_736, %dma_start3A_737] : memref<320x64xf32, #tpu.memory_space<vmem>> -> memref<64x64xf32, #tpu.memory_space<vmem>>
        %dma_start3A_739 = arith.constant 0 : i32
        %dma_start3A_740 = tpu.memref_slice %arg12[%dma_start3A_739] : memref<320xi32, #tpu.memory_space<vmem>> -> memref<64xi32, #tpu.memory_space<vmem>>
        %dma_start3A_741 = arith.constant 0 : i32
        %dma_start3A_742 = arith.constant 0 : i32
        %dma_start3A_743 = tpu.memref_slice %arg2[%dma_start3A_741, %dma_start3A_742] : memref<100000x64xf32, #tpu.memory_space<hbm>> -> memref<100000x64xf32, #tpu.memory_space<hbm>>
        tpu.enqueue_indirect_dma source(%dma_start3A_743 : memref<100000x64xf32, #tpu.memory_space<hbm>>) target(%dma_start3A_738 : memref<64x64xf32, #tpu.memory_space<vmem>>) offsets(%dma_start3A_740 : memref<64xi32, #tpu.memory_space<vmem>>) semaphore(%arg26 : memref<!tpu.dma_semaphore, #tpu.memory_space<semaphore_mem>>)
        %dma_start3A_744 = arith.constant 64 : i32
        %dma_start3A_745 = arith.constant 0 : i32
        %dma_start3A_746 = tpu.memref_slice %arg17[%dma_start3A_744, %dma_start3A_745] : memref<320x64xf32, #tpu.memory_space<vmem>> -> memref<64x64xf32, #tpu.memory_space<vmem>>
        %dma_start3A_747 = arith.constant 64 : i32
        %dma_start3A_748 = tpu.memref_slice %arg11[%dma_start3A_747] : memref<320xi32, #tpu.memory_space<vmem>> -> memref<64xi32, #tpu.memory_space<vmem>>
        %dma_start3A_749 = arith.constant 0 : i32
        %dma_start3A_750 = arith.constant 0 : i32
        %dma_start3A_751 = tpu.memref_slice %arg2[%dma_start3A_749, %dma_start3A_750] : memref<100000x64xf32, #tpu.memory_space<hbm>> -> memref<100000x64xf32, #tpu.memory_space<hbm>>
        tpu.enqueue_indirect_dma source(%dma_start3A_751 : memref<100000x64xf32, #tpu.memory_space<hbm>>) target(%dma_start3A_746 : memref<64x64xf32, #tpu.memory_space<vmem>>) offsets(%dma_start3A_748 : memref<64xi32, #tpu.memory_space<vmem>>) semaphore(%arg26 : memref<!tpu.dma_semaphore, #tpu.memory_space<semaphore_mem>>)
        %dma_start3A_752 = arith.constant 64 : i32
        %dma_start3A_753 = arith.constant 0 : i32
        %dma_start3A_754 = tpu.memref_slice %arg18[%dma_start3A_752, %dma_start3A_753] : memref<320x64xf32, #tpu.memory_space<vmem>> -> memref<64x64xf32, #tpu.memory_space<vmem>>
        %dma_start3A_755 = arith.constant 64 : i32
        %dma_start3A_756 = tpu.memref_slice %arg12[%dma_start3A_755] : memref<320xi32, #tpu.memory_space<vmem>> -> memref<64xi32, #tpu.memory_space<vmem>>
        %dma_start3A_757 = arith.constant 0 : i32
        %dma_start3A_758 = arith.constant 0 : i32
        %dma_start3A_759 = tpu.memref_slice %arg2[%dma_start3A_757, %dma_start3A_758] : memref<100000x64xf32, #tpu.memory_space<hbm>> -> memref<100000x64xf32, #tpu.memory_space<hbm>>
        tpu.enqueue_indirect_dma source(%dma_start3A_759 : memref<100000x64xf32, #tpu.memory_space<hbm>>) target(%dma_start3A_754 : memref<64x64xf32, #tpu.memory_space<vmem>>) offsets(%dma_start3A_756 : memref<64xi32, #tpu.memory_space<vmem>>) semaphore(%arg26 : memref<!tpu.dma_semaphore, #tpu.memory_space<semaphore_mem>>)
        %dma_start3A_760 = arith.constant 128 : i32
        %dma_start3A_761 = arith.constant 0 : i32
        %dma_start3A_762 = tpu.memref_slice %arg17[%dma_start3A_760, %dma_start3A_761] : memref<320x64xf32, #tpu.memory_space<vmem>> -> memref<64x64xf32, #tpu.memory_space<vmem>>
        %dma_start3A_763 = arith.constant 128 : i32
        %dma_start3A_764 = tpu.memref_slice %arg11[%dma_start3A_763] : memref<320xi32, #tpu.memory_space<vmem>> -> memref<64xi32, #tpu.memory_space<vmem>>
        %dma_start3A_765 = arith.constant 0 : i32
        %dma_start3A_766 = arith.constant 0 : i32
        %dma_start3A_767 = tpu.memref_slice %arg2[%dma_start3A_765, %dma_start3A_766] : memref<100000x64xf32, #tpu.memory_space<hbm>> -> memref<100000x64xf32, #tpu.memory_space<hbm>>
        tpu.enqueue_indirect_dma source(%dma_start3A_767 : memref<100000x64xf32, #tpu.memory_space<hbm>>) target(%dma_start3A_762 : memref<64x64xf32, #tpu.memory_space<vmem>>) offsets(%dma_start3A_764 : memref<64xi32, #tpu.memory_space<vmem>>) semaphore(%arg26 : memref<!tpu.dma_semaphore, #tpu.memory_space<semaphore_mem>>)
        %dma_start3A_768 = arith.constant 128 : i32
        %dma_start3A_769 = arith.constant 0 : i32
        %dma_start3A_770 = tpu.memref_slice %arg18[%dma_start3A_768, %dma_start3A_769] : memref<320x64xf32, #tpu.memory_space<vmem>> -> memref<64x64xf32, #tpu.memory_space<vmem>>
        %dma_start3A_771 = arith.constant 128 : i32
        %dma_start3A_772 = tpu.memref_slice %arg12[%dma_start3A_771] : memref<320xi32, #tpu.memory_space<vmem>> -> memref<64xi32, #tpu.memory_space<vmem>>
        %dma_start3A_773 = arith.constant 0 : i32
        %dma_start3A_774 = arith.constant 0 : i32
        %dma_start3A_775 = tpu.memref_slice %arg2[%dma_start3A_773, %dma_start3A_774] : memref<100000x64xf32, #tpu.memory_space<hbm>> -> memref<100000x64xf32, #tpu.memory_space<hbm>>
        tpu.enqueue_indirect_dma source(%dma_start3A_775 : memref<100000x64xf32, #tpu.memory_space<hbm>>) target(%dma_start3A_770 : memref<64x64xf32, #tpu.memory_space<vmem>>) offsets(%dma_start3A_772 : memref<64xi32, #tpu.memory_space<vmem>>) semaphore(%arg26 : memref<!tpu.dma_semaphore, #tpu.memory_space<semaphore_mem>>)
        %dma_start3A_776 = arith.constant 192 : i32
        %dma_start3A_777 = arith.constant 0 : i32
        %dma_start3A_778 = tpu.memref_slice %arg17[%dma_start3A_776, %dma_start3A_777] : memref<320x64xf32, #tpu.memory_space<vmem>> -> memref<64x64xf32, #tpu.memory_space<vmem>>
        %dma_start3A_779 = arith.constant 192 : i32
        %dma_start3A_780 = tpu.memref_slice %arg11[%dma_start3A_779] : memref<320xi32, #tpu.memory_space<vmem>> -> memref<64xi32, #tpu.memory_space<vmem>>
        %dma_start3A_781 = arith.constant 0 : i32
        %dma_start3A_782 = arith.constant 0 : i32
        %dma_start3A_783 = tpu.memref_slice %arg2[%dma_start3A_781, %dma_start3A_782] : memref<100000x64xf32, #tpu.memory_space<hbm>> -> memref<100000x64xf32, #tpu.memory_space<hbm>>
        tpu.enqueue_indirect_dma source(%dma_start3A_783 : memref<100000x64xf32, #tpu.memory_space<hbm>>) target(%dma_start3A_778 : memref<64x64xf32, #tpu.memory_space<vmem>>) offsets(%dma_start3A_780 : memref<64xi32, #tpu.memory_space<vmem>>) semaphore(%arg26 : memref<!tpu.dma_semaphore, #tpu.memory_space<semaphore_mem>>)
        %dma_start3A_784 = arith.constant 192 : i32
        %dma_start3A_785 = arith.constant 0 : i32
        %dma_start3A_786 = tpu.memref_slice %arg18[%dma_start3A_784, %dma_start3A_785] : memref<320x64xf32, #tpu.memory_space<vmem>> -> memref<64x64xf32, #tpu.memory_space<vmem>>
        %dma_start3A_787 = arith.constant 192 : i32
        %dma_start3A_788 = tpu.memref_slice %arg12[%dma_start3A_787] : memref<320xi32, #tpu.memory_space<vmem>> -> memref<64xi32, #tpu.memory_space<vmem>>
        %dma_start3A_789 = arith.constant 0 : i32
        %dma_start3A_790 = arith.constant 0 : i32
        %dma_start3A_791 = tpu.memref_slice %arg2[%dma_start3A_789, %dma_start3A_790] : memref<100000x64xf32, #tpu.memory_space<hbm>> -> memref<100000x64xf32, #tpu.memory_space<hbm>>
        tpu.enqueue_indirect_dma source(%dma_start3A_791 : memref<100000x64xf32, #tpu.memory_space<hbm>>) target(%dma_start3A_786 : memref<64x64xf32, #tpu.memory_space<vmem>>) offsets(%dma_start3A_788 : memref<64xi32, #tpu.memory_space<vmem>>) semaphore(%arg26 : memref<!tpu.dma_semaphore, #tpu.memory_space<semaphore_mem>>)
        %dma_start3A_792 = arith.constant 256 : i32
        %dma_start3A_793 = arith.constant 0 : i32
        %dma_start3A_794 = tpu.memref_slice %arg17[%dma_start3A_792, %dma_start3A_793] : memref<320x64xf32, #tpu.memory_space<vmem>> -> memref<64x64xf32, #tpu.memory_space<vmem>>
        %dma_start3A_795 = arith.constant 256 : i32
        %dma_start3A_796 = tpu.memref_slice %arg11[%dma_start3A_795] : memref<320xi32, #tpu.memory_space<vmem>> -> memref<64xi32, #tpu.memory_space<vmem>>
        %dma_start3A_797 = arith.constant 0 : i32
        %dma_start3A_798 = arith.constant 0 : i32
        %dma_start3A_799 = tpu.memref_slice %arg2[%dma_start3A_797, %dma_start3A_798] : memref<100000x64xf32, #tpu.memory_space<hbm>> -> memref<100000x64xf32, #tpu.memory_space<hbm>>
        tpu.enqueue_indirect_dma source(%dma_start3A_799 : memref<100000x64xf32, #tpu.memory_space<hbm>>) target(%dma_start3A_794 : memref<64x64xf32, #tpu.memory_space<vmem>>) offsets(%dma_start3A_796 : memref<64xi32, #tpu.memory_space<vmem>>) semaphore(%arg26 : memref<!tpu.dma_semaphore, #tpu.memory_space<semaphore_mem>>)
        %dma_start3A_800 = arith.constant 256 : i32
        %dma_start3A_801 = arith.constant 0 : i32
        %dma_start3A_802 = tpu.memref_slice %arg18[%dma_start3A_800, %dma_start3A_801] : memref<320x64xf32, #tpu.memory_space<vmem>> -> memref<64x64xf32, #tpu.memory_space<vmem>>
        %dma_start3A_803 = arith.constant 256 : i32
        %dma_start3A_804 = tpu.memref_slice %arg12[%dma_start3A_803] : memref<320xi32, #tpu.memory_space<vmem>> -> memref<64xi32, #tpu.memory_space<vmem>>
        %dma_start3A_805 = arith.constant 0 : i32
        %dma_start3A_806 = arith.constant 0 : i32
        %dma_start3A_807 = tpu.memref_slice %arg2[%dma_start3A_805, %dma_start3A_806] : memref<100000x64xf32, #tpu.memory_space<hbm>> -> memref<100000x64xf32, #tpu.memory_space<hbm>>
        tpu.enqueue_indirect_dma source(%dma_start3A_807 : memref<100000x64xf32, #tpu.memory_space<hbm>>) target(%dma_start3A_802 : memref<64x64xf32, #tpu.memory_space<vmem>>) offsets(%dma_start3A_804 : memref<64xi32, #tpu.memory_space<vmem>>) semaphore(%arg26 : memref<!tpu.dma_semaphore, #tpu.memory_space<semaphore_mem>>)
      } else {
      }
      %dma_wait3A_188 = arith.constant 0 : i32
      %dma_wait3A_189 = arith.constant 0 : i32
      %dma_wait3A_190 = tpu.memref_slice %arg2[%dma_wait3A_188, %dma_wait3A_189] : memref<100000x64xf32, #tpu.memory_space<hbm>> -> memref<100000x64xf32, #tpu.memory_space<hbm>>
      tpu.wait_indirect_dma semaphore(%arg25 : memref<!tpu.dma_semaphore, #tpu.memory_space<semaphore_mem>>) src(%dma_wait3A_190 : memref<100000x64xf32, #tpu.memory_space<hbm>>) dst(%arg16 : memref<16x64xf32, #tpu.memory_space<vmem>>)
      %dma_wait3A_191 = arith.constant 0 : i32
      %dma_wait3A_192 = arith.constant 0 : i32
      %dma_wait3A_193 = tpu.memref_slice %arg14[%dma_wait3A_191, %dma_wait3A_192] : memref<320x64xf32, #tpu.memory_space<vmem>> -> memref<64x64xf32, #tpu.memory_space<vmem>>
      %dma_wait3A_194 = arith.constant 0 : i32
      %dma_wait3A_195 = tpu.memref_slice %arg8[%dma_wait3A_194] : memref<320xi32, #tpu.memory_space<vmem>> -> memref<64xi32, #tpu.memory_space<vmem>>
      %dma_wait3A_196 = arith.constant 0 : i32
      %dma_wait3A_197 = arith.constant 0 : i32
      %dma_wait3A_198 = tpu.memref_slice %arg2[%dma_wait3A_196, %dma_wait3A_197] : memref<100000x64xf32, #tpu.memory_space<hbm>> -> memref<100000x64xf32, #tpu.memory_space<hbm>>
      tpu.wait_indirect_dma semaphore(%arg25 : memref<!tpu.dma_semaphore, #tpu.memory_space<semaphore_mem>>) src(%dma_wait3A_198 : memref<100000x64xf32, #tpu.memory_space<hbm>>) dst(%dma_wait3A_193 : memref<64x64xf32, #tpu.memory_space<vmem>>)
      %dma_wait3A_199 = arith.constant 0 : i32
      %dma_wait3A_200 = arith.constant 0 : i32
      %dma_wait3A_201 = tpu.memref_slice %arg15[%dma_wait3A_199, %dma_wait3A_200] : memref<320x64xf32, #tpu.memory_space<vmem>> -> memref<64x64xf32, #tpu.memory_space<vmem>>
      %dma_wait3A_202 = arith.constant 0 : i32
      %dma_wait3A_203 = tpu.memref_slice %arg9[%dma_wait3A_202] : memref<320xi32, #tpu.memory_space<vmem>> -> memref<64xi32, #tpu.memory_space<vmem>>
      %dma_wait3A_204 = arith.constant 0 : i32
      %dma_wait3A_205 = arith.constant 0 : i32
      %dma_wait3A_206 = tpu.memref_slice %arg2[%dma_wait3A_204, %dma_wait3A_205] : memref<100000x64xf32, #tpu.memory_space<hbm>> -> memref<100000x64xf32, #tpu.memory_space<hbm>>
      tpu.wait_indirect_dma semaphore(%arg25 : memref<!tpu.dma_semaphore, #tpu.memory_space<semaphore_mem>>) src(%dma_wait3A_206 : memref<100000x64xf32, #tpu.memory_space<hbm>>) dst(%dma_wait3A_201 : memref<64x64xf32, #tpu.memory_space<vmem>>)
      %dma_wait3A_207 = arith.constant 64 : i32
      %dma_wait3A_208 = arith.constant 0 : i32
      %dma_wait3A_209 = tpu.memref_slice %arg14[%dma_wait3A_207, %dma_wait3A_208] : memref<320x64xf32, #tpu.memory_space<vmem>> -> memref<64x64xf32, #tpu.memory_space<vmem>>
      %dma_wait3A_210 = arith.constant 64 : i32
      %dma_wait3A_211 = tpu.memref_slice %arg8[%dma_wait3A_210] : memref<320xi32, #tpu.memory_space<vmem>> -> memref<64xi32, #tpu.memory_space<vmem>>
      %dma_wait3A_212 = arith.constant 0 : i32
      %dma_wait3A_213 = arith.constant 0 : i32
      %dma_wait3A_214 = tpu.memref_slice %arg2[%dma_wait3A_212, %dma_wait3A_213] : memref<100000x64xf32, #tpu.memory_space<hbm>> -> memref<100000x64xf32, #tpu.memory_space<hbm>>
      tpu.wait_indirect_dma semaphore(%arg25 : memref<!tpu.dma_semaphore, #tpu.memory_space<semaphore_mem>>) src(%dma_wait3A_214 : memref<100000x64xf32, #tpu.memory_space<hbm>>) dst(%dma_wait3A_209 : memref<64x64xf32, #tpu.memory_space<vmem>>)
      %dma_wait3A_215 = arith.constant 64 : i32
      %dma_wait3A_216 = arith.constant 0 : i32
      %dma_wait3A_217 = tpu.memref_slice %arg15[%dma_wait3A_215, %dma_wait3A_216] : memref<320x64xf32, #tpu.memory_space<vmem>> -> memref<64x64xf32, #tpu.memory_space<vmem>>
      %dma_wait3A_218 = arith.constant 64 : i32
      %dma_wait3A_219 = tpu.memref_slice %arg9[%dma_wait3A_218] : memref<320xi32, #tpu.memory_space<vmem>> -> memref<64xi32, #tpu.memory_space<vmem>>
      %dma_wait3A_220 = arith.constant 0 : i32
      %dma_wait3A_221 = arith.constant 0 : i32
      %dma_wait3A_222 = tpu.memref_slice %arg2[%dma_wait3A_220, %dma_wait3A_221] : memref<100000x64xf32, #tpu.memory_space<hbm>> -> memref<100000x64xf32, #tpu.memory_space<hbm>>
      tpu.wait_indirect_dma semaphore(%arg25 : memref<!tpu.dma_semaphore, #tpu.memory_space<semaphore_mem>>) src(%dma_wait3A_222 : memref<100000x64xf32, #tpu.memory_space<hbm>>) dst(%dma_wait3A_217 : memref<64x64xf32, #tpu.memory_space<vmem>>)
      %dma_wait3A_223 = arith.constant 128 : i32
      %dma_wait3A_224 = arith.constant 0 : i32
      %dma_wait3A_225 = tpu.memref_slice %arg14[%dma_wait3A_223, %dma_wait3A_224] : memref<320x64xf32, #tpu.memory_space<vmem>> -> memref<64x64xf32, #tpu.memory_space<vmem>>
      %dma_wait3A_226 = arith.constant 128 : i32
      %dma_wait3A_227 = tpu.memref_slice %arg8[%dma_wait3A_226] : memref<320xi32, #tpu.memory_space<vmem>> -> memref<64xi32, #tpu.memory_space<vmem>>
      %dma_wait3A_228 = arith.constant 0 : i32
      %dma_wait3A_229 = arith.constant 0 : i32
      %dma_wait3A_230 = tpu.memref_slice %arg2[%dma_wait3A_228, %dma_wait3A_229] : memref<100000x64xf32, #tpu.memory_space<hbm>> -> memref<100000x64xf32, #tpu.memory_space<hbm>>
      tpu.wait_indirect_dma semaphore(%arg25 : memref<!tpu.dma_semaphore, #tpu.memory_space<semaphore_mem>>) src(%dma_wait3A_230 : memref<100000x64xf32, #tpu.memory_space<hbm>>) dst(%dma_wait3A_225 : memref<64x64xf32, #tpu.memory_space<vmem>>)
      %dma_wait3A_231 = arith.constant 128 : i32
      %dma_wait3A_232 = arith.constant 0 : i32
      %dma_wait3A_233 = tpu.memref_slice %arg15[%dma_wait3A_231, %dma_wait3A_232] : memref<320x64xf32, #tpu.memory_space<vmem>> -> memref<64x64xf32, #tpu.memory_space<vmem>>
      %dma_wait3A_234 = arith.constant 128 : i32
      %dma_wait3A_235 = tpu.memref_slice %arg9[%dma_wait3A_234] : memref<320xi32, #tpu.memory_space<vmem>> -> memref<64xi32, #tpu.memory_space<vmem>>
      %dma_wait3A_236 = arith.constant 0 : i32
      %dma_wait3A_237 = arith.constant 0 : i32
      %dma_wait3A_238 = tpu.memref_slice %arg2[%dma_wait3A_236, %dma_wait3A_237] : memref<100000x64xf32, #tpu.memory_space<hbm>> -> memref<100000x64xf32, #tpu.memory_space<hbm>>
      tpu.wait_indirect_dma semaphore(%arg25 : memref<!tpu.dma_semaphore, #tpu.memory_space<semaphore_mem>>) src(%dma_wait3A_238 : memref<100000x64xf32, #tpu.memory_space<hbm>>) dst(%dma_wait3A_233 : memref<64x64xf32, #tpu.memory_space<vmem>>)
      %dma_wait3A_239 = arith.constant 192 : i32
      %dma_wait3A_240 = arith.constant 0 : i32
      %dma_wait3A_241 = tpu.memref_slice %arg14[%dma_wait3A_239, %dma_wait3A_240] : memref<320x64xf32, #tpu.memory_space<vmem>> -> memref<64x64xf32, #tpu.memory_space<vmem>>
      %dma_wait3A_242 = arith.constant 192 : i32
      %dma_wait3A_243 = tpu.memref_slice %arg8[%dma_wait3A_242] : memref<320xi32, #tpu.memory_space<vmem>> -> memref<64xi32, #tpu.memory_space<vmem>>
      %dma_wait3A_244 = arith.constant 0 : i32
      %dma_wait3A_245 = arith.constant 0 : i32
      %dma_wait3A_246 = tpu.memref_slice %arg2[%dma_wait3A_244, %dma_wait3A_245] : memref<100000x64xf32, #tpu.memory_space<hbm>> -> memref<100000x64xf32, #tpu.memory_space<hbm>>
      tpu.wait_indirect_dma semaphore(%arg25 : memref<!tpu.dma_semaphore, #tpu.memory_space<semaphore_mem>>) src(%dma_wait3A_246 : memref<100000x64xf32, #tpu.memory_space<hbm>>) dst(%dma_wait3A_241 : memref<64x64xf32, #tpu.memory_space<vmem>>)
      %dma_wait3A_247 = arith.constant 192 : i32
      %dma_wait3A_248 = arith.constant 0 : i32
      %dma_wait3A_249 = tpu.memref_slice %arg15[%dma_wait3A_247, %dma_wait3A_248] : memref<320x64xf32, #tpu.memory_space<vmem>> -> memref<64x64xf32, #tpu.memory_space<vmem>>
      %dma_wait3A_250 = arith.constant 192 : i32
      %dma_wait3A_251 = tpu.memref_slice %arg9[%dma_wait3A_250] : memref<320xi32, #tpu.memory_space<vmem>> -> memref<64xi32, #tpu.memory_space<vmem>>
      %dma_wait3A_252 = arith.constant 0 : i32
      %dma_wait3A_253 = arith.constant 0 : i32
      %dma_wait3A_254 = tpu.memref_slice %arg2[%dma_wait3A_252, %dma_wait3A_253] : memref<100000x64xf32, #tpu.memory_space<hbm>> -> memref<100000x64xf32, #tpu.memory_space<hbm>>
      tpu.wait_indirect_dma semaphore(%arg25 : memref<!tpu.dma_semaphore, #tpu.memory_space<semaphore_mem>>) src(%dma_wait3A_254 : memref<100000x64xf32, #tpu.memory_space<hbm>>) dst(%dma_wait3A_249 : memref<64x64xf32, #tpu.memory_space<vmem>>)
      %dma_wait3A_255 = arith.constant 256 : i32
      %dma_wait3A_256 = arith.constant 0 : i32
      %dma_wait3A_257 = tpu.memref_slice %arg14[%dma_wait3A_255, %dma_wait3A_256] : memref<320x64xf32, #tpu.memory_space<vmem>> -> memref<64x64xf32, #tpu.memory_space<vmem>>
      %dma_wait3A_258 = arith.constant 256 : i32
      %dma_wait3A_259 = tpu.memref_slice %arg8[%dma_wait3A_258] : memref<320xi32, #tpu.memory_space<vmem>> -> memref<64xi32, #tpu.memory_space<vmem>>
      %dma_wait3A_260 = arith.constant 0 : i32
      %dma_wait3A_261 = arith.constant 0 : i32
      %dma_wait3A_262 = tpu.memref_slice %arg2[%dma_wait3A_260, %dma_wait3A_261] : memref<100000x64xf32, #tpu.memory_space<hbm>> -> memref<100000x64xf32, #tpu.memory_space<hbm>>
      tpu.wait_indirect_dma semaphore(%arg25 : memref<!tpu.dma_semaphore, #tpu.memory_space<semaphore_mem>>) src(%dma_wait3A_262 : memref<100000x64xf32, #tpu.memory_space<hbm>>) dst(%dma_wait3A_257 : memref<64x64xf32, #tpu.memory_space<vmem>>)
      %dma_wait3A_263 = arith.constant 256 : i32
      %dma_wait3A_264 = arith.constant 0 : i32
      %dma_wait3A_265 = tpu.memref_slice %arg15[%dma_wait3A_263, %dma_wait3A_264] : memref<320x64xf32, #tpu.memory_space<vmem>> -> memref<64x64xf32, #tpu.memory_space<vmem>>
      %dma_wait3A_266 = arith.constant 256 : i32
      %dma_wait3A_267 = tpu.memref_slice %arg9[%dma_wait3A_266] : memref<320xi32, #tpu.memory_space<vmem>> -> memref<64xi32, #tpu.memory_space<vmem>>
      %dma_wait3A_268 = arith.constant 0 : i32
      %dma_wait3A_269 = arith.constant 0 : i32
      %dma_wait3A_270 = tpu.memref_slice %arg2[%dma_wait3A_268, %dma_wait3A_269] : memref<100000x64xf32, #tpu.memory_space<hbm>> -> memref<100000x64xf32, #tpu.memory_space<hbm>>
      tpu.wait_indirect_dma semaphore(%arg25 : memref<!tpu.dma_semaphore, #tpu.memory_space<semaphore_mem>>) src(%dma_wait3A_270 : memref<100000x64xf32, #tpu.memory_space<hbm>>) dst(%dma_wait3A_265 : memref<64x64xf32, #tpu.memory_space<vmem>>)
      %lt3A_271 = arith.constant 30 : i32
      %lt3A_272 = arith.cmpi slt, %add3A_185, %lt3A_271 : i32
      %convert_element_type3A_273 = arith.extui %lt3A_272 : i1 to i32
      %cond3A_274 = arith.constant 0 : i32
      %cond3A_275 = arith.cmpi ne, %convert_element_type3A_273, %cond3A_274 : i32
      scf.if %cond3A_275 {
        %add3A_711 = arith.constant 2 : i32
        %add3A_712 = arith.addi %add3A_185, %add3A_711 : i32
        %mul3A_713 = arith.constant 10240 : i32
        %mul3A_714 = arith.muli %add3A, %mul3A_713 : i32
        %mul3A_715 = arith.constant 320 : i32
        %mul3A_716 = arith.muli %add3A_712, %mul3A_715 : i32
        %add3A_717 = arith.addi %mul3A_714, %mul3A_716 : i32
        %mul3A_718 = arith.constant 512 : i32
        %mul3A_719 = arith.muli %add3A, %mul3A_718 : i32
        %mul3A_720 = arith.constant 16 : i32
        %mul3A_721 = arith.muli %add3A_712, %mul3A_720 : i32
        %add3A_722 = arith.addi %mul3A_719, %mul3A_721 : i32
        %dma_start3A_723 = tpu.memref_slice %arg3[%add3A_717] : memref<327680xi32, #tpu.memory_space<hbm>> -> memref<320xi32, #tpu.memory_space<hbm>>
        %dma_start3A_724 = tpu.memref_slice %arg3[%add3A_717] : memref<327680xi32, #tpu.memory_space<hbm>> -> memref<320xi32, #tpu.memory_space<hbm>>
        tpu.enqueue_dma source(%dma_start3A_724 : memref<320xi32, #tpu.memory_space<hbm>>) target(%arg8 : memref<320xi32, #tpu.memory_space<vmem>>) target_semaphore(%arg23 : memref<!tpu.dma_semaphore, #tpu.memory_space<semaphore_mem>>)
        %dma_start3A_725 = tpu.memref_slice %arg5[%add3A_717] : memref<327680xi32, #tpu.memory_space<hbm>> -> memref<320xi32, #tpu.memory_space<hbm>>
        %dma_start3A_726 = tpu.memref_slice %arg5[%add3A_717] : memref<327680xi32, #tpu.memory_space<hbm>> -> memref<320xi32, #tpu.memory_space<hbm>>
        tpu.enqueue_dma source(%dma_start3A_726 : memref<320xi32, #tpu.memory_space<hbm>>) target(%arg9 : memref<320xi32, #tpu.memory_space<vmem>>) target_semaphore(%arg23 : memref<!tpu.dma_semaphore, #tpu.memory_space<semaphore_mem>>)
        %dma_start3A_727 = tpu.memref_slice %arg4[%add3A_722] : memref<16384xi32, #tpu.memory_space<hbm>> -> memref<16xi32, #tpu.memory_space<hbm>>
        %dma_start3A_728 = tpu.memref_slice %arg4[%add3A_722] : memref<16384xi32, #tpu.memory_space<hbm>> -> memref<16xi32, #tpu.memory_space<hbm>>
        tpu.enqueue_dma source(%dma_start3A_728 : memref<16xi32, #tpu.memory_space<hbm>>) target(%arg10 : memref<16xi32, #tpu.memory_space<vmem>>) target_semaphore(%arg23 : memref<!tpu.dma_semaphore, #tpu.memory_space<semaphore_mem>>)
      } else {
      }
      %scan3A_276 = arith.constant 0 : i32
      %scan3A_277 = arith.constant 16 : i32
      %scan3A_278 = arith.addi %scan3A_276, %scan3A_277 : i32
      %scan3A_279 = arith.constant 1 : i32
      scf.for %scan3A_711 = %scan3A_276 to %scan3A_278 step %scan3A_279  : i32 {
        %mul3A_712 = arith.constant 1 : i32
        %mul3A_713 = arith.muli %scan3A_711, %mul3A_712 : i32
        %add3A_714 = arith.constant 0 : i32
        %add3A_715 = arith.addi %add3A_714, %mul3A_713 : i32
        %get3A = arith.index_cast %add3A_715 : i32 to index
        %get3A_716 = arith.constant 0 : index
        %get3A_717 = tpu.vector_load %arg16[%get3A, %get3A_716] {strides = array<i32>} : memref<16x64xf32, #tpu.memory_space<vmem>>, vector<16xf32>,
        %get3A_718 = arith.index_cast %add3A_715 : i32 to index
        %get3A_719 = arith.constant 16 : index
        %get3A_720 = tpu.vector_load %arg16[%get3A_718, %get3A_719] {strides = array<i32>} : memref<16x64xf32, #tpu.memory_space<vmem>>, vector<16xf32>,
        %get3A_721 = arith.index_cast %add3A_715 : i32 to index
        %get3A_722 = arith.constant 32 : index
        %get3A_723 = tpu.vector_load %arg16[%get3A_721, %get3A_722] {strides = array<i32>} : memref<16x64xf32, #tpu.memory_space<vmem>>, vector<16xf32>,
        %get3A_724 = arith.index_cast %add3A_715 : i32 to index
        %get3A_725 = arith.constant 48 : index
        %get3A_726 = tpu.vector_load %arg16[%get3A_724, %get3A_725] {strides = array<i32>} : memref<16x64xf32, #tpu.memory_space<vmem>>, vector<16xf32>,
        %mul3A_727 = arith.constant 20 : i32
        %mul3A_728 = arith.muli %add3A_715, %mul3A_727 : i32
        %add3A_729 = arith.constant 0 : i32
        %add3A_730 = arith.addi %mul3A_728, %add3A_729 : i32
        %get3A_731 = arith.index_cast %add3A_730 : i32 to index
        %get3A_732 = arith.constant 0 : index
        %get3A_733 = tpu.vector_load %arg14[%get3A_731, %get3A_732] {strides = array<i32>} : memref<320x64xf32, #tpu.memory_space<vmem>>, vector<16xf32>,
        %add3A_734 = arith.constant 0 : i32
        %add3A_735 = arith.addi %mul3A_728, %add3A_734 : i32
        %get3A_736 = arith.index_cast %add3A_735 : i32 to index
        %get3A_737 = arith.constant 16 : index
        %get3A_738 = tpu.vector_load %arg14[%get3A_736, %get3A_737] {strides = array<i32>} : memref<320x64xf32, #tpu.memory_space<vmem>>, vector<16xf32>,
        %add3A_739 = arith.constant 0 : i32
        %add3A_740 = arith.addi %mul3A_728, %add3A_739 : i32
        %get3A_741 = arith.index_cast %add3A_740 : i32 to index
        %get3A_742 = arith.constant 32 : index
        %get3A_743 = tpu.vector_load %arg14[%get3A_741, %get3A_742] {strides = array<i32>} : memref<320x64xf32, #tpu.memory_space<vmem>>, vector<16xf32>,
        %add3A_744 = arith.constant 0 : i32
        %add3A_745 = arith.addi %mul3A_728, %add3A_744 : i32
        %get3A_746 = arith.index_cast %add3A_745 : i32 to index
        %get3A_747 = arith.constant 48 : index
        %get3A_748 = tpu.vector_load %arg14[%get3A_746, %get3A_747] {strides = array<i32>} : memref<320x64xf32, #tpu.memory_space<vmem>>, vector<16xf32>,
        %mul3A_749 = arith.mulf %get3A_733, %get3A_717 : vector<16xf32>
        %mul3A_750 = arith.mulf %get3A_738, %get3A_720 : vector<16xf32>
        %add3A_751 = arith.addf %mul3A_749, %mul3A_750 : vector<16xf32>
        %mul3A_752 = arith.mulf %get3A_743, %get3A_723 : vector<16xf32>
        %mul3A_753 = arith.mulf %get3A_748, %get3A_726 : vector<16xf32>
        %add3A_754 = arith.addf %mul3A_752, %mul3A_753 : vector<16xf32>
        %add3A_755 = arith.addf %add3A_751, %add3A_754 : vector<16xf32>
        %swap3A_756 = arith.index_cast %add3A_715 : i32 to index
        %swap3A_757 = arith.constant 0 : index
        %swap3A_758 = tpu.vector_load %arg22[%swap3A_756, %swap3A_757] {strides = array<i32>} : memref<16x64xf32, #tpu.memory_space<vmem>>, vector<16xf32>,
        tpu.vector_store %arg22[%swap3A_756, %swap3A_757], %get3A_733 {strides = array<i32>} : memref<16x64xf32, #tpu.memory_space<vmem>>, vector<16xf32>,
        %swap3A_759 = arith.index_cast %add3A_715 : i32 to index
        %swap3A_760 = arith.constant 16 : index
        %swap3A_761 = tpu.vector_load %arg22[%swap3A_759, %swap3A_760] {strides = array<i32>} : memref<16x64xf32, #tpu.memory_space<vmem>>, vector<16xf32>,
        tpu.vector_store %arg22[%swap3A_759, %swap3A_760], %get3A_738 {strides = array<i32>} : memref<16x64xf32, #tpu.memory_space<vmem>>, vector<16xf32>,
        %swap3A_762 = arith.index_cast %add3A_715 : i32 to index
        %swap3A_763 = arith.constant 32 : index
        %swap3A_764 = tpu.vector_load %arg22[%swap3A_762, %swap3A_763] {strides = array<i32>} : memref<16x64xf32, #tpu.memory_space<vmem>>, vector<16xf32>,
        tpu.vector_store %arg22[%swap3A_762, %swap3A_763], %get3A_743 {strides = array<i32>} : memref<16x64xf32, #tpu.memory_space<vmem>>, vector<16xf32>,
        %swap3A_765 = arith.index_cast %add3A_715 : i32 to index
        %swap3A_766 = arith.constant 48 : index
        %swap3A_767 = tpu.vector_load %arg22[%swap3A_765, %swap3A_766] {strides = array<i32>} : memref<16x64xf32, #tpu.memory_space<vmem>>, vector<16xf32>,
        tpu.vector_store %arg22[%swap3A_765, %swap3A_766], %get3A_748 {strides = array<i32>} : memref<16x64xf32, #tpu.memory_space<vmem>>, vector<16xf32>,
        %add3A_768 = arith.constant 1 : i32
        %add3A_769 = arith.addi %mul3A_728, %add3A_768 : i32
        %get3A_770 = arith.index_cast %add3A_769 : i32 to index
        %get3A_771 = arith.constant 0 : index
        %get3A_772 = tpu.vector_load %arg14[%get3A_770, %get3A_771] {strides = array<i32>} : memref<320x64xf32, #tpu.memory_space<vmem>>, vector<16xf32>,
        %add3A_773 = arith.constant 1 : i32
        %add3A_774 = arith.addi %mul3A_728, %add3A_773 : i32
        %get3A_775 = arith.index_cast %add3A_774 : i32 to index
        %get3A_776 = arith.constant 16 : index
        %get3A_777 = tpu.vector_load %arg14[%get3A_775, %get3A_776] {strides = array<i32>} : memref<320x64xf32, #tpu.memory_space<vmem>>, vector<16xf32>,
        %add3A_778 = arith.constant 1 : i32
        %add3A_779 = arith.addi %mul3A_728, %add3A_778 : i32
        %get3A_780 = arith.index_cast %add3A_779 : i32 to index
        %get3A_781 = arith.constant 32 : index
        %get3A_782 = tpu.vector_load %arg14[%get3A_780, %get3A_781] {strides = array<i32>} : memref<320x64xf32, #tpu.memory_space<vmem>>, vector<16xf32>,
        %add3A_783 = arith.constant 1 : i32
        %add3A_784 = arith.addi %mul3A_728, %add3A_783 : i32
        %get3A_785 = arith.index_cast %add3A_784 : i32 to index
        %get3A_786 = arith.constant 48 : index
        %get3A_787 = tpu.vector_load %arg14[%get3A_785, %get3A_786] {strides = array<i32>} : memref<320x64xf32, #tpu.memory_space<vmem>>, vector<16xf32>,
        %mul3A_788 = arith.mulf %get3A_772, %get3A_717 : vector<16xf32>
        %mul3A_789 = arith.mulf %get3A_777, %get3A_720 : vector<16xf32>
        %add3A_790 = arith.addf %mul3A_788, %mul3A_789 : vector<16xf32>
        %mul3A_791 = arith.mulf %get3A_782, %get3A_723 : vector<16xf32>
        %mul3A_792 = arith.mulf %get3A_787, %get3A_726 : vector<16xf32>
        %add3A_793 = arith.addf %mul3A_791, %mul3A_792 : vector<16xf32>
        %add3A_794 = arith.addf %add3A_790, %add3A_793 : vector<16xf32>
        %swap3A_795 = arith.index_cast %add3A_715 : i32 to index
        %swap3A_796 = arith.constant 0 : index
        %swap3A_797 = tpu.vector_load %arg22[%swap3A_795, %swap3A_796] {strides = array<i32>} : memref<16x64xf32, #tpu.memory_space<vmem>>, vector<16xf32>,
        tpu.vector_store %arg22[%swap3A_795, %swap3A_796], %get3A_772 {add = true, strides = array<i32>} : memref<16x64xf32, #tpu.memory_space<vmem>>, vector<16xf32>,
        %swap3A_798 = arith.index_cast %add3A_715 : i32 to index
        %swap3A_799 = arith.constant 16 : index
        %swap3A_800 = tpu.vector_load %arg22[%swap3A_798, %swap3A_799] {strides = array<i32>} : memref<16x64xf32, #tpu.memory_space<vmem>>, vector<16xf32>,
        tpu.vector_store %arg22[%swap3A_798, %swap3A_799], %get3A_777 {add = true, strides = array<i32>} : memref<16x64xf32, #tpu.memory_space<vmem>>, vector<16xf32>,
        %swap3A_801 = arith.index_cast %add3A_715 : i32 to index
        %swap3A_802 = arith.constant 32 : index
        %swap3A_803 = tpu.vector_load %arg22[%swap3A_801, %swap3A_802] {strides = array<i32>} : memref<16x64xf32, #tpu.memory_space<vmem>>, vector<16xf32>,
        tpu.vector_store %arg22[%swap3A_801, %swap3A_802], %get3A_782 {add = true, strides = array<i32>} : memref<16x64xf32, #tpu.memory_space<vmem>>, vector<16xf32>,
        %swap3A_804 = arith.index_cast %add3A_715 : i32 to index
        %swap3A_805 = arith.constant 48 : index
        %swap3A_806 = tpu.vector_load %arg22[%swap3A_804, %swap3A_805] {strides = array<i32>} : memref<16x64xf32, #tpu.memory_space<vmem>>, vector<16xf32>,
        tpu.vector_store %arg22[%swap3A_804, %swap3A_805], %get3A_787 {add = true, strides = array<i32>} : memref<16x64xf32, #tpu.memory_space<vmem>>, vector<16xf32>,
        %add3A_807 = arith.constant 2 : i32
        %add3A_808 = arith.addi %mul3A_728, %add3A_807 : i32
        %get3A_809 = arith.index_cast %add3A_808 : i32 to index
        %get3A_810 = arith.constant 0 : index
        %get3A_811 = tpu.vector_load %arg14[%get3A_809, %get3A_810] {strides = array<i32>} : memref<320x64xf32, #tpu.memory_space<vmem>>, vector<16xf32>,
        %add3A_812 = arith.constant 2 : i32
        %add3A_813 = arith.addi %mul3A_728, %add3A_812 : i32
        %get3A_814 = arith.index_cast %add3A_813 : i32 to index
        %get3A_815 = arith.constant 16 : index
        %get3A_816 = tpu.vector_load %arg14[%get3A_814, %get3A_815] {strides = array<i32>} : memref<320x64xf32, #tpu.memory_space<vmem>>, vector<16xf32>,
        %add3A_817 = arith.constant 2 : i32
        %add3A_818 = arith.addi %mul3A_728, %add3A_817 : i32
        %get3A_819 = arith.index_cast %add3A_818 : i32 to index
        %get3A_820 = arith.constant 32 : index
        %get3A_821 = tpu.vector_load %arg14[%get3A_819, %get3A_820] {strides = array<i32>} : memref<320x64xf32, #tpu.memory_space<vmem>>, vector<16xf32>,
        %add3A_822 = arith.constant 2 : i32
        %add3A_823 = arith.addi %mul3A_728, %add3A_822 : i32
        %get3A_824 = arith.index_cast %add3A_823 : i32 to index
        %get3A_825 = arith.constant 48 : index
        %get3A_826 = tpu.vector_load %arg14[%get3A_824, %get3A_825] {strides = array<i32>} : memref<320x64xf32, #tpu.memory_space<vmem>>, vector<16xf32>,
        %mul3A_827 = arith.mulf %get3A_811, %get3A_717 : vector<16xf32>
        %mul3A_828 = arith.mulf %get3A_816, %get3A_720 : vector<16xf32>
        %add3A_829 = arith.addf %mul3A_827, %mul3A_828 : vector<16xf32>
        %mul3A_830 = arith.mulf %get3A_821, %get3A_723 : vector<16xf32>
        %mul3A_831 = arith.mulf %get3A_826, %get3A_726 : vector<16xf32>
        %add3A_832 = arith.addf %mul3A_830, %mul3A_831 : vector<16xf32>
        %add3A_833 = arith.addf %add3A_829, %add3A_832 : vector<16xf32>
        %swap3A_834 = arith.index_cast %add3A_715 : i32 to index
        %swap3A_835 = arith.constant 0 : index
        %swap3A_836 = tpu.vector_load %arg22[%swap3A_834, %swap3A_835] {strides = array<i32>} : memref<16x64xf32, #tpu.memory_space<vmem>>, vector<16xf32>,
        tpu.vector_store %arg22[%swap3A_834, %swap3A_835], %get3A_811 {add = true, strides = array<i32>} : memref<16x64xf32, #tpu.memory_space<vmem>>, vector<16xf32>,
        %swap3A_837 = arith.index_cast %add3A_715 : i32 to index
        %swap3A_838 = arith.constant 16 : index
        %swap3A_839 = tpu.vector_load %arg22[%swap3A_837, %swap3A_838] {strides = array<i32>} : memref<16x64xf32, #tpu.memory_space<vmem>>, vector<16xf32>,
        tpu.vector_store %arg22[%swap3A_837, %swap3A_838], %get3A_816 {add = true, strides = array<i32>} : memref<16x64xf32, #tpu.memory_space<vmem>>, vector<16xf32>,
        %swap3A_840 = arith.index_cast %add3A_715 : i32 to index
        %swap3A_841 = arith.constant 32 : index
        %swap3A_842 = tpu.vector_load %arg22[%swap3A_840, %swap3A_841] {strides = array<i32>} : memref<16x64xf32, #tpu.memory_space<vmem>>, vector<16xf32>,
        tpu.vector_store %arg22[%swap3A_840, %swap3A_841], %get3A_821 {add = true, strides = array<i32>} : memref<16x64xf32, #tpu.memory_space<vmem>>, vector<16xf32>,
        %swap3A_843 = arith.index_cast %add3A_715 : i32 to index
        %swap3A_844 = arith.constant 48 : index
        %swap3A_845 = tpu.vector_load %arg22[%swap3A_843, %swap3A_844] {strides = array<i32>} : memref<16x64xf32, #tpu.memory_space<vmem>>, vector<16xf32>,
        tpu.vector_store %arg22[%swap3A_843, %swap3A_844], %get3A_826 {add = true, strides = array<i32>} : memref<16x64xf32, #tpu.memory_space<vmem>>, vector<16xf32>,
        %add3A_846 = arith.constant 3 : i32
        %add3A_847 = arith.addi %mul3A_728, %add3A_846 : i32
        %get3A_848 = arith.index_cast %add3A_847 : i32 to index
        %get3A_849 = arith.constant 0 : index
        %get3A_850 = tpu.vector_load %arg14[%get3A_848, %get3A_849] {strides = array<i32>} : memref<320x64xf32, #tpu.memory_space<vmem>>, vector<16xf32>,
        %add3A_851 = arith.constant 3 : i32
        %add3A_852 = arith.addi %mul3A_728, %add3A_851 : i32
        %get3A_853 = arith.index_cast %add3A_852 : i32 to index
        %get3A_854 = arith.constant 16 : index
        %get3A_855 = tpu.vector_load %arg14[%get3A_853, %get3A_854] {strides = array<i32>} : memref<320x64xf32, #tpu.memory_space<vmem>>, vector<16xf32>,
        %add3A_856 = arith.constant 3 : i32
        %add3A_857 = arith.addi %mul3A_728, %add3A_856 : i32
        %get3A_858 = arith.index_cast %add3A_857 : i32 to index
        %get3A_859 = arith.constant 32 : index
        %get3A_860 = tpu.vector_load %arg14[%get3A_858, %get3A_859] {strides = array<i32>} : memref<320x64xf32, #tpu.memory_space<vmem>>, vector<16xf32>,
        %add3A_861 = arith.constant 3 : i32
        %add3A_862 = arith.addi %mul3A_728, %add3A_861 : i32
        %get3A_863 = arith.index_cast %add3A_862 : i32 to index
        %get3A_864 = arith.constant 48 : index
        %get3A_865 = tpu.vector_load %arg14[%get3A_863, %get3A_864] {strides = array<i32>} : memref<320x64xf32, #tpu.memory_space<vmem>>, vector<16xf32>,
        %mul3A_866 = arith.mulf %get3A_850, %get3A_717 : vector<16xf32>
        %mul3A_867 = arith.mulf %get3A_855, %get3A_720 : vector<16xf32>
        %add3A_868 = arith.addf %mul3A_866, %mul3A_867 : vector<16xf32>
        %mul3A_869 = arith.mulf %get3A_860, %get3A_723 : vector<16xf32>
        %mul3A_870 = arith.mulf %get3A_865, %get3A_726 : vector<16xf32>
        %add3A_871 = arith.addf %mul3A_869, %mul3A_870 : vector<16xf32>
        %add3A_872 = arith.addf %add3A_868, %add3A_871 : vector<16xf32>
        %swap3A_873 = arith.index_cast %add3A_715 : i32 to index
        %swap3A_874 = arith.constant 0 : index
        %swap3A_875 = tpu.vector_load %arg22[%swap3A_873, %swap3A_874] {strides = array<i32>} : memref<16x64xf32, #tpu.memory_space<vmem>>, vector<16xf32>,
        tpu.vector_store %arg22[%swap3A_873, %swap3A_874], %get3A_850 {add = true, strides = array<i32>} : memref<16x64xf32, #tpu.memory_space<vmem>>, vector<16xf32>,
        %swap3A_876 = arith.index_cast %add3A_715 : i32 to index
        %swap3A_877 = arith.constant 16 : index
        %swap3A_878 = tpu.vector_load %arg22[%swap3A_876, %swap3A_877] {strides = array<i32>} : memref<16x64xf32, #tpu.memory_space<vmem>>, vector<16xf32>,
        tpu.vector_store %arg22[%swap3A_876, %swap3A_877], %get3A_855 {add = true, strides = array<i32>} : memref<16x64xf32, #tpu.memory_space<vmem>>, vector<16xf32>,
        %swap3A_879 = arith.index_cast %add3A_715 : i32 to index
        %swap3A_880 = arith.constant 32 : index
        %swap3A_881 = tpu.vector_load %arg22[%swap3A_879, %swap3A_880] {strides = array<i32>} : memref<16x64xf32, #tpu.memory_space<vmem>>, vector<16xf32>,
        tpu.vector_store %arg22[%swap3A_879, %swap3A_880], %get3A_860 {add = true, strides = array<i32>} : memref<16x64xf32, #tpu.memory_space<vmem>>, vector<16xf32>,
        %swap3A_882 = arith.index_cast %add3A_715 : i32 to index
        %swap3A_883 = arith.constant 48 : index
        %swap3A_884 = tpu.vector_load %arg22[%swap3A_882, %swap3A_883] {strides = array<i32>} : memref<16x64xf32, #tpu.memory_space<vmem>>, vector<16xf32>,
        tpu.vector_store %arg22[%swap3A_882, %swap3A_883], %get3A_865 {add = true, strides = array<i32>} : memref<16x64xf32, #tpu.memory_space<vmem>>, vector<16xf32>,
        %add3A_885 = arith.constant 4 : i32
        %add3A_886 = arith.addi %mul3A_728, %add3A_885 : i32
        %get3A_887 = arith.index_cast %add3A_886 : i32 to index
        %get3A_888 = arith.constant 0 : index
        %get3A_889 = tpu.vector_load %arg14[%get3A_887, %get3A_888] {strides = array<i32>} : memref<320x64xf32, #tpu.memory_space<vmem>>, vector<16xf32>,
        %add3A_890 = arith.constant 4 : i32
        %add3A_891 = arith.addi %mul3A_728, %add3A_890 : i32
        %get3A_892 = arith.index_cast %add3A_891 : i32 to index
        %get3A_893 = arith.constant 16 : index
        %get3A_894 = tpu.vector_load %arg14[%get3A_892, %get3A_893] {strides = array<i32>} : memref<320x64xf32, #tpu.memory_space<vmem>>, vector<16xf32>,
        %add3A_895 = arith.constant 4 : i32
        %add3A_896 = arith.addi %mul3A_728, %add3A_895 : i32
        %get3A_897 = arith.index_cast %add3A_896 : i32 to index
        %get3A_898 = arith.constant 32 : index
        %get3A_899 = tpu.vector_load %arg14[%get3A_897, %get3A_898] {strides = array<i32>} : memref<320x64xf32, #tpu.memory_space<vmem>>, vector<16xf32>,
        %add3A_900 = arith.constant 4 : i32
        %add3A_901 = arith.addi %mul3A_728, %add3A_900 : i32
        %get3A_902 = arith.index_cast %add3A_901 : i32 to index
        %get3A_903 = arith.constant 48 : index
        %get3A_904 = tpu.vector_load %arg14[%get3A_902, %get3A_903] {strides = array<i32>} : memref<320x64xf32, #tpu.memory_space<vmem>>, vector<16xf32>,
        %mul3A_905 = arith.mulf %get3A_889, %get3A_717 : vector<16xf32>
        %mul3A_906 = arith.mulf %get3A_894, %get3A_720 : vector<16xf32>
        %add3A_907 = arith.addf %mul3A_905, %mul3A_906 : vector<16xf32>
        %mul3A_908 = arith.mulf %get3A_899, %get3A_723 : vector<16xf32>
        %mul3A_909 = arith.mulf %get3A_904, %get3A_726 : vector<16xf32>
        %add3A_910 = arith.addf %mul3A_908, %mul3A_909 : vector<16xf32>
        %add3A_911 = arith.addf %add3A_907, %add3A_910 : vector<16xf32>
        %swap3A_912 = arith.index_cast %add3A_715 : i32 to index
        %swap3A_913 = arith.constant 0 : index
        %swap3A_914 = tpu.vector_load %arg22[%swap3A_912, %swap3A_913] {strides = array<i32>} : memref<16x64xf32, #tpu.memory_space<vmem>>, vector<16xf32>,
        tpu.vector_store %arg22[%swap3A_912, %swap3A_913], %get3A_889 {add = true, strides = array<i32>} : memref<16x64xf32, #tpu.memory_space<vmem>>, vector<16xf32>,
        %swap3A_915 = arith.index_cast %add3A_715 : i32 to index
        %swap3A_916 = arith.constant 16 : index
        %swap3A_917 = tpu.vector_load %arg22[%swap3A_915, %swap3A_916] {strides = array<i32>} : memref<16x64xf32, #tpu.memory_space<vmem>>, vector<16xf32>,
        tpu.vector_store %arg22[%swap3A_915, %swap3A_916], %get3A_894 {add = true, strides = array<i32>} : memref<16x64xf32, #tpu.memory_space<vmem>>, vector<16xf32>,
        %swap3A_918 = arith.index_cast %add3A_715 : i32 to index
        %swap3A_919 = arith.constant 32 : index
        %swap3A_920 = tpu.vector_load %arg22[%swap3A_918, %swap3A_919] {strides = array<i32>} : memref<16x64xf32, #tpu.memory_space<vmem>>, vector<16xf32>,
        tpu.vector_store %arg22[%swap3A_918, %swap3A_919], %get3A_899 {add = true, strides = array<i32>} : memref<16x64xf32, #tpu.memory_space<vmem>>, vector<16xf32>,
        %swap3A_921 = arith.index_cast %add3A_715 : i32 to index
        %swap3A_922 = arith.constant 48 : index
        %swap3A_923 = tpu.vector_load %arg22[%swap3A_921, %swap3A_922] {strides = array<i32>} : memref<16x64xf32, #tpu.memory_space<vmem>>, vector<16xf32>,
        tpu.vector_store %arg22[%swap3A_921, %swap3A_922], %get3A_904 {add = true, strides = array<i32>} : memref<16x64xf32, #tpu.memory_space<vmem>>, vector<16xf32>,
        %add3A_924 = arith.constant 5 : i32
        %add3A_925 = arith.addi %mul3A_728, %add3A_924 : i32
        %get3A_926 = arith.index_cast %add3A_925 : i32 to index
        %get3A_927 = arith.constant 0 : index
        %get3A_928 = tpu.vector_load %arg14[%get3A_926, %get3A_927] {strides = array<i32>} : memref<320x64xf32, #tpu.memory_space<vmem>>, vector<16xf32>,
        %add3A_929 = arith.constant 5 : i32
        %add3A_930 = arith.addi %mul3A_728, %add3A_929 : i32
        %get3A_931 = arith.index_cast %add3A_930 : i32 to index
        %get3A_932 = arith.constant 16 : index
        %get3A_933 = tpu.vector_load %arg14[%get3A_931, %get3A_932] {strides = array<i32>} : memref<320x64xf32, #tpu.memory_space<vmem>>, vector<16xf32>,
        %add3A_934 = arith.constant 5 : i32
        %add3A_935 = arith.addi %mul3A_728, %add3A_934 : i32
        %get3A_936 = arith.index_cast %add3A_935 : i32 to index
        %get3A_937 = arith.constant 32 : index
        %get3A_938 = tpu.vector_load %arg14[%get3A_936, %get3A_937] {strides = array<i32>} : memref<320x64xf32, #tpu.memory_space<vmem>>, vector<16xf32>,
        %add3A_939 = arith.constant 5 : i32
        %add3A_940 = arith.addi %mul3A_728, %add3A_939 : i32
        %get3A_941 = arith.index_cast %add3A_940 : i32 to index
        %get3A_942 = arith.constant 48 : index
        %get3A_943 = tpu.vector_load %arg14[%get3A_941, %get3A_942] {strides = array<i32>} : memref<320x64xf32, #tpu.memory_space<vmem>>, vector<16xf32>,
        %mul3A_944 = arith.mulf %get3A_928, %get3A_717 : vector<16xf32>
        %mul3A_945 = arith.mulf %get3A_933, %get3A_720 : vector<16xf32>
        %add3A_946 = arith.addf %mul3A_944, %mul3A_945 : vector<16xf32>
        %mul3A_947 = arith.mulf %get3A_938, %get3A_723 : vector<16xf32>
        %mul3A_948 = arith.mulf %get3A_943, %get3A_726 : vector<16xf32>
        %add3A_949 = arith.addf %mul3A_947, %mul3A_948 : vector<16xf32>
        %add3A_950 = arith.addf %add3A_946, %add3A_949 : vector<16xf32>
        %swap3A_951 = arith.index_cast %add3A_715 : i32 to index
        %swap3A_952 = arith.constant 0 : index
        %swap3A_953 = tpu.vector_load %arg22[%swap3A_951, %swap3A_952] {strides = array<i32>} : memref<16x64xf32, #tpu.memory_space<vmem>>, vector<16xf32>,
        tpu.vector_store %arg22[%swap3A_951, %swap3A_952], %get3A_928 {add = true, strides = array<i32>} : memref<16x64xf32, #tpu.memory_space<vmem>>, vector<16xf32>,
        %swap3A_954 = arith.index_cast %add3A_715 : i32 to index
        %swap3A_955 = arith.constant 16 : index
        %swap3A_956 = tpu.vector_load %arg22[%swap3A_954, %swap3A_955] {strides = array<i32>} : memref<16x64xf32, #tpu.memory_space<vmem>>, vector<16xf32>,
        tpu.vector_store %arg22[%swap3A_954, %swap3A_955], %get3A_933 {add = true, strides = array<i32>} : memref<16x64xf32, #tpu.memory_space<vmem>>, vector<16xf32>,
        %swap3A_957 = arith.index_cast %add3A_715 : i32 to index
        %swap3A_958 = arith.constant 32 : index
        %swap3A_959 = tpu.vector_load %arg22[%swap3A_957, %swap3A_958] {strides = array<i32>} : memref<16x64xf32, #tpu.memory_space<vmem>>, vector<16xf32>,
        tpu.vector_store %arg22[%swap3A_957, %swap3A_958], %get3A_938 {add = true, strides = array<i32>} : memref<16x64xf32, #tpu.memory_space<vmem>>, vector<16xf32>,
        %swap3A_960 = arith.index_cast %add3A_715 : i32 to index
        %swap3A_961 = arith.constant 48 : index
        %swap3A_962 = tpu.vector_load %arg22[%swap3A_960, %swap3A_961] {strides = array<i32>} : memref<16x64xf32, #tpu.memory_space<vmem>>, vector<16xf32>,
        tpu.vector_store %arg22[%swap3A_960, %swap3A_961], %get3A_943 {add = true, strides = array<i32>} : memref<16x64xf32, #tpu.memory_space<vmem>>, vector<16xf32>,
        %add3A_963 = arith.constant 6 : i32
        %add3A_964 = arith.addi %mul3A_728, %add3A_963 : i32
        %get3A_965 = arith.index_cast %add3A_964 : i32 to index
        %get3A_966 = arith.constant 0 : index
        %get3A_967 = tpu.vector_load %arg14[%get3A_965, %get3A_966] {strides = array<i32>} : memref<320x64xf32, #tpu.memory_space<vmem>>, vector<16xf32>,
        %add3A_968 = arith.constant 6 : i32
        %add3A_969 = arith.addi %mul3A_728, %add3A_968 : i32
        %get3A_970 = arith.index_cast %add3A_969 : i32 to index
        %get3A_971 = arith.constant 16 : index
        %get3A_972 = tpu.vector_load %arg14[%get3A_970, %get3A_971] {strides = array<i32>} : memref<320x64xf32, #tpu.memory_space<vmem>>, vector<16xf32>,
        %add3A_973 = arith.constant 6 : i32
        %add3A_974 = arith.addi %mul3A_728, %add3A_973 : i32
        %get3A_975 = arith.index_cast %add3A_974 : i32 to index
        %get3A_976 = arith.constant 32 : index
        %get3A_977 = tpu.vector_load %arg14[%get3A_975, %get3A_976] {strides = array<i32>} : memref<320x64xf32, #tpu.memory_space<vmem>>, vector<16xf32>,
        %add3A_978 = arith.constant 6 : i32
        %add3A_979 = arith.addi %mul3A_728, %add3A_978 : i32
        %get3A_980 = arith.index_cast %add3A_979 : i32 to index
        %get3A_981 = arith.constant 48 : index
        %get3A_982 = tpu.vector_load %arg14[%get3A_980, %get3A_981] {strides = array<i32>} : memref<320x64xf32, #tpu.memory_space<vmem>>, vector<16xf32>,
        %mul3A_983 = arith.mulf %get3A_967, %get3A_717 : vector<16xf32>
        %mul3A_984 = arith.mulf %get3A_972, %get3A_720 : vector<16xf32>
        %add3A_985 = arith.addf %mul3A_983, %mul3A_984 : vector<16xf32>
        %mul3A_986 = arith.mulf %get3A_977, %get3A_723 : vector<16xf32>
        %mul3A_987 = arith.mulf %get3A_982, %get3A_726 : vector<16xf32>
        %add3A_988 = arith.addf %mul3A_986, %mul3A_987 : vector<16xf32>
        %add3A_989 = arith.addf %add3A_985, %add3A_988 : vector<16xf32>
        %swap3A_990 = arith.index_cast %add3A_715 : i32 to index
        %swap3A_991 = arith.constant 0 : index
        %swap3A_992 = tpu.vector_load %arg22[%swap3A_990, %swap3A_991] {strides = array<i32>} : memref<16x64xf32, #tpu.memory_space<vmem>>, vector<16xf32>,
        tpu.vector_store %arg22[%swap3A_990, %swap3A_991], %get3A_967 {add = true, strides = array<i32>} : memref<16x64xf32, #tpu.memory_space<vmem>>, vector<16xf32>,
        %swap3A_993 = arith.index_cast %add3A_715 : i32 to index
        %swap3A_994 = arith.constant 16 : index
        %swap3A_995 = tpu.vector_load %arg22[%swap3A_993, %swap3A_994] {strides = array<i32>} : memref<16x64xf32, #tpu.memory_space<vmem>>, vector<16xf32>,
        tpu.vector_store %arg22[%swap3A_993, %swap3A_994], %get3A_972 {add = true, strides = array<i32>} : memref<16x64xf32, #tpu.memory_space<vmem>>, vector<16xf32>,
        %swap3A_996 = arith.index_cast %add3A_715 : i32 to index
        %swap3A_997 = arith.constant 32 : index
        %swap3A_998 = tpu.vector_load %arg22[%swap3A_996, %swap3A_997] {strides = array<i32>} : memref<16x64xf32, #tpu.memory_space<vmem>>, vector<16xf32>,
        tpu.vector_store %arg22[%swap3A_996, %swap3A_997], %get3A_977 {add = true, strides = array<i32>} : memref<16x64xf32, #tpu.memory_space<vmem>>, vector<16xf32>,
        %swap3A_999 = arith.index_cast %add3A_715 : i32 to index
        %swap3A_1000 = arith.constant 48 : index
        %swap3A_1001 = tpu.vector_load %arg22[%swap3A_999, %swap3A_1000] {strides = array<i32>} : memref<16x64xf32, #tpu.memory_space<vmem>>, vector<16xf32>,
        tpu.vector_store %arg22[%swap3A_999, %swap3A_1000], %get3A_982 {add = true, strides = array<i32>} : memref<16x64xf32, #tpu.memory_space<vmem>>, vector<16xf32>,
        %add3A_1002 = arith.constant 7 : i32
        %add3A_1003 = arith.addi %mul3A_728, %add3A_1002 : i32
        %get3A_1004 = arith.index_cast %add3A_1003 : i32 to index
        %get3A_1005 = arith.constant 0 : index
        %get3A_1006 = tpu.vector_load %arg14[%get3A_1004, %get3A_1005] {strides = array<i32>} : memref<320x64xf32, #tpu.memory_space<vmem>>, vector<16xf32>,
        %add3A_1007 = arith.constant 7 : i32
        %add3A_1008 = arith.addi %mul3A_728, %add3A_1007 : i32
        %get3A_1009 = arith.index_cast %add3A_1008 : i32 to index
        %get3A_1010 = arith.constant 16 : index
        %get3A_1011 = tpu.vector_load %arg14[%get3A_1009, %get3A_1010] {strides = array<i32>} : memref<320x64xf32, #tpu.memory_space<vmem>>, vector<16xf32>,
        %add3A_1012 = arith.constant 7 : i32
        %add3A_1013 = arith.addi %mul3A_728, %add3A_1012 : i32
        %get3A_1014 = arith.index_cast %add3A_1013 : i32 to index
        %get3A_1015 = arith.constant 32 : index
        %get3A_1016 = tpu.vector_load %arg14[%get3A_1014, %get3A_1015] {strides = array<i32>} : memref<320x64xf32, #tpu.memory_space<vmem>>, vector<16xf32>,
        %add3A_1017 = arith.constant 7 : i32
        %add3A_1018 = arith.addi %mul3A_728, %add3A_1017 : i32
        %get3A_1019 = arith.index_cast %add3A_1018 : i32 to index
        %get3A_1020 = arith.constant 48 : index
        %get3A_1021 = tpu.vector_load %arg14[%get3A_1019, %get3A_1020] {strides = array<i32>} : memref<320x64xf32, #tpu.memory_space<vmem>>, vector<16xf32>,
        %mul3A_1022 = arith.mulf %get3A_1006, %get3A_717 : vector<16xf32>
        %mul3A_1023 = arith.mulf %get3A_1011, %get3A_720 : vector<16xf32>
        %add3A_1024 = arith.addf %mul3A_1022, %mul3A_1023 : vector<16xf32>
        %mul3A_1025 = arith.mulf %get3A_1016, %get3A_723 : vector<16xf32>
        %mul3A_1026 = arith.mulf %get3A_1021, %get3A_726 : vector<16xf32>
        %add3A_1027 = arith.addf %mul3A_1025, %mul3A_1026 : vector<16xf32>
        %add3A_1028 = arith.addf %add3A_1024, %add3A_1027 : vector<16xf32>
        %swap3A_1029 = arith.index_cast %add3A_715 : i32 to index
        %swap3A_1030 = arith.constant 0 : index
        %swap3A_1031 = tpu.vector_load %arg22[%swap3A_1029, %swap3A_1030] {strides = array<i32>} : memref<16x64xf32, #tpu.memory_space<vmem>>, vector<16xf32>,
        tpu.vector_store %arg22[%swap3A_1029, %swap3A_1030], %get3A_1006 {add = true, strides = array<i32>} : memref<16x64xf32, #tpu.memory_space<vmem>>, vector<16xf32>,
        %swap3A_1032 = arith.index_cast %add3A_715 : i32 to index
        %swap3A_1033 = arith.constant 16 : index
        %swap3A_1034 = tpu.vector_load %arg22[%swap3A_1032, %swap3A_1033] {strides = array<i32>} : memref<16x64xf32, #tpu.memory_space<vmem>>, vector<16xf32>,
        tpu.vector_store %arg22[%swap3A_1032, %swap3A_1033], %get3A_1011 {add = true, strides = array<i32>} : memref<16x64xf32, #tpu.memory_space<vmem>>, vector<16xf32>,
        %swap3A_1035 = arith.index_cast %add3A_715 : i32 to index
        %swap3A_1036 = arith.constant 32 : index
        %swap3A_1037 = tpu.vector_load %arg22[%swap3A_1035, %swap3A_1036] {strides = array<i32>} : memref<16x64xf32, #tpu.memory_space<vmem>>, vector<16xf32>,
        tpu.vector_store %arg22[%swap3A_1035, %swap3A_1036], %get3A_1016 {add = true, strides = array<i32>} : memref<16x64xf32, #tpu.memory_space<vmem>>, vector<16xf32>,
        %swap3A_1038 = arith.index_cast %add3A_715 : i32 to index
        %swap3A_1039 = arith.constant 48 : index
        %swap3A_1040 = tpu.vector_load %arg22[%swap3A_1038, %swap3A_1039] {strides = array<i32>} : memref<16x64xf32, #tpu.memory_space<vmem>>, vector<16xf32>,
        tpu.vector_store %arg22[%swap3A_1038, %swap3A_1039], %get3A_1021 {add = true, strides = array<i32>} : memref<16x64xf32, #tpu.memory_space<vmem>>, vector<16xf32>,
        %add3A_1041 = arith.constant 8 : i32
        %add3A_1042 = arith.addi %mul3A_728, %add3A_1041 : i32
        %get3A_1043 = arith.index_cast %add3A_1042 : i32 to index
        %get3A_1044 = arith.constant 0 : index
        %get3A_1045 = tpu.vector_load %arg14[%get3A_1043, %get3A_1044] {strides = array<i32>} : memref<320x64xf32, #tpu.memory_space<vmem>>, vector<16xf32>,
        %add3A_1046 = arith.constant 8 : i32
        %add3A_1047 = arith.addi %mul3A_728, %add3A_1046 : i32
        %get3A_1048 = arith.index_cast %add3A_1047 : i32 to index
        %get3A_1049 = arith.constant 16 : index
        %get3A_1050 = tpu.vector_load %arg14[%get3A_1048, %get3A_1049] {strides = array<i32>} : memref<320x64xf32, #tpu.memory_space<vmem>>, vector<16xf32>,
        %add3A_1051 = arith.constant 8 : i32
        %add3A_1052 = arith.addi %mul3A_728, %add3A_1051 : i32
        %get3A_1053 = arith.index_cast %add3A_1052 : i32 to index
        %get3A_1054 = arith.constant 32 : index
        %get3A_1055 = tpu.vector_load %arg14[%get3A_1053, %get3A_1054] {strides = array<i32>} : memref<320x64xf32, #tpu.memory_space<vmem>>, vector<16xf32>,
        %add3A_1056 = arith.constant 8 : i32
        %add3A_1057 = arith.addi %mul3A_728, %add3A_1056 : i32
        %get3A_1058 = arith.index_cast %add3A_1057 : i32 to index
        %get3A_1059 = arith.constant 48 : index
        %get3A_1060 = tpu.vector_load %arg14[%get3A_1058, %get3A_1059] {strides = array<i32>} : memref<320x64xf32, #tpu.memory_space<vmem>>, vector<16xf32>,
        %mul3A_1061 = arith.mulf %get3A_1045, %get3A_717 : vector<16xf32>
        %mul3A_1062 = arith.mulf %get3A_1050, %get3A_720 : vector<16xf32>
        %add3A_1063 = arith.addf %mul3A_1061, %mul3A_1062 : vector<16xf32>
        %mul3A_1064 = arith.mulf %get3A_1055, %get3A_723 : vector<16xf32>
        %mul3A_1065 = arith.mulf %get3A_1060, %get3A_726 : vector<16xf32>
        %add3A_1066 = arith.addf %mul3A_1064, %mul3A_1065 : vector<16xf32>
        %add3A_1067 = arith.addf %add3A_1063, %add3A_1066 : vector<16xf32>
        %swap3A_1068 = arith.index_cast %add3A_715 : i32 to index
        %swap3A_1069 = arith.constant 0 : index
        %swap3A_1070 = tpu.vector_load %arg22[%swap3A_1068, %swap3A_1069] {strides = array<i32>} : memref<16x64xf32, #tpu.memory_space<vmem>>, vector<16xf32>,
        tpu.vector_store %arg22[%swap3A_1068, %swap3A_1069], %get3A_1045 {add = true, strides = array<i32>} : memref<16x64xf32, #tpu.memory_space<vmem>>, vector<16xf32>,
        %swap3A_1071 = arith.index_cast %add3A_715 : i32 to index
        %swap3A_1072 = arith.constant 16 : index
        %swap3A_1073 = tpu.vector_load %arg22[%swap3A_1071, %swap3A_1072] {strides = array<i32>} : memref<16x64xf32, #tpu.memory_space<vmem>>, vector<16xf32>,
        tpu.vector_store %arg22[%swap3A_1071, %swap3A_1072], %get3A_1050 {add = true, strides = array<i32>} : memref<16x64xf32, #tpu.memory_space<vmem>>, vector<16xf32>,
        %swap3A_1074 = arith.index_cast %add3A_715 : i32 to index
        %swap3A_1075 = arith.constant 32 : index
        %swap3A_1076 = tpu.vector_load %arg22[%swap3A_1074, %swap3A_1075] {strides = array<i32>} : memref<16x64xf32, #tpu.memory_space<vmem>>, vector<16xf32>,
        tpu.vector_store %arg22[%swap3A_1074, %swap3A_1075], %get3A_1055 {add = true, strides = array<i32>} : memref<16x64xf32, #tpu.memory_space<vmem>>, vector<16xf32>,
        %swap3A_1077 = arith.index_cast %add3A_715 : i32 to index
        %swap3A_1078 = arith.constant 48 : index
        %swap3A_1079 = tpu.vector_load %arg22[%swap3A_1077, %swap3A_1078] {strides = array<i32>} : memref<16x64xf32, #tpu.memory_space<vmem>>, vector<16xf32>,
        tpu.vector_store %arg22[%swap3A_1077, %swap3A_1078], %get3A_1060 {add = true, strides = array<i32>} : memref<16x64xf32, #tpu.memory_space<vmem>>, vector<16xf32>,
        %add3A_1080 = arith.constant 9 : i32
        %add3A_1081 = arith.addi %mul3A_728, %add3A_1080 : i32
        %get3A_1082 = arith.index_cast %add3A_1081 : i32 to index
        %get3A_1083 = arith.constant 0 : index
        %get3A_1084 = tpu.vector_load %arg14[%get3A_1082, %get3A_1083] {strides = array<i32>} : memref<320x64xf32, #tpu.memory_space<vmem>>, vector<16xf32>,
        %add3A_1085 = arith.constant 9 : i32
        %add3A_1086 = arith.addi %mul3A_728, %add3A_1085 : i32
        %get3A_1087 = arith.index_cast %add3A_1086 : i32 to index
        %get3A_1088 = arith.constant 16 : index
        %get3A_1089 = tpu.vector_load %arg14[%get3A_1087, %get3A_1088] {strides = array<i32>} : memref<320x64xf32, #tpu.memory_space<vmem>>, vector<16xf32>,
        %add3A_1090 = arith.constant 9 : i32
        %add3A_1091 = arith.addi %mul3A_728, %add3A_1090 : i32
        %get3A_1092 = arith.index_cast %add3A_1091 : i32 to index
        %get3A_1093 = arith.constant 32 : index
        %get3A_1094 = tpu.vector_load %arg14[%get3A_1092, %get3A_1093] {strides = array<i32>} : memref<320x64xf32, #tpu.memory_space<vmem>>, vector<16xf32>,
        %add3A_1095 = arith.constant 9 : i32
        %add3A_1096 = arith.addi %mul3A_728, %add3A_1095 : i32
        %get3A_1097 = arith.index_cast %add3A_1096 : i32 to index
        %get3A_1098 = arith.constant 48 : index
        %get3A_1099 = tpu.vector_load %arg14[%get3A_1097, %get3A_1098] {strides = array<i32>} : memref<320x64xf32, #tpu.memory_space<vmem>>, vector<16xf32>,
        %mul3A_1100 = arith.mulf %get3A_1084, %get3A_717 : vector<16xf32>
        %mul3A_1101 = arith.mulf %get3A_1089, %get3A_720 : vector<16xf32>
        %add3A_1102 = arith.addf %mul3A_1100, %mul3A_1101 : vector<16xf32>
        %mul3A_1103 = arith.mulf %get3A_1094, %get3A_723 : vector<16xf32>
        %mul3A_1104 = arith.mulf %get3A_1099, %get3A_726 : vector<16xf32>
        %add3A_1105 = arith.addf %mul3A_1103, %mul3A_1104 : vector<16xf32>
        %add3A_1106 = arith.addf %add3A_1102, %add3A_1105 : vector<16xf32>
        %swap3A_1107 = arith.index_cast %add3A_715 : i32 to index
        %swap3A_1108 = arith.constant 0 : index
        %swap3A_1109 = tpu.vector_load %arg22[%swap3A_1107, %swap3A_1108] {strides = array<i32>} : memref<16x64xf32, #tpu.memory_space<vmem>>, vector<16xf32>,
        tpu.vector_store %arg22[%swap3A_1107, %swap3A_1108], %get3A_1084 {add = true, strides = array<i32>} : memref<16x64xf32, #tpu.memory_space<vmem>>, vector<16xf32>,
        %swap3A_1110 = arith.index_cast %add3A_715 : i32 to index
        %swap3A_1111 = arith.constant 16 : index
        %swap3A_1112 = tpu.vector_load %arg22[%swap3A_1110, %swap3A_1111] {strides = array<i32>} : memref<16x64xf32, #tpu.memory_space<vmem>>, vector<16xf32>,
        tpu.vector_store %arg22[%swap3A_1110, %swap3A_1111], %get3A_1089 {add = true, strides = array<i32>} : memref<16x64xf32, #tpu.memory_space<vmem>>, vector<16xf32>,
        %swap3A_1113 = arith.index_cast %add3A_715 : i32 to index
        %swap3A_1114 = arith.constant 32 : index
        %swap3A_1115 = tpu.vector_load %arg22[%swap3A_1113, %swap3A_1114] {strides = array<i32>} : memref<16x64xf32, #tpu.memory_space<vmem>>, vector<16xf32>,
        tpu.vector_store %arg22[%swap3A_1113, %swap3A_1114], %get3A_1094 {add = true, strides = array<i32>} : memref<16x64xf32, #tpu.memory_space<vmem>>, vector<16xf32>,
        %swap3A_1116 = arith.index_cast %add3A_715 : i32 to index
        %swap3A_1117 = arith.constant 48 : index
        %swap3A_1118 = tpu.vector_load %arg22[%swap3A_1116, %swap3A_1117] {strides = array<i32>} : memref<16x64xf32, #tpu.memory_space<vmem>>, vector<16xf32>,
        tpu.vector_store %arg22[%swap3A_1116, %swap3A_1117], %get3A_1099 {add = true, strides = array<i32>} : memref<16x64xf32, #tpu.memory_space<vmem>>, vector<16xf32>,
        %add3A_1119 = arith.constant 10 : i32
        %add3A_1120 = arith.addi %mul3A_728, %add3A_1119 : i32
        %get3A_1121 = arith.index_cast %add3A_1120 : i32 to index
        %get3A_1122 = arith.constant 0 : index
        %get3A_1123 = tpu.vector_load %arg14[%get3A_1121, %get3A_1122] {strides = array<i32>} : memref<320x64xf32, #tpu.memory_space<vmem>>, vector<16xf32>,
        %add3A_1124 = arith.constant 10 : i32
        %add3A_1125 = arith.addi %mul3A_728, %add3A_1124 : i32
        %get3A_1126 = arith.index_cast %add3A_1125 : i32 to index
        %get3A_1127 = arith.constant 16 : index
        %get3A_1128 = tpu.vector_load %arg14[%get3A_1126, %get3A_1127] {strides = array<i32>} : memref<320x64xf32, #tpu.memory_space<vmem>>, vector<16xf32>,
        %add3A_1129 = arith.constant 10 : i32
        %add3A_1130 = arith.addi %mul3A_728, %add3A_1129 : i32
        %get3A_1131 = arith.index_cast %add3A_1130 : i32 to index
        %get3A_1132 = arith.constant 32 : index
        %get3A_1133 = tpu.vector_load %arg14[%get3A_1131, %get3A_1132] {strides = array<i32>} : memref<320x64xf32, #tpu.memory_space<vmem>>, vector<16xf32>,
        %add3A_1134 = arith.constant 10 : i32
        %add3A_1135 = arith.addi %mul3A_728, %add3A_1134 : i32
        %get3A_1136 = arith.index_cast %add3A_1135 : i32 to index
        %get3A_1137 = arith.constant 48 : index
        %get3A_1138 = tpu.vector_load %arg14[%get3A_1136, %get3A_1137] {strides = array<i32>} : memref<320x64xf32, #tpu.memory_space<vmem>>, vector<16xf32>,
        %mul3A_1139 = arith.mulf %get3A_1123, %get3A_717 : vector<16xf32>
        %mul3A_1140 = arith.mulf %get3A_1128, %get3A_720 : vector<16xf32>
        %add3A_1141 = arith.addf %mul3A_1139, %mul3A_1140 : vector<16xf32>
        %mul3A_1142 = arith.mulf %get3A_1133, %get3A_723 : vector<16xf32>
        %mul3A_1143 = arith.mulf %get3A_1138, %get3A_726 : vector<16xf32>
        %add3A_1144 = arith.addf %mul3A_1142, %mul3A_1143 : vector<16xf32>
        %add3A_1145 = arith.addf %add3A_1141, %add3A_1144 : vector<16xf32>
        %swap3A_1146 = arith.index_cast %add3A_715 : i32 to index
        %swap3A_1147 = arith.constant 0 : index
        %swap3A_1148 = tpu.vector_load %arg22[%swap3A_1146, %swap3A_1147] {strides = array<i32>} : memref<16x64xf32, #tpu.memory_space<vmem>>, vector<16xf32>,
        tpu.vector_store %arg22[%swap3A_1146, %swap3A_1147], %get3A_1123 {add = true, strides = array<i32>} : memref<16x64xf32, #tpu.memory_space<vmem>>, vector<16xf32>,
        %swap3A_1149 = arith.index_cast %add3A_715 : i32 to index
        %swap3A_1150 = arith.constant 16 : index
        %swap3A_1151 = tpu.vector_load %arg22[%swap3A_1149, %swap3A_1150] {strides = array<i32>} : memref<16x64xf32, #tpu.memory_space<vmem>>, vector<16xf32>,
        tpu.vector_store %arg22[%swap3A_1149, %swap3A_1150], %get3A_1128 {add = true, strides = array<i32>} : memref<16x64xf32, #tpu.memory_space<vmem>>, vector<16xf32>,
        %swap3A_1152 = arith.index_cast %add3A_715 : i32 to index
        %swap3A_1153 = arith.constant 32 : index
        %swap3A_1154 = tpu.vector_load %arg22[%swap3A_1152, %swap3A_1153] {strides = array<i32>} : memref<16x64xf32, #tpu.memory_space<vmem>>, vector<16xf32>,
        tpu.vector_store %arg22[%swap3A_1152, %swap3A_1153], %get3A_1133 {add = true, strides = array<i32>} : memref<16x64xf32, #tpu.memory_space<vmem>>, vector<16xf32>,
        %swap3A_1155 = arith.index_cast %add3A_715 : i32 to index
        %swap3A_1156 = arith.constant 48 : index
        %swap3A_1157 = tpu.vector_load %arg22[%swap3A_1155, %swap3A_1156] {strides = array<i32>} : memref<16x64xf32, #tpu.memory_space<vmem>>, vector<16xf32>,
        tpu.vector_store %arg22[%swap3A_1155, %swap3A_1156], %get3A_1138 {add = true, strides = array<i32>} : memref<16x64xf32, #tpu.memory_space<vmem>>, vector<16xf32>,
        %add3A_1158 = arith.constant 11 : i32
        %add3A_1159 = arith.addi %mul3A_728, %add3A_1158 : i32
        %get3A_1160 = arith.index_cast %add3A_1159 : i32 to index
        %get3A_1161 = arith.constant 0 : index
        %get3A_1162 = tpu.vector_load %arg14[%get3A_1160, %get3A_1161] {strides = array<i32>} : memref<320x64xf32, #tpu.memory_space<vmem>>, vector<16xf32>,
        %add3A_1163 = arith.constant 11 : i32
        %add3A_1164 = arith.addi %mul3A_728, %add3A_1163 : i32
        %get3A_1165 = arith.index_cast %add3A_1164 : i32 to index
        %get3A_1166 = arith.constant 16 : index
        %get3A_1167 = tpu.vector_load %arg14[%get3A_1165, %get3A_1166] {strides = array<i32>} : memref<320x64xf32, #tpu.memory_space<vmem>>, vector<16xf32>,
        %add3A_1168 = arith.constant 11 : i32
        %add3A_1169 = arith.addi %mul3A_728, %add3A_1168 : i32
        %get3A_1170 = arith.index_cast %add3A_1169 : i32 to index
        %get3A_1171 = arith.constant 32 : index
        %get3A_1172 = tpu.vector_load %arg14[%get3A_1170, %get3A_1171] {strides = array<i32>} : memref<320x64xf32, #tpu.memory_space<vmem>>, vector<16xf32>,
        %add3A_1173 = arith.constant 11 : i32
        %add3A_1174 = arith.addi %mul3A_728, %add3A_1173 : i32
        %get3A_1175 = arith.index_cast %add3A_1174 : i32 to index
        %get3A_1176 = arith.constant 48 : index
        %get3A_1177 = tpu.vector_load %arg14[%get3A_1175, %get3A_1176] {strides = array<i32>} : memref<320x64xf32, #tpu.memory_space<vmem>>, vector<16xf32>,
        %mul3A_1178 = arith.mulf %get3A_1162, %get3A_717 : vector<16xf32>
        %mul3A_1179 = arith.mulf %get3A_1167, %get3A_720 : vector<16xf32>
        %add3A_1180 = arith.addf %mul3A_1178, %mul3A_1179 : vector<16xf32>
        %mul3A_1181 = arith.mulf %get3A_1172, %get3A_723 : vector<16xf32>
        %mul3A_1182 = arith.mulf %get3A_1177, %get3A_726 : vector<16xf32>
        %add3A_1183 = arith.addf %mul3A_1181, %mul3A_1182 : vector<16xf32>
        %add3A_1184 = arith.addf %add3A_1180, %add3A_1183 : vector<16xf32>
        %swap3A_1185 = arith.index_cast %add3A_715 : i32 to index
        %swap3A_1186 = arith.constant 0 : index
        %swap3A_1187 = tpu.vector_load %arg22[%swap3A_1185, %swap3A_1186] {strides = array<i32>} : memref<16x64xf32, #tpu.memory_space<vmem>>, vector<16xf32>,
        tpu.vector_store %arg22[%swap3A_1185, %swap3A_1186], %get3A_1162 {add = true, strides = array<i32>} : memref<16x64xf32, #tpu.memory_space<vmem>>, vector<16xf32>,
        %swap3A_1188 = arith.index_cast %add3A_715 : i32 to index
        %swap3A_1189 = arith.constant 16 : index
        %swap3A_1190 = tpu.vector_load %arg22[%swap3A_1188, %swap3A_1189] {strides = array<i32>} : memref<16x64xf32, #tpu.memory_space<vmem>>, vector<16xf32>,
        tpu.vector_store %arg22[%swap3A_1188, %swap3A_1189], %get3A_1167 {add = true, strides = array<i32>} : memref<16x64xf32, #tpu.memory_space<vmem>>, vector<16xf32>,
        %swap3A_1191 = arith.index_cast %add3A_715 : i32 to index
        %swap3A_1192 = arith.constant 32 : index
        %swap3A_1193 = tpu.vector_load %arg22[%swap3A_1191, %swap3A_1192] {strides = array<i32>} : memref<16x64xf32, #tpu.memory_space<vmem>>, vector<16xf32>,
        tpu.vector_store %arg22[%swap3A_1191, %swap3A_1192], %get3A_1172 {add = true, strides = array<i32>} : memref<16x64xf32, #tpu.memory_space<vmem>>, vector<16xf32>,
        %swap3A_1194 = arith.index_cast %add3A_715 : i32 to index
        %swap3A_1195 = arith.constant 48 : index
        %swap3A_1196 = tpu.vector_load %arg22[%swap3A_1194, %swap3A_1195] {strides = array<i32>} : memref<16x64xf32, #tpu.memory_space<vmem>>, vector<16xf32>,
        tpu.vector_store %arg22[%swap3A_1194, %swap3A_1195], %get3A_1177 {add = true, strides = array<i32>} : memref<16x64xf32, #tpu.memory_space<vmem>>, vector<16xf32>,
        %add3A_1197 = arith.constant 12 : i32
        %add3A_1198 = arith.addi %mul3A_728, %add3A_1197 : i32
        %get3A_1199 = arith.index_cast %add3A_1198 : i32 to index
        %get3A_1200 = arith.constant 0 : index
        %get3A_1201 = tpu.vector_load %arg14[%get3A_1199, %get3A_1200] {strides = array<i32>} : memref<320x64xf32, #tpu.memory_space<vmem>>, vector<16xf32>,
        %add3A_1202 = arith.constant 12 : i32
        %add3A_1203 = arith.addi %mul3A_728, %add3A_1202 : i32
        %get3A_1204 = arith.index_cast %add3A_1203 : i32 to index
        %get3A_1205 = arith.constant 16 : index
        %get3A_1206 = tpu.vector_load %arg14[%get3A_1204, %get3A_1205] {strides = array<i32>} : memref<320x64xf32, #tpu.memory_space<vmem>>, vector<16xf32>,
        %add3A_1207 = arith.constant 12 : i32
        %add3A_1208 = arith.addi %mul3A_728, %add3A_1207 : i32
        %get3A_1209 = arith.index_cast %add3A_1208 : i32 to index
        %get3A_1210 = arith.constant 32 : index
        %get3A_1211 = tpu.vector_load %arg14[%get3A_1209, %get3A_1210] {strides = array<i32>} : memref<320x64xf32, #tpu.memory_space<vmem>>, vector<16xf32>,
        %add3A_1212 = arith.constant 12 : i32
        %add3A_1213 = arith.addi %mul3A_728, %add3A_1212 : i32
        %get3A_1214 = arith.index_cast %add3A_1213 : i32 to index
        %get3A_1215 = arith.constant 48 : index
        %get3A_1216 = tpu.vector_load %arg14[%get3A_1214, %get3A_1215] {strides = array<i32>} : memref<320x64xf32, #tpu.memory_space<vmem>>, vector<16xf32>,
        %mul3A_1217 = arith.mulf %get3A_1201, %get3A_717 : vector<16xf32>
        %mul3A_1218 = arith.mulf %get3A_1206, %get3A_720 : vector<16xf32>
        %add3A_1219 = arith.addf %mul3A_1217, %mul3A_1218 : vector<16xf32>
        %mul3A_1220 = arith.mulf %get3A_1211, %get3A_723 : vector<16xf32>
        %mul3A_1221 = arith.mulf %get3A_1216, %get3A_726 : vector<16xf32>
        %add3A_1222 = arith.addf %mul3A_1220, %mul3A_1221 : vector<16xf32>
        %add3A_1223 = arith.addf %add3A_1219, %add3A_1222 : vector<16xf32>
        %swap3A_1224 = arith.index_cast %add3A_715 : i32 to index
        %swap3A_1225 = arith.constant 0 : index
        %swap3A_1226 = tpu.vector_load %arg22[%swap3A_1224, %swap3A_1225] {strides = array<i32>} : memref<16x64xf32, #tpu.memory_space<vmem>>, vector<16xf32>,
        tpu.vector_store %arg22[%swap3A_1224, %swap3A_1225], %get3A_1201 {add = true, strides = array<i32>} : memref<16x64xf32, #tpu.memory_space<vmem>>, vector<16xf32>,
        %swap3A_1227 = arith.index_cast %add3A_715 : i32 to index
        %swap3A_1228 = arith.constant 16 : index
        %swap3A_1229 = tpu.vector_load %arg22[%swap3A_1227, %swap3A_1228] {strides = array<i32>} : memref<16x64xf32, #tpu.memory_space<vmem>>, vector<16xf32>,
        tpu.vector_store %arg22[%swap3A_1227, %swap3A_1228], %get3A_1206 {add = true, strides = array<i32>} : memref<16x64xf32, #tpu.memory_space<vmem>>, vector<16xf32>,
        %swap3A_1230 = arith.index_cast %add3A_715 : i32 to index
        %swap3A_1231 = arith.constant 32 : index
        %swap3A_1232 = tpu.vector_load %arg22[%swap3A_1230, %swap3A_1231] {strides = array<i32>} : memref<16x64xf32, #tpu.memory_space<vmem>>, vector<16xf32>,
        tpu.vector_store %arg22[%swap3A_1230, %swap3A_1231], %get3A_1211 {add = true, strides = array<i32>} : memref<16x64xf32, #tpu.memory_space<vmem>>, vector<16xf32>,
        %swap3A_1233 = arith.index_cast %add3A_715 : i32 to index
        %swap3A_1234 = arith.constant 48 : index
        %swap3A_1235 = tpu.vector_load %arg22[%swap3A_1233, %swap3A_1234] {strides = array<i32>} : memref<16x64xf32, #tpu.memory_space<vmem>>, vector<16xf32>,
        tpu.vector_store %arg22[%swap3A_1233, %swap3A_1234], %get3A_1216 {add = true, strides = array<i32>} : memref<16x64xf32, #tpu.memory_space<vmem>>, vector<16xf32>,
        %add3A_1236 = arith.constant 13 : i32
        %add3A_1237 = arith.addi %mul3A_728, %add3A_1236 : i32
        %get3A_1238 = arith.index_cast %add3A_1237 : i32 to index
        %get3A_1239 = arith.constant 0 : index
        %get3A_1240 = tpu.vector_load %arg14[%get3A_1238, %get3A_1239] {strides = array<i32>} : memref<320x64xf32, #tpu.memory_space<vmem>>, vector<16xf32>,
        %add3A_1241 = arith.constant 13 : i32
        %add3A_1242 = arith.addi %mul3A_728, %add3A_1241 : i32
        %get3A_1243 = arith.index_cast %add3A_1242 : i32 to index
        %get3A_1244 = arith.constant 16 : index
        %get3A_1245 = tpu.vector_load %arg14[%get3A_1243, %get3A_1244] {strides = array<i32>} : memref<320x64xf32, #tpu.memory_space<vmem>>, vector<16xf32>,
        %add3A_1246 = arith.constant 13 : i32
        %add3A_1247 = arith.addi %mul3A_728, %add3A_1246 : i32
        %get3A_1248 = arith.index_cast %add3A_1247 : i32 to index
        %get3A_1249 = arith.constant 32 : index
        %get3A_1250 = tpu.vector_load %arg14[%get3A_1248, %get3A_1249] {strides = array<i32>} : memref<320x64xf32, #tpu.memory_space<vmem>>, vector<16xf32>,
        %add3A_1251 = arith.constant 13 : i32
        %add3A_1252 = arith.addi %mul3A_728, %add3A_1251 : i32
        %get3A_1253 = arith.index_cast %add3A_1252 : i32 to index
        %get3A_1254 = arith.constant 48 : index
        %get3A_1255 = tpu.vector_load %arg14[%get3A_1253, %get3A_1254] {strides = array<i32>} : memref<320x64xf32, #tpu.memory_space<vmem>>, vector<16xf32>,
        %mul3A_1256 = arith.mulf %get3A_1240, %get3A_717 : vector<16xf32>
        %mul3A_1257 = arith.mulf %get3A_1245, %get3A_720 : vector<16xf32>
        %add3A_1258 = arith.addf %mul3A_1256, %mul3A_1257 : vector<16xf32>
        %mul3A_1259 = arith.mulf %get3A_1250, %get3A_723 : vector<16xf32>
        %mul3A_1260 = arith.mulf %get3A_1255, %get3A_726 : vector<16xf32>
        %add3A_1261 = arith.addf %mul3A_1259, %mul3A_1260 : vector<16xf32>
        %add3A_1262 = arith.addf %add3A_1258, %add3A_1261 : vector<16xf32>
        %swap3A_1263 = arith.index_cast %add3A_715 : i32 to index
        %swap3A_1264 = arith.constant 0 : index
        %swap3A_1265 = tpu.vector_load %arg22[%swap3A_1263, %swap3A_1264] {strides = array<i32>} : memref<16x64xf32, #tpu.memory_space<vmem>>, vector<16xf32>,
        tpu.vector_store %arg22[%swap3A_1263, %swap3A_1264], %get3A_1240 {add = true, strides = array<i32>} : memref<16x64xf32, #tpu.memory_space<vmem>>, vector<16xf32>,
        %swap3A_1266 = arith.index_cast %add3A_715 : i32 to index
        %swap3A_1267 = arith.constant 16 : index
        %swap3A_1268 = tpu.vector_load %arg22[%swap3A_1266, %swap3A_1267] {strides = array<i32>} : memref<16x64xf32, #tpu.memory_space<vmem>>, vector<16xf32>,
        tpu.vector_store %arg22[%swap3A_1266, %swap3A_1267], %get3A_1245 {add = true, strides = array<i32>} : memref<16x64xf32, #tpu.memory_space<vmem>>, vector<16xf32>,
        %swap3A_1269 = arith.index_cast %add3A_715 : i32 to index
        %swap3A_1270 = arith.constant 32 : index
        %swap3A_1271 = tpu.vector_load %arg22[%swap3A_1269, %swap3A_1270] {strides = array<i32>} : memref<16x64xf32, #tpu.memory_space<vmem>>, vector<16xf32>,
        tpu.vector_store %arg22[%swap3A_1269, %swap3A_1270], %get3A_1250 {add = true, strides = array<i32>} : memref<16x64xf32, #tpu.memory_space<vmem>>, vector<16xf32>,
        %swap3A_1272 = arith.index_cast %add3A_715 : i32 to index
        %swap3A_1273 = arith.constant 48 : index
        %swap3A_1274 = tpu.vector_load %arg22[%swap3A_1272, %swap3A_1273] {strides = array<i32>} : memref<16x64xf32, #tpu.memory_space<vmem>>, vector<16xf32>,
        tpu.vector_store %arg22[%swap3A_1272, %swap3A_1273], %get3A_1255 {add = true, strides = array<i32>} : memref<16x64xf32, #tpu.memory_space<vmem>>, vector<16xf32>,
        %add3A_1275 = arith.constant 14 : i32
        %add3A_1276 = arith.addi %mul3A_728, %add3A_1275 : i32
        %get3A_1277 = arith.index_cast %add3A_1276 : i32 to index
        %get3A_1278 = arith.constant 0 : index
        %get3A_1279 = tpu.vector_load %arg14[%get3A_1277, %get3A_1278] {strides = array<i32>} : memref<320x64xf32, #tpu.memory_space<vmem>>, vector<16xf32>,
        %add3A_1280 = arith.constant 14 : i32
        %add3A_1281 = arith.addi %mul3A_728, %add3A_1280 : i32
        %get3A_1282 = arith.index_cast %add3A_1281 : i32 to index
        %get3A_1283 = arith.constant 16 : index
        %get3A_1284 = tpu.vector_load %arg14[%get3A_1282, %get3A_1283] {strides = array<i32>} : memref<320x64xf32, #tpu.memory_space<vmem>>, vector<16xf32>,
        %add3A_1285 = arith.constant 14 : i32
        %add3A_1286 = arith.addi %mul3A_728, %add3A_1285 : i32
        %get3A_1287 = arith.index_cast %add3A_1286 : i32 to index
        %get3A_1288 = arith.constant 32 : index
        %get3A_1289 = tpu.vector_load %arg14[%get3A_1287, %get3A_1288] {strides = array<i32>} : memref<320x64xf32, #tpu.memory_space<vmem>>, vector<16xf32>,
        %add3A_1290 = arith.constant 14 : i32
        %add3A_1291 = arith.addi %mul3A_728, %add3A_1290 : i32
        %get3A_1292 = arith.index_cast %add3A_1291 : i32 to index
        %get3A_1293 = arith.constant 48 : index
        %get3A_1294 = tpu.vector_load %arg14[%get3A_1292, %get3A_1293] {strides = array<i32>} : memref<320x64xf32, #tpu.memory_space<vmem>>, vector<16xf32>,
        %mul3A_1295 = arith.mulf %get3A_1279, %get3A_717 : vector<16xf32>
        %mul3A_1296 = arith.mulf %get3A_1284, %get3A_720 : vector<16xf32>
        %add3A_1297 = arith.addf %mul3A_1295, %mul3A_1296 : vector<16xf32>
        %mul3A_1298 = arith.mulf %get3A_1289, %get3A_723 : vector<16xf32>
        %mul3A_1299 = arith.mulf %get3A_1294, %get3A_726 : vector<16xf32>
        %add3A_1300 = arith.addf %mul3A_1298, %mul3A_1299 : vector<16xf32>
        %add3A_1301 = arith.addf %add3A_1297, %add3A_1300 : vector<16xf32>
        %swap3A_1302 = arith.index_cast %add3A_715 : i32 to index
        %swap3A_1303 = arith.constant 0 : index
        %swap3A_1304 = tpu.vector_load %arg22[%swap3A_1302, %swap3A_1303] {strides = array<i32>} : memref<16x64xf32, #tpu.memory_space<vmem>>, vector<16xf32>,
        tpu.vector_store %arg22[%swap3A_1302, %swap3A_1303], %get3A_1279 {add = true, strides = array<i32>} : memref<16x64xf32, #tpu.memory_space<vmem>>, vector<16xf32>,
        %swap3A_1305 = arith.index_cast %add3A_715 : i32 to index
        %swap3A_1306 = arith.constant 16 : index
        %swap3A_1307 = tpu.vector_load %arg22[%swap3A_1305, %swap3A_1306] {strides = array<i32>} : memref<16x64xf32, #tpu.memory_space<vmem>>, vector<16xf32>,
        tpu.vector_store %arg22[%swap3A_1305, %swap3A_1306], %get3A_1284 {add = true, strides = array<i32>} : memref<16x64xf32, #tpu.memory_space<vmem>>, vector<16xf32>,
        %swap3A_1308 = arith.index_cast %add3A_715 : i32 to index
        %swap3A_1309 = arith.constant 32 : index
        %swap3A_1310 = tpu.vector_load %arg22[%swap3A_1308, %swap3A_1309] {strides = array<i32>} : memref<16x64xf32, #tpu.memory_space<vmem>>, vector<16xf32>,
        tpu.vector_store %arg22[%swap3A_1308, %swap3A_1309], %get3A_1289 {add = true, strides = array<i32>} : memref<16x64xf32, #tpu.memory_space<vmem>>, vector<16xf32>,
        %swap3A_1311 = arith.index_cast %add3A_715 : i32 to index
        %swap3A_1312 = arith.constant 48 : index
        %swap3A_1313 = tpu.vector_load %arg22[%swap3A_1311, %swap3A_1312] {strides = array<i32>} : memref<16x64xf32, #tpu.memory_space<vmem>>, vector<16xf32>,
        tpu.vector_store %arg22[%swap3A_1311, %swap3A_1312], %get3A_1294 {add = true, strides = array<i32>} : memref<16x64xf32, #tpu.memory_space<vmem>>, vector<16xf32>,
        %add3A_1314 = arith.constant 15 : i32
        %add3A_1315 = arith.addi %mul3A_728, %add3A_1314 : i32
        %get3A_1316 = arith.index_cast %add3A_1315 : i32 to index
        %get3A_1317 = arith.constant 0 : index
        %get3A_1318 = tpu.vector_load %arg14[%get3A_1316, %get3A_1317] {strides = array<i32>} : memref<320x64xf32, #tpu.memory_space<vmem>>, vector<16xf32>,
        %add3A_1319 = arith.constant 15 : i32
        %add3A_1320 = arith.addi %mul3A_728, %add3A_1319 : i32
        %get3A_1321 = arith.index_cast %add3A_1320 : i32 to index
        %get3A_1322 = arith.constant 16 : index
        %get3A_1323 = tpu.vector_load %arg14[%get3A_1321, %get3A_1322] {strides = array<i32>} : memref<320x64xf32, #tpu.memory_space<vmem>>, vector<16xf32>,
        %add3A_1324 = arith.constant 15 : i32
        %add3A_1325 = arith.addi %mul3A_728, %add3A_1324 : i32
        %get3A_1326 = arith.index_cast %add3A_1325 : i32 to index
        %get3A_1327 = arith.constant 32 : index
        %get3A_1328 = tpu.vector_load %arg14[%get3A_1326, %get3A_1327] {strides = array<i32>} : memref<320x64xf32, #tpu.memory_space<vmem>>, vector<16xf32>,
        %add3A_1329 = arith.constant 15 : i32
        %add3A_1330 = arith.addi %mul3A_728, %add3A_1329 : i32
        %get3A_1331 = arith.index_cast %add3A_1330 : i32 to index
        %get3A_1332 = arith.constant 48 : index
        %get3A_1333 = tpu.vector_load %arg14[%get3A_1331, %get3A_1332] {strides = array<i32>} : memref<320x64xf32, #tpu.memory_space<vmem>>, vector<16xf32>,
        %mul3A_1334 = arith.mulf %get3A_1318, %get3A_717 : vector<16xf32>
        %mul3A_1335 = arith.mulf %get3A_1323, %get3A_720 : vector<16xf32>
        %add3A_1336 = arith.addf %mul3A_1334, %mul3A_1335 : vector<16xf32>
        %mul3A_1337 = arith.mulf %get3A_1328, %get3A_723 : vector<16xf32>
        %mul3A_1338 = arith.mulf %get3A_1333, %get3A_726 : vector<16xf32>
        %add3A_1339 = arith.addf %mul3A_1337, %mul3A_1338 : vector<16xf32>
        %add3A_1340 = arith.addf %add3A_1336, %add3A_1339 : vector<16xf32>
        %swap3A_1341 = arith.index_cast %add3A_715 : i32 to index
        %swap3A_1342 = arith.constant 0 : index
        %swap3A_1343 = tpu.vector_load %arg22[%swap3A_1341, %swap3A_1342] {strides = array<i32>} : memref<16x64xf32, #tpu.memory_space<vmem>>, vector<16xf32>,
        tpu.vector_store %arg22[%swap3A_1341, %swap3A_1342], %get3A_1318 {add = true, strides = array<i32>} : memref<16x64xf32, #tpu.memory_space<vmem>>, vector<16xf32>,
        %swap3A_1344 = arith.index_cast %add3A_715 : i32 to index
        %swap3A_1345 = arith.constant 16 : index
        %swap3A_1346 = tpu.vector_load %arg22[%swap3A_1344, %swap3A_1345] {strides = array<i32>} : memref<16x64xf32, #tpu.memory_space<vmem>>, vector<16xf32>,
        tpu.vector_store %arg22[%swap3A_1344, %swap3A_1345], %get3A_1323 {add = true, strides = array<i32>} : memref<16x64xf32, #tpu.memory_space<vmem>>, vector<16xf32>,
        %swap3A_1347 = arith.index_cast %add3A_715 : i32 to index
        %swap3A_1348 = arith.constant 32 : index
        %swap3A_1349 = tpu.vector_load %arg22[%swap3A_1347, %swap3A_1348] {strides = array<i32>} : memref<16x64xf32, #tpu.memory_space<vmem>>, vector<16xf32>,
        tpu.vector_store %arg22[%swap3A_1347, %swap3A_1348], %get3A_1328 {add = true, strides = array<i32>} : memref<16x64xf32, #tpu.memory_space<vmem>>, vector<16xf32>,
        %swap3A_1350 = arith.index_cast %add3A_715 : i32 to index
        %swap3A_1351 = arith.constant 48 : index
        %swap3A_1352 = tpu.vector_load %arg22[%swap3A_1350, %swap3A_1351] {strides = array<i32>} : memref<16x64xf32, #tpu.memory_space<vmem>>, vector<16xf32>,
        tpu.vector_store %arg22[%swap3A_1350, %swap3A_1351], %get3A_1333 {add = true, strides = array<i32>} : memref<16x64xf32, #tpu.memory_space<vmem>>, vector<16xf32>,
        %add3A_1353 = arith.constant 16 : i32
        %add3A_1354 = arith.addi %mul3A_728, %add3A_1353 : i32
        %get3A_1355 = arith.index_cast %add3A_1354 : i32 to index
        %get3A_1356 = arith.constant 0 : index
        %get3A_1357 = tpu.vector_load %arg14[%get3A_1355, %get3A_1356] {strides = array<i32>} : memref<320x64xf32, #tpu.memory_space<vmem>>, vector<16xf32>,
        %add3A_1358 = arith.constant 16 : i32
        %add3A_1359 = arith.addi %mul3A_728, %add3A_1358 : i32
        %get3A_1360 = arith.index_cast %add3A_1359 : i32 to index
        %get3A_1361 = arith.constant 16 : index
        %get3A_1362 = tpu.vector_load %arg14[%get3A_1360, %get3A_1361] {strides = array<i32>} : memref<320x64xf32, #tpu.memory_space<vmem>>, vector<16xf32>,
        %add3A_1363 = arith.constant 16 : i32
        %add3A_1364 = arith.addi %mul3A_728, %add3A_1363 : i32
        %get3A_1365 = arith.index_cast %add3A_1364 : i32 to index
        %get3A_1366 = arith.constant 32 : index
        %get3A_1367 = tpu.vector_load %arg14[%get3A_1365, %get3A_1366] {strides = array<i32>} : memref<320x64xf32, #tpu.memory_space<vmem>>, vector<16xf32>,
        %add3A_1368 = arith.constant 16 : i32
        %add3A_1369 = arith.addi %mul3A_728, %add3A_1368 : i32
        %get3A_1370 = arith.index_cast %add3A_1369 : i32 to index
        %get3A_1371 = arith.constant 48 : index
        %get3A_1372 = tpu.vector_load %arg14[%get3A_1370, %get3A_1371] {strides = array<i32>} : memref<320x64xf32, #tpu.memory_space<vmem>>, vector<16xf32>,
        %mul3A_1373 = arith.mulf %get3A_1357, %get3A_717 : vector<16xf32>
        %mul3A_1374 = arith.mulf %get3A_1362, %get3A_720 : vector<16xf32>
        %add3A_1375 = arith.addf %mul3A_1373, %mul3A_1374 : vector<16xf32>
        %mul3A_1376 = arith.mulf %get3A_1367, %get3A_723 : vector<16xf32>
        %mul3A_1377 = arith.mulf %get3A_1372, %get3A_726 : vector<16xf32>
        %add3A_1378 = arith.addf %mul3A_1376, %mul3A_1377 : vector<16xf32>
        %add3A_1379 = arith.addf %add3A_1375, %add3A_1378 : vector<16xf32>
        %swap3A_1380 = arith.index_cast %add3A_715 : i32 to index
        %swap3A_1381 = arith.constant 0 : index
        %swap3A_1382 = tpu.vector_load %arg22[%swap3A_1380, %swap3A_1381] {strides = array<i32>} : memref<16x64xf32, #tpu.memory_space<vmem>>, vector<16xf32>,
        tpu.vector_store %arg22[%swap3A_1380, %swap3A_1381], %get3A_1357 {add = true, strides = array<i32>} : memref<16x64xf32, #tpu.memory_space<vmem>>, vector<16xf32>,
        %swap3A_1383 = arith.index_cast %add3A_715 : i32 to index
        %swap3A_1384 = arith.constant 16 : index
        %swap3A_1385 = tpu.vector_load %arg22[%swap3A_1383, %swap3A_1384] {strides = array<i32>} : memref<16x64xf32, #tpu.memory_space<vmem>>, vector<16xf32>,
        tpu.vector_store %arg22[%swap3A_1383, %swap3A_1384], %get3A_1362 {add = true, strides = array<i32>} : memref<16x64xf32, #tpu.memory_space<vmem>>, vector<16xf32>,
        %swap3A_1386 = arith.index_cast %add3A_715 : i32 to index
        %swap3A_1387 = arith.constant 32 : index
        %swap3A_1388 = tpu.vector_load %arg22[%swap3A_1386, %swap3A_1387] {strides = array<i32>} : memref<16x64xf32, #tpu.memory_space<vmem>>, vector<16xf32>,
        tpu.vector_store %arg22[%swap3A_1386, %swap3A_1387], %get3A_1367 {add = true, strides = array<i32>} : memref<16x64xf32, #tpu.memory_space<vmem>>, vector<16xf32>,
        %swap3A_1389 = arith.index_cast %add3A_715 : i32 to index
        %swap3A_1390 = arith.constant 48 : index
        %swap3A_1391 = tpu.vector_load %arg22[%swap3A_1389, %swap3A_1390] {strides = array<i32>} : memref<16x64xf32, #tpu.memory_space<vmem>>, vector<16xf32>,
        tpu.vector_store %arg22[%swap3A_1389, %swap3A_1390], %get3A_1372 {add = true, strides = array<i32>} : memref<16x64xf32, #tpu.memory_space<vmem>>, vector<16xf32>,
        %add3A_1392 = arith.constant 17 : i32
        %add3A_1393 = arith.addi %mul3A_728, %add3A_1392 : i32
        %get3A_1394 = arith.index_cast %add3A_1393 : i32 to index
        %get3A_1395 = arith.constant 0 : index
        %get3A_1396 = tpu.vector_load %arg14[%get3A_1394, %get3A_1395] {strides = array<i32>} : memref<320x64xf32, #tpu.memory_space<vmem>>, vector<16xf32>,
        %add3A_1397 = arith.constant 17 : i32
        %add3A_1398 = arith.addi %mul3A_728, %add3A_1397 : i32
        %get3A_1399 = arith.index_cast %add3A_1398 : i32 to index
        %get3A_1400 = arith.constant 16 : index
        %get3A_1401 = tpu.vector_load %arg14[%get3A_1399, %get3A_1400] {strides = array<i32>} : memref<320x64xf32, #tpu.memory_space<vmem>>, vector<16xf32>,
        %add3A_1402 = arith.constant 17 : i32
        %add3A_1403 = arith.addi %mul3A_728, %add3A_1402 : i32
        %get3A_1404 = arith.index_cast %add3A_1403 : i32 to index
        %get3A_1405 = arith.constant 32 : index
        %get3A_1406 = tpu.vector_load %arg14[%get3A_1404, %get3A_1405] {strides = array<i32>} : memref<320x64xf32, #tpu.memory_space<vmem>>, vector<16xf32>,
        %add3A_1407 = arith.constant 17 : i32
        %add3A_1408 = arith.addi %mul3A_728, %add3A_1407 : i32
        %get3A_1409 = arith.index_cast %add3A_1408 : i32 to index
        %get3A_1410 = arith.constant 48 : index
        %get3A_1411 = tpu.vector_load %arg14[%get3A_1409, %get3A_1410] {strides = array<i32>} : memref<320x64xf32, #tpu.memory_space<vmem>>, vector<16xf32>,
        %mul3A_1412 = arith.mulf %get3A_1396, %get3A_717 : vector<16xf32>
        %mul3A_1413 = arith.mulf %get3A_1401, %get3A_720 : vector<16xf32>
        %add3A_1414 = arith.addf %mul3A_1412, %mul3A_1413 : vector<16xf32>
        %mul3A_1415 = arith.mulf %get3A_1406, %get3A_723 : vector<16xf32>
        %mul3A_1416 = arith.mulf %get3A_1411, %get3A_726 : vector<16xf32>
        %add3A_1417 = arith.addf %mul3A_1415, %mul3A_1416 : vector<16xf32>
        %add3A_1418 = arith.addf %add3A_1414, %add3A_1417 : vector<16xf32>
        %swap3A_1419 = arith.index_cast %add3A_715 : i32 to index
        %swap3A_1420 = arith.constant 0 : index
        %swap3A_1421 = tpu.vector_load %arg22[%swap3A_1419, %swap3A_1420] {strides = array<i32>} : memref<16x64xf32, #tpu.memory_space<vmem>>, vector<16xf32>,
        tpu.vector_store %arg22[%swap3A_1419, %swap3A_1420], %get3A_1396 {add = true, strides = array<i32>} : memref<16x64xf32, #tpu.memory_space<vmem>>, vector<16xf32>,
        %swap3A_1422 = arith.index_cast %add3A_715 : i32 to index
        %swap3A_1423 = arith.constant 16 : index
        %swap3A_1424 = tpu.vector_load %arg22[%swap3A_1422, %swap3A_1423] {strides = array<i32>} : memref<16x64xf32, #tpu.memory_space<vmem>>, vector<16xf32>,
        tpu.vector_store %arg22[%swap3A_1422, %swap3A_1423], %get3A_1401 {add = true, strides = array<i32>} : memref<16x64xf32, #tpu.memory_space<vmem>>, vector<16xf32>,
        %swap3A_1425 = arith.index_cast %add3A_715 : i32 to index
        %swap3A_1426 = arith.constant 32 : index
        %swap3A_1427 = tpu.vector_load %arg22[%swap3A_1425, %swap3A_1426] {strides = array<i32>} : memref<16x64xf32, #tpu.memory_space<vmem>>, vector<16xf32>,
        tpu.vector_store %arg22[%swap3A_1425, %swap3A_1426], %get3A_1406 {add = true, strides = array<i32>} : memref<16x64xf32, #tpu.memory_space<vmem>>, vector<16xf32>,
        %swap3A_1428 = arith.index_cast %add3A_715 : i32 to index
        %swap3A_1429 = arith.constant 48 : index
        %swap3A_1430 = tpu.vector_load %arg22[%swap3A_1428, %swap3A_1429] {strides = array<i32>} : memref<16x64xf32, #tpu.memory_space<vmem>>, vector<16xf32>,
        tpu.vector_store %arg22[%swap3A_1428, %swap3A_1429], %get3A_1411 {add = true, strides = array<i32>} : memref<16x64xf32, #tpu.memory_space<vmem>>, vector<16xf32>,
        %add3A_1431 = arith.constant 18 : i32
        %add3A_1432 = arith.addi %mul3A_728, %add3A_1431 : i32
        %get3A_1433 = arith.index_cast %add3A_1432 : i32 to index
        %get3A_1434 = arith.constant 0 : index
        %get3A_1435 = tpu.vector_load %arg14[%get3A_1433, %get3A_1434] {strides = array<i32>} : memref<320x64xf32, #tpu.memory_space<vmem>>, vector<16xf32>,
        %add3A_1436 = arith.constant 18 : i32
        %add3A_1437 = arith.addi %mul3A_728, %add3A_1436 : i32
        %get3A_1438 = arith.index_cast %add3A_1437 : i32 to index
        %get3A_1439 = arith.constant 16 : index
        %get3A_1440 = tpu.vector_load %arg14[%get3A_1438, %get3A_1439] {strides = array<i32>} : memref<320x64xf32, #tpu.memory_space<vmem>>, vector<16xf32>,
        %add3A_1441 = arith.constant 18 : i32
        %add3A_1442 = arith.addi %mul3A_728, %add3A_1441 : i32
        %get3A_1443 = arith.index_cast %add3A_1442 : i32 to index
        %get3A_1444 = arith.constant 32 : index
        %get3A_1445 = tpu.vector_load %arg14[%get3A_1443, %get3A_1444] {strides = array<i32>} : memref<320x64xf32, #tpu.memory_space<vmem>>, vector<16xf32>,
        %add3A_1446 = arith.constant 18 : i32
        %add3A_1447 = arith.addi %mul3A_728, %add3A_1446 : i32
        %get3A_1448 = arith.index_cast %add3A_1447 : i32 to index
        %get3A_1449 = arith.constant 48 : index
        %get3A_1450 = tpu.vector_load %arg14[%get3A_1448, %get3A_1449] {strides = array<i32>} : memref<320x64xf32, #tpu.memory_space<vmem>>, vector<16xf32>,
        %mul3A_1451 = arith.mulf %get3A_1435, %get3A_717 : vector<16xf32>
        %mul3A_1452 = arith.mulf %get3A_1440, %get3A_720 : vector<16xf32>
        %add3A_1453 = arith.addf %mul3A_1451, %mul3A_1452 : vector<16xf32>
        %mul3A_1454 = arith.mulf %get3A_1445, %get3A_723 : vector<16xf32>
        %mul3A_1455 = arith.mulf %get3A_1450, %get3A_726 : vector<16xf32>
        %add3A_1456 = arith.addf %mul3A_1454, %mul3A_1455 : vector<16xf32>
        %add3A_1457 = arith.addf %add3A_1453, %add3A_1456 : vector<16xf32>
        %swap3A_1458 = arith.index_cast %add3A_715 : i32 to index
        %swap3A_1459 = arith.constant 0 : index
        %swap3A_1460 = tpu.vector_load %arg22[%swap3A_1458, %swap3A_1459] {strides = array<i32>} : memref<16x64xf32, #tpu.memory_space<vmem>>, vector<16xf32>,
        tpu.vector_store %arg22[%swap3A_1458, %swap3A_1459], %get3A_1435 {add = true, strides = array<i32>} : memref<16x64xf32, #tpu.memory_space<vmem>>, vector<16xf32>,
        %swap3A_1461 = arith.index_cast %add3A_715 : i32 to index
        %swap3A_1462 = arith.constant 16 : index
        %swap3A_1463 = tpu.vector_load %arg22[%swap3A_1461, %swap3A_1462] {strides = array<i32>} : memref<16x64xf32, #tpu.memory_space<vmem>>, vector<16xf32>,
        tpu.vector_store %arg22[%swap3A_1461, %swap3A_1462], %get3A_1440 {add = true, strides = array<i32>} : memref<16x64xf32, #tpu.memory_space<vmem>>, vector<16xf32>,
        %swap3A_1464 = arith.index_cast %add3A_715 : i32 to index
        %swap3A_1465 = arith.constant 32 : index
        %swap3A_1466 = tpu.vector_load %arg22[%swap3A_1464, %swap3A_1465] {strides = array<i32>} : memref<16x64xf32, #tpu.memory_space<vmem>>, vector<16xf32>,
        tpu.vector_store %arg22[%swap3A_1464, %swap3A_1465], %get3A_1445 {add = true, strides = array<i32>} : memref<16x64xf32, #tpu.memory_space<vmem>>, vector<16xf32>,
        %swap3A_1467 = arith.index_cast %add3A_715 : i32 to index
        %swap3A_1468 = arith.constant 48 : index
        %swap3A_1469 = tpu.vector_load %arg22[%swap3A_1467, %swap3A_1468] {strides = array<i32>} : memref<16x64xf32, #tpu.memory_space<vmem>>, vector<16xf32>,
        tpu.vector_store %arg22[%swap3A_1467, %swap3A_1468], %get3A_1450 {add = true, strides = array<i32>} : memref<16x64xf32, #tpu.memory_space<vmem>>, vector<16xf32>,
        %add3A_1470 = arith.constant 19 : i32
        %add3A_1471 = arith.addi %mul3A_728, %add3A_1470 : i32
        %get3A_1472 = arith.index_cast %add3A_1471 : i32 to index
        %get3A_1473 = arith.constant 0 : index
        %get3A_1474 = tpu.vector_load %arg14[%get3A_1472, %get3A_1473] {strides = array<i32>} : memref<320x64xf32, #tpu.memory_space<vmem>>, vector<16xf32>,
        %add3A_1475 = arith.constant 19 : i32
        %add3A_1476 = arith.addi %mul3A_728, %add3A_1475 : i32
        %get3A_1477 = arith.index_cast %add3A_1476 : i32 to index
        %get3A_1478 = arith.constant 16 : index
        %get3A_1479 = tpu.vector_load %arg14[%get3A_1477, %get3A_1478] {strides = array<i32>} : memref<320x64xf32, #tpu.memory_space<vmem>>, vector<16xf32>,
        %add3A_1480 = arith.constant 19 : i32
        %add3A_1481 = arith.addi %mul3A_728, %add3A_1480 : i32
        %get3A_1482 = arith.index_cast %add3A_1481 : i32 to index
        %get3A_1483 = arith.constant 32 : index
        %get3A_1484 = tpu.vector_load %arg14[%get3A_1482, %get3A_1483] {strides = array<i32>} : memref<320x64xf32, #tpu.memory_space<vmem>>, vector<16xf32>,
        %add3A_1485 = arith.constant 19 : i32
        %add3A_1486 = arith.addi %mul3A_728, %add3A_1485 : i32
        %get3A_1487 = arith.index_cast %add3A_1486 : i32 to index
        %get3A_1488 = arith.constant 48 : index
        %get3A_1489 = tpu.vector_load %arg14[%get3A_1487, %get3A_1488] {strides = array<i32>} : memref<320x64xf32, #tpu.memory_space<vmem>>, vector<16xf32>,
        %mul3A_1490 = arith.mulf %get3A_1474, %get3A_717 : vector<16xf32>
        %mul3A_1491 = arith.mulf %get3A_1479, %get3A_720 : vector<16xf32>
        %add3A_1492 = arith.addf %mul3A_1490, %mul3A_1491 : vector<16xf32>
        %mul3A_1493 = arith.mulf %get3A_1484, %get3A_723 : vector<16xf32>
        %mul3A_1494 = arith.mulf %get3A_1489, %get3A_726 : vector<16xf32>
        %add3A_1495 = arith.addf %mul3A_1493, %mul3A_1494 : vector<16xf32>
        %add3A_1496 = arith.addf %add3A_1492, %add3A_1495 : vector<16xf32>
        %swap3A_1497 = arith.index_cast %add3A_715 : i32 to index
        %swap3A_1498 = arith.constant 0 : index
        %swap3A_1499 = tpu.vector_load %arg22[%swap3A_1497, %swap3A_1498] {strides = array<i32>} : memref<16x64xf32, #tpu.memory_space<vmem>>, vector<16xf32>,
        tpu.vector_store %arg22[%swap3A_1497, %swap3A_1498], %get3A_1474 {add = true, strides = array<i32>} : memref<16x64xf32, #tpu.memory_space<vmem>>, vector<16xf32>,
        %swap3A_1500 = arith.index_cast %add3A_715 : i32 to index
        %swap3A_1501 = arith.constant 16 : index
        %swap3A_1502 = tpu.vector_load %arg22[%swap3A_1500, %swap3A_1501] {strides = array<i32>} : memref<16x64xf32, #tpu.memory_space<vmem>>, vector<16xf32>,
        tpu.vector_store %arg22[%swap3A_1500, %swap3A_1501], %get3A_1479 {add = true, strides = array<i32>} : memref<16x64xf32, #tpu.memory_space<vmem>>, vector<16xf32>,
        %swap3A_1503 = arith.index_cast %add3A_715 : i32 to index
        %swap3A_1504 = arith.constant 32 : index
        %swap3A_1505 = tpu.vector_load %arg22[%swap3A_1503, %swap3A_1504] {strides = array<i32>} : memref<16x64xf32, #tpu.memory_space<vmem>>, vector<16xf32>,
        tpu.vector_store %arg22[%swap3A_1503, %swap3A_1504], %get3A_1484 {add = true, strides = array<i32>} : memref<16x64xf32, #tpu.memory_space<vmem>>, vector<16xf32>,
        %swap3A_1506 = arith.index_cast %add3A_715 : i32 to index
        %swap3A_1507 = arith.constant 48 : index
        %swap3A_1508 = tpu.vector_load %arg22[%swap3A_1506, %swap3A_1507] {strides = array<i32>} : memref<16x64xf32, #tpu.memory_space<vmem>>, vector<16xf32>,
        tpu.vector_store %arg22[%swap3A_1506, %swap3A_1507], %get3A_1489 {add = true, strides = array<i32>} : memref<16x64xf32, #tpu.memory_space<vmem>>, vector<16xf32>,
        %add3A_1509 = arith.constant 0 : i32
        %add3A_1510 = arith.addi %mul3A_728, %add3A_1509 : i32
        %get3A_1511 = arith.index_cast %add3A_1510 : i32 to index
        %get3A_1512 = arith.constant 0 : index
        %get3A_1513 = tpu.vector_load %arg15[%get3A_1511, %get3A_1512] {strides = array<i32>} : memref<320x64xf32, #tpu.memory_space<vmem>>, vector<16xf32>,
        %add3A_1514 = arith.constant 0 : i32
        %add3A_1515 = arith.addi %mul3A_728, %add3A_1514 : i32
        %get3A_1516 = arith.index_cast %add3A_1515 : i32 to index
        %get3A_1517 = arith.constant 16 : index
        %get3A_1518 = tpu.vector_load %arg15[%get3A_1516, %get3A_1517] {strides = array<i32>} : memref<320x64xf32, #tpu.memory_space<vmem>>, vector<16xf32>,
        %add3A_1519 = arith.constant 0 : i32
        %add3A_1520 = arith.addi %mul3A_728, %add3A_1519 : i32
        %get3A_1521 = arith.index_cast %add3A_1520 : i32 to index
        %get3A_1522 = arith.constant 32 : index
        %get3A_1523 = tpu.vector_load %arg15[%get3A_1521, %get3A_1522] {strides = array<i32>} : memref<320x64xf32, #tpu.memory_space<vmem>>, vector<16xf32>,
        %add3A_1524 = arith.constant 0 : i32
        %add3A_1525 = arith.addi %mul3A_728, %add3A_1524 : i32
        %get3A_1526 = arith.index_cast %add3A_1525 : i32 to index
        %get3A_1527 = arith.constant 48 : index
        %get3A_1528 = tpu.vector_load %arg15[%get3A_1526, %get3A_1527] {strides = array<i32>} : memref<320x64xf32, #tpu.memory_space<vmem>>, vector<16xf32>,
        %mul3A_1529 = arith.mulf %get3A_1513, %get3A_717 : vector<16xf32>
        %mul3A_1530 = arith.mulf %get3A_1518, %get3A_720 : vector<16xf32>
        %add3A_1531 = arith.addf %mul3A_1529, %mul3A_1530 : vector<16xf32>
        %mul3A_1532 = arith.mulf %get3A_1523, %get3A_723 : vector<16xf32>
        %mul3A_1533 = arith.mulf %get3A_1528, %get3A_726 : vector<16xf32>
        %add3A_1534 = arith.addf %mul3A_1532, %mul3A_1533 : vector<16xf32>
        %add3A_1535 = arith.addf %add3A_1531, %add3A_1534 : vector<16xf32>
        %add3A_1536 = arith.constant 1 : i32
        %add3A_1537 = arith.addi %mul3A_728, %add3A_1536 : i32
        %get3A_1538 = arith.index_cast %add3A_1537 : i32 to index
        %get3A_1539 = arith.constant 0 : index
        %get3A_1540 = tpu.vector_load %arg15[%get3A_1538, %get3A_1539] {strides = array<i32>} : memref<320x64xf32, #tpu.memory_space<vmem>>, vector<16xf32>,
        %add3A_1541 = arith.constant 1 : i32
        %add3A_1542 = arith.addi %mul3A_728, %add3A_1541 : i32
        %get3A_1543 = arith.index_cast %add3A_1542 : i32 to index
        %get3A_1544 = arith.constant 16 : index
        %get3A_1545 = tpu.vector_load %arg15[%get3A_1543, %get3A_1544] {strides = array<i32>} : memref<320x64xf32, #tpu.memory_space<vmem>>, vector<16xf32>,
        %add3A_1546 = arith.constant 1 : i32
        %add3A_1547 = arith.addi %mul3A_728, %add3A_1546 : i32
        %get3A_1548 = arith.index_cast %add3A_1547 : i32 to index
        %get3A_1549 = arith.constant 32 : index
        %get3A_1550 = tpu.vector_load %arg15[%get3A_1548, %get3A_1549] {strides = array<i32>} : memref<320x64xf32, #tpu.memory_space<vmem>>, vector<16xf32>,
        %add3A_1551 = arith.constant 1 : i32
        %add3A_1552 = arith.addi %mul3A_728, %add3A_1551 : i32
        %get3A_1553 = arith.index_cast %add3A_1552 : i32 to index
        %get3A_1554 = arith.constant 48 : index
        %get3A_1555 = tpu.vector_load %arg15[%get3A_1553, %get3A_1554] {strides = array<i32>} : memref<320x64xf32, #tpu.memory_space<vmem>>, vector<16xf32>,
        %mul3A_1556 = arith.mulf %get3A_1540, %get3A_717 : vector<16xf32>
        %mul3A_1557 = arith.mulf %get3A_1545, %get3A_720 : vector<16xf32>
        %add3A_1558 = arith.addf %mul3A_1556, %mul3A_1557 : vector<16xf32>
        %mul3A_1559 = arith.mulf %get3A_1550, %get3A_723 : vector<16xf32>
        %mul3A_1560 = arith.mulf %get3A_1555, %get3A_726 : vector<16xf32>
        %add3A_1561 = arith.addf %mul3A_1559, %mul3A_1560 : vector<16xf32>
        %add3A_1562 = arith.addf %add3A_1558, %add3A_1561 : vector<16xf32>
        %add3A_1563 = arith.constant 2 : i32
        %add3A_1564 = arith.addi %mul3A_728, %add3A_1563 : i32
        %get3A_1565 = arith.index_cast %add3A_1564 : i32 to index
        %get3A_1566 = arith.constant 0 : index
        %get3A_1567 = tpu.vector_load %arg15[%get3A_1565, %get3A_1566] {strides = array<i32>} : memref<320x64xf32, #tpu.memory_space<vmem>>, vector<16xf32>,
        %add3A_1568 = arith.constant 2 : i32
        %add3A_1569 = arith.addi %mul3A_728, %add3A_1568 : i32
        %get3A_1570 = arith.index_cast %add3A_1569 : i32 to index
        %get3A_1571 = arith.constant 16 : index
        %get3A_1572 = tpu.vector_load %arg15[%get3A_1570, %get3A_1571] {strides = array<i32>} : memref<320x64xf32, #tpu.memory_space<vmem>>, vector<16xf32>,
        %add3A_1573 = arith.constant 2 : i32
        %add3A_1574 = arith.addi %mul3A_728, %add3A_1573 : i32
        %get3A_1575 = arith.index_cast %add3A_1574 : i32 to index
        %get3A_1576 = arith.constant 32 : index
        %get3A_1577 = tpu.vector_load %arg15[%get3A_1575, %get3A_1576] {strides = array<i32>} : memref<320x64xf32, #tpu.memory_space<vmem>>, vector<16xf32>,
        %add3A_1578 = arith.constant 2 : i32
        %add3A_1579 = arith.addi %mul3A_728, %add3A_1578 : i32
        %get3A_1580 = arith.index_cast %add3A_1579 : i32 to index
        %get3A_1581 = arith.constant 48 : index
        %get3A_1582 = tpu.vector_load %arg15[%get3A_1580, %get3A_1581] {strides = array<i32>} : memref<320x64xf32, #tpu.memory_space<vmem>>, vector<16xf32>,
        %mul3A_1583 = arith.mulf %get3A_1567, %get3A_717 : vector<16xf32>
        %mul3A_1584 = arith.mulf %get3A_1572, %get3A_720 : vector<16xf32>
        %add3A_1585 = arith.addf %mul3A_1583, %mul3A_1584 : vector<16xf32>
        %mul3A_1586 = arith.mulf %get3A_1577, %get3A_723 : vector<16xf32>
        %mul3A_1587 = arith.mulf %get3A_1582, %get3A_726 : vector<16xf32>
        %add3A_1588 = arith.addf %mul3A_1586, %mul3A_1587 : vector<16xf32>
        %add3A_1589 = arith.addf %add3A_1585, %add3A_1588 : vector<16xf32>
        %add3A_1590 = arith.constant 3 : i32
        %add3A_1591 = arith.addi %mul3A_728, %add3A_1590 : i32
        %get3A_1592 = arith.index_cast %add3A_1591 : i32 to index
        %get3A_1593 = arith.constant 0 : index
        %get3A_1594 = tpu.vector_load %arg15[%get3A_1592, %get3A_1593] {strides = array<i32>} : memref<320x64xf32, #tpu.memory_space<vmem>>, vector<16xf32>,
        %add3A_1595 = arith.constant 3 : i32
        %add3A_1596 = arith.addi %mul3A_728, %add3A_1595 : i32
        %get3A_1597 = arith.index_cast %add3A_1596 : i32 to index
        %get3A_1598 = arith.constant 16 : index
        %get3A_1599 = tpu.vector_load %arg15[%get3A_1597, %get3A_1598] {strides = array<i32>} : memref<320x64xf32, #tpu.memory_space<vmem>>, vector<16xf32>,
        %add3A_1600 = arith.constant 3 : i32
        %add3A_1601 = arith.addi %mul3A_728, %add3A_1600 : i32
        %get3A_1602 = arith.index_cast %add3A_1601 : i32 to index
        %get3A_1603 = arith.constant 32 : index
        %get3A_1604 = tpu.vector_load %arg15[%get3A_1602, %get3A_1603] {strides = array<i32>} : memref<320x64xf32, #tpu.memory_space<vmem>>, vector<16xf32>,
        %add3A_1605 = arith.constant 3 : i32
        %add3A_1606 = arith.addi %mul3A_728, %add3A_1605 : i32
        %get3A_1607 = arith.index_cast %add3A_1606 : i32 to index
        %get3A_1608 = arith.constant 48 : index
        %get3A_1609 = tpu.vector_load %arg15[%get3A_1607, %get3A_1608] {strides = array<i32>} : memref<320x64xf32, #tpu.memory_space<vmem>>, vector<16xf32>,
        %mul3A_1610 = arith.mulf %get3A_1594, %get3A_717 : vector<16xf32>
        %mul3A_1611 = arith.mulf %get3A_1599, %get3A_720 : vector<16xf32>
        %add3A_1612 = arith.addf %mul3A_1610, %mul3A_1611 : vector<16xf32>
        %mul3A_1613 = arith.mulf %get3A_1604, %get3A_723 : vector<16xf32>
        %mul3A_1614 = arith.mulf %get3A_1609, %get3A_726 : vector<16xf32>
        %add3A_1615 = arith.addf %mul3A_1613, %mul3A_1614 : vector<16xf32>
        %add3A_1616 = arith.addf %add3A_1612, %add3A_1615 : vector<16xf32>
        %add3A_1617 = arith.constant 4 : i32
        %add3A_1618 = arith.addi %mul3A_728, %add3A_1617 : i32
        %get3A_1619 = arith.index_cast %add3A_1618 : i32 to index
        %get3A_1620 = arith.constant 0 : index
        %get3A_1621 = tpu.vector_load %arg15[%get3A_1619, %get3A_1620] {strides = array<i32>} : memref<320x64xf32, #tpu.memory_space<vmem>>, vector<16xf32>,
        %add3A_1622 = arith.constant 4 : i32
        %add3A_1623 = arith.addi %mul3A_728, %add3A_1622 : i32
        %get3A_1624 = arith.index_cast %add3A_1623 : i32 to index
        %get3A_1625 = arith.constant 16 : index
        %get3A_1626 = tpu.vector_load %arg15[%get3A_1624, %get3A_1625] {strides = array<i32>} : memref<320x64xf32, #tpu.memory_space<vmem>>, vector<16xf32>,
        %add3A_1627 = arith.constant 4 : i32
        %add3A_1628 = arith.addi %mul3A_728, %add3A_1627 : i32
        %get3A_1629 = arith.index_cast %add3A_1628 : i32 to index
        %get3A_1630 = arith.constant 32 : index
        %get3A_1631 = tpu.vector_load %arg15[%get3A_1629, %get3A_1630] {strides = array<i32>} : memref<320x64xf32, #tpu.memory_space<vmem>>, vector<16xf32>,
        %add3A_1632 = arith.constant 4 : i32
        %add3A_1633 = arith.addi %mul3A_728, %add3A_1632 : i32
        %get3A_1634 = arith.index_cast %add3A_1633 : i32 to index
        %get3A_1635 = arith.constant 48 : index
        %get3A_1636 = tpu.vector_load %arg15[%get3A_1634, %get3A_1635] {strides = array<i32>} : memref<320x64xf32, #tpu.memory_space<vmem>>, vector<16xf32>,
        %mul3A_1637 = arith.mulf %get3A_1621, %get3A_717 : vector<16xf32>
        %mul3A_1638 = arith.mulf %get3A_1626, %get3A_720 : vector<16xf32>
        %add3A_1639 = arith.addf %mul3A_1637, %mul3A_1638 : vector<16xf32>
        %mul3A_1640 = arith.mulf %get3A_1631, %get3A_723 : vector<16xf32>
        %mul3A_1641 = arith.mulf %get3A_1636, %get3A_726 : vector<16xf32>
        %add3A_1642 = arith.addf %mul3A_1640, %mul3A_1641 : vector<16xf32>
        %add3A_1643 = arith.addf %add3A_1639, %add3A_1642 : vector<16xf32>
        %add3A_1644 = arith.constant 5 : i32
        %add3A_1645 = arith.addi %mul3A_728, %add3A_1644 : i32
        %get3A_1646 = arith.index_cast %add3A_1645 : i32 to index
        %get3A_1647 = arith.constant 0 : index
        %get3A_1648 = tpu.vector_load %arg15[%get3A_1646, %get3A_1647] {strides = array<i32>} : memref<320x64xf32, #tpu.memory_space<vmem>>, vector<16xf32>,
        %add3A_1649 = arith.constant 5 : i32
        %add3A_1650 = arith.addi %mul3A_728, %add3A_1649 : i32
        %get3A_1651 = arith.index_cast %add3A_1650 : i32 to index
        %get3A_1652 = arith.constant 16 : index
        %get3A_1653 = tpu.vector_load %arg15[%get3A_1651, %get3A_1652] {strides = array<i32>} : memref<320x64xf32, #tpu.memory_space<vmem>>, vector<16xf32>,
        %add3A_1654 = arith.constant 5 : i32
        %add3A_1655 = arith.addi %mul3A_728, %add3A_1654 : i32
        %get3A_1656 = arith.index_cast %add3A_1655 : i32 to index
        %get3A_1657 = arith.constant 32 : index
        %get3A_1658 = tpu.vector_load %arg15[%get3A_1656, %get3A_1657] {strides = array<i32>} : memref<320x64xf32, #tpu.memory_space<vmem>>, vector<16xf32>,
        %add3A_1659 = arith.constant 5 : i32
        %add3A_1660 = arith.addi %mul3A_728, %add3A_1659 : i32
        %get3A_1661 = arith.index_cast %add3A_1660 : i32 to index
        %get3A_1662 = arith.constant 48 : index
        %get3A_1663 = tpu.vector_load %arg15[%get3A_1661, %get3A_1662] {strides = array<i32>} : memref<320x64xf32, #tpu.memory_space<vmem>>, vector<16xf32>,
        %mul3A_1664 = arith.mulf %get3A_1648, %get3A_717 : vector<16xf32>
        %mul3A_1665 = arith.mulf %get3A_1653, %get3A_720 : vector<16xf32>
        %add3A_1666 = arith.addf %mul3A_1664, %mul3A_1665 : vector<16xf32>
        %mul3A_1667 = arith.mulf %get3A_1658, %get3A_723 : vector<16xf32>
        %mul3A_1668 = arith.mulf %get3A_1663, %get3A_726 : vector<16xf32>
        %add3A_1669 = arith.addf %mul3A_1667, %mul3A_1668 : vector<16xf32>
        %add3A_1670 = arith.addf %add3A_1666, %add3A_1669 : vector<16xf32>
        %add3A_1671 = arith.constant 6 : i32
        %add3A_1672 = arith.addi %mul3A_728, %add3A_1671 : i32
        %get3A_1673 = arith.index_cast %add3A_1672 : i32 to index
        %get3A_1674 = arith.constant 0 : index
        %get3A_1675 = tpu.vector_load %arg15[%get3A_1673, %get3A_1674] {strides = array<i32>} : memref<320x64xf32, #tpu.memory_space<vmem>>, vector<16xf32>,
        %add3A_1676 = arith.constant 6 : i32
        %add3A_1677 = arith.addi %mul3A_728, %add3A_1676 : i32
        %get3A_1678 = arith.index_cast %add3A_1677 : i32 to index
        %get3A_1679 = arith.constant 16 : index
        %get3A_1680 = tpu.vector_load %arg15[%get3A_1678, %get3A_1679] {strides = array<i32>} : memref<320x64xf32, #tpu.memory_space<vmem>>, vector<16xf32>,
        %add3A_1681 = arith.constant 6 : i32
        %add3A_1682 = arith.addi %mul3A_728, %add3A_1681 : i32
        %get3A_1683 = arith.index_cast %add3A_1682 : i32 to index
        %get3A_1684 = arith.constant 32 : index
        %get3A_1685 = tpu.vector_load %arg15[%get3A_1683, %get3A_1684] {strides = array<i32>} : memref<320x64xf32, #tpu.memory_space<vmem>>, vector<16xf32>,
        %add3A_1686 = arith.constant 6 : i32
        %add3A_1687 = arith.addi %mul3A_728, %add3A_1686 : i32
        %get3A_1688 = arith.index_cast %add3A_1687 : i32 to index
        %get3A_1689 = arith.constant 48 : index
        %get3A_1690 = tpu.vector_load %arg15[%get3A_1688, %get3A_1689] {strides = array<i32>} : memref<320x64xf32, #tpu.memory_space<vmem>>, vector<16xf32>,
        %mul3A_1691 = arith.mulf %get3A_1675, %get3A_717 : vector<16xf32>
        %mul3A_1692 = arith.mulf %get3A_1680, %get3A_720 : vector<16xf32>
        %add3A_1693 = arith.addf %mul3A_1691, %mul3A_1692 : vector<16xf32>
        %mul3A_1694 = arith.mulf %get3A_1685, %get3A_723 : vector<16xf32>
        %mul3A_1695 = arith.mulf %get3A_1690, %get3A_726 : vector<16xf32>
        %add3A_1696 = arith.addf %mul3A_1694, %mul3A_1695 : vector<16xf32>
        %add3A_1697 = arith.addf %add3A_1693, %add3A_1696 : vector<16xf32>
        %add3A_1698 = arith.constant 7 : i32
        %add3A_1699 = arith.addi %mul3A_728, %add3A_1698 : i32
        %get3A_1700 = arith.index_cast %add3A_1699 : i32 to index
        %get3A_1701 = arith.constant 0 : index
        %get3A_1702 = tpu.vector_load %arg15[%get3A_1700, %get3A_1701] {strides = array<i32>} : memref<320x64xf32, #tpu.memory_space<vmem>>, vector<16xf32>,
        %add3A_1703 = arith.constant 7 : i32
        %add3A_1704 = arith.addi %mul3A_728, %add3A_1703 : i32
        %get3A_1705 = arith.index_cast %add3A_1704 : i32 to index
        %get3A_1706 = arith.constant 16 : index
        %get3A_1707 = tpu.vector_load %arg15[%get3A_1705, %get3A_1706] {strides = array<i32>} : memref<320x64xf32, #tpu.memory_space<vmem>>, vector<16xf32>,
        %add3A_1708 = arith.constant 7 : i32
        %add3A_1709 = arith.addi %mul3A_728, %add3A_1708 : i32
        %get3A_1710 = arith.index_cast %add3A_1709 : i32 to index
        %get3A_1711 = arith.constant 32 : index
        %get3A_1712 = tpu.vector_load %arg15[%get3A_1710, %get3A_1711] {strides = array<i32>} : memref<320x64xf32, #tpu.memory_space<vmem>>, vector<16xf32>,
        %add3A_1713 = arith.constant 7 : i32
        %add3A_1714 = arith.addi %mul3A_728, %add3A_1713 : i32
        %get3A_1715 = arith.index_cast %add3A_1714 : i32 to index
        %get3A_1716 = arith.constant 48 : index
        %get3A_1717 = tpu.vector_load %arg15[%get3A_1715, %get3A_1716] {strides = array<i32>} : memref<320x64xf32, #tpu.memory_space<vmem>>, vector<16xf32>,
        %mul3A_1718 = arith.mulf %get3A_1702, %get3A_717 : vector<16xf32>
        %mul3A_1719 = arith.mulf %get3A_1707, %get3A_720 : vector<16xf32>
        %add3A_1720 = arith.addf %mul3A_1718, %mul3A_1719 : vector<16xf32>
        %mul3A_1721 = arith.mulf %get3A_1712, %get3A_723 : vector<16xf32>
        %mul3A_1722 = arith.mulf %get3A_1717, %get3A_726 : vector<16xf32>
        %add3A_1723 = arith.addf %mul3A_1721, %mul3A_1722 : vector<16xf32>
        %add3A_1724 = arith.addf %add3A_1720, %add3A_1723 : vector<16xf32>
        %add3A_1725 = arith.constant 8 : i32
        %add3A_1726 = arith.addi %mul3A_728, %add3A_1725 : i32
        %get3A_1727 = arith.index_cast %add3A_1726 : i32 to index
        %get3A_1728 = arith.constant 0 : index
        %get3A_1729 = tpu.vector_load %arg15[%get3A_1727, %get3A_1728] {strides = array<i32>} : memref<320x64xf32, #tpu.memory_space<vmem>>, vector<16xf32>,
        %add3A_1730 = arith.constant 8 : i32
        %add3A_1731 = arith.addi %mul3A_728, %add3A_1730 : i32
        %get3A_1732 = arith.index_cast %add3A_1731 : i32 to index
        %get3A_1733 = arith.constant 16 : index
        %get3A_1734 = tpu.vector_load %arg15[%get3A_1732, %get3A_1733] {strides = array<i32>} : memref<320x64xf32, #tpu.memory_space<vmem>>, vector<16xf32>,
        %add3A_1735 = arith.constant 8 : i32
        %add3A_1736 = arith.addi %mul3A_728, %add3A_1735 : i32
        %get3A_1737 = arith.index_cast %add3A_1736 : i32 to index
        %get3A_1738 = arith.constant 32 : index
        %get3A_1739 = tpu.vector_load %arg15[%get3A_1737, %get3A_1738] {strides = array<i32>} : memref<320x64xf32, #tpu.memory_space<vmem>>, vector<16xf32>,
        %add3A_1740 = arith.constant 8 : i32
        %add3A_1741 = arith.addi %mul3A_728, %add3A_1740 : i32
        %get3A_1742 = arith.index_cast %add3A_1741 : i32 to index
        %get3A_1743 = arith.constant 48 : index
        %get3A_1744 = tpu.vector_load %arg15[%get3A_1742, %get3A_1743] {strides = array<i32>} : memref<320x64xf32, #tpu.memory_space<vmem>>, vector<16xf32>,
        %mul3A_1745 = arith.mulf %get3A_1729, %get3A_717 : vector<16xf32>
        %mul3A_1746 = arith.mulf %get3A_1734, %get3A_720 : vector<16xf32>
        %add3A_1747 = arith.addf %mul3A_1745, %mul3A_1746 : vector<16xf32>
        %mul3A_1748 = arith.mulf %get3A_1739, %get3A_723 : vector<16xf32>
        %mul3A_1749 = arith.mulf %get3A_1744, %get3A_726 : vector<16xf32>
        %add3A_1750 = arith.addf %mul3A_1748, %mul3A_1749 : vector<16xf32>
        %add3A_1751 = arith.addf %add3A_1747, %add3A_1750 : vector<16xf32>
        %add3A_1752 = arith.constant 9 : i32
        %add3A_1753 = arith.addi %mul3A_728, %add3A_1752 : i32
        %get3A_1754 = arith.index_cast %add3A_1753 : i32 to index
        %get3A_1755 = arith.constant 0 : index
        %get3A_1756 = tpu.vector_load %arg15[%get3A_1754, %get3A_1755] {strides = array<i32>} : memref<320x64xf32, #tpu.memory_space<vmem>>, vector<16xf32>,
        %add3A_1757 = arith.constant 9 : i32
        %add3A_1758 = arith.addi %mul3A_728, %add3A_1757 : i32
        %get3A_1759 = arith.index_cast %add3A_1758 : i32 to index
        %get3A_1760 = arith.constant 16 : index
        %get3A_1761 = tpu.vector_load %arg15[%get3A_1759, %get3A_1760] {strides = array<i32>} : memref<320x64xf32, #tpu.memory_space<vmem>>, vector<16xf32>,
        %add3A_1762 = arith.constant 9 : i32
        %add3A_1763 = arith.addi %mul3A_728, %add3A_1762 : i32
        %get3A_1764 = arith.index_cast %add3A_1763 : i32 to index
        %get3A_1765 = arith.constant 32 : index
        %get3A_1766 = tpu.vector_load %arg15[%get3A_1764, %get3A_1765] {strides = array<i32>} : memref<320x64xf32, #tpu.memory_space<vmem>>, vector<16xf32>,
        %add3A_1767 = arith.constant 9 : i32
        %add3A_1768 = arith.addi %mul3A_728, %add3A_1767 : i32
        %get3A_1769 = arith.index_cast %add3A_1768 : i32 to index
        %get3A_1770 = arith.constant 48 : index
        %get3A_1771 = tpu.vector_load %arg15[%get3A_1769, %get3A_1770] {strides = array<i32>} : memref<320x64xf32, #tpu.memory_space<vmem>>, vector<16xf32>,
        %mul3A_1772 = arith.mulf %get3A_1756, %get3A_717 : vector<16xf32>
        %mul3A_1773 = arith.mulf %get3A_1761, %get3A_720 : vector<16xf32>
        %add3A_1774 = arith.addf %mul3A_1772, %mul3A_1773 : vector<16xf32>
        %mul3A_1775 = arith.mulf %get3A_1766, %get3A_723 : vector<16xf32>
        %mul3A_1776 = arith.mulf %get3A_1771, %get3A_726 : vector<16xf32>
        %add3A_1777 = arith.addf %mul3A_1775, %mul3A_1776 : vector<16xf32>
        %add3A_1778 = arith.addf %add3A_1774, %add3A_1777 : vector<16xf32>
        %add3A_1779 = arith.constant 10 : i32
        %add3A_1780 = arith.addi %mul3A_728, %add3A_1779 : i32
        %get3A_1781 = arith.index_cast %add3A_1780 : i32 to index
        %get3A_1782 = arith.constant 0 : index
        %get3A_1783 = tpu.vector_load %arg15[%get3A_1781, %get3A_1782] {strides = array<i32>} : memref<320x64xf32, #tpu.memory_space<vmem>>, vector<16xf32>,
        %add3A_1784 = arith.constant 10 : i32
        %add3A_1785 = arith.addi %mul3A_728, %add3A_1784 : i32
        %get3A_1786 = arith.index_cast %add3A_1785 : i32 to index
        %get3A_1787 = arith.constant 16 : index
        %get3A_1788 = tpu.vector_load %arg15[%get3A_1786, %get3A_1787] {strides = array<i32>} : memref<320x64xf32, #tpu.memory_space<vmem>>, vector<16xf32>,
        %add3A_1789 = arith.constant 10 : i32
        %add3A_1790 = arith.addi %mul3A_728, %add3A_1789 : i32
        %get3A_1791 = arith.index_cast %add3A_1790 : i32 to index
        %get3A_1792 = arith.constant 32 : index
        %get3A_1793 = tpu.vector_load %arg15[%get3A_1791, %get3A_1792] {strides = array<i32>} : memref<320x64xf32, #tpu.memory_space<vmem>>, vector<16xf32>,
        %add3A_1794 = arith.constant 10 : i32
        %add3A_1795 = arith.addi %mul3A_728, %add3A_1794 : i32
        %get3A_1796 = arith.index_cast %add3A_1795 : i32 to index
        %get3A_1797 = arith.constant 48 : index
        %get3A_1798 = tpu.vector_load %arg15[%get3A_1796, %get3A_1797] {strides = array<i32>} : memref<320x64xf32, #tpu.memory_space<vmem>>, vector<16xf32>,
        %mul3A_1799 = arith.mulf %get3A_1783, %get3A_717 : vector<16xf32>
        %mul3A_1800 = arith.mulf %get3A_1788, %get3A_720 : vector<16xf32>
        %add3A_1801 = arith.addf %mul3A_1799, %mul3A_1800 : vector<16xf32>
        %mul3A_1802 = arith.mulf %get3A_1793, %get3A_723 : vector<16xf32>
        %mul3A_1803 = arith.mulf %get3A_1798, %get3A_726 : vector<16xf32>
        %add3A_1804 = arith.addf %mul3A_1802, %mul3A_1803 : vector<16xf32>
        %add3A_1805 = arith.addf %add3A_1801, %add3A_1804 : vector<16xf32>
        %add3A_1806 = arith.constant 11 : i32
        %add3A_1807 = arith.addi %mul3A_728, %add3A_1806 : i32
        %get3A_1808 = arith.index_cast %add3A_1807 : i32 to index
        %get3A_1809 = arith.constant 0 : index
        %get3A_1810 = tpu.vector_load %arg15[%get3A_1808, %get3A_1809] {strides = array<i32>} : memref<320x64xf32, #tpu.memory_space<vmem>>, vector<16xf32>,
        %add3A_1811 = arith.constant 11 : i32
        %add3A_1812 = arith.addi %mul3A_728, %add3A_1811 : i32
        %get3A_1813 = arith.index_cast %add3A_1812 : i32 to index
        %get3A_1814 = arith.constant 16 : index
        %get3A_1815 = tpu.vector_load %arg15[%get3A_1813, %get3A_1814] {strides = array<i32>} : memref<320x64xf32, #tpu.memory_space<vmem>>, vector<16xf32>,
        %add3A_1816 = arith.constant 11 : i32
        %add3A_1817 = arith.addi %mul3A_728, %add3A_1816 : i32
        %get3A_1818 = arith.index_cast %add3A_1817 : i32 to index
        %get3A_1819 = arith.constant 32 : index
        %get3A_1820 = tpu.vector_load %arg15[%get3A_1818, %get3A_1819] {strides = array<i32>} : memref<320x64xf32, #tpu.memory_space<vmem>>, vector<16xf32>,
        %add3A_1821 = arith.constant 11 : i32
        %add3A_1822 = arith.addi %mul3A_728, %add3A_1821 : i32
        %get3A_1823 = arith.index_cast %add3A_1822 : i32 to index
        %get3A_1824 = arith.constant 48 : index
        %get3A_1825 = tpu.vector_load %arg15[%get3A_1823, %get3A_1824] {strides = array<i32>} : memref<320x64xf32, #tpu.memory_space<vmem>>, vector<16xf32>,
        %mul3A_1826 = arith.mulf %get3A_1810, %get3A_717 : vector<16xf32>
        %mul3A_1827 = arith.mulf %get3A_1815, %get3A_720 : vector<16xf32>
        %add3A_1828 = arith.addf %mul3A_1826, %mul3A_1827 : vector<16xf32>
        %mul3A_1829 = arith.mulf %get3A_1820, %get3A_723 : vector<16xf32>
        %mul3A_1830 = arith.mulf %get3A_1825, %get3A_726 : vector<16xf32>
        %add3A_1831 = arith.addf %mul3A_1829, %mul3A_1830 : vector<16xf32>
        %add3A_1832 = arith.addf %add3A_1828, %add3A_1831 : vector<16xf32>
        %add3A_1833 = arith.constant 12 : i32
        %add3A_1834 = arith.addi %mul3A_728, %add3A_1833 : i32
        %get3A_1835 = arith.index_cast %add3A_1834 : i32 to index
        %get3A_1836 = arith.constant 0 : index
        %get3A_1837 = tpu.vector_load %arg15[%get3A_1835, %get3A_1836] {strides = array<i32>} : memref<320x64xf32, #tpu.memory_space<vmem>>, vector<16xf32>,
        %add3A_1838 = arith.constant 12 : i32
        %add3A_1839 = arith.addi %mul3A_728, %add3A_1838 : i32
        %get3A_1840 = arith.index_cast %add3A_1839 : i32 to index
        %get3A_1841 = arith.constant 16 : index
        %get3A_1842 = tpu.vector_load %arg15[%get3A_1840, %get3A_1841] {strides = array<i32>} : memref<320x64xf32, #tpu.memory_space<vmem>>, vector<16xf32>,
        %add3A_1843 = arith.constant 12 : i32
        %add3A_1844 = arith.addi %mul3A_728, %add3A_1843 : i32
        %get3A_1845 = arith.index_cast %add3A_1844 : i32 to index
        %get3A_1846 = arith.constant 32 : index
        %get3A_1847 = tpu.vector_load %arg15[%get3A_1845, %get3A_1846] {strides = array<i32>} : memref<320x64xf32, #tpu.memory_space<vmem>>, vector<16xf32>,
        %add3A_1848 = arith.constant 12 : i32
        %add3A_1849 = arith.addi %mul3A_728, %add3A_1848 : i32
        %get3A_1850 = arith.index_cast %add3A_1849 : i32 to index
        %get3A_1851 = arith.constant 48 : index
        %get3A_1852 = tpu.vector_load %arg15[%get3A_1850, %get3A_1851] {strides = array<i32>} : memref<320x64xf32, #tpu.memory_space<vmem>>, vector<16xf32>,
        %mul3A_1853 = arith.mulf %get3A_1837, %get3A_717 : vector<16xf32>
        %mul3A_1854 = arith.mulf %get3A_1842, %get3A_720 : vector<16xf32>
        %add3A_1855 = arith.addf %mul3A_1853, %mul3A_1854 : vector<16xf32>
        %mul3A_1856 = arith.mulf %get3A_1847, %get3A_723 : vector<16xf32>
        %mul3A_1857 = arith.mulf %get3A_1852, %get3A_726 : vector<16xf32>
        %add3A_1858 = arith.addf %mul3A_1856, %mul3A_1857 : vector<16xf32>
        %add3A_1859 = arith.addf %add3A_1855, %add3A_1858 : vector<16xf32>
        %add3A_1860 = arith.constant 13 : i32
        %add3A_1861 = arith.addi %mul3A_728, %add3A_1860 : i32
        %get3A_1862 = arith.index_cast %add3A_1861 : i32 to index
        %get3A_1863 = arith.constant 0 : index
        %get3A_1864 = tpu.vector_load %arg15[%get3A_1862, %get3A_1863] {strides = array<i32>} : memref<320x64xf32, #tpu.memory_space<vmem>>, vector<16xf32>,
        %add3A_1865 = arith.constant 13 : i32
        %add3A_1866 = arith.addi %mul3A_728, %add3A_1865 : i32
        %get3A_1867 = arith.index_cast %add3A_1866 : i32 to index
        %get3A_1868 = arith.constant 16 : index
        %get3A_1869 = tpu.vector_load %arg15[%get3A_1867, %get3A_1868] {strides = array<i32>} : memref<320x64xf32, #tpu.memory_space<vmem>>, vector<16xf32>,
        %add3A_1870 = arith.constant 13 : i32
        %add3A_1871 = arith.addi %mul3A_728, %add3A_1870 : i32
        %get3A_1872 = arith.index_cast %add3A_1871 : i32 to index
        %get3A_1873 = arith.constant 32 : index
        %get3A_1874 = tpu.vector_load %arg15[%get3A_1872, %get3A_1873] {strides = array<i32>} : memref<320x64xf32, #tpu.memory_space<vmem>>, vector<16xf32>,
        %add3A_1875 = arith.constant 13 : i32
        %add3A_1876 = arith.addi %mul3A_728, %add3A_1875 : i32
        %get3A_1877 = arith.index_cast %add3A_1876 : i32 to index
        %get3A_1878 = arith.constant 48 : index
        %get3A_1879 = tpu.vector_load %arg15[%get3A_1877, %get3A_1878] {strides = array<i32>} : memref<320x64xf32, #tpu.memory_space<vmem>>, vector<16xf32>,
        %mul3A_1880 = arith.mulf %get3A_1864, %get3A_717 : vector<16xf32>
        %mul3A_1881 = arith.mulf %get3A_1869, %get3A_720 : vector<16xf32>
        %add3A_1882 = arith.addf %mul3A_1880, %mul3A_1881 : vector<16xf32>
        %mul3A_1883 = arith.mulf %get3A_1874, %get3A_723 : vector<16xf32>
        %mul3A_1884 = arith.mulf %get3A_1879, %get3A_726 : vector<16xf32>
        %add3A_1885 = arith.addf %mul3A_1883, %mul3A_1884 : vector<16xf32>
        %add3A_1886 = arith.addf %add3A_1882, %add3A_1885 : vector<16xf32>
        %add3A_1887 = arith.constant 14 : i32
        %add3A_1888 = arith.addi %mul3A_728, %add3A_1887 : i32
        %get3A_1889 = arith.index_cast %add3A_1888 : i32 to index
        %get3A_1890 = arith.constant 0 : index
        %get3A_1891 = tpu.vector_load %arg15[%get3A_1889, %get3A_1890] {strides = array<i32>} : memref<320x64xf32, #tpu.memory_space<vmem>>, vector<16xf32>,
        %add3A_1892 = arith.constant 14 : i32
        %add3A_1893 = arith.addi %mul3A_728, %add3A_1892 : i32
        %get3A_1894 = arith.index_cast %add3A_1893 : i32 to index
        %get3A_1895 = arith.constant 16 : index
        %get3A_1896 = tpu.vector_load %arg15[%get3A_1894, %get3A_1895] {strides = array<i32>} : memref<320x64xf32, #tpu.memory_space<vmem>>, vector<16xf32>,
        %add3A_1897 = arith.constant 14 : i32
        %add3A_1898 = arith.addi %mul3A_728, %add3A_1897 : i32
        %get3A_1899 = arith.index_cast %add3A_1898 : i32 to index
        %get3A_1900 = arith.constant 32 : index
        %get3A_1901 = tpu.vector_load %arg15[%get3A_1899, %get3A_1900] {strides = array<i32>} : memref<320x64xf32, #tpu.memory_space<vmem>>, vector<16xf32>,
        %add3A_1902 = arith.constant 14 : i32
        %add3A_1903 = arith.addi %mul3A_728, %add3A_1902 : i32
        %get3A_1904 = arith.index_cast %add3A_1903 : i32 to index
        %get3A_1905 = arith.constant 48 : index
        %get3A_1906 = tpu.vector_load %arg15[%get3A_1904, %get3A_1905] {strides = array<i32>} : memref<320x64xf32, #tpu.memory_space<vmem>>, vector<16xf32>,
        %mul3A_1907 = arith.mulf %get3A_1891, %get3A_717 : vector<16xf32>
        %mul3A_1908 = arith.mulf %get3A_1896, %get3A_720 : vector<16xf32>
        %add3A_1909 = arith.addf %mul3A_1907, %mul3A_1908 : vector<16xf32>
        %mul3A_1910 = arith.mulf %get3A_1901, %get3A_723 : vector<16xf32>
        %mul3A_1911 = arith.mulf %get3A_1906, %get3A_726 : vector<16xf32>
        %add3A_1912 = arith.addf %mul3A_1910, %mul3A_1911 : vector<16xf32>
        %add3A_1913 = arith.addf %add3A_1909, %add3A_1912 : vector<16xf32>
        %add3A_1914 = arith.constant 15 : i32
        %add3A_1915 = arith.addi %mul3A_728, %add3A_1914 : i32
        %get3A_1916 = arith.index_cast %add3A_1915 : i32 to index
        %get3A_1917 = arith.constant 0 : index
        %get3A_1918 = tpu.vector_load %arg15[%get3A_1916, %get3A_1917] {strides = array<i32>} : memref<320x64xf32, #tpu.memory_space<vmem>>, vector<16xf32>,
        %add3A_1919 = arith.constant 15 : i32
        %add3A_1920 = arith.addi %mul3A_728, %add3A_1919 : i32
        %get3A_1921 = arith.index_cast %add3A_1920 : i32 to index
        %get3A_1922 = arith.constant 16 : index
        %get3A_1923 = tpu.vector_load %arg15[%get3A_1921, %get3A_1922] {strides = array<i32>} : memref<320x64xf32, #tpu.memory_space<vmem>>, vector<16xf32>,
        %add3A_1924 = arith.constant 15 : i32
        %add3A_1925 = arith.addi %mul3A_728, %add3A_1924 : i32
        %get3A_1926 = arith.index_cast %add3A_1925 : i32 to index
        %get3A_1927 = arith.constant 32 : index
        %get3A_1928 = tpu.vector_load %arg15[%get3A_1926, %get3A_1927] {strides = array<i32>} : memref<320x64xf32, #tpu.memory_space<vmem>>, vector<16xf32>,
        %add3A_1929 = arith.constant 15 : i32
        %add3A_1930 = arith.addi %mul3A_728, %add3A_1929 : i32
        %get3A_1931 = arith.index_cast %add3A_1930 : i32 to index
        %get3A_1932 = arith.constant 48 : index
        %get3A_1933 = tpu.vector_load %arg15[%get3A_1931, %get3A_1932] {strides = array<i32>} : memref<320x64xf32, #tpu.memory_space<vmem>>, vector<16xf32>,
        %mul3A_1934 = arith.mulf %get3A_1918, %get3A_717 : vector<16xf32>
        %mul3A_1935 = arith.mulf %get3A_1923, %get3A_720 : vector<16xf32>
        %add3A_1936 = arith.addf %mul3A_1934, %mul3A_1935 : vector<16xf32>
        %mul3A_1937 = arith.mulf %get3A_1928, %get3A_723 : vector<16xf32>
        %mul3A_1938 = arith.mulf %get3A_1933, %get3A_726 : vector<16xf32>
        %add3A_1939 = arith.addf %mul3A_1937, %mul3A_1938 : vector<16xf32>
        %add3A_1940 = arith.addf %add3A_1936, %add3A_1939 : vector<16xf32>
        %add3A_1941 = arith.constant 16 : i32
        %add3A_1942 = arith.addi %mul3A_728, %add3A_1941 : i32
        %get3A_1943 = arith.index_cast %add3A_1942 : i32 to index
        %get3A_1944 = arith.constant 0 : index
        %get3A_1945 = tpu.vector_load %arg15[%get3A_1943, %get3A_1944] {strides = array<i32>} : memref<320x64xf32, #tpu.memory_space<vmem>>, vector<16xf32>,
        %add3A_1946 = arith.constant 16 : i32
        %add3A_1947 = arith.addi %mul3A_728, %add3A_1946 : i32
        %get3A_1948 = arith.index_cast %add3A_1947 : i32 to index
        %get3A_1949 = arith.constant 16 : index
        %get3A_1950 = tpu.vector_load %arg15[%get3A_1948, %get3A_1949] {strides = array<i32>} : memref<320x64xf32, #tpu.memory_space<vmem>>, vector<16xf32>,
        %add3A_1951 = arith.constant 16 : i32
        %add3A_1952 = arith.addi %mul3A_728, %add3A_1951 : i32
        %get3A_1953 = arith.index_cast %add3A_1952 : i32 to index
        %get3A_1954 = arith.constant 32 : index
        %get3A_1955 = tpu.vector_load %arg15[%get3A_1953, %get3A_1954] {strides = array<i32>} : memref<320x64xf32, #tpu.memory_space<vmem>>, vector<16xf32>,
        %add3A_1956 = arith.constant 16 : i32
        %add3A_1957 = arith.addi %mul3A_728, %add3A_1956 : i32
        %get3A_1958 = arith.index_cast %add3A_1957 : i32 to index
        %get3A_1959 = arith.constant 48 : index
        %get3A_1960 = tpu.vector_load %arg15[%get3A_1958, %get3A_1959] {strides = array<i32>} : memref<320x64xf32, #tpu.memory_space<vmem>>, vector<16xf32>,
        %mul3A_1961 = arith.mulf %get3A_1945, %get3A_717 : vector<16xf32>
        %mul3A_1962 = arith.mulf %get3A_1950, %get3A_720 : vector<16xf32>
        %add3A_1963 = arith.addf %mul3A_1961, %mul3A_1962 : vector<16xf32>
        %mul3A_1964 = arith.mulf %get3A_1955, %get3A_723 : vector<16xf32>
        %mul3A_1965 = arith.mulf %get3A_1960, %get3A_726 : vector<16xf32>
        %add3A_1966 = arith.addf %mul3A_1964, %mul3A_1965 : vector<16xf32>
        %add3A_1967 = arith.addf %add3A_1963, %add3A_1966 : vector<16xf32>
        %add3A_1968 = arith.constant 17 : i32
        %add3A_1969 = arith.addi %mul3A_728, %add3A_1968 : i32
        %get3A_1970 = arith.index_cast %add3A_1969 : i32 to index
        %get3A_1971 = arith.constant 0 : index
        %get3A_1972 = tpu.vector_load %arg15[%get3A_1970, %get3A_1971] {strides = array<i32>} : memref<320x64xf32, #tpu.memory_space<vmem>>, vector<16xf32>,
        %add3A_1973 = arith.constant 17 : i32
        %add3A_1974 = arith.addi %mul3A_728, %add3A_1973 : i32
        %get3A_1975 = arith.index_cast %add3A_1974 : i32 to index
        %get3A_1976 = arith.constant 16 : index
        %get3A_1977 = tpu.vector_load %arg15[%get3A_1975, %get3A_1976] {strides = array<i32>} : memref<320x64xf32, #tpu.memory_space<vmem>>, vector<16xf32>,
        %add3A_1978 = arith.constant 17 : i32
        %add3A_1979 = arith.addi %mul3A_728, %add3A_1978 : i32
        %get3A_1980 = arith.index_cast %add3A_1979 : i32 to index
        %get3A_1981 = arith.constant 32 : index
        %get3A_1982 = tpu.vector_load %arg15[%get3A_1980, %get3A_1981] {strides = array<i32>} : memref<320x64xf32, #tpu.memory_space<vmem>>, vector<16xf32>,
        %add3A_1983 = arith.constant 17 : i32
        %add3A_1984 = arith.addi %mul3A_728, %add3A_1983 : i32
        %get3A_1985 = arith.index_cast %add3A_1984 : i32 to index
        %get3A_1986 = arith.constant 48 : index
        %get3A_1987 = tpu.vector_load %arg15[%get3A_1985, %get3A_1986] {strides = array<i32>} : memref<320x64xf32, #tpu.memory_space<vmem>>, vector<16xf32>,
        %mul3A_1988 = arith.mulf %get3A_1972, %get3A_717 : vector<16xf32>
        %mul3A_1989 = arith.mulf %get3A_1977, %get3A_720 : vector<16xf32>
        %add3A_1990 = arith.addf %mul3A_1988, %mul3A_1989 : vector<16xf32>
        %mul3A_1991 = arith.mulf %get3A_1982, %get3A_723 : vector<16xf32>
        %mul3A_1992 = arith.mulf %get3A_1987, %get3A_726 : vector<16xf32>
        %add3A_1993 = arith.addf %mul3A_1991, %mul3A_1992 : vector<16xf32>
        %add3A_1994 = arith.addf %add3A_1990, %add3A_1993 : vector<16xf32>
        %add3A_1995 = arith.constant 18 : i32
        %add3A_1996 = arith.addi %mul3A_728, %add3A_1995 : i32
        %get3A_1997 = arith.index_cast %add3A_1996 : i32 to index
        %get3A_1998 = arith.constant 0 : index
        %get3A_1999 = tpu.vector_load %arg15[%get3A_1997, %get3A_1998] {strides = array<i32>} : memref<320x64xf32, #tpu.memory_space<vmem>>, vector<16xf32>,
        %add3A_2000 = arith.constant 18 : i32
        %add3A_2001 = arith.addi %mul3A_728, %add3A_2000 : i32
        %get3A_2002 = arith.index_cast %add3A_2001 : i32 to index
        %get3A_2003 = arith.constant 16 : index
        %get3A_2004 = tpu.vector_load %arg15[%get3A_2002, %get3A_2003] {strides = array<i32>} : memref<320x64xf32, #tpu.memory_space<vmem>>, vector<16xf32>,
        %add3A_2005 = arith.constant 18 : i32
        %add3A_2006 = arith.addi %mul3A_728, %add3A_2005 : i32
        %get3A_2007 = arith.index_cast %add3A_2006 : i32 to index
        %get3A_2008 = arith.constant 32 : index
        %get3A_2009 = tpu.vector_load %arg15[%get3A_2007, %get3A_2008] {strides = array<i32>} : memref<320x64xf32, #tpu.memory_space<vmem>>, vector<16xf32>,
        %add3A_2010 = arith.constant 18 : i32
        %add3A_2011 = arith.addi %mul3A_728, %add3A_2010 : i32
        %get3A_2012 = arith.index_cast %add3A_2011 : i32 to index
        %get3A_2013 = arith.constant 48 : index
        %get3A_2014 = tpu.vector_load %arg15[%get3A_2012, %get3A_2013] {strides = array<i32>} : memref<320x64xf32, #tpu.memory_space<vmem>>, vector<16xf32>,
        %mul3A_2015 = arith.mulf %get3A_1999, %get3A_717 : vector<16xf32>
        %mul3A_2016 = arith.mulf %get3A_2004, %get3A_720 : vector<16xf32>
        %add3A_2017 = arith.addf %mul3A_2015, %mul3A_2016 : vector<16xf32>
        %mul3A_2018 = arith.mulf %get3A_2009, %get3A_723 : vector<16xf32>
        %mul3A_2019 = arith.mulf %get3A_2014, %get3A_726 : vector<16xf32>
        %add3A_2020 = arith.addf %mul3A_2018, %mul3A_2019 : vector<16xf32>
        %add3A_2021 = arith.addf %add3A_2017, %add3A_2020 : vector<16xf32>
        %add3A_2022 = arith.constant 19 : i32
        %add3A_2023 = arith.addi %mul3A_728, %add3A_2022 : i32
        %get3A_2024 = arith.index_cast %add3A_2023 : i32 to index
        %get3A_2025 = arith.constant 0 : index
        %get3A_2026 = tpu.vector_load %arg15[%get3A_2024, %get3A_2025] {strides = array<i32>} : memref<320x64xf32, #tpu.memory_space<vmem>>, vector<16xf32>,
        %add3A_2027 = arith.constant 19 : i32
        %add3A_2028 = arith.addi %mul3A_728, %add3A_2027 : i32
        %get3A_2029 = arith.index_cast %add3A_2028 : i32 to index
        %get3A_2030 = arith.constant 16 : index
        %get3A_2031 = tpu.vector_load %arg15[%get3A_2029, %get3A_2030] {strides = array<i32>} : memref<320x64xf32, #tpu.memory_space<vmem>>, vector<16xf32>,
        %add3A_2032 = arith.constant 19 : i32
        %add3A_2033 = arith.addi %mul3A_728, %add3A_2032 : i32
        %get3A_2034 = arith.index_cast %add3A_2033 : i32 to index
        %get3A_2035 = arith.constant 32 : index
        %get3A_2036 = tpu.vector_load %arg15[%get3A_2034, %get3A_2035] {strides = array<i32>} : memref<320x64xf32, #tpu.memory_space<vmem>>, vector<16xf32>,
        %add3A_2037 = arith.constant 19 : i32
        %add3A_2038 = arith.addi %mul3A_728, %add3A_2037 : i32
        %get3A_2039 = arith.index_cast %add3A_2038 : i32 to index
        %get3A_2040 = arith.constant 48 : index
        %get3A_2041 = tpu.vector_load %arg15[%get3A_2039, %get3A_2040] {strides = array<i32>} : memref<320x64xf32, #tpu.memory_space<vmem>>, vector<16xf32>,
        %mul3A_2042 = arith.mulf %get3A_2026, %get3A_717 : vector<16xf32>
        %mul3A_2043 = arith.mulf %get3A_2031, %get3A_720 : vector<16xf32>
        %add3A_2044 = arith.addf %mul3A_2042, %mul3A_2043 : vector<16xf32>
        %mul3A_2045 = arith.mulf %get3A_2036, %get3A_723 : vector<16xf32>
        %mul3A_2046 = arith.mulf %get3A_2041, %get3A_726 : vector<16xf32>
        %add3A_2047 = arith.addf %mul3A_2045, %mul3A_2046 : vector<16xf32>
        %add3A_2048 = arith.addf %add3A_2044, %add3A_2047 : vector<16xf32>
        %gather3A_2049 = vector.shape_cast %reshape3A : vector<16x1xi32> to vector<16xi32>
        %gather3A_2050 = tpu.dynamic_gather %add3A_755[%gather3A_2049] in [0] : vector<16xf32>, vector<16xi32> -> vector<16xf32>
        %add3A_2051 = arith.addf %add3A_755, %gather3A_2050 : vector<16xf32>
        %gather3A_2052 = vector.shape_cast %reshape3A : vector<16x1xi32> to vector<16xi32>
        %gather3A_2053 = tpu.dynamic_gather %add3A_794[%gather3A_2052] in [0] : vector<16xf32>, vector<16xi32> -> vector<16xf32>
        %add3A_2054 = arith.addf %add3A_794, %gather3A_2053 : vector<16xf32>
        %select_n3A = arith.select %eq3A_22, %add3A_2051, %add3A_2054 : vector<16xi1>, vector<16xf32>
        %gather3A_2055 = vector.shape_cast %reshape3A : vector<16x1xi32> to vector<16xi32>
        %gather3A_2056 = tpu.dynamic_gather %add3A_833[%gather3A_2055] in [0] : vector<16xf32>, vector<16xi32> -> vector<16xf32>
        %add3A_2057 = arith.addf %add3A_833, %gather3A_2056 : vector<16xf32>
        %gather3A_2058 = vector.shape_cast %reshape3A : vector<16x1xi32> to vector<16xi32>
        %gather3A_2059 = tpu.dynamic_gather %add3A_872[%gather3A_2058] in [0] : vector<16xf32>, vector<16xi32> -> vector<16xf32>
        %add3A_2060 = arith.addf %add3A_872, %gather3A_2059 : vector<16xf32>
        %select_n3A_2061 = arith.select %eq3A_22, %add3A_2057, %add3A_2060 : vector<16xi1>, vector<16xf32>
        %gather3A_2062 = vector.shape_cast %reshape3A : vector<16x1xi32> to vector<16xi32>
        %gather3A_2063 = tpu.dynamic_gather %add3A_911[%gather3A_2062] in [0] : vector<16xf32>, vector<16xi32> -> vector<16xf32>
        %add3A_2064 = arith.addf %add3A_911, %gather3A_2063 : vector<16xf32>
        %gather3A_2065 = vector.shape_cast %reshape3A : vector<16x1xi32> to vector<16xi32>
        %gather3A_2066 = tpu.dynamic_gather %add3A_950[%gather3A_2065] in [0] : vector<16xf32>, vector<16xi32> -> vector<16xf32>
        %add3A_2067 = arith.addf %add3A_950, %gather3A_2066 : vector<16xf32>
        %select_n3A_2068 = arith.select %eq3A_22, %add3A_2064, %add3A_2067 : vector<16xi1>, vector<16xf32>
        %gather3A_2069 = vector.shape_cast %reshape3A : vector<16x1xi32> to vector<16xi32>
        %gather3A_2070 = tpu.dynamic_gather %add3A_989[%gather3A_2069] in [0] : vector<16xf32>, vector<16xi32> -> vector<16xf32>
        %add3A_2071 = arith.addf %add3A_989, %gather3A_2070 : vector<16xf32>
        %gather3A_2072 = vector.shape_cast %reshape3A : vector<16x1xi32> to vector<16xi32>
        %gather3A_2073 = tpu.dynamic_gather %add3A_1028[%gather3A_2072] in [0] : vector<16xf32>, vector<16xi32> -> vector<16xf32>
        %add3A_2074 = arith.addf %add3A_1028, %gather3A_2073 : vector<16xf32>
        %select_n3A_2075 = arith.select %eq3A_22, %add3A_2071, %add3A_2074 : vector<16xi1>, vector<16xf32>
        %gather3A_2076 = vector.shape_cast %reshape3A : vector<16x1xi32> to vector<16xi32>
        %gather3A_2077 = tpu.dynamic_gather %add3A_1067[%gather3A_2076] in [0] : vector<16xf32>, vector<16xi32> -> vector<16xf32>
        %add3A_2078 = arith.addf %add3A_1067, %gather3A_2077 : vector<16xf32>
        %gather3A_2079 = vector.shape_cast %reshape3A : vector<16x1xi32> to vector<16xi32>
        %gather3A_2080 = tpu.dynamic_gather %add3A_1106[%gather3A_2079] in [0] : vector<16xf32>, vector<16xi32> -> vector<16xf32>
        %add3A_2081 = arith.addf %add3A_1106, %gather3A_2080 : vector<16xf32>
        %select_n3A_2082 = arith.select %eq3A_22, %add3A_2078, %add3A_2081 : vector<16xi1>, vector<16xf32>
        %gather3A_2083 = vector.shape_cast %reshape3A : vector<16x1xi32> to vector<16xi32>
        %gather3A_2084 = tpu.dynamic_gather %add3A_1145[%gather3A_2083] in [0] : vector<16xf32>, vector<16xi32> -> vector<16xf32>
        %add3A_2085 = arith.addf %add3A_1145, %gather3A_2084 : vector<16xf32>
        %gather3A_2086 = vector.shape_cast %reshape3A : vector<16x1xi32> to vector<16xi32>
        %gather3A_2087 = tpu.dynamic_gather %add3A_1184[%gather3A_2086] in [0] : vector<16xf32>, vector<16xi32> -> vector<16xf32>
        %add3A_2088 = arith.addf %add3A_1184, %gather3A_2087 : vector<16xf32>
        %select_n3A_2089 = arith.select %eq3A_22, %add3A_2085, %add3A_2088 : vector<16xi1>, vector<16xf32>
        %gather3A_2090 = vector.shape_cast %reshape3A : vector<16x1xi32> to vector<16xi32>
        %gather3A_2091 = tpu.dynamic_gather %add3A_1223[%gather3A_2090] in [0] : vector<16xf32>, vector<16xi32> -> vector<16xf32>
        %add3A_2092 = arith.addf %add3A_1223, %gather3A_2091 : vector<16xf32>
        %gather3A_2093 = vector.shape_cast %reshape3A : vector<16x1xi32> to vector<16xi32>
        %gather3A_2094 = tpu.dynamic_gather %add3A_1262[%gather3A_2093] in [0] : vector<16xf32>, vector<16xi32> -> vector<16xf32>
        %add3A_2095 = arith.addf %add3A_1262, %gather3A_2094 : vector<16xf32>
        %select_n3A_2096 = arith.select %eq3A_22, %add3A_2092, %add3A_2095 : vector<16xi1>, vector<16xf32>
        %gather3A_2097 = vector.shape_cast %reshape3A : vector<16x1xi32> to vector<16xi32>
        %gather3A_2098 = tpu.dynamic_gather %add3A_1301[%gather3A_2097] in [0] : vector<16xf32>, vector<16xi32> -> vector<16xf32>
        %add3A_2099 = arith.addf %add3A_1301, %gather3A_2098 : vector<16xf32>
        %gather3A_2100 = vector.shape_cast %reshape3A : vector<16x1xi32> to vector<16xi32>
        %gather3A_2101 = tpu.dynamic_gather %add3A_1340[%gather3A_2100] in [0] : vector<16xf32>, vector<16xi32> -> vector<16xf32>
        %add3A_2102 = arith.addf %add3A_1340, %gather3A_2101 : vector<16xf32>
        %select_n3A_2103 = arith.select %eq3A_22, %add3A_2099, %add3A_2102 : vector<16xi1>, vector<16xf32>
        %gather3A_2104 = vector.shape_cast %reshape3A_10 : vector<16x1xi32> to vector<16xi32>
        %gather3A_2105 = tpu.dynamic_gather %select_n3A[%gather3A_2104] in [0] : vector<16xf32>, vector<16xi32> -> vector<16xf32>
        %add3A_2106 = arith.addf %select_n3A, %gather3A_2105 : vector<16xf32>
        %gather3A_2107 = vector.shape_cast %reshape3A_10 : vector<16x1xi32> to vector<16xi32>
        %gather3A_2108 = tpu.dynamic_gather %select_n3A_2061[%gather3A_2107] in [0] : vector<16xf32>, vector<16xi32> -> vector<16xf32>
        %add3A_2109 = arith.addf %select_n3A_2061, %gather3A_2108 : vector<16xf32>
        %select_n3A_2110 = arith.select %eq3A_28, %add3A_2106, %add3A_2109 : vector<16xi1>, vector<16xf32>
        %gather3A_2111 = vector.shape_cast %reshape3A_10 : vector<16x1xi32> to vector<16xi32>
        %gather3A_2112 = tpu.dynamic_gather %select_n3A_2068[%gather3A_2111] in [0] : vector<16xf32>, vector<16xi32> -> vector<16xf32>
        %add3A_2113 = arith.addf %select_n3A_2068, %gather3A_2112 : vector<16xf32>
        %gather3A_2114 = vector.shape_cast %reshape3A_10 : vector<16x1xi32> to vector<16xi32>
        %gather3A_2115 = tpu.dynamic_gather %select_n3A_2075[%gather3A_2114] in [0] : vector<16xf32>, vector<16xi32> -> vector<16xf32>
        %add3A_2116 = arith.addf %select_n3A_2075, %gather3A_2115 : vector<16xf32>
        %select_n3A_2117 = arith.select %eq3A_28, %add3A_2113, %add3A_2116 : vector<16xi1>, vector<16xf32>
        %gather3A_2118 = vector.shape_cast %reshape3A_10 : vector<16x1xi32> to vector<16xi32>
        %gather3A_2119 = tpu.dynamic_gather %select_n3A_2082[%gather3A_2118] in [0] : vector<16xf32>, vector<16xi32> -> vector<16xf32>
        %add3A_2120 = arith.addf %select_n3A_2082, %gather3A_2119 : vector<16xf32>
        %gather3A_2121 = vector.shape_cast %reshape3A_10 : vector<16x1xi32> to vector<16xi32>
        %gather3A_2122 = tpu.dynamic_gather %select_n3A_2089[%gather3A_2121] in [0] : vector<16xf32>, vector<16xi32> -> vector<16xf32>
        %add3A_2123 = arith.addf %select_n3A_2089, %gather3A_2122 : vector<16xf32>
        %select_n3A_2124 = arith.select %eq3A_28, %add3A_2120, %add3A_2123 : vector<16xi1>, vector<16xf32>
        %gather3A_2125 = vector.shape_cast %reshape3A_10 : vector<16x1xi32> to vector<16xi32>
        %gather3A_2126 = tpu.dynamic_gather %select_n3A_2096[%gather3A_2125] in [0] : vector<16xf32>, vector<16xi32> -> vector<16xf32>
        %add3A_2127 = arith.addf %select_n3A_2096, %gather3A_2126 : vector<16xf32>
        %gather3A_2128 = vector.shape_cast %reshape3A_10 : vector<16x1xi32> to vector<16xi32>
        %gather3A_2129 = tpu.dynamic_gather %select_n3A_2103[%gather3A_2128] in [0] : vector<16xf32>, vector<16xi32> -> vector<16xf32>
        %add3A_2130 = arith.addf %select_n3A_2103, %gather3A_2129 : vector<16xf32>
        %select_n3A_2131 = arith.select %eq3A_28, %add3A_2127, %add3A_2130 : vector<16xi1>, vector<16xf32>
        %gather3A_2132 = vector.shape_cast %reshape3A_14 : vector<16x1xi32> to vector<16xi32>
        %gather3A_2133 = tpu.dynamic_gather %select_n3A_2110[%gather3A_2132] in [0] : vector<16xf32>, vector<16xi32> -> vector<16xf32>
        %add3A_2134 = arith.addf %select_n3A_2110, %gather3A_2133 : vector<16xf32>
        %gather3A_2135 = vector.shape_cast %reshape3A_14 : vector<16x1xi32> to vector<16xi32>
        %gather3A_2136 = tpu.dynamic_gather %select_n3A_2117[%gather3A_2135] in [0] : vector<16xf32>, vector<16xi32> -> vector<16xf32>
        %add3A_2137 = arith.addf %select_n3A_2117, %gather3A_2136 : vector<16xf32>
        %select_n3A_2138 = arith.select %eq3A_34, %add3A_2134, %add3A_2137 : vector<16xi1>, vector<16xf32>
        %gather3A_2139 = vector.shape_cast %reshape3A_14 : vector<16x1xi32> to vector<16xi32>
        %gather3A_2140 = tpu.dynamic_gather %select_n3A_2124[%gather3A_2139] in [0] : vector<16xf32>, vector<16xi32> -> vector<16xf32>
        %add3A_2141 = arith.addf %select_n3A_2124, %gather3A_2140 : vector<16xf32>
        %gather3A_2142 = vector.shape_cast %reshape3A_14 : vector<16x1xi32> to vector<16xi32>
        %gather3A_2143 = tpu.dynamic_gather %select_n3A_2131[%gather3A_2142] in [0] : vector<16xf32>, vector<16xi32> -> vector<16xf32>
        %add3A_2144 = arith.addf %select_n3A_2131, %gather3A_2143 : vector<16xf32>
        %select_n3A_2145 = arith.select %eq3A_34, %add3A_2141, %add3A_2144 : vector<16xi1>, vector<16xf32>
        %gather3A_2146 = vector.shape_cast %reshape3A_18 : vector<16x1xi32> to vector<16xi32>
        %gather3A_2147 = tpu.dynamic_gather %select_n3A_2138[%gather3A_2146] in [0] : vector<16xf32>, vector<16xi32> -> vector<16xf32>
        %add3A_2148 = arith.addf %select_n3A_2138, %gather3A_2147 : vector<16xf32>
        %gather3A_2149 = vector.shape_cast %reshape3A_18 : vector<16x1xi32> to vector<16xi32>
        %gather3A_2150 = tpu.dynamic_gather %select_n3A_2145[%gather3A_2149] in [0] : vector<16xf32>, vector<16xi32> -> vector<16xf32>
        %add3A_2151 = arith.addf %select_n3A_2145, %gather3A_2150 : vector<16xf32>
        %select_n3A_2152 = arith.select %eq3A_40, %add3A_2148, %add3A_2151 : vector<16xi1>, vector<16xf32>
        %gather3A_2153 = vector.shape_cast %reshape3A : vector<16x1xi32> to vector<16xi32>
        %gather3A_2154 = tpu.dynamic_gather %add3A_1379[%gather3A_2153] in [0] : vector<16xf32>, vector<16xi32> -> vector<16xf32>
        %add3A_2155 = arith.addf %add3A_1379, %gather3A_2154 : vector<16xf32>
        %gather3A_2156 = vector.shape_cast %reshape3A : vector<16x1xi32> to vector<16xi32>
        %gather3A_2157 = tpu.dynamic_gather %add3A_1418[%gather3A_2156] in [0] : vector<16xf32>, vector<16xi32> -> vector<16xf32>
        %add3A_2158 = arith.addf %add3A_1418, %gather3A_2157 : vector<16xf32>
        %select_n3A_2159 = arith.select %eq3A_22, %add3A_2155, %add3A_2158 : vector<16xi1>, vector<16xf32>
        %gather3A_2160 = vector.shape_cast %reshape3A : vector<16x1xi32> to vector<16xi32>
        %gather3A_2161 = tpu.dynamic_gather %add3A_1457[%gather3A_2160] in [0] : vector<16xf32>, vector<16xi32> -> vector<16xf32>
        %add3A_2162 = arith.addf %add3A_1457, %gather3A_2161 : vector<16xf32>
        %gather3A_2163 = vector.shape_cast %reshape3A : vector<16x1xi32> to vector<16xi32>
        %gather3A_2164 = tpu.dynamic_gather %add3A_1496[%gather3A_2163] in [0] : vector<16xf32>, vector<16xi32> -> vector<16xf32>
        %add3A_2165 = arith.addf %add3A_1496, %gather3A_2164 : vector<16xf32>
        %select_n3A_2166 = arith.select %eq3A_22, %add3A_2162, %add3A_2165 : vector<16xi1>, vector<16xf32>
        %gather3A_2167 = vector.shape_cast %reshape3A_10 : vector<16x1xi32> to vector<16xi32>
        %gather3A_2168 = tpu.dynamic_gather %select_n3A_2159[%gather3A_2167] in [0] : vector<16xf32>, vector<16xi32> -> vector<16xf32>
        %add3A_2169 = arith.addf %select_n3A_2159, %gather3A_2168 : vector<16xf32>
        %gather3A_2170 = vector.shape_cast %reshape3A_10 : vector<16x1xi32> to vector<16xi32>
        %gather3A_2171 = tpu.dynamic_gather %select_n3A_2166[%gather3A_2170] in [0] : vector<16xf32>, vector<16xi32> -> vector<16xf32>
        %add3A_2172 = arith.addf %select_n3A_2166, %gather3A_2171 : vector<16xf32>
        %gather3A_2173 = vector.shape_cast %reshape3A_14 : vector<16x1xi32> to vector<16xi32>
        %gather3A_2174 = tpu.dynamic_gather %add3A_2169[%gather3A_2173] in [0] : vector<16xf32>, vector<16xi32> -> vector<16xf32>
        %add3A_2175 = arith.addf %add3A_2169, %gather3A_2174 : vector<16xf32>
        %gather3A_2176 = vector.shape_cast %reshape3A_14 : vector<16x1xi32> to vector<16xi32>
        %gather3A_2177 = tpu.dynamic_gather %add3A_2172[%gather3A_2176] in [0] : vector<16xf32>, vector<16xi32> -> vector<16xf32>
        %add3A_2178 = arith.addf %add3A_2172, %gather3A_2177 : vector<16xf32>
        %gather3A_2179 = vector.shape_cast %reshape3A_18 : vector<16x1xi32> to vector<16xi32>
        %gather3A_2180 = tpu.dynamic_gather %add3A_2175[%gather3A_2179] in [0] : vector<16xf32>, vector<16xi32> -> vector<16xf32>
        %add3A_2181 = arith.addf %add3A_2175, %gather3A_2180 : vector<16xf32>
        %gather3A_2182 = vector.shape_cast %reshape3A_18 : vector<16x1xi32> to vector<16xi32>
        %gather3A_2183 = tpu.dynamic_gather %add3A_2178[%gather3A_2182] in [0] : vector<16xf32>, vector<16xi32> -> vector<16xf32>
        %add3A_2184 = arith.addf %add3A_2178, %gather3A_2183 : vector<16xf32>
        %select_n3A_2185 = arith.select %eq3A_28, %add3A_2181, %add3A_2184 : vector<16xi1>, vector<16xf32>
        %exp3A = math.exp %select_n3A_2152 : vector<16xf32>
        %exp3A_2186 = math.exp %select_n3A_2185 : vector<16xf32>
        %select_n3A_2187 = arith.select %eq3A_46, %exp3A_2186, %broadcast_in_dim3A_48 : vector<16xi1>, vector<16xf32>
        %gather3A_2188 = vector.shape_cast %reshape3A : vector<16x1xi32> to vector<16xi32>
        %gather3A_2189 = tpu.dynamic_gather %add3A_1535[%gather3A_2188] in [0] : vector<16xf32>, vector<16xi32> -> vector<16xf32>
        %add3A_2190 = arith.addf %add3A_1535, %gather3A_2189 : vector<16xf32>
        %gather3A_2191 = vector.shape_cast %reshape3A : vector<16x1xi32> to vector<16xi32>
        %gather3A_2192 = tpu.dynamic_gather %add3A_1562[%gather3A_2191] in [0] : vector<16xf32>, vector<16xi32> -> vector<16xf32>
        %add3A_2193 = arith.addf %add3A_1562, %gather3A_2192 : vector<16xf32>
        %select_n3A_2194 = arith.select %eq3A_22, %add3A_2190, %add3A_2193 : vector<16xi1>, vector<16xf32>
        %gather3A_2195 = vector.shape_cast %reshape3A : vector<16x1xi32> to vector<16xi32>
        %gather3A_2196 = tpu.dynamic_gather %add3A_1589[%gather3A_2195] in [0] : vector<16xf32>, vector<16xi32> -> vector<16xf32>
        %add3A_2197 = arith.addf %add3A_1589, %gather3A_2196 : vector<16xf32>
        %gather3A_2198 = vector.shape_cast %reshape3A : vector<16x1xi32> to vector<16xi32>
        %gather3A_2199 = tpu.dynamic_gather %add3A_1616[%gather3A_2198] in [0] : vector<16xf32>, vector<16xi32> -> vector<16xf32>
        %add3A_2200 = arith.addf %add3A_1616, %gather3A_2199 : vector<16xf32>
        %select_n3A_2201 = arith.select %eq3A_22, %add3A_2197, %add3A_2200 : vector<16xi1>, vector<16xf32>
        %gather3A_2202 = vector.shape_cast %reshape3A : vector<16x1xi32> to vector<16xi32>
        %gather3A_2203 = tpu.dynamic_gather %add3A_1643[%gather3A_2202] in [0] : vector<16xf32>, vector<16xi32> -> vector<16xf32>
        %add3A_2204 = arith.addf %add3A_1643, %gather3A_2203 : vector<16xf32>
        %gather3A_2205 = vector.shape_cast %reshape3A : vector<16x1xi32> to vector<16xi32>
        %gather3A_2206 = tpu.dynamic_gather %add3A_1670[%gather3A_2205] in [0] : vector<16xf32>, vector<16xi32> -> vector<16xf32>
        %add3A_2207 = arith.addf %add3A_1670, %gather3A_2206 : vector<16xf32>
        %select_n3A_2208 = arith.select %eq3A_22, %add3A_2204, %add3A_2207 : vector<16xi1>, vector<16xf32>
        %gather3A_2209 = vector.shape_cast %reshape3A : vector<16x1xi32> to vector<16xi32>
        %gather3A_2210 = tpu.dynamic_gather %add3A_1697[%gather3A_2209] in [0] : vector<16xf32>, vector<16xi32> -> vector<16xf32>
        %add3A_2211 = arith.addf %add3A_1697, %gather3A_2210 : vector<16xf32>
        %gather3A_2212 = vector.shape_cast %reshape3A : vector<16x1xi32> to vector<16xi32>
        %gather3A_2213 = tpu.dynamic_gather %add3A_1724[%gather3A_2212] in [0] : vector<16xf32>, vector<16xi32> -> vector<16xf32>
        %add3A_2214 = arith.addf %add3A_1724, %gather3A_2213 : vector<16xf32>
        %select_n3A_2215 = arith.select %eq3A_22, %add3A_2211, %add3A_2214 : vector<16xi1>, vector<16xf32>
        %gather3A_2216 = vector.shape_cast %reshape3A : vector<16x1xi32> to vector<16xi32>
        %gather3A_2217 = tpu.dynamic_gather %add3A_1751[%gather3A_2216] in [0] : vector<16xf32>, vector<16xi32> -> vector<16xf32>
        %add3A_2218 = arith.addf %add3A_1751, %gather3A_2217 : vector<16xf32>
        %gather3A_2219 = vector.shape_cast %reshape3A : vector<16x1xi32> to vector<16xi32>
        %gather3A_2220 = tpu.dynamic_gather %add3A_1778[%gather3A_2219] in [0] : vector<16xf32>, vector<16xi32> -> vector<16xf32>
        %add3A_2221 = arith.addf %add3A_1778, %gather3A_2220 : vector<16xf32>
        %select_n3A_2222 = arith.select %eq3A_22, %add3A_2218, %add3A_2221 : vector<16xi1>, vector<16xf32>
        %gather3A_2223 = vector.shape_cast %reshape3A : vector<16x1xi32> to vector<16xi32>
        %gather3A_2224 = tpu.dynamic_gather %add3A_1805[%gather3A_2223] in [0] : vector<16xf32>, vector<16xi32> -> vector<16xf32>
        %add3A_2225 = arith.addf %add3A_1805, %gather3A_2224 : vector<16xf32>
        %gather3A_2226 = vector.shape_cast %reshape3A : vector<16x1xi32> to vector<16xi32>
        %gather3A_2227 = tpu.dynamic_gather %add3A_1832[%gather3A_2226] in [0] : vector<16xf32>, vector<16xi32> -> vector<16xf32>
        %add3A_2228 = arith.addf %add3A_1832, %gather3A_2227 : vector<16xf32>
        %select_n3A_2229 = arith.select %eq3A_22, %add3A_2225, %add3A_2228 : vector<16xi1>, vector<16xf32>
        %gather3A_2230 = vector.shape_cast %reshape3A : vector<16x1xi32> to vector<16xi32>
        %gather3A_2231 = tpu.dynamic_gather %add3A_1859[%gather3A_2230] in [0] : vector<16xf32>, vector<16xi32> -> vector<16xf32>
        %add3A_2232 = arith.addf %add3A_1859, %gather3A_2231 : vector<16xf32>
        %gather3A_2233 = vector.shape_cast %reshape3A : vector<16x1xi32> to vector<16xi32>
        %gather3A_2234 = tpu.dynamic_gather %add3A_1886[%gather3A_2233] in [0] : vector<16xf32>, vector<16xi32> -> vector<16xf32>
        %add3A_2235 = arith.addf %add3A_1886, %gather3A_2234 : vector<16xf32>
        %select_n3A_2236 = arith.select %eq3A_22, %add3A_2232, %add3A_2235 : vector<16xi1>, vector<16xf32>
        %gather3A_2237 = vector.shape_cast %reshape3A : vector<16x1xi32> to vector<16xi32>
        %gather3A_2238 = tpu.dynamic_gather %add3A_1913[%gather3A_2237] in [0] : vector<16xf32>, vector<16xi32> -> vector<16xf32>
        %add3A_2239 = arith.addf %add3A_1913, %gather3A_2238 : vector<16xf32>
        %gather3A_2240 = vector.shape_cast %reshape3A : vector<16x1xi32> to vector<16xi32>
        %gather3A_2241 = tpu.dynamic_gather %add3A_1940[%gather3A_2240] in [0] : vector<16xf32>, vector<16xi32> -> vector<16xf32>
        %add3A_2242 = arith.addf %add3A_1940, %gather3A_2241 : vector<16xf32>
        %select_n3A_2243 = arith.select %eq3A_22, %add3A_2239, %add3A_2242 : vector<16xi1>, vector<16xf32>
        %gather3A_2244 = vector.shape_cast %reshape3A_10 : vector<16x1xi32> to vector<16xi32>
        %gather3A_2245 = tpu.dynamic_gather %select_n3A_2194[%gather3A_2244] in [0] : vector<16xf32>, vector<16xi32> -> vector<16xf32>
        %add3A_2246 = arith.addf %select_n3A_2194, %gather3A_2245 : vector<16xf32>
        %gather3A_2247 = vector.shape_cast %reshape3A_10 : vector<16x1xi32> to vector<16xi32>
        %gather3A_2248 = tpu.dynamic_gather %select_n3A_2201[%gather3A_2247] in [0] : vector<16xf32>, vector<16xi32> -> vector<16xf32>
        %add3A_2249 = arith.addf %select_n3A_2201, %gather3A_2248 : vector<16xf32>
        %select_n3A_2250 = arith.select %eq3A_28, %add3A_2246, %add3A_2249 : vector<16xi1>, vector<16xf32>
        %gather3A_2251 = vector.shape_cast %reshape3A_10 : vector<16x1xi32> to vector<16xi32>
        %gather3A_2252 = tpu.dynamic_gather %select_n3A_2208[%gather3A_2251] in [0] : vector<16xf32>, vector<16xi32> -> vector<16xf32>
        %add3A_2253 = arith.addf %select_n3A_2208, %gather3A_2252 : vector<16xf32>
        %gather3A_2254 = vector.shape_cast %reshape3A_10 : vector<16x1xi32> to vector<16xi32>
        %gather3A_2255 = tpu.dynamic_gather %select_n3A_2215[%gather3A_2254] in [0] : vector<16xf32>, vector<16xi32> -> vector<16xf32>
        %add3A_2256 = arith.addf %select_n3A_2215, %gather3A_2255 : vector<16xf32>
        %select_n3A_2257 = arith.select %eq3A_28, %add3A_2253, %add3A_2256 : vector<16xi1>, vector<16xf32>
        %gather3A_2258 = vector.shape_cast %reshape3A_10 : vector<16x1xi32> to vector<16xi32>
        %gather3A_2259 = tpu.dynamic_gather %select_n3A_2222[%gather3A_2258] in [0] : vector<16xf32>, vector<16xi32> -> vector<16xf32>
        %add3A_2260 = arith.addf %select_n3A_2222, %gather3A_2259 : vector<16xf32>
        %gather3A_2261 = vector.shape_cast %reshape3A_10 : vector<16x1xi32> to vector<16xi32>
        %gather3A_2262 = tpu.dynamic_gather %select_n3A_2229[%gather3A_2261] in [0] : vector<16xf32>, vector<16xi32> -> vector<16xf32>
        %add3A_2263 = arith.addf %select_n3A_2229, %gather3A_2262 : vector<16xf32>
        %select_n3A_2264 = arith.select %eq3A_28, %add3A_2260, %add3A_2263 : vector<16xi1>, vector<16xf32>
        %gather3A_2265 = vector.shape_cast %reshape3A_10 : vector<16x1xi32> to vector<16xi32>
        %gather3A_2266 = tpu.dynamic_gather %select_n3A_2236[%gather3A_2265] in [0] : vector<16xf32>, vector<16xi32> -> vector<16xf32>
        %add3A_2267 = arith.addf %select_n3A_2236, %gather3A_2266 : vector<16xf32>
        %gather3A_2268 = vector.shape_cast %reshape3A_10 : vector<16x1xi32> to vector<16xi32>
        %gather3A_2269 = tpu.dynamic_gather %select_n3A_2243[%gather3A_2268] in [0] : vector<16xf32>, vector<16xi32> -> vector<16xf32>
        %add3A_2270 = arith.addf %select_n3A_2243, %gather3A_2269 : vector<16xf32>
        %select_n3A_2271 = arith.select %eq3A_28, %add3A_2267, %add3A_2270 : vector<16xi1>, vector<16xf32>
        %gather3A_2272 = vector.shape_cast %reshape3A_14 : vector<16x1xi32> to vector<16xi32>
        %gather3A_2273 = tpu.dynamic_gather %select_n3A_2250[%gather3A_2272] in [0] : vector<16xf32>, vector<16xi32> -> vector<16xf32>
        %add3A_2274 = arith.addf %select_n3A_2250, %gather3A_2273 : vector<16xf32>
        %gather3A_2275 = vector.shape_cast %reshape3A_14 : vector<16x1xi32> to vector<16xi32>
        %gather3A_2276 = tpu.dynamic_gather %select_n3A_2257[%gather3A_2275] in [0] : vector<16xf32>, vector<16xi32> -> vector<16xf32>
        %add3A_2277 = arith.addf %select_n3A_2257, %gather3A_2276 : vector<16xf32>
        %select_n3A_2278 = arith.select %eq3A_34, %add3A_2274, %add3A_2277 : vector<16xi1>, vector<16xf32>
        %gather3A_2279 = vector.shape_cast %reshape3A_14 : vector<16x1xi32> to vector<16xi32>
        %gather3A_2280 = tpu.dynamic_gather %select_n3A_2264[%gather3A_2279] in [0] : vector<16xf32>, vector<16xi32> -> vector<16xf32>
        %add3A_2281 = arith.addf %select_n3A_2264, %gather3A_2280 : vector<16xf32>
        %gather3A_2282 = vector.shape_cast %reshape3A_14 : vector<16x1xi32> to vector<16xi32>
        %gather3A_2283 = tpu.dynamic_gather %select_n3A_2271[%gather3A_2282] in [0] : vector<16xf32>, vector<16xi32> -> vector<16xf32>
        %add3A_2284 = arith.addf %select_n3A_2271, %gather3A_2283 : vector<16xf32>
        %select_n3A_2285 = arith.select %eq3A_34, %add3A_2281, %add3A_2284 : vector<16xi1>, vector<16xf32>
        %gather3A_2286 = vector.shape_cast %reshape3A_18 : vector<16x1xi32> to vector<16xi32>
        %gather3A_2287 = tpu.dynamic_gather %select_n3A_2278[%gather3A_2286] in [0] : vector<16xf32>, vector<16xi32> -> vector<16xf32>
        %add3A_2288 = arith.addf %select_n3A_2278, %gather3A_2287 : vector<16xf32>
        %gather3A_2289 = vector.shape_cast %reshape3A_18 : vector<16x1xi32> to vector<16xi32>
        %gather3A_2290 = tpu.dynamic_gather %select_n3A_2285[%gather3A_2289] in [0] : vector<16xf32>, vector<16xi32> -> vector<16xf32>
        %add3A_2291 = arith.addf %select_n3A_2285, %gather3A_2290 : vector<16xf32>
        %select_n3A_2292 = arith.select %eq3A_40, %add3A_2288, %add3A_2291 : vector<16xi1>, vector<16xf32>
        %gather3A_2293 = vector.shape_cast %reshape3A : vector<16x1xi32> to vector<16xi32>
        %gather3A_2294 = tpu.dynamic_gather %add3A_1967[%gather3A_2293] in [0] : vector<16xf32>, vector<16xi32> -> vector<16xf32>
        %add3A_2295 = arith.addf %add3A_1967, %gather3A_2294 : vector<16xf32>
        %gather3A_2296 = vector.shape_cast %reshape3A : vector<16x1xi32> to vector<16xi32>
        %gather3A_2297 = tpu.dynamic_gather %add3A_1994[%gather3A_2296] in [0] : vector<16xf32>, vector<16xi32> -> vector<16xf32>
        %add3A_2298 = arith.addf %add3A_1994, %gather3A_2297 : vector<16xf32>
        %select_n3A_2299 = arith.select %eq3A_22, %add3A_2295, %add3A_2298 : vector<16xi1>, vector<16xf32>
        %gather3A_2300 = vector.shape_cast %reshape3A : vector<16x1xi32> to vector<16xi32>
        %gather3A_2301 = tpu.dynamic_gather %add3A_2021[%gather3A_2300] in [0] : vector<16xf32>, vector<16xi32> -> vector<16xf32>
        %add3A_2302 = arith.addf %add3A_2021, %gather3A_2301 : vector<16xf32>
        %gather3A_2303 = vector.shape_cast %reshape3A : vector<16x1xi32> to vector<16xi32>
        %gather3A_2304 = tpu.dynamic_gather %add3A_2048[%gather3A_2303] in [0] : vector<16xf32>, vector<16xi32> -> vector<16xf32>
        %add3A_2305 = arith.addf %add3A_2048, %gather3A_2304 : vector<16xf32>
        %select_n3A_2306 = arith.select %eq3A_22, %add3A_2302, %add3A_2305 : vector<16xi1>, vector<16xf32>
        %gather3A_2307 = vector.shape_cast %reshape3A_10 : vector<16x1xi32> to vector<16xi32>
        %gather3A_2308 = tpu.dynamic_gather %select_n3A_2299[%gather3A_2307] in [0] : vector<16xf32>, vector<16xi32> -> vector<16xf32>
        %add3A_2309 = arith.addf %select_n3A_2299, %gather3A_2308 : vector<16xf32>
        %gather3A_2310 = vector.shape_cast %reshape3A_10 : vector<16x1xi32> to vector<16xi32>
        %gather3A_2311 = tpu.dynamic_gather %select_n3A_2306[%gather3A_2310] in [0] : vector<16xf32>, vector<16xi32> -> vector<16xf32>
        %add3A_2312 = arith.addf %select_n3A_2306, %gather3A_2311 : vector<16xf32>
        %gather3A_2313 = vector.shape_cast %reshape3A_14 : vector<16x1xi32> to vector<16xi32>
        %gather3A_2314 = tpu.dynamic_gather %add3A_2309[%gather3A_2313] in [0] : vector<16xf32>, vector<16xi32> -> vector<16xf32>
        %add3A_2315 = arith.addf %add3A_2309, %gather3A_2314 : vector<16xf32>
        %gather3A_2316 = vector.shape_cast %reshape3A_14 : vector<16x1xi32> to vector<16xi32>
        %gather3A_2317 = tpu.dynamic_gather %add3A_2312[%gather3A_2316] in [0] : vector<16xf32>, vector<16xi32> -> vector<16xf32>
        %add3A_2318 = arith.addf %add3A_2312, %gather3A_2317 : vector<16xf32>
        %gather3A_2319 = vector.shape_cast %reshape3A_18 : vector<16x1xi32> to vector<16xi32>
        %gather3A_2320 = tpu.dynamic_gather %add3A_2315[%gather3A_2319] in [0] : vector<16xf32>, vector<16xi32> -> vector<16xf32>
        %add3A_2321 = arith.addf %add3A_2315, %gather3A_2320 : vector<16xf32>
        %gather3A_2322 = vector.shape_cast %reshape3A_18 : vector<16x1xi32> to vector<16xi32>
        %gather3A_2323 = tpu.dynamic_gather %add3A_2318[%gather3A_2322] in [0] : vector<16xf32>, vector<16xi32> -> vector<16xf32>
        %add3A_2324 = arith.addf %add3A_2318, %gather3A_2323 : vector<16xf32>
        %select_n3A_2325 = arith.select %eq3A_28, %add3A_2321, %add3A_2324 : vector<16xi1>, vector<16xf32>
        %exp3A_2326 = math.exp %select_n3A_2292 : vector<16xf32>
        %exp3A_2327 = math.exp %select_n3A_2325 : vector<16xf32>
        %select_n3A_2328 = arith.select %eq3A_46, %exp3A_2327, %broadcast_in_dim3A_48 : vector<16xi1>, vector<16xf32>
        %add3A_2329 = arith.addf %exp3A, %select_n3A_2187 : vector<16xf32>
        %mul3A_2330 = arith.constant 16 : i32
        %mul3A_2331 = arith.muli %add3A_715, %mul3A_2330 : i32
        %swap3A_2332 = arith.index_cast %mul3A_2331 : i32 to index
        %swap3A_2333 = tpu.vector_load %arg20[%swap3A_2332] {strides = array<i32>} : memref<256xf32, #tpu.memory_space<vmem>>, vector<16xf32>,
        tpu.vector_store %arg20[%swap3A_2332], %add3A_2329 {strides = array<i32>} : memref<256xf32, #tpu.memory_space<vmem>>, vector<16xf32>,
        %add3A_2334 = arith.addf %exp3A_2326, %select_n3A_2328 : vector<16xf32>
        %mul3A_2335 = arith.constant 16 : i32
        %mul3A_2336 = arith.muli %add3A_715, %mul3A_2335 : i32
        %swap3A_2337 = arith.index_cast %mul3A_2336 : i32 to index
        %swap3A_2338 = tpu.vector_load %arg21[%swap3A_2337] {strides = array<i32>} : memref<256xf32, #tpu.memory_space<vmem>>, vector<16xf32>,
        tpu.vector_store %arg21[%swap3A_2337], %add3A_2334 {strides = array<i32>} : memref<256xf32, #tpu.memory_space<vmem>>, vector<16xf32>,
      }
      %scan3A_280 = arith.constant 16 : i32
      %add3A_281 = arith.constant 0 : i32
      %add3A_282 = vector.broadcast %add3A_281 : i32 to vector<16xi32>
      %add3A_283 = arith.addi %mul3A_3, %add3A_282 : vector<16xi32>
      %gather3A = tpu.vector_load_idx %arg20[%add3A_283] : memref<256xf32, #tpu.memory_space<vmem>>[vector<16xi32>], vector<16xf32>,
      %add3A_284 = arith.constant 1 : i32
      %add3A_285 = vector.broadcast %add3A_284 : i32 to vector<16xi32>
      %add3A_286 = arith.addi %add3A_283, %add3A_285 : vector<16xi32>
      %gather3A_287 = tpu.vector_load_idx %arg20[%add3A_286] : memref<256xf32, #tpu.memory_space<vmem>>[vector<16xi32>], vector<16xf32>,
      %add3A_288 = arith.addf %gather3A, %gather3A_287 : vector<16xf32>
      %add3A_289 = arith.constant 2 : i32
      %add3A_290 = vector.broadcast %add3A_289 : i32 to vector<16xi32>
      %add3A_291 = arith.addi %add3A_283, %add3A_290 : vector<16xi32>
      %gather3A_292 = tpu.vector_load_idx %arg20[%add3A_291] : memref<256xf32, #tpu.memory_space<vmem>>[vector<16xi32>], vector<16xf32>,
      %add3A_293 = arith.addf %add3A_288, %gather3A_292 : vector<16xf32>
      %add3A_294 = arith.constant 3 : i32
      %add3A_295 = vector.broadcast %add3A_294 : i32 to vector<16xi32>
      %add3A_296 = arith.addi %add3A_283, %add3A_295 : vector<16xi32>
      %gather3A_297 = tpu.vector_load_idx %arg20[%add3A_296] : memref<256xf32, #tpu.memory_space<vmem>>[vector<16xi32>], vector<16xf32>,
      %add3A_298 = arith.addf %add3A_293, %gather3A_297 : vector<16xf32>
      %add3A_299 = arith.constant 4 : i32
      %add3A_300 = vector.broadcast %add3A_299 : i32 to vector<16xi32>
      %add3A_301 = arith.addi %add3A_283, %add3A_300 : vector<16xi32>
      %gather3A_302 = tpu.vector_load_idx %arg20[%add3A_301] : memref<256xf32, #tpu.memory_space<vmem>>[vector<16xi32>], vector<16xf32>,
      %add3A_303 = arith.addf %add3A_298, %gather3A_302 : vector<16xf32>
      %add3A_304 = arith.constant 5 : i32
      %add3A_305 = vector.broadcast %add3A_304 : i32 to vector<16xi32>
      %add3A_306 = arith.addi %add3A_283, %add3A_305 : vector<16xi32>
      %gather3A_307 = tpu.vector_load_idx %arg20[%add3A_306] : memref<256xf32, #tpu.memory_space<vmem>>[vector<16xi32>], vector<16xf32>,
      %add3A_308 = arith.addf %add3A_303, %gather3A_307 : vector<16xf32>
      %add3A_309 = arith.constant 6 : i32
      %add3A_310 = vector.broadcast %add3A_309 : i32 to vector<16xi32>
      %add3A_311 = arith.addi %add3A_283, %add3A_310 : vector<16xi32>
      %gather3A_312 = tpu.vector_load_idx %arg20[%add3A_311] : memref<256xf32, #tpu.memory_space<vmem>>[vector<16xi32>], vector<16xf32>,
      %add3A_313 = arith.addf %add3A_308, %gather3A_312 : vector<16xf32>
      %add3A_314 = arith.constant 7 : i32
      %add3A_315 = vector.broadcast %add3A_314 : i32 to vector<16xi32>
      %add3A_316 = arith.addi %add3A_283, %add3A_315 : vector<16xi32>
      %gather3A_317 = tpu.vector_load_idx %arg20[%add3A_316] : memref<256xf32, #tpu.memory_space<vmem>>[vector<16xi32>], vector<16xf32>,
      %add3A_318 = arith.addf %add3A_313, %gather3A_317 : vector<16xf32>
      %add3A_319 = arith.constant 8 : i32
      %add3A_320 = vector.broadcast %add3A_319 : i32 to vector<16xi32>
      %add3A_321 = arith.addi %add3A_283, %add3A_320 : vector<16xi32>
      %gather3A_322 = tpu.vector_load_idx %arg20[%add3A_321] : memref<256xf32, #tpu.memory_space<vmem>>[vector<16xi32>], vector<16xf32>,
      %add3A_323 = arith.addf %add3A_318, %gather3A_322 : vector<16xf32>
      %add3A_324 = arith.constant 9 : i32
      %add3A_325 = vector.broadcast %add3A_324 : i32 to vector<16xi32>
      %add3A_326 = arith.addi %add3A_283, %add3A_325 : vector<16xi32>
      %gather3A_327 = tpu.vector_load_idx %arg20[%add3A_326] : memref<256xf32, #tpu.memory_space<vmem>>[vector<16xi32>], vector<16xf32>,
      %add3A_328 = arith.addf %add3A_323, %gather3A_327 : vector<16xf32>
      %add3A_329 = arith.constant 10 : i32
      %add3A_330 = vector.broadcast %add3A_329 : i32 to vector<16xi32>
      %add3A_331 = arith.addi %add3A_283, %add3A_330 : vector<16xi32>
      %gather3A_332 = tpu.vector_load_idx %arg20[%add3A_331] : memref<256xf32, #tpu.memory_space<vmem>>[vector<16xi32>], vector<16xf32>,
      %add3A_333 = arith.addf %add3A_328, %gather3A_332 : vector<16xf32>
      %add3A_334 = arith.constant 11 : i32
      %add3A_335 = vector.broadcast %add3A_334 : i32 to vector<16xi32>
      %add3A_336 = arith.addi %add3A_283, %add3A_335 : vector<16xi32>
      %gather3A_337 = tpu.vector_load_idx %arg20[%add3A_336] : memref<256xf32, #tpu.memory_space<vmem>>[vector<16xi32>], vector<16xf32>,
      %add3A_338 = arith.addf %add3A_333, %gather3A_337 : vector<16xf32>
      %add3A_339 = arith.constant 12 : i32
      %add3A_340 = vector.broadcast %add3A_339 : i32 to vector<16xi32>
      %add3A_341 = arith.addi %add3A_283, %add3A_340 : vector<16xi32>
      %gather3A_342 = tpu.vector_load_idx %arg20[%add3A_341] : memref<256xf32, #tpu.memory_space<vmem>>[vector<16xi32>], vector<16xf32>,
      %add3A_343 = arith.addf %add3A_338, %gather3A_342 : vector<16xf32>
      %add3A_344 = arith.constant 13 : i32
      %add3A_345 = vector.broadcast %add3A_344 : i32 to vector<16xi32>
      %add3A_346 = arith.addi %add3A_283, %add3A_345 : vector<16xi32>
      %gather3A_347 = tpu.vector_load_idx %arg20[%add3A_346] : memref<256xf32, #tpu.memory_space<vmem>>[vector<16xi32>], vector<16xf32>,
      %add3A_348 = arith.addf %add3A_343, %gather3A_347 : vector<16xf32>
      %add3A_349 = arith.constant 14 : i32
      %add3A_350 = vector.broadcast %add3A_349 : i32 to vector<16xi32>
      %add3A_351 = arith.addi %add3A_283, %add3A_350 : vector<16xi32>
      %gather3A_352 = tpu.vector_load_idx %arg20[%add3A_351] : memref<256xf32, #tpu.memory_space<vmem>>[vector<16xi32>], vector<16xf32>,
      %add3A_353 = arith.addf %add3A_348, %gather3A_352 : vector<16xf32>
      %add3A_354 = arith.constant 15 : i32
      %add3A_355 = vector.broadcast %add3A_354 : i32 to vector<16xi32>
      %add3A_356 = arith.addi %add3A_283, %add3A_355 : vector<16xi32>
      %gather3A_357 = tpu.vector_load_idx %arg20[%add3A_356] : memref<256xf32, #tpu.memory_space<vmem>>[vector<16xi32>], vector<16xf32>,
      %add3A_358 = arith.addf %add3A_353, %gather3A_357 : vector<16xf32>
      %add3A_359 = arith.constant 0 : i32
      %add3A_360 = vector.broadcast %add3A_359 : i32 to vector<16xi32>
      %add3A_361 = arith.addi %mul3A_3, %add3A_360 : vector<16xi32>
      %gather3A_362 = tpu.vector_load_idx %arg21[%add3A_361] : memref<256xf32, #tpu.memory_space<vmem>>[vector<16xi32>], vector<16xf32>,
      %add3A_363 = arith.constant 1 : i32
      %add3A_364 = vector.broadcast %add3A_363 : i32 to vector<16xi32>
      %add3A_365 = arith.addi %add3A_361, %add3A_364 : vector<16xi32>
      %gather3A_366 = tpu.vector_load_idx %arg21[%add3A_365] : memref<256xf32, #tpu.memory_space<vmem>>[vector<16xi32>], vector<16xf32>,
      %add3A_367 = arith.addf %gather3A_362, %gather3A_366 : vector<16xf32>
      %add3A_368 = arith.constant 2 : i32
      %add3A_369 = vector.broadcast %add3A_368 : i32 to vector<16xi32>
      %add3A_370 = arith.addi %add3A_361, %add3A_369 : vector<16xi32>
      %gather3A_371 = tpu.vector_load_idx %arg21[%add3A_370] : memref<256xf32, #tpu.memory_space<vmem>>[vector<16xi32>], vector<16xf32>,
      %add3A_372 = arith.addf %add3A_367, %gather3A_371 : vector<16xf32>
      %add3A_373 = arith.constant 3 : i32
      %add3A_374 = vector.broadcast %add3A_373 : i32 to vector<16xi32>
      %add3A_375 = arith.addi %add3A_361, %add3A_374 : vector<16xi32>
      %gather3A_376 = tpu.vector_load_idx %arg21[%add3A_375] : memref<256xf32, #tpu.memory_space<vmem>>[vector<16xi32>], vector<16xf32>,
      %add3A_377 = arith.addf %add3A_372, %gather3A_376 : vector<16xf32>
      %add3A_378 = arith.constant 4 : i32
      %add3A_379 = vector.broadcast %add3A_378 : i32 to vector<16xi32>
      %add3A_380 = arith.addi %add3A_361, %add3A_379 : vector<16xi32>
      %gather3A_381 = tpu.vector_load_idx %arg21[%add3A_380] : memref<256xf32, #tpu.memory_space<vmem>>[vector<16xi32>], vector<16xf32>,
      %add3A_382 = arith.addf %add3A_377, %gather3A_381 : vector<16xf32>
      %add3A_383 = arith.constant 5 : i32
      %add3A_384 = vector.broadcast %add3A_383 : i32 to vector<16xi32>
      %add3A_385 = arith.addi %add3A_361, %add3A_384 : vector<16xi32>
      %gather3A_386 = tpu.vector_load_idx %arg21[%add3A_385] : memref<256xf32, #tpu.memory_space<vmem>>[vector<16xi32>], vector<16xf32>,
      %add3A_387 = arith.addf %add3A_382, %gather3A_386 : vector<16xf32>
      %add3A_388 = arith.constant 6 : i32
      %add3A_389 = vector.broadcast %add3A_388 : i32 to vector<16xi32>
      %add3A_390 = arith.addi %add3A_361, %add3A_389 : vector<16xi32>
      %gather3A_391 = tpu.vector_load_idx %arg21[%add3A_390] : memref<256xf32, #tpu.memory_space<vmem>>[vector<16xi32>], vector<16xf32>,
      %add3A_392 = arith.addf %add3A_387, %gather3A_391 : vector<16xf32>
      %add3A_393 = arith.constant 7 : i32
      %add3A_394 = vector.broadcast %add3A_393 : i32 to vector<16xi32>
      %add3A_395 = arith.addi %add3A_361, %add3A_394 : vector<16xi32>
      %gather3A_396 = tpu.vector_load_idx %arg21[%add3A_395] : memref<256xf32, #tpu.memory_space<vmem>>[vector<16xi32>], vector<16xf32>,
      %add3A_397 = arith.addf %add3A_392, %gather3A_396 : vector<16xf32>
      %add3A_398 = arith.constant 8 : i32
      %add3A_399 = vector.broadcast %add3A_398 : i32 to vector<16xi32>
      %add3A_400 = arith.addi %add3A_361, %add3A_399 : vector<16xi32>
      %gather3A_401 = tpu.vector_load_idx %arg21[%add3A_400] : memref<256xf32, #tpu.memory_space<vmem>>[vector<16xi32>], vector<16xf32>,
      %add3A_402 = arith.addf %add3A_397, %gather3A_401 : vector<16xf32>
      %add3A_403 = arith.constant 9 : i32
      %add3A_404 = vector.broadcast %add3A_403 : i32 to vector<16xi32>
      %add3A_405 = arith.addi %add3A_361, %add3A_404 : vector<16xi32>
      %gather3A_406 = tpu.vector_load_idx %arg21[%add3A_405] : memref<256xf32, #tpu.memory_space<vmem>>[vector<16xi32>], vector<16xf32>,
      %add3A_407 = arith.addf %add3A_402, %gather3A_406 : vector<16xf32>
      %add3A_408 = arith.constant 10 : i32
      %add3A_409 = vector.broadcast %add3A_408 : i32 to vector<16xi32>
      %add3A_410 = arith.addi %add3A_361, %add3A_409 : vector<16xi32>
      %gather3A_411 = tpu.vector_load_idx %arg21[%add3A_410] : memref<256xf32, #tpu.memory_space<vmem>>[vector<16xi32>], vector<16xf32>,
      %add3A_412 = arith.addf %add3A_407, %gather3A_411 : vector<16xf32>
      %add3A_413 = arith.constant 11 : i32
      %add3A_414 = vector.broadcast %add3A_413 : i32 to vector<16xi32>
      %add3A_415 = arith.addi %add3A_361, %add3A_414 : vector<16xi32>
      %gather3A_416 = tpu.vector_load_idx %arg21[%add3A_415] : memref<256xf32, #tpu.memory_space<vmem>>[vector<16xi32>], vector<16xf32>,
      %add3A_417 = arith.addf %add3A_412, %gather3A_416 : vector<16xf32>
      %add3A_418 = arith.constant 12 : i32
      %add3A_419 = vector.broadcast %add3A_418 : i32 to vector<16xi32>
      %add3A_420 = arith.addi %add3A_361, %add3A_419 : vector<16xi32>
      %gather3A_421 = tpu.vector_load_idx %arg21[%add3A_420] : memref<256xf32, #tpu.memory_space<vmem>>[vector<16xi32>], vector<16xf32>,
      %add3A_422 = arith.addf %add3A_417, %gather3A_421 : vector<16xf32>
      %add3A_423 = arith.constant 13 : i32
      %add3A_424 = vector.broadcast %add3A_423 : i32 to vector<16xi32>
      %add3A_425 = arith.addi %add3A_361, %add3A_424 : vector<16xi32>
      %gather3A_426 = tpu.vector_load_idx %arg21[%add3A_425] : memref<256xf32, #tpu.memory_space<vmem>>[vector<16xi32>], vector<16xf32>,
      %add3A_427 = arith.addf %add3A_422, %gather3A_426 : vector<16xf32>
      %add3A_428 = arith.constant 14 : i32
      %add3A_429 = vector.broadcast %add3A_428 : i32 to vector<16xi32>
      %add3A_430 = arith.addi %add3A_361, %add3A_429 : vector<16xi32>
      %gather3A_431 = tpu.vector_load_idx %arg21[%add3A_430] : memref<256xf32, #tpu.memory_space<vmem>>[vector<16xi32>], vector<16xf32>,
      %add3A_432 = arith.addf %add3A_427, %gather3A_431 : vector<16xf32>
      %add3A_433 = arith.constant 15 : i32
      %add3A_434 = vector.broadcast %add3A_433 : i32 to vector<16xi32>
      %add3A_435 = arith.addi %add3A_361, %add3A_434 : vector<16xi32>
      %gather3A_436 = tpu.vector_load_idx %arg21[%add3A_435] : memref<256xf32, #tpu.memory_space<vmem>>[vector<16xi32>], vector<16xf32>,
      %add3A_437 = arith.addf %add3A_432, %gather3A_436 : vector<16xf32>
      %mul3A_438 = arith.constant 512 : i32
      %mul3A_439 = arith.muli %add3A, %mul3A_438 : i32
      %mul3A_440 = arith.constant 16 : i32
      %mul3A_441 = arith.muli %add3A_185, %mul3A_440 : i32
      %add3A_442 = arith.addi %mul3A_439, %mul3A_441 : i32
      "tpu.region"() ({
        %run_scoped3A = tpu.sem_alloc : memref<!tpu.dma_semaphore, #tpu.memory_space<semaphore_mem>>
        %dma_start3A_711 = arith.constant 0 : i32
        %dma_start3A_712 = tpu.memref_slice %arg6[%add3A_442, %dma_start3A_711] : memref<16384x64xf32, #tpu.memory_space<hbm>> -> memref<16x64xf32, #tpu.memory_space<hbm>>
        %dma_start3A_713 = arith.constant 0 : i32
        %dma_start3A_714 = tpu.memref_slice %arg6[%add3A_442, %dma_start3A_713] : memref<16384x64xf32, #tpu.memory_space<hbm>> -> memref<16x64xf32, #tpu.memory_space<hbm>>
        tpu.enqueue_dma source(%arg22 : memref<16x64xf32, #tpu.memory_space<vmem>>) target(%dma_start3A_714 : memref<16x64xf32, #tpu.memory_space<hbm>>) target_semaphore(%run_scoped3A : memref<!tpu.dma_semaphore, #tpu.memory_space<semaphore_mem>>)
        %dma_wait3A_715 = arith.constant 0 : i32
        %dma_wait3A_716 = tpu.memref_slice %arg6[%add3A_442, %dma_wait3A_715] : memref<16384x64xf32, #tpu.memory_space<hbm>> -> memref<16x64xf32, #tpu.memory_space<hbm>>
        %dma_wait3A_717 = arith.constant 0 : i32
        %dma_wait3A_718 = tpu.memref_slice %arg6[%add3A_442, %dma_wait3A_717] : memref<16384x64xf32, #tpu.memory_space<hbm>> -> memref<16x64xf32, #tpu.memory_space<hbm>>
        tpu.wait_dma2 semaphore(%run_scoped3A : memref<!tpu.dma_semaphore, #tpu.memory_space<semaphore_mem>>) src(%arg22 : memref<16x64xf32, #tpu.memory_space<vmem>>) dst(%dma_wait3A_718 : memref<16x64xf32, #tpu.memory_space<hbm>>)
        tpu.yield
      }) : () -> ()
      %div3A = arith.divf %add3A_358, %add3A_437 : vector<16xf32>
      %add3A_443 = arith.addf %scan3A_181, %div3A : vector<16xf32>
      %mul3A_444 = arith.constant 2 : i32
      %mul3A_445 = arith.muli %mul3A_444, %scan3A_180 : i32
      %add3A_446 = arith.constant 1 : i32
      %add3A_447 = arith.addi %mul3A_445, %add3A_446 : i32
      %lt3A_448 = arith.constant 31 : i32
      %lt3A_449 = arith.cmpi slt, %add3A_447, %lt3A_448 : i32
      %convert_element_type3A_450 = arith.extui %lt3A_449 : i1 to i32
      %cond3A_451 = arith.constant 0 : i32
      %cond3A_452 = arith.cmpi ne, %convert_element_type3A_450, %cond3A_451 : i32
      scf.if %cond3A_452 {
        %mul3A_711 = arith.constant 10240 : i32
        %mul3A_712 = arith.muli %add3A, %mul3A_711 : i32
        %add3A_713 = arith.constant 0 : i32
        %add3A_714 = arith.addi %mul3A_712, %add3A_713 : i32
        %mul3A_715 = arith.constant 512 : i32
        %mul3A_716 = arith.muli %add3A, %mul3A_715 : i32
        %add3A_717 = arith.constant 0 : i32
        %add3A_718 = arith.addi %mul3A_716, %add3A_717 : i32
        %dma_wait3A_719 = tpu.memref_slice %arg3[%add3A_714] : memref<327680xi32, #tpu.memory_space<hbm>> -> memref<320xi32, #tpu.memory_space<hbm>>
        %dma_wait3A_720 = tpu.memref_slice %arg3[%add3A_714] : memref<327680xi32, #tpu.memory_space<hbm>> -> memref<320xi32, #tpu.memory_space<hbm>>
        tpu.wait_dma2 semaphore(%arg23 : memref<!tpu.dma_semaphore, #tpu.memory_space<semaphore_mem>>) src(%dma_wait3A_720 : memref<320xi32, #tpu.memory_space<hbm>>) dst(%arg8 : memref<320xi32, #tpu.memory_space<vmem>>)
        %dma_wait3A_721 = tpu.memref_slice %arg5[%add3A_714] : memref<327680xi32, #tpu.memory_space<hbm>> -> memref<320xi32, #tpu.memory_space<hbm>>
        %dma_wait3A_722 = tpu.memref_slice %arg5[%add3A_714] : memref<327680xi32, #tpu.memory_space<hbm>> -> memref<320xi32, #tpu.memory_space<hbm>>
        tpu.wait_dma2 semaphore(%arg23 : memref<!tpu.dma_semaphore, #tpu.memory_space<semaphore_mem>>) src(%dma_wait3A_722 : memref<320xi32, #tpu.memory_space<hbm>>) dst(%arg9 : memref<320xi32, #tpu.memory_space<vmem>>)
        %dma_wait3A_723 = tpu.memref_slice %arg4[%add3A_718] : memref<16384xi32, #tpu.memory_space<hbm>> -> memref<16xi32, #tpu.memory_space<hbm>>
        %dma_wait3A_724 = tpu.memref_slice %arg4[%add3A_718] : memref<16384xi32, #tpu.memory_space<hbm>> -> memref<16xi32, #tpu.memory_space<hbm>>
        tpu.wait_dma2 semaphore(%arg23 : memref<!tpu.dma_semaphore, #tpu.memory_space<semaphore_mem>>) src(%dma_wait3A_724 : memref<16xi32, #tpu.memory_space<hbm>>) dst(%arg10 : memref<16xi32, #tpu.memory_space<vmem>>)
        %dma_start3A_725 = arith.constant 0 : i32
        %dma_start3A_726 = arith.constant 0 : i32
        %dma_start3A_727 = tpu.memref_slice %arg2[%dma_start3A_725, %dma_start3A_726] : memref<100000x64xf32, #tpu.memory_space<hbm>> -> memref<100000x64xf32, #tpu.memory_space<hbm>>
        tpu.enqueue_indirect_dma source(%dma_start3A_727 : memref<100000x64xf32, #tpu.memory_space<hbm>>) target(%arg16 : memref<16x64xf32, #tpu.memory_space<vmem>>) offsets(%arg10 : memref<16xi32, #tpu.memory_space<vmem>>) semaphore(%arg25 : memref<!tpu.dma_semaphore, #tpu.memory_space<semaphore_mem>>)
        %dma_start3A_728 = arith.constant 0 : i32
        %dma_start3A_729 = arith.constant 0 : i32
        %dma_start3A_730 = tpu.memref_slice %arg14[%dma_start3A_728, %dma_start3A_729] : memref<320x64xf32, #tpu.memory_space<vmem>> -> memref<64x64xf32, #tpu.memory_space<vmem>>
        %dma_start3A_731 = arith.constant 0 : i32
        %dma_start3A_732 = tpu.memref_slice %arg8[%dma_start3A_731] : memref<320xi32, #tpu.memory_space<vmem>> -> memref<64xi32, #tpu.memory_space<vmem>>
        %dma_start3A_733 = arith.constant 0 : i32
        %dma_start3A_734 = arith.constant 0 : i32
        %dma_start3A_735 = tpu.memref_slice %arg2[%dma_start3A_733, %dma_start3A_734] : memref<100000x64xf32, #tpu.memory_space<hbm>> -> memref<100000x64xf32, #tpu.memory_space<hbm>>
        tpu.enqueue_indirect_dma source(%dma_start3A_735 : memref<100000x64xf32, #tpu.memory_space<hbm>>) target(%dma_start3A_730 : memref<64x64xf32, #tpu.memory_space<vmem>>) offsets(%dma_start3A_732 : memref<64xi32, #tpu.memory_space<vmem>>) semaphore(%arg25 : memref<!tpu.dma_semaphore, #tpu.memory_space<semaphore_mem>>)
        %dma_start3A_736 = arith.constant 0 : i32
        %dma_start3A_737 = arith.constant 0 : i32
        %dma_start3A_738 = tpu.memref_slice %arg15[%dma_start3A_736, %dma_start3A_737] : memref<320x64xf32, #tpu.memory_space<vmem>> -> memref<64x64xf32, #tpu.memory_space<vmem>>
        %dma_start3A_739 = arith.constant 0 : i32
        %dma_start3A_740 = tpu.memref_slice %arg9[%dma_start3A_739] : memref<320xi32, #tpu.memory_space<vmem>> -> memref<64xi32, #tpu.memory_space<vmem>>
        %dma_start3A_741 = arith.constant 0 : i32
        %dma_start3A_742 = arith.constant 0 : i32
        %dma_start3A_743 = tpu.memref_slice %arg2[%dma_start3A_741, %dma_start3A_742] : memref<100000x64xf32, #tpu.memory_space<hbm>> -> memref<100000x64xf32, #tpu.memory_space<hbm>>
        tpu.enqueue_indirect_dma source(%dma_start3A_743 : memref<100000x64xf32, #tpu.memory_space<hbm>>) target(%dma_start3A_738 : memref<64x64xf32, #tpu.memory_space<vmem>>) offsets(%dma_start3A_740 : memref<64xi32, #tpu.memory_space<vmem>>) semaphore(%arg25 : memref<!tpu.dma_semaphore, #tpu.memory_space<semaphore_mem>>)
        %dma_start3A_744 = arith.constant 64 : i32
        %dma_start3A_745 = arith.constant 0 : i32
        %dma_start3A_746 = tpu.memref_slice %arg14[%dma_start3A_744, %dma_start3A_745] : memref<320x64xf32, #tpu.memory_space<vmem>> -> memref<64x64xf32, #tpu.memory_space<vmem>>
        %dma_start3A_747 = arith.constant 64 : i32
        %dma_start3A_748 = tpu.memref_slice %arg8[%dma_start3A_747] : memref<320xi32, #tpu.memory_space<vmem>> -> memref<64xi32, #tpu.memory_space<vmem>>
        %dma_start3A_749 = arith.constant 0 : i32
        %dma_start3A_750 = arith.constant 0 : i32
        %dma_start3A_751 = tpu.memref_slice %arg2[%dma_start3A_749, %dma_start3A_750] : memref<100000x64xf32, #tpu.memory_space<hbm>> -> memref<100000x64xf32, #tpu.memory_space<hbm>>
        tpu.enqueue_indirect_dma source(%dma_start3A_751 : memref<100000x64xf32, #tpu.memory_space<hbm>>) target(%dma_start3A_746 : memref<64x64xf32, #tpu.memory_space<vmem>>) offsets(%dma_start3A_748 : memref<64xi32, #tpu.memory_space<vmem>>) semaphore(%arg25 : memref<!tpu.dma_semaphore, #tpu.memory_space<semaphore_mem>>)
        %dma_start3A_752 = arith.constant 64 : i32
        %dma_start3A_753 = arith.constant 0 : i32
        %dma_start3A_754 = tpu.memref_slice %arg15[%dma_start3A_752, %dma_start3A_753] : memref<320x64xf32, #tpu.memory_space<vmem>> -> memref<64x64xf32, #tpu.memory_space<vmem>>
        %dma_start3A_755 = arith.constant 64 : i32
        %dma_start3A_756 = tpu.memref_slice %arg9[%dma_start3A_755] : memref<320xi32, #tpu.memory_space<vmem>> -> memref<64xi32, #tpu.memory_space<vmem>>
        %dma_start3A_757 = arith.constant 0 : i32
        %dma_start3A_758 = arith.constant 0 : i32
        %dma_start3A_759 = tpu.memref_slice %arg2[%dma_start3A_757, %dma_start3A_758] : memref<100000x64xf32, #tpu.memory_space<hbm>> -> memref<100000x64xf32, #tpu.memory_space<hbm>>
        tpu.enqueue_indirect_dma source(%dma_start3A_759 : memref<100000x64xf32, #tpu.memory_space<hbm>>) target(%dma_start3A_754 : memref<64x64xf32, #tpu.memory_space<vmem>>) offsets(%dma_start3A_756 : memref<64xi32, #tpu.memory_space<vmem>>) semaphore(%arg25 : memref<!tpu.dma_semaphore, #tpu.memory_space<semaphore_mem>>)
        %dma_start3A_760 = arith.constant 128 : i32
        %dma_start3A_761 = arith.constant 0 : i32
        %dma_start3A_762 = tpu.memref_slice %arg14[%dma_start3A_760, %dma_start3A_761] : memref<320x64xf32, #tpu.memory_space<vmem>> -> memref<64x64xf32, #tpu.memory_space<vmem>>
        %dma_start3A_763 = arith.constant 128 : i32
        %dma_start3A_764 = tpu.memref_slice %arg8[%dma_start3A_763] : memref<320xi32, #tpu.memory_space<vmem>> -> memref<64xi32, #tpu.memory_space<vmem>>
        %dma_start3A_765 = arith.constant 0 : i32
        %dma_start3A_766 = arith.constant 0 : i32
        %dma_start3A_767 = tpu.memref_slice %arg2[%dma_start3A_765, %dma_start3A_766] : memref<100000x64xf32, #tpu.memory_space<hbm>> -> memref<100000x64xf32, #tpu.memory_space<hbm>>
        tpu.enqueue_indirect_dma source(%dma_start3A_767 : memref<100000x64xf32, #tpu.memory_space<hbm>>) target(%dma_start3A_762 : memref<64x64xf32, #tpu.memory_space<vmem>>) offsets(%dma_start3A_764 : memref<64xi32, #tpu.memory_space<vmem>>) semaphore(%arg25 : memref<!tpu.dma_semaphore, #tpu.memory_space<semaphore_mem>>)
        %dma_start3A_768 = arith.constant 128 : i32
        %dma_start3A_769 = arith.constant 0 : i32
        %dma_start3A_770 = tpu.memref_slice %arg15[%dma_start3A_768, %dma_start3A_769] : memref<320x64xf32, #tpu.memory_space<vmem>> -> memref<64x64xf32, #tpu.memory_space<vmem>>
        %dma_start3A_771 = arith.constant 128 : i32
        %dma_start3A_772 = tpu.memref_slice %arg9[%dma_start3A_771] : memref<320xi32, #tpu.memory_space<vmem>> -> memref<64xi32, #tpu.memory_space<vmem>>
        %dma_start3A_773 = arith.constant 0 : i32
        %dma_start3A_774 = arith.constant 0 : i32
        %dma_start3A_775 = tpu.memref_slice %arg2[%dma_start3A_773, %dma_start3A_774] : memref<100000x64xf32, #tpu.memory_space<hbm>> -> memref<100000x64xf32, #tpu.memory_space<hbm>>
        tpu.enqueue_indirect_dma source(%dma_start3A_775 : memref<100000x64xf32, #tpu.memory_space<hbm>>) target(%dma_start3A_770 : memref<64x64xf32, #tpu.memory_space<vmem>>) offsets(%dma_start3A_772 : memref<64xi32, #tpu.memory_space<vmem>>) semaphore(%arg25 : memref<!tpu.dma_semaphore, #tpu.memory_space<semaphore_mem>>)
        %dma_start3A_776 = arith.constant 192 : i32
        %dma_start3A_777 = arith.constant 0 : i32
        %dma_start3A_778 = tpu.memref_slice %arg14[%dma_start3A_776, %dma_start3A_777] : memref<320x64xf32, #tpu.memory_space<vmem>> -> memref<64x64xf32, #tpu.memory_space<vmem>>
        %dma_start3A_779 = arith.constant 192 : i32
        %dma_start3A_780 = tpu.memref_slice %arg8[%dma_start3A_779] : memref<320xi32, #tpu.memory_space<vmem>> -> memref<64xi32, #tpu.memory_space<vmem>>
        %dma_start3A_781 = arith.constant 0 : i32
        %dma_start3A_782 = arith.constant 0 : i32
        %dma_start3A_783 = tpu.memref_slice %arg2[%dma_start3A_781, %dma_start3A_782] : memref<100000x64xf32, #tpu.memory_space<hbm>> -> memref<100000x64xf32, #tpu.memory_space<hbm>>
        tpu.enqueue_indirect_dma source(%dma_start3A_783 : memref<100000x64xf32, #tpu.memory_space<hbm>>) target(%dma_start3A_778 : memref<64x64xf32, #tpu.memory_space<vmem>>) offsets(%dma_start3A_780 : memref<64xi32, #tpu.memory_space<vmem>>) semaphore(%arg25 : memref<!tpu.dma_semaphore, #tpu.memory_space<semaphore_mem>>)
        %dma_start3A_784 = arith.constant 192 : i32
        %dma_start3A_785 = arith.constant 0 : i32
        %dma_start3A_786 = tpu.memref_slice %arg15[%dma_start3A_784, %dma_start3A_785] : memref<320x64xf32, #tpu.memory_space<vmem>> -> memref<64x64xf32, #tpu.memory_space<vmem>>
        %dma_start3A_787 = arith.constant 192 : i32
        %dma_start3A_788 = tpu.memref_slice %arg9[%dma_start3A_787] : memref<320xi32, #tpu.memory_space<vmem>> -> memref<64xi32, #tpu.memory_space<vmem>>
        %dma_start3A_789 = arith.constant 0 : i32
        %dma_start3A_790 = arith.constant 0 : i32
        %dma_start3A_791 = tpu.memref_slice %arg2[%dma_start3A_789, %dma_start3A_790] : memref<100000x64xf32, #tpu.memory_space<hbm>> -> memref<100000x64xf32, #tpu.memory_space<hbm>>
        tpu.enqueue_indirect_dma source(%dma_start3A_791 : memref<100000x64xf32, #tpu.memory_space<hbm>>) target(%dma_start3A_786 : memref<64x64xf32, #tpu.memory_space<vmem>>) offsets(%dma_start3A_788 : memref<64xi32, #tpu.memory_space<vmem>>) semaphore(%arg25 : memref<!tpu.dma_semaphore, #tpu.memory_space<semaphore_mem>>)
        %dma_start3A_792 = arith.constant 256 : i32
        %dma_start3A_793 = arith.constant 0 : i32
        %dma_start3A_794 = tpu.memref_slice %arg14[%dma_start3A_792, %dma_start3A_793] : memref<320x64xf32, #tpu.memory_space<vmem>> -> memref<64x64xf32, #tpu.memory_space<vmem>>
        %dma_start3A_795 = arith.constant 256 : i32
        %dma_start3A_796 = tpu.memref_slice %arg8[%dma_start3A_795] : memref<320xi32, #tpu.memory_space<vmem>> -> memref<64xi32, #tpu.memory_space<vmem>>
        %dma_start3A_797 = arith.constant 0 : i32
        %dma_start3A_798 = arith.constant 0 : i32
        %dma_start3A_799 = tpu.memref_slice %arg2[%dma_start3A_797, %dma_start3A_798] : memref<100000x64xf32, #tpu.memory_space<hbm>> -> memref<100000x64xf32, #tpu.memory_space<hbm>>
        tpu.enqueue_indirect_dma source(%dma_start3A_799 : memref<100000x64xf32, #tpu.memory_space<hbm>>) target(%dma_start3A_794 : memref<64x64xf32, #tpu.memory_space<vmem>>) offsets(%dma_start3A_796 : memref<64xi32, #tpu.memory_space<vmem>>) semaphore(%arg25 : memref<!tpu.dma_semaphore, #tpu.memory_space<semaphore_mem>>)
        %dma_start3A_800 = arith.constant 256 : i32
        %dma_start3A_801 = arith.constant 0 : i32
        %dma_start3A_802 = tpu.memref_slice %arg15[%dma_start3A_800, %dma_start3A_801] : memref<320x64xf32, #tpu.memory_space<vmem>> -> memref<64x64xf32, #tpu.memory_space<vmem>>
        %dma_start3A_803 = arith.constant 256 : i32
        %dma_start3A_804 = tpu.memref_slice %arg9[%dma_start3A_803] : memref<320xi32, #tpu.memory_space<vmem>> -> memref<64xi32, #tpu.memory_space<vmem>>
        %dma_start3A_805 = arith.constant 0 : i32
        %dma_start3A_806 = arith.constant 0 : i32
        %dma_start3A_807 = tpu.memref_slice %arg2[%dma_start3A_805, %dma_start3A_806] : memref<100000x64xf32, #tpu.memory_space<hbm>> -> memref<100000x64xf32, #tpu.memory_space<hbm>>
        tpu.enqueue_indirect_dma source(%dma_start3A_807 : memref<100000x64xf32, #tpu.memory_space<hbm>>) target(%dma_start3A_802 : memref<64x64xf32, #tpu.memory_space<vmem>>) offsets(%dma_start3A_804 : memref<64xi32, #tpu.memory_space<vmem>>) semaphore(%arg25 : memref<!tpu.dma_semaphore, #tpu.memory_space<semaphore_mem>>)
      } else {
      }
      %dma_wait3A_453 = arith.constant 0 : i32
      %dma_wait3A_454 = arith.constant 0 : i32
      %dma_wait3A_455 = tpu.memref_slice %arg2[%dma_wait3A_453, %dma_wait3A_454] : memref<100000x64xf32, #tpu.memory_space<hbm>> -> memref<100000x64xf32, #tpu.memory_space<hbm>>
      tpu.wait_indirect_dma semaphore(%arg26 : memref<!tpu.dma_semaphore, #tpu.memory_space<semaphore_mem>>) src(%dma_wait3A_455 : memref<100000x64xf32, #tpu.memory_space<hbm>>) dst(%arg19 : memref<16x64xf32, #tpu.memory_space<vmem>>)
      %dma_wait3A_456 = arith.constant 0 : i32
      %dma_wait3A_457 = arith.constant 0 : i32
      %dma_wait3A_458 = tpu.memref_slice %arg17[%dma_wait3A_456, %dma_wait3A_457] : memref<320x64xf32, #tpu.memory_space<vmem>> -> memref<64x64xf32, #tpu.memory_space<vmem>>
      %dma_wait3A_459 = arith.constant 0 : i32
      %dma_wait3A_460 = tpu.memref_slice %arg11[%dma_wait3A_459] : memref<320xi32, #tpu.memory_space<vmem>> -> memref<64xi32, #tpu.memory_space<vmem>>
      %dma_wait3A_461 = arith.constant 0 : i32
      %dma_wait3A_462 = arith.constant 0 : i32
      %dma_wait3A_463 = tpu.memref_slice %arg2[%dma_wait3A_461, %dma_wait3A_462] : memref<100000x64xf32, #tpu.memory_space<hbm>> -> memref<100000x64xf32, #tpu.memory_space<hbm>>
      tpu.wait_indirect_dma semaphore(%arg26 : memref<!tpu.dma_semaphore, #tpu.memory_space<semaphore_mem>>) src(%dma_wait3A_463 : memref<100000x64xf32, #tpu.memory_space<hbm>>) dst(%dma_wait3A_458 : memref<64x64xf32, #tpu.memory_space<vmem>>)
      %dma_wait3A_464 = arith.constant 0 : i32
      %dma_wait3A_465 = arith.constant 0 : i32
      %dma_wait3A_466 = tpu.memref_slice %arg18[%dma_wait3A_464, %dma_wait3A_465] : memref<320x64xf32, #tpu.memory_space<vmem>> -> memref<64x64xf32, #tpu.memory_space<vmem>>
      %dma_wait3A_467 = arith.constant 0 : i32
      %dma_wait3A_468 = tpu.memref_slice %arg12[%dma_wait3A_467] : memref<320xi32, #tpu.memory_space<vmem>> -> memref<64xi32, #tpu.memory_space<vmem>>
      %dma_wait3A_469 = arith.constant 0 : i32
      %dma_wait3A_470 = arith.constant 0 : i32
      %dma_wait3A_471 = tpu.memref_slice %arg2[%dma_wait3A_469, %dma_wait3A_470] : memref<100000x64xf32, #tpu.memory_space<hbm>> -> memref<100000x64xf32, #tpu.memory_space<hbm>>
      tpu.wait_indirect_dma semaphore(%arg26 : memref<!tpu.dma_semaphore, #tpu.memory_space<semaphore_mem>>) src(%dma_wait3A_471 : memref<100000x64xf32, #tpu.memory_space<hbm>>) dst(%dma_wait3A_466 : memref<64x64xf32, #tpu.memory_space<vmem>>)
      %dma_wait3A_472 = arith.constant 64 : i32
      %dma_wait3A_473 = arith.constant 0 : i32
      %dma_wait3A_474 = tpu.memref_slice %arg17[%dma_wait3A_472, %dma_wait3A_473] : memref<320x64xf32, #tpu.memory_space<vmem>> -> memref<64x64xf32, #tpu.memory_space<vmem>>
      %dma_wait3A_475 = arith.constant 64 : i32
      %dma_wait3A_476 = tpu.memref_slice %arg11[%dma_wait3A_475] : memref<320xi32, #tpu.memory_space<vmem>> -> memref<64xi32, #tpu.memory_space<vmem>>
      %dma_wait3A_477 = arith.constant 0 : i32
      %dma_wait3A_478 = arith.constant 0 : i32
      %dma_wait3A_479 = tpu.memref_slice %arg2[%dma_wait3A_477, %dma_wait3A_478] : memref<100000x64xf32, #tpu.memory_space<hbm>> -> memref<100000x64xf32, #tpu.memory_space<hbm>>
      tpu.wait_indirect_dma semaphore(%arg26 : memref<!tpu.dma_semaphore, #tpu.memory_space<semaphore_mem>>) src(%dma_wait3A_479 : memref<100000x64xf32, #tpu.memory_space<hbm>>) dst(%dma_wait3A_474 : memref<64x64xf32, #tpu.memory_space<vmem>>)
      %dma_wait3A_480 = arith.constant 64 : i32
      %dma_wait3A_481 = arith.constant 0 : i32
      %dma_wait3A_482 = tpu.memref_slice %arg18[%dma_wait3A_480, %dma_wait3A_481] : memref<320x64xf32, #tpu.memory_space<vmem>> -> memref<64x64xf32, #tpu.memory_space<vmem>>
      %dma_wait3A_483 = arith.constant 64 : i32
      %dma_wait3A_484 = tpu.memref_slice %arg12[%dma_wait3A_483] : memref<320xi32, #tpu.memory_space<vmem>> -> memref<64xi32, #tpu.memory_space<vmem>>
      %dma_wait3A_485 = arith.constant 0 : i32
      %dma_wait3A_486 = arith.constant 0 : i32
      %dma_wait3A_487 = tpu.memref_slice %arg2[%dma_wait3A_485, %dma_wait3A_486] : memref<100000x64xf32, #tpu.memory_space<hbm>> -> memref<100000x64xf32, #tpu.memory_space<hbm>>
      tpu.wait_indirect_dma semaphore(%arg26 : memref<!tpu.dma_semaphore, #tpu.memory_space<semaphore_mem>>) src(%dma_wait3A_487 : memref<100000x64xf32, #tpu.memory_space<hbm>>) dst(%dma_wait3A_482 : memref<64x64xf32, #tpu.memory_space<vmem>>)
      %dma_wait3A_488 = arith.constant 128 : i32
      %dma_wait3A_489 = arith.constant 0 : i32
      %dma_wait3A_490 = tpu.memref_slice %arg17[%dma_wait3A_488, %dma_wait3A_489] : memref<320x64xf32, #tpu.memory_space<vmem>> -> memref<64x64xf32, #tpu.memory_space<vmem>>
      %dma_wait3A_491 = arith.constant 128 : i32
      %dma_wait3A_492 = tpu.memref_slice %arg11[%dma_wait3A_491] : memref<320xi32, #tpu.memory_space<vmem>> -> memref<64xi32, #tpu.memory_space<vmem>>
      %dma_wait3A_493 = arith.constant 0 : i32
      %dma_wait3A_494 = arith.constant 0 : i32
      %dma_wait3A_495 = tpu.memref_slice %arg2[%dma_wait3A_493, %dma_wait3A_494] : memref<100000x64xf32, #tpu.memory_space<hbm>> -> memref<100000x64xf32, #tpu.memory_space<hbm>>
      tpu.wait_indirect_dma semaphore(%arg26 : memref<!tpu.dma_semaphore, #tpu.memory_space<semaphore_mem>>) src(%dma_wait3A_495 : memref<100000x64xf32, #tpu.memory_space<hbm>>) dst(%dma_wait3A_490 : memref<64x64xf32, #tpu.memory_space<vmem>>)
      %dma_wait3A_496 = arith.constant 128 : i32
      %dma_wait3A_497 = arith.constant 0 : i32
      %dma_wait3A_498 = tpu.memref_slice %arg18[%dma_wait3A_496, %dma_wait3A_497] : memref<320x64xf32, #tpu.memory_space<vmem>> -> memref<64x64xf32, #tpu.memory_space<vmem>>
      %dma_wait3A_499 = arith.constant 128 : i32
      %dma_wait3A_500 = tpu.memref_slice %arg12[%dma_wait3A_499] : memref<320xi32, #tpu.memory_space<vmem>> -> memref<64xi32, #tpu.memory_space<vmem>>
      %dma_wait3A_501 = arith.constant 0 : i32
      %dma_wait3A_502 = arith.constant 0 : i32
      %dma_wait3A_503 = tpu.memref_slice %arg2[%dma_wait3A_501, %dma_wait3A_502] : memref<100000x64xf32, #tpu.memory_space<hbm>> -> memref<100000x64xf32, #tpu.memory_space<hbm>>
      tpu.wait_indirect_dma semaphore(%arg26 : memref<!tpu.dma_semaphore, #tpu.memory_space<semaphore_mem>>) src(%dma_wait3A_503 : memref<100000x64xf32, #tpu.memory_space<hbm>>) dst(%dma_wait3A_498 : memref<64x64xf32, #tpu.memory_space<vmem>>)
      %dma_wait3A_504 = arith.constant 192 : i32
      %dma_wait3A_505 = arith.constant 0 : i32
      %dma_wait3A_506 = tpu.memref_slice %arg17[%dma_wait3A_504, %dma_wait3A_505] : memref<320x64xf32, #tpu.memory_space<vmem>> -> memref<64x64xf32, #tpu.memory_space<vmem>>
      %dma_wait3A_507 = arith.constant 192 : i32
      %dma_wait3A_508 = tpu.memref_slice %arg11[%dma_wait3A_507] : memref<320xi32, #tpu.memory_space<vmem>> -> memref<64xi32, #tpu.memory_space<vmem>>
      %dma_wait3A_509 = arith.constant 0 : i32
      %dma_wait3A_510 = arith.constant 0 : i32
      %dma_wait3A_511 = tpu.memref_slice %arg2[%dma_wait3A_509, %dma_wait3A_510] : memref<100000x64xf32, #tpu.memory_space<hbm>> -> memref<100000x64xf32, #tpu.memory_space<hbm>>
      tpu.wait_indirect_dma semaphore(%arg26 : memref<!tpu.dma_semaphore, #tpu.memory_space<semaphore_mem>>) src(%dma_wait3A_511 : memref<100000x64xf32, #tpu.memory_space<hbm>>) dst(%dma_wait3A_506 : memref<64x64xf32, #tpu.memory_space<vmem>>)
      %dma_wait3A_512 = arith.constant 192 : i32
      %dma_wait3A_513 = arith.constant 0 : i32
      %dma_wait3A_514 = tpu.memref_slice %arg18[%dma_wait3A_512, %dma_wait3A_513] : memref<320x64xf32, #tpu.memory_space<vmem>> -> memref<64x64xf32, #tpu.memory_space<vmem>>
      %dma_wait3A_515 = arith.constant 192 : i32
      %dma_wait3A_516 = tpu.memref_slice %arg12[%dma_wait3A_515] : memref<320xi32, #tpu.memory_space<vmem>> -> memref<64xi32, #tpu.memory_space<vmem>>
      %dma_wait3A_517 = arith.constant 0 : i32
      %dma_wait3A_518 = arith.constant 0 : i32
      %dma_wait3A_519 = tpu.memref_slice %arg2[%dma_wait3A_517, %dma_wait3A_518] : memref<100000x64xf32, #tpu.memory_space<hbm>> -> memref<100000x64xf32, #tpu.memory_space<hbm>>
      tpu.wait_indirect_dma semaphore(%arg26 : memref<!tpu.dma_semaphore, #tpu.memory_space<semaphore_mem>>) src(%dma_wait3A_519 : memref<100000x64xf32, #tpu.memory_space<hbm>>) dst(%dma_wait3A_514 : memref<64x64xf32, #tpu.memory_space<vmem>>)
      %dma_wait3A_520 = arith.constant 256 : i32
      %dma_wait3A_521 = arith.constant 0 : i32
      %dma_wait3A_522 = tpu.memref_slice %arg17[%dma_wait3A_520, %dma_wait3A_521] : memref<320x64xf32, #tpu.memory_space<vmem>> -> memref<64x64xf32, #tpu.memory_space<vmem>>
      %dma_wait3A_523 = arith.constant 256 : i32
      %dma_wait3A_524 = tpu.memref_slice %arg11[%dma_wait3A_523] : memref<320xi32, #tpu.memory_space<vmem>> -> memref<64xi32, #tpu.memory_space<vmem>>
      %dma_wait3A_525 = arith.constant 0 : i32
      %dma_wait3A_526 = arith.constant 0 : i32
      %dma_wait3A_527 = tpu.memref_slice %arg2[%dma_wait3A_525, %dma_wait3A_526] : memref<100000x64xf32, #tpu.memory_space<hbm>> -> memref<100000x64xf32, #tpu.memory_space<hbm>>
      tpu.wait_indirect_dma semaphore(%arg26 : memref<!tpu.dma_semaphore, #tpu.memory_space<semaphore_mem>>) src(%dma_wait3A_527 : memref<100000x64xf32, #tpu.memory_space<hbm>>) dst(%dma_wait3A_522 : memref<64x64xf32, #tpu.memory_space<vmem>>)
      %dma_wait3A_528 = arith.constant 256 : i32
      %dma_wait3A_529 = arith.constant 0 : i32
      %dma_wait3A_530 = tpu.memref_slice %arg18[%dma_wait3A_528, %dma_wait3A_529] : memref<320x64xf32, #tpu.memory_space<vmem>> -> memref<64x64xf32, #tpu.memory_space<vmem>>
      %dma_wait3A_531 = arith.constant 256 : i32
      %dma_wait3A_532 = tpu.memref_slice %arg12[%dma_wait3A_531] : memref<320xi32, #tpu.memory_space<vmem>> -> memref<64xi32, #tpu.memory_space<vmem>>
      %dma_wait3A_533 = arith.constant 0 : i32
      %dma_wait3A_534 = arith.constant 0 : i32
      %dma_wait3A_535 = tpu.memref_slice %arg2[%dma_wait3A_533, %dma_wait3A_534] : memref<100000x64xf32, #tpu.memory_space<hbm>> -> memref<100000x64xf32, #tpu.memory_space<hbm>>
      tpu.wait_indirect_dma semaphore(%arg26 : memref<!tpu.dma_semaphore, #tpu.memory_space<semaphore_mem>>) src(%dma_wait3A_535 : memref<100000x64xf32, #tpu.memory_space<hbm>>) dst(%dma_wait3A_530 : memref<64x64xf32, #tpu.memory_space<vmem>>)
      %lt3A_536 = arith.constant 30 : i32
      %lt3A_537 = arith.cmpi slt, %add3A_447, %lt3A_536 : i32
      %convert_element_type3A_538 = arith.extui %lt3A_537 : i1 to i32
      %cond3A_539 = arith.constant 0 : i32
      %cond3A_540 = arith.cmpi ne, %convert_element_type3A_538, %cond3A_539 : i32
      scf.if %cond3A_540 {
        %add3A_711 = arith.constant 2 : i32
        %add3A_712 = arith.addi %add3A_447, %add3A_711 : i32
        %mul3A_713 = arith.constant 10240 : i32
        %mul3A_714 = arith.muli %add3A, %mul3A_713 : i32
        %mul3A_715 = arith.constant 320 : i32
        %mul3A_716 = arith.muli %add3A_712, %mul3A_715 : i32
        %add3A_717 = arith.addi %mul3A_714, %mul3A_716 : i32
        %mul3A_718 = arith.constant 512 : i32
        %mul3A_719 = arith.muli %add3A, %mul3A_718 : i32
        %mul3A_720 = arith.constant 16 : i32
        %mul3A_721 = arith.muli %add3A_712, %mul3A_720 : i32
        %add3A_722 = arith.addi %mul3A_719, %mul3A_721 : i32
        %dma_start3A_723 = tpu.memref_slice %arg3[%add3A_717] : memref<327680xi32, #tpu.memory_space<hbm>> -> memref<320xi32, #tpu.memory_space<hbm>>
        %dma_start3A_724 = tpu.memref_slice %arg3[%add3A_717] : memref<327680xi32, #tpu.memory_space<hbm>> -> memref<320xi32, #tpu.memory_space<hbm>>
        tpu.enqueue_dma source(%dma_start3A_724 : memref<320xi32, #tpu.memory_space<hbm>>) target(%arg11 : memref<320xi32, #tpu.memory_space<vmem>>) target_semaphore(%arg24 : memref<!tpu.dma_semaphore, #tpu.memory_space<semaphore_mem>>)
        %dma_start3A_725 = tpu.memref_slice %arg5[%add3A_717] : memref<327680xi32, #tpu.memory_space<hbm>> -> memref<320xi32, #tpu.memory_space<hbm>>
        %dma_start3A_726 = tpu.memref_slice %arg5[%add3A_717] : memref<327680xi32, #tpu.memory_space<hbm>> -> memref<320xi32, #tpu.memory_space<hbm>>
        tpu.enqueue_dma source(%dma_start3A_726 : memref<320xi32, #tpu.memory_space<hbm>>) target(%arg12 : memref<320xi32, #tpu.memory_space<vmem>>) target_semaphore(%arg24 : memref<!tpu.dma_semaphore, #tpu.memory_space<semaphore_mem>>)
        %dma_start3A_727 = tpu.memref_slice %arg4[%add3A_722] : memref<16384xi32, #tpu.memory_space<hbm>> -> memref<16xi32, #tpu.memory_space<hbm>>
        %dma_start3A_728 = tpu.memref_slice %arg4[%add3A_722] : memref<16384xi32, #tpu.memory_space<hbm>> -> memref<16xi32, #tpu.memory_space<hbm>>
        tpu.enqueue_dma source(%dma_start3A_728 : memref<16xi32, #tpu.memory_space<hbm>>) target(%arg13 : memref<16xi32, #tpu.memory_space<vmem>>) target_semaphore(%arg24 : memref<!tpu.dma_semaphore, #tpu.memory_space<semaphore_mem>>)
      } else {
      }
      %scan3A_541 = arith.constant 0 : i32
      %scan3A_542 = arith.constant 16 : i32
      %scan3A_543 = arith.addi %scan3A_541, %scan3A_542 : i32
      %scan3A_544 = arith.constant 1 : i32
      scf.for %scan3A_711 = %scan3A_541 to %scan3A_543 step %scan3A_544  : i32 {
        %mul3A_712 = arith.constant 1 : i32
        %mul3A_713 = arith.muli %scan3A_711, %mul3A_712 : i32
        %add3A_714 = arith.constant 0 : i32
        %add3A_715 = arith.addi %add3A_714, %mul3A_713 : i32
        %get3A = arith.index_cast %add3A_715 : i32 to index
        %get3A_716 = arith.constant 0 : index
        %get3A_717 = tpu.vector_load %arg19[%get3A, %get3A_716] {strides = array<i32>} : memref<16x64xf32, #tpu.memory_space<vmem>>, vector<16xf32>,
        %get3A_718 = arith.index_cast %add3A_715 : i32 to index
        %get3A_719 = arith.constant 16 : index
        %get3A_720 = tpu.vector_load %arg19[%get3A_718, %get3A_719] {strides = array<i32>} : memref<16x64xf32, #tpu.memory_space<vmem>>, vector<16xf32>,
        %get3A_721 = arith.index_cast %add3A_715 : i32 to index
        %get3A_722 = arith.constant 32 : index
        %get3A_723 = tpu.vector_load %arg19[%get3A_721, %get3A_722] {strides = array<i32>} : memref<16x64xf32, #tpu.memory_space<vmem>>, vector<16xf32>,
        %get3A_724 = arith.index_cast %add3A_715 : i32 to index
        %get3A_725 = arith.constant 48 : index
        %get3A_726 = tpu.vector_load %arg19[%get3A_724, %get3A_725] {strides = array<i32>} : memref<16x64xf32, #tpu.memory_space<vmem>>, vector<16xf32>,
        %mul3A_727 = arith.constant 20 : i32
        %mul3A_728 = arith.muli %add3A_715, %mul3A_727 : i32
        %add3A_729 = arith.constant 0 : i32
        %add3A_730 = arith.addi %mul3A_728, %add3A_729 : i32
        %get3A_731 = arith.index_cast %add3A_730 : i32 to index
        %get3A_732 = arith.constant 0 : index
        %get3A_733 = tpu.vector_load %arg17[%get3A_731, %get3A_732] {strides = array<i32>} : memref<320x64xf32, #tpu.memory_space<vmem>>, vector<16xf32>,
        %add3A_734 = arith.constant 0 : i32
        %add3A_735 = arith.addi %mul3A_728, %add3A_734 : i32
        %get3A_736 = arith.index_cast %add3A_735 : i32 to index
        %get3A_737 = arith.constant 16 : index
        %get3A_738 = tpu.vector_load %arg17[%get3A_736, %get3A_737] {strides = array<i32>} : memref<320x64xf32, #tpu.memory_space<vmem>>, vector<16xf32>,
        %add3A_739 = arith.constant 0 : i32
        %add3A_740 = arith.addi %mul3A_728, %add3A_739 : i32
        %get3A_741 = arith.index_cast %add3A_740 : i32 to index
        %get3A_742 = arith.constant 32 : index
        %get3A_743 = tpu.vector_load %arg17[%get3A_741, %get3A_742] {strides = array<i32>} : memref<320x64xf32, #tpu.memory_space<vmem>>, vector<16xf32>,
        %add3A_744 = arith.constant 0 : i32
        %add3A_745 = arith.addi %mul3A_728, %add3A_744 : i32
        %get3A_746 = arith.index_cast %add3A_745 : i32 to index
        %get3A_747 = arith.constant 48 : index
        %get3A_748 = tpu.vector_load %arg17[%get3A_746, %get3A_747] {strides = array<i32>} : memref<320x64xf32, #tpu.memory_space<vmem>>, vector<16xf32>,
        %mul3A_749 = arith.mulf %get3A_733, %get3A_717 : vector<16xf32>
        %mul3A_750 = arith.mulf %get3A_738, %get3A_720 : vector<16xf32>
        %add3A_751 = arith.addf %mul3A_749, %mul3A_750 : vector<16xf32>
        %mul3A_752 = arith.mulf %get3A_743, %get3A_723 : vector<16xf32>
        %mul3A_753 = arith.mulf %get3A_748, %get3A_726 : vector<16xf32>
        %add3A_754 = arith.addf %mul3A_752, %mul3A_753 : vector<16xf32>
        %add3A_755 = arith.addf %add3A_751, %add3A_754 : vector<16xf32>
        %swap3A_756 = arith.index_cast %add3A_715 : i32 to index
        %swap3A_757 = arith.constant 0 : index
        %swap3A_758 = tpu.vector_load %arg22[%swap3A_756, %swap3A_757] {strides = array<i32>} : memref<16x64xf32, #tpu.memory_space<vmem>>, vector<16xf32>,
        tpu.vector_store %arg22[%swap3A_756, %swap3A_757], %get3A_733 {strides = array<i32>} : memref<16x64xf32, #tpu.memory_space<vmem>>, vector<16xf32>,
        %swap3A_759 = arith.index_cast %add3A_715 : i32 to index
        %swap3A_760 = arith.constant 16 : index
        %swap3A_761 = tpu.vector_load %arg22[%swap3A_759, %swap3A_760] {strides = array<i32>} : memref<16x64xf32, #tpu.memory_space<vmem>>, vector<16xf32>,
        tpu.vector_store %arg22[%swap3A_759, %swap3A_760], %get3A_738 {strides = array<i32>} : memref<16x64xf32, #tpu.memory_space<vmem>>, vector<16xf32>,
        %swap3A_762 = arith.index_cast %add3A_715 : i32 to index
        %swap3A_763 = arith.constant 32 : index
        %swap3A_764 = tpu.vector_load %arg22[%swap3A_762, %swap3A_763] {strides = array<i32>} : memref<16x64xf32, #tpu.memory_space<vmem>>, vector<16xf32>,
        tpu.vector_store %arg22[%swap3A_762, %swap3A_763], %get3A_743 {strides = array<i32>} : memref<16x64xf32, #tpu.memory_space<vmem>>, vector<16xf32>,
        %swap3A_765 = arith.index_cast %add3A_715 : i32 to index
        %swap3A_766 = arith.constant 48 : index
        %swap3A_767 = tpu.vector_load %arg22[%swap3A_765, %swap3A_766] {strides = array<i32>} : memref<16x64xf32, #tpu.memory_space<vmem>>, vector<16xf32>,
        tpu.vector_store %arg22[%swap3A_765, %swap3A_766], %get3A_748 {strides = array<i32>} : memref<16x64xf32, #tpu.memory_space<vmem>>, vector<16xf32>,
        %add3A_768 = arith.constant 1 : i32
        %add3A_769 = arith.addi %mul3A_728, %add3A_768 : i32
        %get3A_770 = arith.index_cast %add3A_769 : i32 to index
        %get3A_771 = arith.constant 0 : index
        %get3A_772 = tpu.vector_load %arg17[%get3A_770, %get3A_771] {strides = array<i32>} : memref<320x64xf32, #tpu.memory_space<vmem>>, vector<16xf32>,
        %add3A_773 = arith.constant 1 : i32
        %add3A_774 = arith.addi %mul3A_728, %add3A_773 : i32
        %get3A_775 = arith.index_cast %add3A_774 : i32 to index
        %get3A_776 = arith.constant 16 : index
        %get3A_777 = tpu.vector_load %arg17[%get3A_775, %get3A_776] {strides = array<i32>} : memref<320x64xf32, #tpu.memory_space<vmem>>, vector<16xf32>,
        %add3A_778 = arith.constant 1 : i32
        %add3A_779 = arith.addi %mul3A_728, %add3A_778 : i32
        %get3A_780 = arith.index_cast %add3A_779 : i32 to index
        %get3A_781 = arith.constant 32 : index
        %get3A_782 = tpu.vector_load %arg17[%get3A_780, %get3A_781] {strides = array<i32>} : memref<320x64xf32, #tpu.memory_space<vmem>>, vector<16xf32>,
        %add3A_783 = arith.constant 1 : i32
        %add3A_784 = arith.addi %mul3A_728, %add3A_783 : i32
        %get3A_785 = arith.index_cast %add3A_784 : i32 to index
        %get3A_786 = arith.constant 48 : index
        %get3A_787 = tpu.vector_load %arg17[%get3A_785, %get3A_786] {strides = array<i32>} : memref<320x64xf32, #tpu.memory_space<vmem>>, vector<16xf32>,
        %mul3A_788 = arith.mulf %get3A_772, %get3A_717 : vector<16xf32>
        %mul3A_789 = arith.mulf %get3A_777, %get3A_720 : vector<16xf32>
        %add3A_790 = arith.addf %mul3A_788, %mul3A_789 : vector<16xf32>
        %mul3A_791 = arith.mulf %get3A_782, %get3A_723 : vector<16xf32>
        %mul3A_792 = arith.mulf %get3A_787, %get3A_726 : vector<16xf32>
        %add3A_793 = arith.addf %mul3A_791, %mul3A_792 : vector<16xf32>
        %add3A_794 = arith.addf %add3A_790, %add3A_793 : vector<16xf32>
        %swap3A_795 = arith.index_cast %add3A_715 : i32 to index
        %swap3A_796 = arith.constant 0 : index
        %swap3A_797 = tpu.vector_load %arg22[%swap3A_795, %swap3A_796] {strides = array<i32>} : memref<16x64xf32, #tpu.memory_space<vmem>>, vector<16xf32>,
        tpu.vector_store %arg22[%swap3A_795, %swap3A_796], %get3A_772 {add = true, strides = array<i32>} : memref<16x64xf32, #tpu.memory_space<vmem>>, vector<16xf32>,
        %swap3A_798 = arith.index_cast %add3A_715 : i32 to index
        %swap3A_799 = arith.constant 16 : index
        %swap3A_800 = tpu.vector_load %arg22[%swap3A_798, %swap3A_799] {strides = array<i32>} : memref<16x64xf32, #tpu.memory_space<vmem>>, vector<16xf32>,
        tpu.vector_store %arg22[%swap3A_798, %swap3A_799], %get3A_777 {add = true, strides = array<i32>} : memref<16x64xf32, #tpu.memory_space<vmem>>, vector<16xf32>,
        %swap3A_801 = arith.index_cast %add3A_715 : i32 to index
        %swap3A_802 = arith.constant 32 : index
        %swap3A_803 = tpu.vector_load %arg22[%swap3A_801, %swap3A_802] {strides = array<i32>} : memref<16x64xf32, #tpu.memory_space<vmem>>, vector<16xf32>,
        tpu.vector_store %arg22[%swap3A_801, %swap3A_802], %get3A_782 {add = true, strides = array<i32>} : memref<16x64xf32, #tpu.memory_space<vmem>>, vector<16xf32>,
        %swap3A_804 = arith.index_cast %add3A_715 : i32 to index
        %swap3A_805 = arith.constant 48 : index
        %swap3A_806 = tpu.vector_load %arg22[%swap3A_804, %swap3A_805] {strides = array<i32>} : memref<16x64xf32, #tpu.memory_space<vmem>>, vector<16xf32>,
        tpu.vector_store %arg22[%swap3A_804, %swap3A_805], %get3A_787 {add = true, strides = array<i32>} : memref<16x64xf32, #tpu.memory_space<vmem>>, vector<16xf32>,
        %add3A_807 = arith.constant 2 : i32
        %add3A_808 = arith.addi %mul3A_728, %add3A_807 : i32
        %get3A_809 = arith.index_cast %add3A_808 : i32 to index
        %get3A_810 = arith.constant 0 : index
        %get3A_811 = tpu.vector_load %arg17[%get3A_809, %get3A_810] {strides = array<i32>} : memref<320x64xf32, #tpu.memory_space<vmem>>, vector<16xf32>,
        %add3A_812 = arith.constant 2 : i32
        %add3A_813 = arith.addi %mul3A_728, %add3A_812 : i32
        %get3A_814 = arith.index_cast %add3A_813 : i32 to index
        %get3A_815 = arith.constant 16 : index
        %get3A_816 = tpu.vector_load %arg17[%get3A_814, %get3A_815] {strides = array<i32>} : memref<320x64xf32, #tpu.memory_space<vmem>>, vector<16xf32>,
        %add3A_817 = arith.constant 2 : i32
        %add3A_818 = arith.addi %mul3A_728, %add3A_817 : i32
        %get3A_819 = arith.index_cast %add3A_818 : i32 to index
        %get3A_820 = arith.constant 32 : index
        %get3A_821 = tpu.vector_load %arg17[%get3A_819, %get3A_820] {strides = array<i32>} : memref<320x64xf32, #tpu.memory_space<vmem>>, vector<16xf32>,
        %add3A_822 = arith.constant 2 : i32
        %add3A_823 = arith.addi %mul3A_728, %add3A_822 : i32
        %get3A_824 = arith.index_cast %add3A_823 : i32 to index
        %get3A_825 = arith.constant 48 : index
        %get3A_826 = tpu.vector_load %arg17[%get3A_824, %get3A_825] {strides = array<i32>} : memref<320x64xf32, #tpu.memory_space<vmem>>, vector<16xf32>,
        %mul3A_827 = arith.mulf %get3A_811, %get3A_717 : vector<16xf32>
        %mul3A_828 = arith.mulf %get3A_816, %get3A_720 : vector<16xf32>
        %add3A_829 = arith.addf %mul3A_827, %mul3A_828 : vector<16xf32>
        %mul3A_830 = arith.mulf %get3A_821, %get3A_723 : vector<16xf32>
        %mul3A_831 = arith.mulf %get3A_826, %get3A_726 : vector<16xf32>
        %add3A_832 = arith.addf %mul3A_830, %mul3A_831 : vector<16xf32>
        %add3A_833 = arith.addf %add3A_829, %add3A_832 : vector<16xf32>
        %swap3A_834 = arith.index_cast %add3A_715 : i32 to index
        %swap3A_835 = arith.constant 0 : index
        %swap3A_836 = tpu.vector_load %arg22[%swap3A_834, %swap3A_835] {strides = array<i32>} : memref<16x64xf32, #tpu.memory_space<vmem>>, vector<16xf32>,
        tpu.vector_store %arg22[%swap3A_834, %swap3A_835], %get3A_811 {add = true, strides = array<i32>} : memref<16x64xf32, #tpu.memory_space<vmem>>, vector<16xf32>,
        %swap3A_837 = arith.index_cast %add3A_715 : i32 to index
        %swap3A_838 = arith.constant 16 : index
        %swap3A_839 = tpu.vector_load %arg22[%swap3A_837, %swap3A_838] {strides = array<i32>} : memref<16x64xf32, #tpu.memory_space<vmem>>, vector<16xf32>,
        tpu.vector_store %arg22[%swap3A_837, %swap3A_838], %get3A_816 {add = true, strides = array<i32>} : memref<16x64xf32, #tpu.memory_space<vmem>>, vector<16xf32>,
        %swap3A_840 = arith.index_cast %add3A_715 : i32 to index
        %swap3A_841 = arith.constant 32 : index
        %swap3A_842 = tpu.vector_load %arg22[%swap3A_840, %swap3A_841] {strides = array<i32>} : memref<16x64xf32, #tpu.memory_space<vmem>>, vector<16xf32>,
        tpu.vector_store %arg22[%swap3A_840, %swap3A_841], %get3A_821 {add = true, strides = array<i32>} : memref<16x64xf32, #tpu.memory_space<vmem>>, vector<16xf32>,
        %swap3A_843 = arith.index_cast %add3A_715 : i32 to index
        %swap3A_844 = arith.constant 48 : index
        %swap3A_845 = tpu.vector_load %arg22[%swap3A_843, %swap3A_844] {strides = array<i32>} : memref<16x64xf32, #tpu.memory_space<vmem>>, vector<16xf32>,
        tpu.vector_store %arg22[%swap3A_843, %swap3A_844], %get3A_826 {add = true, strides = array<i32>} : memref<16x64xf32, #tpu.memory_space<vmem>>, vector<16xf32>,
        %add3A_846 = arith.constant 3 : i32
        %add3A_847 = arith.addi %mul3A_728, %add3A_846 : i32
        %get3A_848 = arith.index_cast %add3A_847 : i32 to index
        %get3A_849 = arith.constant 0 : index
        %get3A_850 = tpu.vector_load %arg17[%get3A_848, %get3A_849] {strides = array<i32>} : memref<320x64xf32, #tpu.memory_space<vmem>>, vector<16xf32>,
        %add3A_851 = arith.constant 3 : i32
        %add3A_852 = arith.addi %mul3A_728, %add3A_851 : i32
        %get3A_853 = arith.index_cast %add3A_852 : i32 to index
        %get3A_854 = arith.constant 16 : index
        %get3A_855 = tpu.vector_load %arg17[%get3A_853, %get3A_854] {strides = array<i32>} : memref<320x64xf32, #tpu.memory_space<vmem>>, vector<16xf32>,
        %add3A_856 = arith.constant 3 : i32
        %add3A_857 = arith.addi %mul3A_728, %add3A_856 : i32
        %get3A_858 = arith.index_cast %add3A_857 : i32 to index
        %get3A_859 = arith.constant 32 : index
        %get3A_860 = tpu.vector_load %arg17[%get3A_858, %get3A_859] {strides = array<i32>} : memref<320x64xf32, #tpu.memory_space<vmem>>, vector<16xf32>,
        %add3A_861 = arith.constant 3 : i32
        %add3A_862 = arith.addi %mul3A_728, %add3A_861 : i32
        %get3A_863 = arith.index_cast %add3A_862 : i32 to index
        %get3A_864 = arith.constant 48 : index
        %get3A_865 = tpu.vector_load %arg17[%get3A_863, %get3A_864] {strides = array<i32>} : memref<320x64xf32, #tpu.memory_space<vmem>>, vector<16xf32>,
        %mul3A_866 = arith.mulf %get3A_850, %get3A_717 : vector<16xf32>
        %mul3A_867 = arith.mulf %get3A_855, %get3A_720 : vector<16xf32>
        %add3A_868 = arith.addf %mul3A_866, %mul3A_867 : vector<16xf32>
        %mul3A_869 = arith.mulf %get3A_860, %get3A_723 : vector<16xf32>
        %mul3A_870 = arith.mulf %get3A_865, %get3A_726 : vector<16xf32>
        %add3A_871 = arith.addf %mul3A_869, %mul3A_870 : vector<16xf32>
        %add3A_872 = arith.addf %add3A_868, %add3A_871 : vector<16xf32>
        %swap3A_873 = arith.index_cast %add3A_715 : i32 to index
        %swap3A_874 = arith.constant 0 : index
        %swap3A_875 = tpu.vector_load %arg22[%swap3A_873, %swap3A_874] {strides = array<i32>} : memref<16x64xf32, #tpu.memory_space<vmem>>, vector<16xf32>,
        tpu.vector_store %arg22[%swap3A_873, %swap3A_874], %get3A_850 {add = true, strides = array<i32>} : memref<16x64xf32, #tpu.memory_space<vmem>>, vector<16xf32>,
        %swap3A_876 = arith.index_cast %add3A_715 : i32 to index
        %swap3A_877 = arith.constant 16 : index
        %swap3A_878 = tpu.vector_load %arg22[%swap3A_876, %swap3A_877] {strides = array<i32>} : memref<16x64xf32, #tpu.memory_space<vmem>>, vector<16xf32>,
        tpu.vector_store %arg22[%swap3A_876, %swap3A_877], %get3A_855 {add = true, strides = array<i32>} : memref<16x64xf32, #tpu.memory_space<vmem>>, vector<16xf32>,
        %swap3A_879 = arith.index_cast %add3A_715 : i32 to index
        %swap3A_880 = arith.constant 32 : index
        %swap3A_881 = tpu.vector_load %arg22[%swap3A_879, %swap3A_880] {strides = array<i32>} : memref<16x64xf32, #tpu.memory_space<vmem>>, vector<16xf32>,
        tpu.vector_store %arg22[%swap3A_879, %swap3A_880], %get3A_860 {add = true, strides = array<i32>} : memref<16x64xf32, #tpu.memory_space<vmem>>, vector<16xf32>,
        %swap3A_882 = arith.index_cast %add3A_715 : i32 to index
        %swap3A_883 = arith.constant 48 : index
        %swap3A_884 = tpu.vector_load %arg22[%swap3A_882, %swap3A_883] {strides = array<i32>} : memref<16x64xf32, #tpu.memory_space<vmem>>, vector<16xf32>,
        tpu.vector_store %arg22[%swap3A_882, %swap3A_883], %get3A_865 {add = true, strides = array<i32>} : memref<16x64xf32, #tpu.memory_space<vmem>>, vector<16xf32>,
        %add3A_885 = arith.constant 4 : i32
        %add3A_886 = arith.addi %mul3A_728, %add3A_885 : i32
        %get3A_887 = arith.index_cast %add3A_886 : i32 to index
        %get3A_888 = arith.constant 0 : index
        %get3A_889 = tpu.vector_load %arg17[%get3A_887, %get3A_888] {strides = array<i32>} : memref<320x64xf32, #tpu.memory_space<vmem>>, vector<16xf32>,
        %add3A_890 = arith.constant 4 : i32
        %add3A_891 = arith.addi %mul3A_728, %add3A_890 : i32
        %get3A_892 = arith.index_cast %add3A_891 : i32 to index
        %get3A_893 = arith.constant 16 : index
        %get3A_894 = tpu.vector_load %arg17[%get3A_892, %get3A_893] {strides = array<i32>} : memref<320x64xf32, #tpu.memory_space<vmem>>, vector<16xf32>,
        %add3A_895 = arith.constant 4 : i32
        %add3A_896 = arith.addi %mul3A_728, %add3A_895 : i32
        %get3A_897 = arith.index_cast %add3A_896 : i32 to index
        %get3A_898 = arith.constant 32 : index
        %get3A_899 = tpu.vector_load %arg17[%get3A_897, %get3A_898] {strides = array<i32>} : memref<320x64xf32, #tpu.memory_space<vmem>>, vector<16xf32>,
        %add3A_900 = arith.constant 4 : i32
        %add3A_901 = arith.addi %mul3A_728, %add3A_900 : i32
        %get3A_902 = arith.index_cast %add3A_901 : i32 to index
        %get3A_903 = arith.constant 48 : index
        %get3A_904 = tpu.vector_load %arg17[%get3A_902, %get3A_903] {strides = array<i32>} : memref<320x64xf32, #tpu.memory_space<vmem>>, vector<16xf32>,
        %mul3A_905 = arith.mulf %get3A_889, %get3A_717 : vector<16xf32>
        %mul3A_906 = arith.mulf %get3A_894, %get3A_720 : vector<16xf32>
        %add3A_907 = arith.addf %mul3A_905, %mul3A_906 : vector<16xf32>
        %mul3A_908 = arith.mulf %get3A_899, %get3A_723 : vector<16xf32>
        %mul3A_909 = arith.mulf %get3A_904, %get3A_726 : vector<16xf32>
        %add3A_910 = arith.addf %mul3A_908, %mul3A_909 : vector<16xf32>
        %add3A_911 = arith.addf %add3A_907, %add3A_910 : vector<16xf32>
        %swap3A_912 = arith.index_cast %add3A_715 : i32 to index
        %swap3A_913 = arith.constant 0 : index
        %swap3A_914 = tpu.vector_load %arg22[%swap3A_912, %swap3A_913] {strides = array<i32>} : memref<16x64xf32, #tpu.memory_space<vmem>>, vector<16xf32>,
        tpu.vector_store %arg22[%swap3A_912, %swap3A_913], %get3A_889 {add = true, strides = array<i32>} : memref<16x64xf32, #tpu.memory_space<vmem>>, vector<16xf32>,
        %swap3A_915 = arith.index_cast %add3A_715 : i32 to index
        %swap3A_916 = arith.constant 16 : index
        %swap3A_917 = tpu.vector_load %arg22[%swap3A_915, %swap3A_916] {strides = array<i32>} : memref<16x64xf32, #tpu.memory_space<vmem>>, vector<16xf32>,
        tpu.vector_store %arg22[%swap3A_915, %swap3A_916], %get3A_894 {add = true, strides = array<i32>} : memref<16x64xf32, #tpu.memory_space<vmem>>, vector<16xf32>,
        %swap3A_918 = arith.index_cast %add3A_715 : i32 to index
        %swap3A_919 = arith.constant 32 : index
        %swap3A_920 = tpu.vector_load %arg22[%swap3A_918, %swap3A_919] {strides = array<i32>} : memref<16x64xf32, #tpu.memory_space<vmem>>, vector<16xf32>,
        tpu.vector_store %arg22[%swap3A_918, %swap3A_919], %get3A_899 {add = true, strides = array<i32>} : memref<16x64xf32, #tpu.memory_space<vmem>>, vector<16xf32>,
        %swap3A_921 = arith.index_cast %add3A_715 : i32 to index
        %swap3A_922 = arith.constant 48 : index
        %swap3A_923 = tpu.vector_load %arg22[%swap3A_921, %swap3A_922] {strides = array<i32>} : memref<16x64xf32, #tpu.memory_space<vmem>>, vector<16xf32>,
        tpu.vector_store %arg22[%swap3A_921, %swap3A_922], %get3A_904 {add = true, strides = array<i32>} : memref<16x64xf32, #tpu.memory_space<vmem>>, vector<16xf32>,
        %add3A_924 = arith.constant 5 : i32
        %add3A_925 = arith.addi %mul3A_728, %add3A_924 : i32
        %get3A_926 = arith.index_cast %add3A_925 : i32 to index
        %get3A_927 = arith.constant 0 : index
        %get3A_928 = tpu.vector_load %arg17[%get3A_926, %get3A_927] {strides = array<i32>} : memref<320x64xf32, #tpu.memory_space<vmem>>, vector<16xf32>,
        %add3A_929 = arith.constant 5 : i32
        %add3A_930 = arith.addi %mul3A_728, %add3A_929 : i32
        %get3A_931 = arith.index_cast %add3A_930 : i32 to index
        %get3A_932 = arith.constant 16 : index
        %get3A_933 = tpu.vector_load %arg17[%get3A_931, %get3A_932] {strides = array<i32>} : memref<320x64xf32, #tpu.memory_space<vmem>>, vector<16xf32>,
        %add3A_934 = arith.constant 5 : i32
        %add3A_935 = arith.addi %mul3A_728, %add3A_934 : i32
        %get3A_936 = arith.index_cast %add3A_935 : i32 to index
        %get3A_937 = arith.constant 32 : index
        %get3A_938 = tpu.vector_load %arg17[%get3A_936, %get3A_937] {strides = array<i32>} : memref<320x64xf32, #tpu.memory_space<vmem>>, vector<16xf32>,
        %add3A_939 = arith.constant 5 : i32
        %add3A_940 = arith.addi %mul3A_728, %add3A_939 : i32
        %get3A_941 = arith.index_cast %add3A_940 : i32 to index
        %get3A_942 = arith.constant 48 : index
        %get3A_943 = tpu.vector_load %arg17[%get3A_941, %get3A_942] {strides = array<i32>} : memref<320x64xf32, #tpu.memory_space<vmem>>, vector<16xf32>,
        %mul3A_944 = arith.mulf %get3A_928, %get3A_717 : vector<16xf32>
        %mul3A_945 = arith.mulf %get3A_933, %get3A_720 : vector<16xf32>
        %add3A_946 = arith.addf %mul3A_944, %mul3A_945 : vector<16xf32>
        %mul3A_947 = arith.mulf %get3A_938, %get3A_723 : vector<16xf32>
        %mul3A_948 = arith.mulf %get3A_943, %get3A_726 : vector<16xf32>
        %add3A_949 = arith.addf %mul3A_947, %mul3A_948 : vector<16xf32>
        %add3A_950 = arith.addf %add3A_946, %add3A_949 : vector<16xf32>
        %swap3A_951 = arith.index_cast %add3A_715 : i32 to index
        %swap3A_952 = arith.constant 0 : index
        %swap3A_953 = tpu.vector_load %arg22[%swap3A_951, %swap3A_952] {strides = array<i32>} : memref<16x64xf32, #tpu.memory_space<vmem>>, vector<16xf32>,
        tpu.vector_store %arg22[%swap3A_951, %swap3A_952], %get3A_928 {add = true, strides = array<i32>} : memref<16x64xf32, #tpu.memory_space<vmem>>, vector<16xf32>,
        %swap3A_954 = arith.index_cast %add3A_715 : i32 to index
        %swap3A_955 = arith.constant 16 : index
        %swap3A_956 = tpu.vector_load %arg22[%swap3A_954, %swap3A_955] {strides = array<i32>} : memref<16x64xf32, #tpu.memory_space<vmem>>, vector<16xf32>,
        tpu.vector_store %arg22[%swap3A_954, %swap3A_955], %get3A_933 {add = true, strides = array<i32>} : memref<16x64xf32, #tpu.memory_space<vmem>>, vector<16xf32>,
        %swap3A_957 = arith.index_cast %add3A_715 : i32 to index
        %swap3A_958 = arith.constant 32 : index
        %swap3A_959 = tpu.vector_load %arg22[%swap3A_957, %swap3A_958] {strides = array<i32>} : memref<16x64xf32, #tpu.memory_space<vmem>>, vector<16xf32>,
        tpu.vector_store %arg22[%swap3A_957, %swap3A_958], %get3A_938 {add = true, strides = array<i32>} : memref<16x64xf32, #tpu.memory_space<vmem>>, vector<16xf32>,
        %swap3A_960 = arith.index_cast %add3A_715 : i32 to index
        %swap3A_961 = arith.constant 48 : index
        %swap3A_962 = tpu.vector_load %arg22[%swap3A_960, %swap3A_961] {strides = array<i32>} : memref<16x64xf32, #tpu.memory_space<vmem>>, vector<16xf32>,
        tpu.vector_store %arg22[%swap3A_960, %swap3A_961], %get3A_943 {add = true, strides = array<i32>} : memref<16x64xf32, #tpu.memory_space<vmem>>, vector<16xf32>,
        %add3A_963 = arith.constant 6 : i32
        %add3A_964 = arith.addi %mul3A_728, %add3A_963 : i32
        %get3A_965 = arith.index_cast %add3A_964 : i32 to index
        %get3A_966 = arith.constant 0 : index
        %get3A_967 = tpu.vector_load %arg17[%get3A_965, %get3A_966] {strides = array<i32>} : memref<320x64xf32, #tpu.memory_space<vmem>>, vector<16xf32>,
        %add3A_968 = arith.constant 6 : i32
        %add3A_969 = arith.addi %mul3A_728, %add3A_968 : i32
        %get3A_970 = arith.index_cast %add3A_969 : i32 to index
        %get3A_971 = arith.constant 16 : index
        %get3A_972 = tpu.vector_load %arg17[%get3A_970, %get3A_971] {strides = array<i32>} : memref<320x64xf32, #tpu.memory_space<vmem>>, vector<16xf32>,
        %add3A_973 = arith.constant 6 : i32
        %add3A_974 = arith.addi %mul3A_728, %add3A_973 : i32
        %get3A_975 = arith.index_cast %add3A_974 : i32 to index
        %get3A_976 = arith.constant 32 : index
        %get3A_977 = tpu.vector_load %arg17[%get3A_975, %get3A_976] {strides = array<i32>} : memref<320x64xf32, #tpu.memory_space<vmem>>, vector<16xf32>,
        %add3A_978 = arith.constant 6 : i32
        %add3A_979 = arith.addi %mul3A_728, %add3A_978 : i32
        %get3A_980 = arith.index_cast %add3A_979 : i32 to index
        %get3A_981 = arith.constant 48 : index
        %get3A_982 = tpu.vector_load %arg17[%get3A_980, %get3A_981] {strides = array<i32>} : memref<320x64xf32, #tpu.memory_space<vmem>>, vector<16xf32>,
        %mul3A_983 = arith.mulf %get3A_967, %get3A_717 : vector<16xf32>
        %mul3A_984 = arith.mulf %get3A_972, %get3A_720 : vector<16xf32>
        %add3A_985 = arith.addf %mul3A_983, %mul3A_984 : vector<16xf32>
        %mul3A_986 = arith.mulf %get3A_977, %get3A_723 : vector<16xf32>
        %mul3A_987 = arith.mulf %get3A_982, %get3A_726 : vector<16xf32>
        %add3A_988 = arith.addf %mul3A_986, %mul3A_987 : vector<16xf32>
        %add3A_989 = arith.addf %add3A_985, %add3A_988 : vector<16xf32>
        %swap3A_990 = arith.index_cast %add3A_715 : i32 to index
        %swap3A_991 = arith.constant 0 : index
        %swap3A_992 = tpu.vector_load %arg22[%swap3A_990, %swap3A_991] {strides = array<i32>} : memref<16x64xf32, #tpu.memory_space<vmem>>, vector<16xf32>,
        tpu.vector_store %arg22[%swap3A_990, %swap3A_991], %get3A_967 {add = true, strides = array<i32>} : memref<16x64xf32, #tpu.memory_space<vmem>>, vector<16xf32>,
        %swap3A_993 = arith.index_cast %add3A_715 : i32 to index
        %swap3A_994 = arith.constant 16 : index
        %swap3A_995 = tpu.vector_load %arg22[%swap3A_993, %swap3A_994] {strides = array<i32>} : memref<16x64xf32, #tpu.memory_space<vmem>>, vector<16xf32>,
        tpu.vector_store %arg22[%swap3A_993, %swap3A_994], %get3A_972 {add = true, strides = array<i32>} : memref<16x64xf32, #tpu.memory_space<vmem>>, vector<16xf32>,
        %swap3A_996 = arith.index_cast %add3A_715 : i32 to index
        %swap3A_997 = arith.constant 32 : index
        %swap3A_998 = tpu.vector_load %arg22[%swap3A_996, %swap3A_997] {strides = array<i32>} : memref<16x64xf32, #tpu.memory_space<vmem>>, vector<16xf32>,
        tpu.vector_store %arg22[%swap3A_996, %swap3A_997], %get3A_977 {add = true, strides = array<i32>} : memref<16x64xf32, #tpu.memory_space<vmem>>, vector<16xf32>,
        %swap3A_999 = arith.index_cast %add3A_715 : i32 to index
        %swap3A_1000 = arith.constant 48 : index
        %swap3A_1001 = tpu.vector_load %arg22[%swap3A_999, %swap3A_1000] {strides = array<i32>} : memref<16x64xf32, #tpu.memory_space<vmem>>, vector<16xf32>,
        tpu.vector_store %arg22[%swap3A_999, %swap3A_1000], %get3A_982 {add = true, strides = array<i32>} : memref<16x64xf32, #tpu.memory_space<vmem>>, vector<16xf32>,
        %add3A_1002 = arith.constant 7 : i32
        %add3A_1003 = arith.addi %mul3A_728, %add3A_1002 : i32
        %get3A_1004 = arith.index_cast %add3A_1003 : i32 to index
        %get3A_1005 = arith.constant 0 : index
        %get3A_1006 = tpu.vector_load %arg17[%get3A_1004, %get3A_1005] {strides = array<i32>} : memref<320x64xf32, #tpu.memory_space<vmem>>, vector<16xf32>,
        %add3A_1007 = arith.constant 7 : i32
        %add3A_1008 = arith.addi %mul3A_728, %add3A_1007 : i32
        %get3A_1009 = arith.index_cast %add3A_1008 : i32 to index
        %get3A_1010 = arith.constant 16 : index
        %get3A_1011 = tpu.vector_load %arg17[%get3A_1009, %get3A_1010] {strides = array<i32>} : memref<320x64xf32, #tpu.memory_space<vmem>>, vector<16xf32>,
        %add3A_1012 = arith.constant 7 : i32
        %add3A_1013 = arith.addi %mul3A_728, %add3A_1012 : i32
        %get3A_1014 = arith.index_cast %add3A_1013 : i32 to index
        %get3A_1015 = arith.constant 32 : index
        %get3A_1016 = tpu.vector_load %arg17[%get3A_1014, %get3A_1015] {strides = array<i32>} : memref<320x64xf32, #tpu.memory_space<vmem>>, vector<16xf32>,
        %add3A_1017 = arith.constant 7 : i32
        %add3A_1018 = arith.addi %mul3A_728, %add3A_1017 : i32
        %get3A_1019 = arith.index_cast %add3A_1018 : i32 to index
        %get3A_1020 = arith.constant 48 : index
        %get3A_1021 = tpu.vector_load %arg17[%get3A_1019, %get3A_1020] {strides = array<i32>} : memref<320x64xf32, #tpu.memory_space<vmem>>, vector<16xf32>,
        %mul3A_1022 = arith.mulf %get3A_1006, %get3A_717 : vector<16xf32>
        %mul3A_1023 = arith.mulf %get3A_1011, %get3A_720 : vector<16xf32>
        %add3A_1024 = arith.addf %mul3A_1022, %mul3A_1023 : vector<16xf32>
        %mul3A_1025 = arith.mulf %get3A_1016, %get3A_723 : vector<16xf32>
        %mul3A_1026 = arith.mulf %get3A_1021, %get3A_726 : vector<16xf32>
        %add3A_1027 = arith.addf %mul3A_1025, %mul3A_1026 : vector<16xf32>
        %add3A_1028 = arith.addf %add3A_1024, %add3A_1027 : vector<16xf32>
        %swap3A_1029 = arith.index_cast %add3A_715 : i32 to index
        %swap3A_1030 = arith.constant 0 : index
        %swap3A_1031 = tpu.vector_load %arg22[%swap3A_1029, %swap3A_1030] {strides = array<i32>} : memref<16x64xf32, #tpu.memory_space<vmem>>, vector<16xf32>,
        tpu.vector_store %arg22[%swap3A_1029, %swap3A_1030], %get3A_1006 {add = true, strides = array<i32>} : memref<16x64xf32, #tpu.memory_space<vmem>>, vector<16xf32>,
        %swap3A_1032 = arith.index_cast %add3A_715 : i32 to index
        %swap3A_1033 = arith.constant 16 : index
        %swap3A_1034 = tpu.vector_load %arg22[%swap3A_1032, %swap3A_1033] {strides = array<i32>} : memref<16x64xf32, #tpu.memory_space<vmem>>, vector<16xf32>,
        tpu.vector_store %arg22[%swap3A_1032, %swap3A_1033], %get3A_1011 {add = true, strides = array<i32>} : memref<16x64xf32, #tpu.memory_space<vmem>>, vector<16xf32>,
        %swap3A_1035 = arith.index_cast %add3A_715 : i32 to index
        %swap3A_1036 = arith.constant 32 : index
        %swap3A_1037 = tpu.vector_load %arg22[%swap3A_1035, %swap3A_1036] {strides = array<i32>} : memref<16x64xf32, #tpu.memory_space<vmem>>, vector<16xf32>,
        tpu.vector_store %arg22[%swap3A_1035, %swap3A_1036], %get3A_1016 {add = true, strides = array<i32>} : memref<16x64xf32, #tpu.memory_space<vmem>>, vector<16xf32>,
        %swap3A_1038 = arith.index_cast %add3A_715 : i32 to index
        %swap3A_1039 = arith.constant 48 : index
        %swap3A_1040 = tpu.vector_load %arg22[%swap3A_1038, %swap3A_1039] {strides = array<i32>} : memref<16x64xf32, #tpu.memory_space<vmem>>, vector<16xf32>,
        tpu.vector_store %arg22[%swap3A_1038, %swap3A_1039], %get3A_1021 {add = true, strides = array<i32>} : memref<16x64xf32, #tpu.memory_space<vmem>>, vector<16xf32>,
        %add3A_1041 = arith.constant 8 : i32
        %add3A_1042 = arith.addi %mul3A_728, %add3A_1041 : i32
        %get3A_1043 = arith.index_cast %add3A_1042 : i32 to index
        %get3A_1044 = arith.constant 0 : index
        %get3A_1045 = tpu.vector_load %arg17[%get3A_1043, %get3A_1044] {strides = array<i32>} : memref<320x64xf32, #tpu.memory_space<vmem>>, vector<16xf32>,
        %add3A_1046 = arith.constant 8 : i32
        %add3A_1047 = arith.addi %mul3A_728, %add3A_1046 : i32
        %get3A_1048 = arith.index_cast %add3A_1047 : i32 to index
        %get3A_1049 = arith.constant 16 : index
        %get3A_1050 = tpu.vector_load %arg17[%get3A_1048, %get3A_1049] {strides = array<i32>} : memref<320x64xf32, #tpu.memory_space<vmem>>, vector<16xf32>,
        %add3A_1051 = arith.constant 8 : i32
        %add3A_1052 = arith.addi %mul3A_728, %add3A_1051 : i32
        %get3A_1053 = arith.index_cast %add3A_1052 : i32 to index
        %get3A_1054 = arith.constant 32 : index
        %get3A_1055 = tpu.vector_load %arg17[%get3A_1053, %get3A_1054] {strides = array<i32>} : memref<320x64xf32, #tpu.memory_space<vmem>>, vector<16xf32>,
        %add3A_1056 = arith.constant 8 : i32
        %add3A_1057 = arith.addi %mul3A_728, %add3A_1056 : i32
        %get3A_1058 = arith.index_cast %add3A_1057 : i32 to index
        %get3A_1059 = arith.constant 48 : index
        %get3A_1060 = tpu.vector_load %arg17[%get3A_1058, %get3A_1059] {strides = array<i32>} : memref<320x64xf32, #tpu.memory_space<vmem>>, vector<16xf32>,
        %mul3A_1061 = arith.mulf %get3A_1045, %get3A_717 : vector<16xf32>
        %mul3A_1062 = arith.mulf %get3A_1050, %get3A_720 : vector<16xf32>
        %add3A_1063 = arith.addf %mul3A_1061, %mul3A_1062 : vector<16xf32>
        %mul3A_1064 = arith.mulf %get3A_1055, %get3A_723 : vector<16xf32>
        %mul3A_1065 = arith.mulf %get3A_1060, %get3A_726 : vector<16xf32>
        %add3A_1066 = arith.addf %mul3A_1064, %mul3A_1065 : vector<16xf32>
        %add3A_1067 = arith.addf %add3A_1063, %add3A_1066 : vector<16xf32>
        %swap3A_1068 = arith.index_cast %add3A_715 : i32 to index
        %swap3A_1069 = arith.constant 0 : index
        %swap3A_1070 = tpu.vector_load %arg22[%swap3A_1068, %swap3A_1069] {strides = array<i32>} : memref<16x64xf32, #tpu.memory_space<vmem>>, vector<16xf32>,
        tpu.vector_store %arg22[%swap3A_1068, %swap3A_1069], %get3A_1045 {add = true, strides = array<i32>} : memref<16x64xf32, #tpu.memory_space<vmem>>, vector<16xf32>,
        %swap3A_1071 = arith.index_cast %add3A_715 : i32 to index
        %swap3A_1072 = arith.constant 16 : index
        %swap3A_1073 = tpu.vector_load %arg22[%swap3A_1071, %swap3A_1072] {strides = array<i32>} : memref<16x64xf32, #tpu.memory_space<vmem>>, vector<16xf32>,
        tpu.vector_store %arg22[%swap3A_1071, %swap3A_1072], %get3A_1050 {add = true, strides = array<i32>} : memref<16x64xf32, #tpu.memory_space<vmem>>, vector<16xf32>,
        %swap3A_1074 = arith.index_cast %add3A_715 : i32 to index
        %swap3A_1075 = arith.constant 32 : index
        %swap3A_1076 = tpu.vector_load %arg22[%swap3A_1074, %swap3A_1075] {strides = array<i32>} : memref<16x64xf32, #tpu.memory_space<vmem>>, vector<16xf32>,
        tpu.vector_store %arg22[%swap3A_1074, %swap3A_1075], %get3A_1055 {add = true, strides = array<i32>} : memref<16x64xf32, #tpu.memory_space<vmem>>, vector<16xf32>,
        %swap3A_1077 = arith.index_cast %add3A_715 : i32 to index
        %swap3A_1078 = arith.constant 48 : index
        %swap3A_1079 = tpu.vector_load %arg22[%swap3A_1077, %swap3A_1078] {strides = array<i32>} : memref<16x64xf32, #tpu.memory_space<vmem>>, vector<16xf32>,
        tpu.vector_store %arg22[%swap3A_1077, %swap3A_1078], %get3A_1060 {add = true, strides = array<i32>} : memref<16x64xf32, #tpu.memory_space<vmem>>, vector<16xf32>,
        %add3A_1080 = arith.constant 9 : i32
        %add3A_1081 = arith.addi %mul3A_728, %add3A_1080 : i32
        %get3A_1082 = arith.index_cast %add3A_1081 : i32 to index
        %get3A_1083 = arith.constant 0 : index
        %get3A_1084 = tpu.vector_load %arg17[%get3A_1082, %get3A_1083] {strides = array<i32>} : memref<320x64xf32, #tpu.memory_space<vmem>>, vector<16xf32>,
        %add3A_1085 = arith.constant 9 : i32
        %add3A_1086 = arith.addi %mul3A_728, %add3A_1085 : i32
        %get3A_1087 = arith.index_cast %add3A_1086 : i32 to index
        %get3A_1088 = arith.constant 16 : index
        %get3A_1089 = tpu.vector_load %arg17[%get3A_1087, %get3A_1088] {strides = array<i32>} : memref<320x64xf32, #tpu.memory_space<vmem>>, vector<16xf32>,
        %add3A_1090 = arith.constant 9 : i32
        %add3A_1091 = arith.addi %mul3A_728, %add3A_1090 : i32
        %get3A_1092 = arith.index_cast %add3A_1091 : i32 to index
        %get3A_1093 = arith.constant 32 : index
        %get3A_1094 = tpu.vector_load %arg17[%get3A_1092, %get3A_1093] {strides = array<i32>} : memref<320x64xf32, #tpu.memory_space<vmem>>, vector<16xf32>,
        %add3A_1095 = arith.constant 9 : i32
        %add3A_1096 = arith.addi %mul3A_728, %add3A_1095 : i32
        %get3A_1097 = arith.index_cast %add3A_1096 : i32 to index
        %get3A_1098 = arith.constant 48 : index
        %get3A_1099 = tpu.vector_load %arg17[%get3A_1097, %get3A_1098] {strides = array<i32>} : memref<320x64xf32, #tpu.memory_space<vmem>>, vector<16xf32>,
        %mul3A_1100 = arith.mulf %get3A_1084, %get3A_717 : vector<16xf32>
        %mul3A_1101 = arith.mulf %get3A_1089, %get3A_720 : vector<16xf32>
        %add3A_1102 = arith.addf %mul3A_1100, %mul3A_1101 : vector<16xf32>
        %mul3A_1103 = arith.mulf %get3A_1094, %get3A_723 : vector<16xf32>
        %mul3A_1104 = arith.mulf %get3A_1099, %get3A_726 : vector<16xf32>
        %add3A_1105 = arith.addf %mul3A_1103, %mul3A_1104 : vector<16xf32>
        %add3A_1106 = arith.addf %add3A_1102, %add3A_1105 : vector<16xf32>
        %swap3A_1107 = arith.index_cast %add3A_715 : i32 to index
        %swap3A_1108 = arith.constant 0 : index
        %swap3A_1109 = tpu.vector_load %arg22[%swap3A_1107, %swap3A_1108] {strides = array<i32>} : memref<16x64xf32, #tpu.memory_space<vmem>>, vector<16xf32>,
        tpu.vector_store %arg22[%swap3A_1107, %swap3A_1108], %get3A_1084 {add = true, strides = array<i32>} : memref<16x64xf32, #tpu.memory_space<vmem>>, vector<16xf32>,
        %swap3A_1110 = arith.index_cast %add3A_715 : i32 to index
        %swap3A_1111 = arith.constant 16 : index
        %swap3A_1112 = tpu.vector_load %arg22[%swap3A_1110, %swap3A_1111] {strides = array<i32>} : memref<16x64xf32, #tpu.memory_space<vmem>>, vector<16xf32>,
        tpu.vector_store %arg22[%swap3A_1110, %swap3A_1111], %get3A_1089 {add = true, strides = array<i32>} : memref<16x64xf32, #tpu.memory_space<vmem>>, vector<16xf32>,
        %swap3A_1113 = arith.index_cast %add3A_715 : i32 to index
        %swap3A_1114 = arith.constant 32 : index
        %swap3A_1115 = tpu.vector_load %arg22[%swap3A_1113, %swap3A_1114] {strides = array<i32>} : memref<16x64xf32, #tpu.memory_space<vmem>>, vector<16xf32>,
        tpu.vector_store %arg22[%swap3A_1113, %swap3A_1114], %get3A_1094 {add = true, strides = array<i32>} : memref<16x64xf32, #tpu.memory_space<vmem>>, vector<16xf32>,
        %swap3A_1116 = arith.index_cast %add3A_715 : i32 to index
        %swap3A_1117 = arith.constant 48 : index
        %swap3A_1118 = tpu.vector_load %arg22[%swap3A_1116, %swap3A_1117] {strides = array<i32>} : memref<16x64xf32, #tpu.memory_space<vmem>>, vector<16xf32>,
        tpu.vector_store %arg22[%swap3A_1116, %swap3A_1117], %get3A_1099 {add = true, strides = array<i32>} : memref<16x64xf32, #tpu.memory_space<vmem>>, vector<16xf32>,
        %add3A_1119 = arith.constant 10 : i32
        %add3A_1120 = arith.addi %mul3A_728, %add3A_1119 : i32
        %get3A_1121 = arith.index_cast %add3A_1120 : i32 to index
        %get3A_1122 = arith.constant 0 : index
        %get3A_1123 = tpu.vector_load %arg17[%get3A_1121, %get3A_1122] {strides = array<i32>} : memref<320x64xf32, #tpu.memory_space<vmem>>, vector<16xf32>,
        %add3A_1124 = arith.constant 10 : i32
        %add3A_1125 = arith.addi %mul3A_728, %add3A_1124 : i32
        %get3A_1126 = arith.index_cast %add3A_1125 : i32 to index
        %get3A_1127 = arith.constant 16 : index
        %get3A_1128 = tpu.vector_load %arg17[%get3A_1126, %get3A_1127] {strides = array<i32>} : memref<320x64xf32, #tpu.memory_space<vmem>>, vector<16xf32>,
        %add3A_1129 = arith.constant 10 : i32
        %add3A_1130 = arith.addi %mul3A_728, %add3A_1129 : i32
        %get3A_1131 = arith.index_cast %add3A_1130 : i32 to index
        %get3A_1132 = arith.constant 32 : index
        %get3A_1133 = tpu.vector_load %arg17[%get3A_1131, %get3A_1132] {strides = array<i32>} : memref<320x64xf32, #tpu.memory_space<vmem>>, vector<16xf32>,
        %add3A_1134 = arith.constant 10 : i32
        %add3A_1135 = arith.addi %mul3A_728, %add3A_1134 : i32
        %get3A_1136 = arith.index_cast %add3A_1135 : i32 to index
        %get3A_1137 = arith.constant 48 : index
        %get3A_1138 = tpu.vector_load %arg17[%get3A_1136, %get3A_1137] {strides = array<i32>} : memref<320x64xf32, #tpu.memory_space<vmem>>, vector<16xf32>,
        %mul3A_1139 = arith.mulf %get3A_1123, %get3A_717 : vector<16xf32>
        %mul3A_1140 = arith.mulf %get3A_1128, %get3A_720 : vector<16xf32>
        %add3A_1141 = arith.addf %mul3A_1139, %mul3A_1140 : vector<16xf32>
        %mul3A_1142 = arith.mulf %get3A_1133, %get3A_723 : vector<16xf32>
        %mul3A_1143 = arith.mulf %get3A_1138, %get3A_726 : vector<16xf32>
        %add3A_1144 = arith.addf %mul3A_1142, %mul3A_1143 : vector<16xf32>
        %add3A_1145 = arith.addf %add3A_1141, %add3A_1144 : vector<16xf32>
        %swap3A_1146 = arith.index_cast %add3A_715 : i32 to index
        %swap3A_1147 = arith.constant 0 : index
        %swap3A_1148 = tpu.vector_load %arg22[%swap3A_1146, %swap3A_1147] {strides = array<i32>} : memref<16x64xf32, #tpu.memory_space<vmem>>, vector<16xf32>,
        tpu.vector_store %arg22[%swap3A_1146, %swap3A_1147], %get3A_1123 {add = true, strides = array<i32>} : memref<16x64xf32, #tpu.memory_space<vmem>>, vector<16xf32>,
        %swap3A_1149 = arith.index_cast %add3A_715 : i32 to index
        %swap3A_1150 = arith.constant 16 : index
        %swap3A_1151 = tpu.vector_load %arg22[%swap3A_1149, %swap3A_1150] {strides = array<i32>} : memref<16x64xf32, #tpu.memory_space<vmem>>, vector<16xf32>,
        tpu.vector_store %arg22[%swap3A_1149, %swap3A_1150], %get3A_1128 {add = true, strides = array<i32>} : memref<16x64xf32, #tpu.memory_space<vmem>>, vector<16xf32>,
        %swap3A_1152 = arith.index_cast %add3A_715 : i32 to index
        %swap3A_1153 = arith.constant 32 : index
        %swap3A_1154 = tpu.vector_load %arg22[%swap3A_1152, %swap3A_1153] {strides = array<i32>} : memref<16x64xf32, #tpu.memory_space<vmem>>, vector<16xf32>,
        tpu.vector_store %arg22[%swap3A_1152, %swap3A_1153], %get3A_1133 {add = true, strides = array<i32>} : memref<16x64xf32, #tpu.memory_space<vmem>>, vector<16xf32>,
        %swap3A_1155 = arith.index_cast %add3A_715 : i32 to index
        %swap3A_1156 = arith.constant 48 : index
        %swap3A_1157 = tpu.vector_load %arg22[%swap3A_1155, %swap3A_1156] {strides = array<i32>} : memref<16x64xf32, #tpu.memory_space<vmem>>, vector<16xf32>,
        tpu.vector_store %arg22[%swap3A_1155, %swap3A_1156], %get3A_1138 {add = true, strides = array<i32>} : memref<16x64xf32, #tpu.memory_space<vmem>>, vector<16xf32>,
        %add3A_1158 = arith.constant 11 : i32
        %add3A_1159 = arith.addi %mul3A_728, %add3A_1158 : i32
        %get3A_1160 = arith.index_cast %add3A_1159 : i32 to index
        %get3A_1161 = arith.constant 0 : index
        %get3A_1162 = tpu.vector_load %arg17[%get3A_1160, %get3A_1161] {strides = array<i32>} : memref<320x64xf32, #tpu.memory_space<vmem>>, vector<16xf32>,
        %add3A_1163 = arith.constant 11 : i32
        %add3A_1164 = arith.addi %mul3A_728, %add3A_1163 : i32
        %get3A_1165 = arith.index_cast %add3A_1164 : i32 to index
        %get3A_1166 = arith.constant 16 : index
        %get3A_1167 = tpu.vector_load %arg17[%get3A_1165, %get3A_1166] {strides = array<i32>} : memref<320x64xf32, #tpu.memory_space<vmem>>, vector<16xf32>,
        %add3A_1168 = arith.constant 11 : i32
        %add3A_1169 = arith.addi %mul3A_728, %add3A_1168 : i32
        %get3A_1170 = arith.index_cast %add3A_1169 : i32 to index
        %get3A_1171 = arith.constant 32 : index
        %get3A_1172 = tpu.vector_load %arg17[%get3A_1170, %get3A_1171] {strides = array<i32>} : memref<320x64xf32, #tpu.memory_space<vmem>>, vector<16xf32>,
        %add3A_1173 = arith.constant 11 : i32
        %add3A_1174 = arith.addi %mul3A_728, %add3A_1173 : i32
        %get3A_1175 = arith.index_cast %add3A_1174 : i32 to index
        %get3A_1176 = arith.constant 48 : index
        %get3A_1177 = tpu.vector_load %arg17[%get3A_1175, %get3A_1176] {strides = array<i32>} : memref<320x64xf32, #tpu.memory_space<vmem>>, vector<16xf32>,
        %mul3A_1178 = arith.mulf %get3A_1162, %get3A_717 : vector<16xf32>
        %mul3A_1179 = arith.mulf %get3A_1167, %get3A_720 : vector<16xf32>
        %add3A_1180 = arith.addf %mul3A_1178, %mul3A_1179 : vector<16xf32>
        %mul3A_1181 = arith.mulf %get3A_1172, %get3A_723 : vector<16xf32>
        %mul3A_1182 = arith.mulf %get3A_1177, %get3A_726 : vector<16xf32>
        %add3A_1183 = arith.addf %mul3A_1181, %mul3A_1182 : vector<16xf32>
        %add3A_1184 = arith.addf %add3A_1180, %add3A_1183 : vector<16xf32>
        %swap3A_1185 = arith.index_cast %add3A_715 : i32 to index
        %swap3A_1186 = arith.constant 0 : index
        %swap3A_1187 = tpu.vector_load %arg22[%swap3A_1185, %swap3A_1186] {strides = array<i32>} : memref<16x64xf32, #tpu.memory_space<vmem>>, vector<16xf32>,
        tpu.vector_store %arg22[%swap3A_1185, %swap3A_1186], %get3A_1162 {add = true, strides = array<i32>} : memref<16x64xf32, #tpu.memory_space<vmem>>, vector<16xf32>,
        %swap3A_1188 = arith.index_cast %add3A_715 : i32 to index
        %swap3A_1189 = arith.constant 16 : index
        %swap3A_1190 = tpu.vector_load %arg22[%swap3A_1188, %swap3A_1189] {strides = array<i32>} : memref<16x64xf32, #tpu.memory_space<vmem>>, vector<16xf32>,
        tpu.vector_store %arg22[%swap3A_1188, %swap3A_1189], %get3A_1167 {add = true, strides = array<i32>} : memref<16x64xf32, #tpu.memory_space<vmem>>, vector<16xf32>,
        %swap3A_1191 = arith.index_cast %add3A_715 : i32 to index
        %swap3A_1192 = arith.constant 32 : index
        %swap3A_1193 = tpu.vector_load %arg22[%swap3A_1191, %swap3A_1192] {strides = array<i32>} : memref<16x64xf32, #tpu.memory_space<vmem>>, vector<16xf32>,
        tpu.vector_store %arg22[%swap3A_1191, %swap3A_1192], %get3A_1172 {add = true, strides = array<i32>} : memref<16x64xf32, #tpu.memory_space<vmem>>, vector<16xf32>,
        %swap3A_1194 = arith.index_cast %add3A_715 : i32 to index
        %swap3A_1195 = arith.constant 48 : index
        %swap3A_1196 = tpu.vector_load %arg22[%swap3A_1194, %swap3A_1195] {strides = array<i32>} : memref<16x64xf32, #tpu.memory_space<vmem>>, vector<16xf32>,
        tpu.vector_store %arg22[%swap3A_1194, %swap3A_1195], %get3A_1177 {add = true, strides = array<i32>} : memref<16x64xf32, #tpu.memory_space<vmem>>, vector<16xf32>,
        %add3A_1197 = arith.constant 12 : i32
        %add3A_1198 = arith.addi %mul3A_728, %add3A_1197 : i32
        %get3A_1199 = arith.index_cast %add3A_1198 : i32 to index
        %get3A_1200 = arith.constant 0 : index
        %get3A_1201 = tpu.vector_load %arg17[%get3A_1199, %get3A_1200] {strides = array<i32>} : memref<320x64xf32, #tpu.memory_space<vmem>>, vector<16xf32>,
        %add3A_1202 = arith.constant 12 : i32
        %add3A_1203 = arith.addi %mul3A_728, %add3A_1202 : i32
        %get3A_1204 = arith.index_cast %add3A_1203 : i32 to index
        %get3A_1205 = arith.constant 16 : index
        %get3A_1206 = tpu.vector_load %arg17[%get3A_1204, %get3A_1205] {strides = array<i32>} : memref<320x64xf32, #tpu.memory_space<vmem>>, vector<16xf32>,
        %add3A_1207 = arith.constant 12 : i32
        %add3A_1208 = arith.addi %mul3A_728, %add3A_1207 : i32
        %get3A_1209 = arith.index_cast %add3A_1208 : i32 to index
        %get3A_1210 = arith.constant 32 : index
        %get3A_1211 = tpu.vector_load %arg17[%get3A_1209, %get3A_1210] {strides = array<i32>} : memref<320x64xf32, #tpu.memory_space<vmem>>, vector<16xf32>,
        %add3A_1212 = arith.constant 12 : i32
        %add3A_1213 = arith.addi %mul3A_728, %add3A_1212 : i32
        %get3A_1214 = arith.index_cast %add3A_1213 : i32 to index
        %get3A_1215 = arith.constant 48 : index
        %get3A_1216 = tpu.vector_load %arg17[%get3A_1214, %get3A_1215] {strides = array<i32>} : memref<320x64xf32, #tpu.memory_space<vmem>>, vector<16xf32>,
        %mul3A_1217 = arith.mulf %get3A_1201, %get3A_717 : vector<16xf32>
        %mul3A_1218 = arith.mulf %get3A_1206, %get3A_720 : vector<16xf32>
        %add3A_1219 = arith.addf %mul3A_1217, %mul3A_1218 : vector<16xf32>
        %mul3A_1220 = arith.mulf %get3A_1211, %get3A_723 : vector<16xf32>
        %mul3A_1221 = arith.mulf %get3A_1216, %get3A_726 : vector<16xf32>
        %add3A_1222 = arith.addf %mul3A_1220, %mul3A_1221 : vector<16xf32>
        %add3A_1223 = arith.addf %add3A_1219, %add3A_1222 : vector<16xf32>
        %swap3A_1224 = arith.index_cast %add3A_715 : i32 to index
        %swap3A_1225 = arith.constant 0 : index
        %swap3A_1226 = tpu.vector_load %arg22[%swap3A_1224, %swap3A_1225] {strides = array<i32>} : memref<16x64xf32, #tpu.memory_space<vmem>>, vector<16xf32>,
        tpu.vector_store %arg22[%swap3A_1224, %swap3A_1225], %get3A_1201 {add = true, strides = array<i32>} : memref<16x64xf32, #tpu.memory_space<vmem>>, vector<16xf32>,
        %swap3A_1227 = arith.index_cast %add3A_715 : i32 to index
        %swap3A_1228 = arith.constant 16 : index
        %swap3A_1229 = tpu.vector_load %arg22[%swap3A_1227, %swap3A_1228] {strides = array<i32>} : memref<16x64xf32, #tpu.memory_space<vmem>>, vector<16xf32>,
        tpu.vector_store %arg22[%swap3A_1227, %swap3A_1228], %get3A_1206 {add = true, strides = array<i32>} : memref<16x64xf32, #tpu.memory_space<vmem>>, vector<16xf32>,
        %swap3A_1230 = arith.index_cast %add3A_715 : i32 to index
        %swap3A_1231 = arith.constant 32 : index
        %swap3A_1232 = tpu.vector_load %arg22[%swap3A_1230, %swap3A_1231] {strides = array<i32>} : memref<16x64xf32, #tpu.memory_space<vmem>>, vector<16xf32>,
        tpu.vector_store %arg22[%swap3A_1230, %swap3A_1231], %get3A_1211 {add = true, strides = array<i32>} : memref<16x64xf32, #tpu.memory_space<vmem>>, vector<16xf32>,
        %swap3A_1233 = arith.index_cast %add3A_715 : i32 to index
        %swap3A_1234 = arith.constant 48 : index
        %swap3A_1235 = tpu.vector_load %arg22[%swap3A_1233, %swap3A_1234] {strides = array<i32>} : memref<16x64xf32, #tpu.memory_space<vmem>>, vector<16xf32>,
        tpu.vector_store %arg22[%swap3A_1233, %swap3A_1234], %get3A_1216 {add = true, strides = array<i32>} : memref<16x64xf32, #tpu.memory_space<vmem>>, vector<16xf32>,
        %add3A_1236 = arith.constant 13 : i32
        %add3A_1237 = arith.addi %mul3A_728, %add3A_1236 : i32
        %get3A_1238 = arith.index_cast %add3A_1237 : i32 to index
        %get3A_1239 = arith.constant 0 : index
        %get3A_1240 = tpu.vector_load %arg17[%get3A_1238, %get3A_1239] {strides = array<i32>} : memref<320x64xf32, #tpu.memory_space<vmem>>, vector<16xf32>,
        %add3A_1241 = arith.constant 13 : i32
        %add3A_1242 = arith.addi %mul3A_728, %add3A_1241 : i32
        %get3A_1243 = arith.index_cast %add3A_1242 : i32 to index
        %get3A_1244 = arith.constant 16 : index
        %get3A_1245 = tpu.vector_load %arg17[%get3A_1243, %get3A_1244] {strides = array<i32>} : memref<320x64xf32, #tpu.memory_space<vmem>>, vector<16xf32>,
        %add3A_1246 = arith.constant 13 : i32
        %add3A_1247 = arith.addi %mul3A_728, %add3A_1246 : i32
        %get3A_1248 = arith.index_cast %add3A_1247 : i32 to index
        %get3A_1249 = arith.constant 32 : index
        %get3A_1250 = tpu.vector_load %arg17[%get3A_1248, %get3A_1249] {strides = array<i32>} : memref<320x64xf32, #tpu.memory_space<vmem>>, vector<16xf32>,
        %add3A_1251 = arith.constant 13 : i32
        %add3A_1252 = arith.addi %mul3A_728, %add3A_1251 : i32
        %get3A_1253 = arith.index_cast %add3A_1252 : i32 to index
        %get3A_1254 = arith.constant 48 : index
        %get3A_1255 = tpu.vector_load %arg17[%get3A_1253, %get3A_1254] {strides = array<i32>} : memref<320x64xf32, #tpu.memory_space<vmem>>, vector<16xf32>,
        %mul3A_1256 = arith.mulf %get3A_1240, %get3A_717 : vector<16xf32>
        %mul3A_1257 = arith.mulf %get3A_1245, %get3A_720 : vector<16xf32>
        %add3A_1258 = arith.addf %mul3A_1256, %mul3A_1257 : vector<16xf32>
        %mul3A_1259 = arith.mulf %get3A_1250, %get3A_723 : vector<16xf32>
        %mul3A_1260 = arith.mulf %get3A_1255, %get3A_726 : vector<16xf32>
        %add3A_1261 = arith.addf %mul3A_1259, %mul3A_1260 : vector<16xf32>
        %add3A_1262 = arith.addf %add3A_1258, %add3A_1261 : vector<16xf32>
        %swap3A_1263 = arith.index_cast %add3A_715 : i32 to index
        %swap3A_1264 = arith.constant 0 : index
        %swap3A_1265 = tpu.vector_load %arg22[%swap3A_1263, %swap3A_1264] {strides = array<i32>} : memref<16x64xf32, #tpu.memory_space<vmem>>, vector<16xf32>,
        tpu.vector_store %arg22[%swap3A_1263, %swap3A_1264], %get3A_1240 {add = true, strides = array<i32>} : memref<16x64xf32, #tpu.memory_space<vmem>>, vector<16xf32>,
        %swap3A_1266 = arith.index_cast %add3A_715 : i32 to index
        %swap3A_1267 = arith.constant 16 : index
        %swap3A_1268 = tpu.vector_load %arg22[%swap3A_1266, %swap3A_1267] {strides = array<i32>} : memref<16x64xf32, #tpu.memory_space<vmem>>, vector<16xf32>,
        tpu.vector_store %arg22[%swap3A_1266, %swap3A_1267], %get3A_1245 {add = true, strides = array<i32>} : memref<16x64xf32, #tpu.memory_space<vmem>>, vector<16xf32>,
        %swap3A_1269 = arith.index_cast %add3A_715 : i32 to index
        %swap3A_1270 = arith.constant 32 : index
        %swap3A_1271 = tpu.vector_load %arg22[%swap3A_1269, %swap3A_1270] {strides = array<i32>} : memref<16x64xf32, #tpu.memory_space<vmem>>, vector<16xf32>,
        tpu.vector_store %arg22[%swap3A_1269, %swap3A_1270], %get3A_1250 {add = true, strides = array<i32>} : memref<16x64xf32, #tpu.memory_space<vmem>>, vector<16xf32>,
        %swap3A_1272 = arith.index_cast %add3A_715 : i32 to index
        %swap3A_1273 = arith.constant 48 : index
        %swap3A_1274 = tpu.vector_load %arg22[%swap3A_1272, %swap3A_1273] {strides = array<i32>} : memref<16x64xf32, #tpu.memory_space<vmem>>, vector<16xf32>,
        tpu.vector_store %arg22[%swap3A_1272, %swap3A_1273], %get3A_1255 {add = true, strides = array<i32>} : memref<16x64xf32, #tpu.memory_space<vmem>>, vector<16xf32>,
        %add3A_1275 = arith.constant 14 : i32
        %add3A_1276 = arith.addi %mul3A_728, %add3A_1275 : i32
        %get3A_1277 = arith.index_cast %add3A_1276 : i32 to index
        %get3A_1278 = arith.constant 0 : index
        %get3A_1279 = tpu.vector_load %arg17[%get3A_1277, %get3A_1278] {strides = array<i32>} : memref<320x64xf32, #tpu.memory_space<vmem>>, vector<16xf32>,
        %add3A_1280 = arith.constant 14 : i32
        %add3A_1281 = arith.addi %mul3A_728, %add3A_1280 : i32
        %get3A_1282 = arith.index_cast %add3A_1281 : i32 to index
        %get3A_1283 = arith.constant 16 : index
        %get3A_1284 = tpu.vector_load %arg17[%get3A_1282, %get3A_1283] {strides = array<i32>} : memref<320x64xf32, #tpu.memory_space<vmem>>, vector<16xf32>,
        %add3A_1285 = arith.constant 14 : i32
        %add3A_1286 = arith.addi %mul3A_728, %add3A_1285 : i32
        %get3A_1287 = arith.index_cast %add3A_1286 : i32 to index
        %get3A_1288 = arith.constant 32 : index
        %get3A_1289 = tpu.vector_load %arg17[%get3A_1287, %get3A_1288] {strides = array<i32>} : memref<320x64xf32, #tpu.memory_space<vmem>>, vector<16xf32>,
        %add3A_1290 = arith.constant 14 : i32
        %add3A_1291 = arith.addi %mul3A_728, %add3A_1290 : i32
        %get3A_1292 = arith.index_cast %add3A_1291 : i32 to index
        %get3A_1293 = arith.constant 48 : index
        %get3A_1294 = tpu.vector_load %arg17[%get3A_1292, %get3A_1293] {strides = array<i32>} : memref<320x64xf32, #tpu.memory_space<vmem>>, vector<16xf32>,
        %mul3A_1295 = arith.mulf %get3A_1279, %get3A_717 : vector<16xf32>
        %mul3A_1296 = arith.mulf %get3A_1284, %get3A_720 : vector<16xf32>
        %add3A_1297 = arith.addf %mul3A_1295, %mul3A_1296 : vector<16xf32>
        %mul3A_1298 = arith.mulf %get3A_1289, %get3A_723 : vector<16xf32>
        %mul3A_1299 = arith.mulf %get3A_1294, %get3A_726 : vector<16xf32>
        %add3A_1300 = arith.addf %mul3A_1298, %mul3A_1299 : vector<16xf32>
        %add3A_1301 = arith.addf %add3A_1297, %add3A_1300 : vector<16xf32>
        %swap3A_1302 = arith.index_cast %add3A_715 : i32 to index
        %swap3A_1303 = arith.constant 0 : index
        %swap3A_1304 = tpu.vector_load %arg22[%swap3A_1302, %swap3A_1303] {strides = array<i32>} : memref<16x64xf32, #tpu.memory_space<vmem>>, vector<16xf32>,
        tpu.vector_store %arg22[%swap3A_1302, %swap3A_1303], %get3A_1279 {add = true, strides = array<i32>} : memref<16x64xf32, #tpu.memory_space<vmem>>, vector<16xf32>,
        %swap3A_1305 = arith.index_cast %add3A_715 : i32 to index
        %swap3A_1306 = arith.constant 16 : index
        %swap3A_1307 = tpu.vector_load %arg22[%swap3A_1305, %swap3A_1306] {strides = array<i32>} : memref<16x64xf32, #tpu.memory_space<vmem>>, vector<16xf32>,
        tpu.vector_store %arg22[%swap3A_1305, %swap3A_1306], %get3A_1284 {add = true, strides = array<i32>} : memref<16x64xf32, #tpu.memory_space<vmem>>, vector<16xf32>,
        %swap3A_1308 = arith.index_cast %add3A_715 : i32 to index
        %swap3A_1309 = arith.constant 32 : index
        %swap3A_1310 = tpu.vector_load %arg22[%swap3A_1308, %swap3A_1309] {strides = array<i32>} : memref<16x64xf32, #tpu.memory_space<vmem>>, vector<16xf32>,
        tpu.vector_store %arg22[%swap3A_1308, %swap3A_1309], %get3A_1289 {add = true, strides = array<i32>} : memref<16x64xf32, #tpu.memory_space<vmem>>, vector<16xf32>,
        %swap3A_1311 = arith.index_cast %add3A_715 : i32 to index
        %swap3A_1312 = arith.constant 48 : index
        %swap3A_1313 = tpu.vector_load %arg22[%swap3A_1311, %swap3A_1312] {strides = array<i32>} : memref<16x64xf32, #tpu.memory_space<vmem>>, vector<16xf32>,
        tpu.vector_store %arg22[%swap3A_1311, %swap3A_1312], %get3A_1294 {add = true, strides = array<i32>} : memref<16x64xf32, #tpu.memory_space<vmem>>, vector<16xf32>,
        %add3A_1314 = arith.constant 15 : i32
        %add3A_1315 = arith.addi %mul3A_728, %add3A_1314 : i32
        %get3A_1316 = arith.index_cast %add3A_1315 : i32 to index
        %get3A_1317 = arith.constant 0 : index
        %get3A_1318 = tpu.vector_load %arg17[%get3A_1316, %get3A_1317] {strides = array<i32>} : memref<320x64xf32, #tpu.memory_space<vmem>>, vector<16xf32>,
        %add3A_1319 = arith.constant 15 : i32
        %add3A_1320 = arith.addi %mul3A_728, %add3A_1319 : i32
        %get3A_1321 = arith.index_cast %add3A_1320 : i32 to index
        %get3A_1322 = arith.constant 16 : index
        %get3A_1323 = tpu.vector_load %arg17[%get3A_1321, %get3A_1322] {strides = array<i32>} : memref<320x64xf32, #tpu.memory_space<vmem>>, vector<16xf32>,
        %add3A_1324 = arith.constant 15 : i32
        %add3A_1325 = arith.addi %mul3A_728, %add3A_1324 : i32
        %get3A_1326 = arith.index_cast %add3A_1325 : i32 to index
        %get3A_1327 = arith.constant 32 : index
        %get3A_1328 = tpu.vector_load %arg17[%get3A_1326, %get3A_1327] {strides = array<i32>} : memref<320x64xf32, #tpu.memory_space<vmem>>, vector<16xf32>,
        %add3A_1329 = arith.constant 15 : i32
        %add3A_1330 = arith.addi %mul3A_728, %add3A_1329 : i32
        %get3A_1331 = arith.index_cast %add3A_1330 : i32 to index
        %get3A_1332 = arith.constant 48 : index
        %get3A_1333 = tpu.vector_load %arg17[%get3A_1331, %get3A_1332] {strides = array<i32>} : memref<320x64xf32, #tpu.memory_space<vmem>>, vector<16xf32>,
        %mul3A_1334 = arith.mulf %get3A_1318, %get3A_717 : vector<16xf32>
        %mul3A_1335 = arith.mulf %get3A_1323, %get3A_720 : vector<16xf32>
        %add3A_1336 = arith.addf %mul3A_1334, %mul3A_1335 : vector<16xf32>
        %mul3A_1337 = arith.mulf %get3A_1328, %get3A_723 : vector<16xf32>
        %mul3A_1338 = arith.mulf %get3A_1333, %get3A_726 : vector<16xf32>
        %add3A_1339 = arith.addf %mul3A_1337, %mul3A_1338 : vector<16xf32>
        %add3A_1340 = arith.addf %add3A_1336, %add3A_1339 : vector<16xf32>
        %swap3A_1341 = arith.index_cast %add3A_715 : i32 to index
        %swap3A_1342 = arith.constant 0 : index
        %swap3A_1343 = tpu.vector_load %arg22[%swap3A_1341, %swap3A_1342] {strides = array<i32>} : memref<16x64xf32, #tpu.memory_space<vmem>>, vector<16xf32>,
        tpu.vector_store %arg22[%swap3A_1341, %swap3A_1342], %get3A_1318 {add = true, strides = array<i32>} : memref<16x64xf32, #tpu.memory_space<vmem>>, vector<16xf32>,
        %swap3A_1344 = arith.index_cast %add3A_715 : i32 to index
        %swap3A_1345 = arith.constant 16 : index
        %swap3A_1346 = tpu.vector_load %arg22[%swap3A_1344, %swap3A_1345] {strides = array<i32>} : memref<16x64xf32, #tpu.memory_space<vmem>>, vector<16xf32>,
        tpu.vector_store %arg22[%swap3A_1344, %swap3A_1345], %get3A_1323 {add = true, strides = array<i32>} : memref<16x64xf32, #tpu.memory_space<vmem>>, vector<16xf32>,
        %swap3A_1347 = arith.index_cast %add3A_715 : i32 to index
        %swap3A_1348 = arith.constant 32 : index
        %swap3A_1349 = tpu.vector_load %arg22[%swap3A_1347, %swap3A_1348] {strides = array<i32>} : memref<16x64xf32, #tpu.memory_space<vmem>>, vector<16xf32>,
        tpu.vector_store %arg22[%swap3A_1347, %swap3A_1348], %get3A_1328 {add = true, strides = array<i32>} : memref<16x64xf32, #tpu.memory_space<vmem>>, vector<16xf32>,
        %swap3A_1350 = arith.index_cast %add3A_715 : i32 to index
        %swap3A_1351 = arith.constant 48 : index
        %swap3A_1352 = tpu.vector_load %arg22[%swap3A_1350, %swap3A_1351] {strides = array<i32>} : memref<16x64xf32, #tpu.memory_space<vmem>>, vector<16xf32>,
        tpu.vector_store %arg22[%swap3A_1350, %swap3A_1351], %get3A_1333 {add = true, strides = array<i32>} : memref<16x64xf32, #tpu.memory_space<vmem>>, vector<16xf32>,
        %add3A_1353 = arith.constant 16 : i32
        %add3A_1354 = arith.addi %mul3A_728, %add3A_1353 : i32
        %get3A_1355 = arith.index_cast %add3A_1354 : i32 to index
        %get3A_1356 = arith.constant 0 : index
        %get3A_1357 = tpu.vector_load %arg17[%get3A_1355, %get3A_1356] {strides = array<i32>} : memref<320x64xf32, #tpu.memory_space<vmem>>, vector<16xf32>,
        %add3A_1358 = arith.constant 16 : i32
        %add3A_1359 = arith.addi %mul3A_728, %add3A_1358 : i32
        %get3A_1360 = arith.index_cast %add3A_1359 : i32 to index
        %get3A_1361 = arith.constant 16 : index
        %get3A_1362 = tpu.vector_load %arg17[%get3A_1360, %get3A_1361] {strides = array<i32>} : memref<320x64xf32, #tpu.memory_space<vmem>>, vector<16xf32>,
        %add3A_1363 = arith.constant 16 : i32
        %add3A_1364 = arith.addi %mul3A_728, %add3A_1363 : i32
        %get3A_1365 = arith.index_cast %add3A_1364 : i32 to index
        %get3A_1366 = arith.constant 32 : index
        %get3A_1367 = tpu.vector_load %arg17[%get3A_1365, %get3A_1366] {strides = array<i32>} : memref<320x64xf32, #tpu.memory_space<vmem>>, vector<16xf32>,
        %add3A_1368 = arith.constant 16 : i32
        %add3A_1369 = arith.addi %mul3A_728, %add3A_1368 : i32
        %get3A_1370 = arith.index_cast %add3A_1369 : i32 to index
        %get3A_1371 = arith.constant 48 : index
        %get3A_1372 = tpu.vector_load %arg17[%get3A_1370, %get3A_1371] {strides = array<i32>} : memref<320x64xf32, #tpu.memory_space<vmem>>, vector<16xf32>,
        %mul3A_1373 = arith.mulf %get3A_1357, %get3A_717 : vector<16xf32>
        %mul3A_1374 = arith.mulf %get3A_1362, %get3A_720 : vector<16xf32>
        %add3A_1375 = arith.addf %mul3A_1373, %mul3A_1374 : vector<16xf32>
        %mul3A_1376 = arith.mulf %get3A_1367, %get3A_723 : vector<16xf32>
        %mul3A_1377 = arith.mulf %get3A_1372, %get3A_726 : vector<16xf32>
        %add3A_1378 = arith.addf %mul3A_1376, %mul3A_1377 : vector<16xf32>
        %add3A_1379 = arith.addf %add3A_1375, %add3A_1378 : vector<16xf32>
        %swap3A_1380 = arith.index_cast %add3A_715 : i32 to index
        %swap3A_1381 = arith.constant 0 : index
        %swap3A_1382 = tpu.vector_load %arg22[%swap3A_1380, %swap3A_1381] {strides = array<i32>} : memref<16x64xf32, #tpu.memory_space<vmem>>, vector<16xf32>,
        tpu.vector_store %arg22[%swap3A_1380, %swap3A_1381], %get3A_1357 {add = true, strides = array<i32>} : memref<16x64xf32, #tpu.memory_space<vmem>>, vector<16xf32>,
        %swap3A_1383 = arith.index_cast %add3A_715 : i32 to index
        %swap3A_1384 = arith.constant 16 : index
        %swap3A_1385 = tpu.vector_load %arg22[%swap3A_1383, %swap3A_1384] {strides = array<i32>} : memref<16x64xf32, #tpu.memory_space<vmem>>, vector<16xf32>,
        tpu.vector_store %arg22[%swap3A_1383, %swap3A_1384], %get3A_1362 {add = true, strides = array<i32>} : memref<16x64xf32, #tpu.memory_space<vmem>>, vector<16xf32>,
        %swap3A_1386 = arith.index_cast %add3A_715 : i32 to index
        %swap3A_1387 = arith.constant 32 : index
        %swap3A_1388 = tpu.vector_load %arg22[%swap3A_1386, %swap3A_1387] {strides = array<i32>} : memref<16x64xf32, #tpu.memory_space<vmem>>, vector<16xf32>,
        tpu.vector_store %arg22[%swap3A_1386, %swap3A_1387], %get3A_1367 {add = true, strides = array<i32>} : memref<16x64xf32, #tpu.memory_space<vmem>>, vector<16xf32>,
        %swap3A_1389 = arith.index_cast %add3A_715 : i32 to index
        %swap3A_1390 = arith.constant 48 : index
        %swap3A_1391 = tpu.vector_load %arg22[%swap3A_1389, %swap3A_1390] {strides = array<i32>} : memref<16x64xf32, #tpu.memory_space<vmem>>, vector<16xf32>,
        tpu.vector_store %arg22[%swap3A_1389, %swap3A_1390], %get3A_1372 {add = true, strides = array<i32>} : memref<16x64xf32, #tpu.memory_space<vmem>>, vector<16xf32>,
        %add3A_1392 = arith.constant 17 : i32
        %add3A_1393 = arith.addi %mul3A_728, %add3A_1392 : i32
        %get3A_1394 = arith.index_cast %add3A_1393 : i32 to index
        %get3A_1395 = arith.constant 0 : index
        %get3A_1396 = tpu.vector_load %arg17[%get3A_1394, %get3A_1395] {strides = array<i32>} : memref<320x64xf32, #tpu.memory_space<vmem>>, vector<16xf32>,
        %add3A_1397 = arith.constant 17 : i32
        %add3A_1398 = arith.addi %mul3A_728, %add3A_1397 : i32
        %get3A_1399 = arith.index_cast %add3A_1398 : i32 to index
        %get3A_1400 = arith.constant 16 : index
        %get3A_1401 = tpu.vector_load %arg17[%get3A_1399, %get3A_1400] {strides = array<i32>} : memref<320x64xf32, #tpu.memory_space<vmem>>, vector<16xf32>,
        %add3A_1402 = arith.constant 17 : i32
        %add3A_1403 = arith.addi %mul3A_728, %add3A_1402 : i32
        %get3A_1404 = arith.index_cast %add3A_1403 : i32 to index
        %get3A_1405 = arith.constant 32 : index
        %get3A_1406 = tpu.vector_load %arg17[%get3A_1404, %get3A_1405] {strides = array<i32>} : memref<320x64xf32, #tpu.memory_space<vmem>>, vector<16xf32>,
        %add3A_1407 = arith.constant 17 : i32
        %add3A_1408 = arith.addi %mul3A_728, %add3A_1407 : i32
        %get3A_1409 = arith.index_cast %add3A_1408 : i32 to index
        %get3A_1410 = arith.constant 48 : index
        %get3A_1411 = tpu.vector_load %arg17[%get3A_1409, %get3A_1410] {strides = array<i32>} : memref<320x64xf32, #tpu.memory_space<vmem>>, vector<16xf32>,
        %mul3A_1412 = arith.mulf %get3A_1396, %get3A_717 : vector<16xf32>
        %mul3A_1413 = arith.mulf %get3A_1401, %get3A_720 : vector<16xf32>
        %add3A_1414 = arith.addf %mul3A_1412, %mul3A_1413 : vector<16xf32>
        %mul3A_1415 = arith.mulf %get3A_1406, %get3A_723 : vector<16xf32>
        %mul3A_1416 = arith.mulf %get3A_1411, %get3A_726 : vector<16xf32>
        %add3A_1417 = arith.addf %mul3A_1415, %mul3A_1416 : vector<16xf32>
        %add3A_1418 = arith.addf %add3A_1414, %add3A_1417 : vector<16xf32>
        %swap3A_1419 = arith.index_cast %add3A_715 : i32 to index
        %swap3A_1420 = arith.constant 0 : index
        %swap3A_1421 = tpu.vector_load %arg22[%swap3A_1419, %swap3A_1420] {strides = array<i32>} : memref<16x64xf32, #tpu.memory_space<vmem>>, vector<16xf32>,
        tpu.vector_store %arg22[%swap3A_1419, %swap3A_1420], %get3A_1396 {add = true, strides = array<i32>} : memref<16x64xf32, #tpu.memory_space<vmem>>, vector<16xf32>,
        %swap3A_1422 = arith.index_cast %add3A_715 : i32 to index
        %swap3A_1423 = arith.constant 16 : index
        %swap3A_1424 = tpu.vector_load %arg22[%swap3A_1422, %swap3A_1423] {strides = array<i32>} : memref<16x64xf32, #tpu.memory_space<vmem>>, vector<16xf32>,
        tpu.vector_store %arg22[%swap3A_1422, %swap3A_1423], %get3A_1401 {add = true, strides = array<i32>} : memref<16x64xf32, #tpu.memory_space<vmem>>, vector<16xf32>,
        %swap3A_1425 = arith.index_cast %add3A_715 : i32 to index
        %swap3A_1426 = arith.constant 32 : index
        %swap3A_1427 = tpu.vector_load %arg22[%swap3A_1425, %swap3A_1426] {strides = array<i32>} : memref<16x64xf32, #tpu.memory_space<vmem>>, vector<16xf32>,
        tpu.vector_store %arg22[%swap3A_1425, %swap3A_1426], %get3A_1406 {add = true, strides = array<i32>} : memref<16x64xf32, #tpu.memory_space<vmem>>, vector<16xf32>,
        %swap3A_1428 = arith.index_cast %add3A_715 : i32 to index
        %swap3A_1429 = arith.constant 48 : index
        %swap3A_1430 = tpu.vector_load %arg22[%swap3A_1428, %swap3A_1429] {strides = array<i32>} : memref<16x64xf32, #tpu.memory_space<vmem>>, vector<16xf32>,
        tpu.vector_store %arg22[%swap3A_1428, %swap3A_1429], %get3A_1411 {add = true, strides = array<i32>} : memref<16x64xf32, #tpu.memory_space<vmem>>, vector<16xf32>,
        %add3A_1431 = arith.constant 18 : i32
        %add3A_1432 = arith.addi %mul3A_728, %add3A_1431 : i32
        %get3A_1433 = arith.index_cast %add3A_1432 : i32 to index
        %get3A_1434 = arith.constant 0 : index
        %get3A_1435 = tpu.vector_load %arg17[%get3A_1433, %get3A_1434] {strides = array<i32>} : memref<320x64xf32, #tpu.memory_space<vmem>>, vector<16xf32>,
        %add3A_1436 = arith.constant 18 : i32
        %add3A_1437 = arith.addi %mul3A_728, %add3A_1436 : i32
        %get3A_1438 = arith.index_cast %add3A_1437 : i32 to index
        %get3A_1439 = arith.constant 16 : index
        %get3A_1440 = tpu.vector_load %arg17[%get3A_1438, %get3A_1439] {strides = array<i32>} : memref<320x64xf32, #tpu.memory_space<vmem>>, vector<16xf32>,
        %add3A_1441 = arith.constant 18 : i32
        %add3A_1442 = arith.addi %mul3A_728, %add3A_1441 : i32
        %get3A_1443 = arith.index_cast %add3A_1442 : i32 to index
        %get3A_1444 = arith.constant 32 : index
        %get3A_1445 = tpu.vector_load %arg17[%get3A_1443, %get3A_1444] {strides = array<i32>} : memref<320x64xf32, #tpu.memory_space<vmem>>, vector<16xf32>,
        %add3A_1446 = arith.constant 18 : i32
        %add3A_1447 = arith.addi %mul3A_728, %add3A_1446 : i32
        %get3A_1448 = arith.index_cast %add3A_1447 : i32 to index
        %get3A_1449 = arith.constant 48 : index
        %get3A_1450 = tpu.vector_load %arg17[%get3A_1448, %get3A_1449] {strides = array<i32>} : memref<320x64xf32, #tpu.memory_space<vmem>>, vector<16xf32>,
        %mul3A_1451 = arith.mulf %get3A_1435, %get3A_717 : vector<16xf32>
        %mul3A_1452 = arith.mulf %get3A_1440, %get3A_720 : vector<16xf32>
        %add3A_1453 = arith.addf %mul3A_1451, %mul3A_1452 : vector<16xf32>
        %mul3A_1454 = arith.mulf %get3A_1445, %get3A_723 : vector<16xf32>
        %mul3A_1455 = arith.mulf %get3A_1450, %get3A_726 : vector<16xf32>
        %add3A_1456 = arith.addf %mul3A_1454, %mul3A_1455 : vector<16xf32>
        %add3A_1457 = arith.addf %add3A_1453, %add3A_1456 : vector<16xf32>
        %swap3A_1458 = arith.index_cast %add3A_715 : i32 to index
        %swap3A_1459 = arith.constant 0 : index
        %swap3A_1460 = tpu.vector_load %arg22[%swap3A_1458, %swap3A_1459] {strides = array<i32>} : memref<16x64xf32, #tpu.memory_space<vmem>>, vector<16xf32>,
        tpu.vector_store %arg22[%swap3A_1458, %swap3A_1459], %get3A_1435 {add = true, strides = array<i32>} : memref<16x64xf32, #tpu.memory_space<vmem>>, vector<16xf32>,
        %swap3A_1461 = arith.index_cast %add3A_715 : i32 to index
        %swap3A_1462 = arith.constant 16 : index
        %swap3A_1463 = tpu.vector_load %arg22[%swap3A_1461, %swap3A_1462] {strides = array<i32>} : memref<16x64xf32, #tpu.memory_space<vmem>>, vector<16xf32>,
        tpu.vector_store %arg22[%swap3A_1461, %swap3A_1462], %get3A_1440 {add = true, strides = array<i32>} : memref<16x64xf32, #tpu.memory_space<vmem>>, vector<16xf32>,
        %swap3A_1464 = arith.index_cast %add3A_715 : i32 to index
        %swap3A_1465 = arith.constant 32 : index
        %swap3A_1466 = tpu.vector_load %arg22[%swap3A_1464, %swap3A_1465] {strides = array<i32>} : memref<16x64xf32, #tpu.memory_space<vmem>>, vector<16xf32>,
        tpu.vector_store %arg22[%swap3A_1464, %swap3A_1465], %get3A_1445 {add = true, strides = array<i32>} : memref<16x64xf32, #tpu.memory_space<vmem>>, vector<16xf32>,
        %swap3A_1467 = arith.index_cast %add3A_715 : i32 to index
        %swap3A_1468 = arith.constant 48 : index
        %swap3A_1469 = tpu.vector_load %arg22[%swap3A_1467, %swap3A_1468] {strides = array<i32>} : memref<16x64xf32, #tpu.memory_space<vmem>>, vector<16xf32>,
        tpu.vector_store %arg22[%swap3A_1467, %swap3A_1468], %get3A_1450 {add = true, strides = array<i32>} : memref<16x64xf32, #tpu.memory_space<vmem>>, vector<16xf32>,
        %add3A_1470 = arith.constant 19 : i32
        %add3A_1471 = arith.addi %mul3A_728, %add3A_1470 : i32
        %get3A_1472 = arith.index_cast %add3A_1471 : i32 to index
        %get3A_1473 = arith.constant 0 : index
        %get3A_1474 = tpu.vector_load %arg17[%get3A_1472, %get3A_1473] {strides = array<i32>} : memref<320x64xf32, #tpu.memory_space<vmem>>, vector<16xf32>,
        %add3A_1475 = arith.constant 19 : i32
        %add3A_1476 = arith.addi %mul3A_728, %add3A_1475 : i32
        %get3A_1477 = arith.index_cast %add3A_1476 : i32 to index
        %get3A_1478 = arith.constant 16 : index
        %get3A_1479 = tpu.vector_load %arg17[%get3A_1477, %get3A_1478] {strides = array<i32>} : memref<320x64xf32, #tpu.memory_space<vmem>>, vector<16xf32>,
        %add3A_1480 = arith.constant 19 : i32
        %add3A_1481 = arith.addi %mul3A_728, %add3A_1480 : i32
        %get3A_1482 = arith.index_cast %add3A_1481 : i32 to index
        %get3A_1483 = arith.constant 32 : index
        %get3A_1484 = tpu.vector_load %arg17[%get3A_1482, %get3A_1483] {strides = array<i32>} : memref<320x64xf32, #tpu.memory_space<vmem>>, vector<16xf32>,
        %add3A_1485 = arith.constant 19 : i32
        %add3A_1486 = arith.addi %mul3A_728, %add3A_1485 : i32
        %get3A_1487 = arith.index_cast %add3A_1486 : i32 to index
        %get3A_1488 = arith.constant 48 : index
        %get3A_1489 = tpu.vector_load %arg17[%get3A_1487, %get3A_1488] {strides = array<i32>} : memref<320x64xf32, #tpu.memory_space<vmem>>, vector<16xf32>,
        %mul3A_1490 = arith.mulf %get3A_1474, %get3A_717 : vector<16xf32>
        %mul3A_1491 = arith.mulf %get3A_1479, %get3A_720 : vector<16xf32>
        %add3A_1492 = arith.addf %mul3A_1490, %mul3A_1491 : vector<16xf32>
        %mul3A_1493 = arith.mulf %get3A_1484, %get3A_723 : vector<16xf32>
        %mul3A_1494 = arith.mulf %get3A_1489, %get3A_726 : vector<16xf32>
        %add3A_1495 = arith.addf %mul3A_1493, %mul3A_1494 : vector<16xf32>
        %add3A_1496 = arith.addf %add3A_1492, %add3A_1495 : vector<16xf32>
        %swap3A_1497 = arith.index_cast %add3A_715 : i32 to index
        %swap3A_1498 = arith.constant 0 : index
        %swap3A_1499 = tpu.vector_load %arg22[%swap3A_1497, %swap3A_1498] {strides = array<i32>} : memref<16x64xf32, #tpu.memory_space<vmem>>, vector<16xf32>,
        tpu.vector_store %arg22[%swap3A_1497, %swap3A_1498], %get3A_1474 {add = true, strides = array<i32>} : memref<16x64xf32, #tpu.memory_space<vmem>>, vector<16xf32>,
        %swap3A_1500 = arith.index_cast %add3A_715 : i32 to index
        %swap3A_1501 = arith.constant 16 : index
        %swap3A_1502 = tpu.vector_load %arg22[%swap3A_1500, %swap3A_1501] {strides = array<i32>} : memref<16x64xf32, #tpu.memory_space<vmem>>, vector<16xf32>,
        tpu.vector_store %arg22[%swap3A_1500, %swap3A_1501], %get3A_1479 {add = true, strides = array<i32>} : memref<16x64xf32, #tpu.memory_space<vmem>>, vector<16xf32>,
        %swap3A_1503 = arith.index_cast %add3A_715 : i32 to index
        %swap3A_1504 = arith.constant 32 : index
        %swap3A_1505 = tpu.vector_load %arg22[%swap3A_1503, %swap3A_1504] {strides = array<i32>} : memref<16x64xf32, #tpu.memory_space<vmem>>, vector<16xf32>,
        tpu.vector_store %arg22[%swap3A_1503, %swap3A_1504], %get3A_1484 {add = true, strides = array<i32>} : memref<16x64xf32, #tpu.memory_space<vmem>>, vector<16xf32>,
        %swap3A_1506 = arith.index_cast %add3A_715 : i32 to index
        %swap3A_1507 = arith.constant 48 : index
        %swap3A_1508 = tpu.vector_load %arg22[%swap3A_1506, %swap3A_1507] {strides = array<i32>} : memref<16x64xf32, #tpu.memory_space<vmem>>, vector<16xf32>,
        tpu.vector_store %arg22[%swap3A_1506, %swap3A_1507], %get3A_1489 {add = true, strides = array<i32>} : memref<16x64xf32, #tpu.memory_space<vmem>>, vector<16xf32>,
        %add3A_1509 = arith.constant 0 : i32
        %add3A_1510 = arith.addi %mul3A_728, %add3A_1509 : i32
        %get3A_1511 = arith.index_cast %add3A_1510 : i32 to index
        %get3A_1512 = arith.constant 0 : index
        %get3A_1513 = tpu.vector_load %arg18[%get3A_1511, %get3A_1512] {strides = array<i32>} : memref<320x64xf32, #tpu.memory_space<vmem>>, vector<16xf32>,
        %add3A_1514 = arith.constant 0 : i32
        %add3A_1515 = arith.addi %mul3A_728, %add3A_1514 : i32
        %get3A_1516 = arith.index_cast %add3A_1515 : i32 to index
        %get3A_1517 = arith.constant 16 : index
        %get3A_1518 = tpu.vector_load %arg18[%get3A_1516, %get3A_1517] {strides = array<i32>} : memref<320x64xf32, #tpu.memory_space<vmem>>, vector<16xf32>,
        %add3A_1519 = arith.constant 0 : i32
        %add3A_1520 = arith.addi %mul3A_728, %add3A_1519 : i32
        %get3A_1521 = arith.index_cast %add3A_1520 : i32 to index
        %get3A_1522 = arith.constant 32 : index
        %get3A_1523 = tpu.vector_load %arg18[%get3A_1521, %get3A_1522] {strides = array<i32>} : memref<320x64xf32, #tpu.memory_space<vmem>>, vector<16xf32>,
        %add3A_1524 = arith.constant 0 : i32
        %add3A_1525 = arith.addi %mul3A_728, %add3A_1524 : i32
        %get3A_1526 = arith.index_cast %add3A_1525 : i32 to index
        %get3A_1527 = arith.constant 48 : index
        %get3A_1528 = tpu.vector_load %arg18[%get3A_1526, %get3A_1527] {strides = array<i32>} : memref<320x64xf32, #tpu.memory_space<vmem>>, vector<16xf32>,
        %mul3A_1529 = arith.mulf %get3A_1513, %get3A_717 : vector<16xf32>
        %mul3A_1530 = arith.mulf %get3A_1518, %get3A_720 : vector<16xf32>
        %add3A_1531 = arith.addf %mul3A_1529, %mul3A_1530 : vector<16xf32>
        %mul3A_1532 = arith.mulf %get3A_1523, %get3A_723 : vector<16xf32>
        %mul3A_1533 = arith.mulf %get3A_1528, %get3A_726 : vector<16xf32>
        %add3A_1534 = arith.addf %mul3A_1532, %mul3A_1533 : vector<16xf32>
        %add3A_1535 = arith.addf %add3A_1531, %add3A_1534 : vector<16xf32>
        %add3A_1536 = arith.constant 1 : i32
        %add3A_1537 = arith.addi %mul3A_728, %add3A_1536 : i32
        %get3A_1538 = arith.index_cast %add3A_1537 : i32 to index
        %get3A_1539 = arith.constant 0 : index
        %get3A_1540 = tpu.vector_load %arg18[%get3A_1538, %get3A_1539] {strides = array<i32>} : memref<320x64xf32, #tpu.memory_space<vmem>>, vector<16xf32>,
        %add3A_1541 = arith.constant 1 : i32
        %add3A_1542 = arith.addi %mul3A_728, %add3A_1541 : i32
        %get3A_1543 = arith.index_cast %add3A_1542 : i32 to index
        %get3A_1544 = arith.constant 16 : index
        %get3A_1545 = tpu.vector_load %arg18[%get3A_1543, %get3A_1544] {strides = array<i32>} : memref<320x64xf32, #tpu.memory_space<vmem>>, vector<16xf32>,
        %add3A_1546 = arith.constant 1 : i32
        %add3A_1547 = arith.addi %mul3A_728, %add3A_1546 : i32
        %get3A_1548 = arith.index_cast %add3A_1547 : i32 to index
        %get3A_1549 = arith.constant 32 : index
        %get3A_1550 = tpu.vector_load %arg18[%get3A_1548, %get3A_1549] {strides = array<i32>} : memref<320x64xf32, #tpu.memory_space<vmem>>, vector<16xf32>,
        %add3A_1551 = arith.constant 1 : i32
        %add3A_1552 = arith.addi %mul3A_728, %add3A_1551 : i32
        %get3A_1553 = arith.index_cast %add3A_1552 : i32 to index
        %get3A_1554 = arith.constant 48 : index
        %get3A_1555 = tpu.vector_load %arg18[%get3A_1553, %get3A_1554] {strides = array<i32>} : memref<320x64xf32, #tpu.memory_space<vmem>>, vector<16xf32>,
        %mul3A_1556 = arith.mulf %get3A_1540, %get3A_717 : vector<16xf32>
        %mul3A_1557 = arith.mulf %get3A_1545, %get3A_720 : vector<16xf32>
        %add3A_1558 = arith.addf %mul3A_1556, %mul3A_1557 : vector<16xf32>
        %mul3A_1559 = arith.mulf %get3A_1550, %get3A_723 : vector<16xf32>
        %mul3A_1560 = arith.mulf %get3A_1555, %get3A_726 : vector<16xf32>
        %add3A_1561 = arith.addf %mul3A_1559, %mul3A_1560 : vector<16xf32>
        %add3A_1562 = arith.addf %add3A_1558, %add3A_1561 : vector<16xf32>
        %add3A_1563 = arith.constant 2 : i32
        %add3A_1564 = arith.addi %mul3A_728, %add3A_1563 : i32
        %get3A_1565 = arith.index_cast %add3A_1564 : i32 to index
        %get3A_1566 = arith.constant 0 : index
        %get3A_1567 = tpu.vector_load %arg18[%get3A_1565, %get3A_1566] {strides = array<i32>} : memref<320x64xf32, #tpu.memory_space<vmem>>, vector<16xf32>,
        %add3A_1568 = arith.constant 2 : i32
        %add3A_1569 = arith.addi %mul3A_728, %add3A_1568 : i32
        %get3A_1570 = arith.index_cast %add3A_1569 : i32 to index
        %get3A_1571 = arith.constant 16 : index
        %get3A_1572 = tpu.vector_load %arg18[%get3A_1570, %get3A_1571] {strides = array<i32>} : memref<320x64xf32, #tpu.memory_space<vmem>>, vector<16xf32>,
        %add3A_1573 = arith.constant 2 : i32
        %add3A_1574 = arith.addi %mul3A_728, %add3A_1573 : i32
        %get3A_1575 = arith.index_cast %add3A_1574 : i32 to index
        %get3A_1576 = arith.constant 32 : index
        %get3A_1577 = tpu.vector_load %arg18[%get3A_1575, %get3A_1576] {strides = array<i32>} : memref<320x64xf32, #tpu.memory_space<vmem>>, vector<16xf32>,
        %add3A_1578 = arith.constant 2 : i32
        %add3A_1579 = arith.addi %mul3A_728, %add3A_1578 : i32
        %get3A_1580 = arith.index_cast %add3A_1579 : i32 to index
        %get3A_1581 = arith.constant 48 : index
        %get3A_1582 = tpu.vector_load %arg18[%get3A_1580, %get3A_1581] {strides = array<i32>} : memref<320x64xf32, #tpu.memory_space<vmem>>, vector<16xf32>,
        %mul3A_1583 = arith.mulf %get3A_1567, %get3A_717 : vector<16xf32>
        %mul3A_1584 = arith.mulf %get3A_1572, %get3A_720 : vector<16xf32>
        %add3A_1585 = arith.addf %mul3A_1583, %mul3A_1584 : vector<16xf32>
        %mul3A_1586 = arith.mulf %get3A_1577, %get3A_723 : vector<16xf32>
        %mul3A_1587 = arith.mulf %get3A_1582, %get3A_726 : vector<16xf32>
        %add3A_1588 = arith.addf %mul3A_1586, %mul3A_1587 : vector<16xf32>
        %add3A_1589 = arith.addf %add3A_1585, %add3A_1588 : vector<16xf32>
        %add3A_1590 = arith.constant 3 : i32
        %add3A_1591 = arith.addi %mul3A_728, %add3A_1590 : i32
        %get3A_1592 = arith.index_cast %add3A_1591 : i32 to index
        %get3A_1593 = arith.constant 0 : index
        %get3A_1594 = tpu.vector_load %arg18[%get3A_1592, %get3A_1593] {strides = array<i32>} : memref<320x64xf32, #tpu.memory_space<vmem>>, vector<16xf32>,
        %add3A_1595 = arith.constant 3 : i32
        %add3A_1596 = arith.addi %mul3A_728, %add3A_1595 : i32
        %get3A_1597 = arith.index_cast %add3A_1596 : i32 to index
        %get3A_1598 = arith.constant 16 : index
        %get3A_1599 = tpu.vector_load %arg18[%get3A_1597, %get3A_1598] {strides = array<i32>} : memref<320x64xf32, #tpu.memory_space<vmem>>, vector<16xf32>,
        %add3A_1600 = arith.constant 3 : i32
        %add3A_1601 = arith.addi %mul3A_728, %add3A_1600 : i32
        %get3A_1602 = arith.index_cast %add3A_1601 : i32 to index
        %get3A_1603 = arith.constant 32 : index
        %get3A_1604 = tpu.vector_load %arg18[%get3A_1602, %get3A_1603] {strides = array<i32>} : memref<320x64xf32, #tpu.memory_space<vmem>>, vector<16xf32>,
        %add3A_1605 = arith.constant 3 : i32
        %add3A_1606 = arith.addi %mul3A_728, %add3A_1605 : i32
        %get3A_1607 = arith.index_cast %add3A_1606 : i32 to index
        %get3A_1608 = arith.constant 48 : index
        %get3A_1609 = tpu.vector_load %arg18[%get3A_1607, %get3A_1608] {strides = array<i32>} : memref<320x64xf32, #tpu.memory_space<vmem>>, vector<16xf32>,
        %mul3A_1610 = arith.mulf %get3A_1594, %get3A_717 : vector<16xf32>
        %mul3A_1611 = arith.mulf %get3A_1599, %get3A_720 : vector<16xf32>
        %add3A_1612 = arith.addf %mul3A_1610, %mul3A_1611 : vector<16xf32>
        %mul3A_1613 = arith.mulf %get3A_1604, %get3A_723 : vector<16xf32>
        %mul3A_1614 = arith.mulf %get3A_1609, %get3A_726 : vector<16xf32>
        %add3A_1615 = arith.addf %mul3A_1613, %mul3A_1614 : vector<16xf32>
        %add3A_1616 = arith.addf %add3A_1612, %add3A_1615 : vector<16xf32>
        %add3A_1617 = arith.constant 4 : i32
        %add3A_1618 = arith.addi %mul3A_728, %add3A_1617 : i32
        %get3A_1619 = arith.index_cast %add3A_1618 : i32 to index
        %get3A_1620 = arith.constant 0 : index
        %get3A_1621 = tpu.vector_load %arg18[%get3A_1619, %get3A_1620] {strides = array<i32>} : memref<320x64xf32, #tpu.memory_space<vmem>>, vector<16xf32>,
        %add3A_1622 = arith.constant 4 : i32
        %add3A_1623 = arith.addi %mul3A_728, %add3A_1622 : i32
        %get3A_1624 = arith.index_cast %add3A_1623 : i32 to index
        %get3A_1625 = arith.constant 16 : index
        %get3A_1626 = tpu.vector_load %arg18[%get3A_1624, %get3A_1625] {strides = array<i32>} : memref<320x64xf32, #tpu.memory_space<vmem>>, vector<16xf32>,
        %add3A_1627 = arith.constant 4 : i32
        %add3A_1628 = arith.addi %mul3A_728, %add3A_1627 : i32
        %get3A_1629 = arith.index_cast %add3A_1628 : i32 to index
        %get3A_1630 = arith.constant 32 : index
        %get3A_1631 = tpu.vector_load %arg18[%get3A_1629, %get3A_1630] {strides = array<i32>} : memref<320x64xf32, #tpu.memory_space<vmem>>, vector<16xf32>,
        %add3A_1632 = arith.constant 4 : i32
        %add3A_1633 = arith.addi %mul3A_728, %add3A_1632 : i32
        %get3A_1634 = arith.index_cast %add3A_1633 : i32 to index
        %get3A_1635 = arith.constant 48 : index
        %get3A_1636 = tpu.vector_load %arg18[%get3A_1634, %get3A_1635] {strides = array<i32>} : memref<320x64xf32, #tpu.memory_space<vmem>>, vector<16xf32>,
        %mul3A_1637 = arith.mulf %get3A_1621, %get3A_717 : vector<16xf32>
        %mul3A_1638 = arith.mulf %get3A_1626, %get3A_720 : vector<16xf32>
        %add3A_1639 = arith.addf %mul3A_1637, %mul3A_1638 : vector<16xf32>
        %mul3A_1640 = arith.mulf %get3A_1631, %get3A_723 : vector<16xf32>
        %mul3A_1641 = arith.mulf %get3A_1636, %get3A_726 : vector<16xf32>
        %add3A_1642 = arith.addf %mul3A_1640, %mul3A_1641 : vector<16xf32>
        %add3A_1643 = arith.addf %add3A_1639, %add3A_1642 : vector<16xf32>
        %add3A_1644 = arith.constant 5 : i32
        %add3A_1645 = arith.addi %mul3A_728, %add3A_1644 : i32
        %get3A_1646 = arith.index_cast %add3A_1645 : i32 to index
        %get3A_1647 = arith.constant 0 : index
        %get3A_1648 = tpu.vector_load %arg18[%get3A_1646, %get3A_1647] {strides = array<i32>} : memref<320x64xf32, #tpu.memory_space<vmem>>, vector<16xf32>,
        %add3A_1649 = arith.constant 5 : i32
        %add3A_1650 = arith.addi %mul3A_728, %add3A_1649 : i32
        %get3A_1651 = arith.index_cast %add3A_1650 : i32 to index
        %get3A_1652 = arith.constant 16 : index
        %get3A_1653 = tpu.vector_load %arg18[%get3A_1651, %get3A_1652] {strides = array<i32>} : memref<320x64xf32, #tpu.memory_space<vmem>>, vector<16xf32>,
        %add3A_1654 = arith.constant 5 : i32
        %add3A_1655 = arith.addi %mul3A_728, %add3A_1654 : i32
        %get3A_1656 = arith.index_cast %add3A_1655 : i32 to index
        %get3A_1657 = arith.constant 32 : index
        %get3A_1658 = tpu.vector_load %arg18[%get3A_1656, %get3A_1657] {strides = array<i32>} : memref<320x64xf32, #tpu.memory_space<vmem>>, vector<16xf32>,
        %add3A_1659 = arith.constant 5 : i32
        %add3A_1660 = arith.addi %mul3A_728, %add3A_1659 : i32
        %get3A_1661 = arith.index_cast %add3A_1660 : i32 to index
        %get3A_1662 = arith.constant 48 : index
        %get3A_1663 = tpu.vector_load %arg18[%get3A_1661, %get3A_1662] {strides = array<i32>} : memref<320x64xf32, #tpu.memory_space<vmem>>, vector<16xf32>,
        %mul3A_1664 = arith.mulf %get3A_1648, %get3A_717 : vector<16xf32>
        %mul3A_1665 = arith.mulf %get3A_1653, %get3A_720 : vector<16xf32>
        %add3A_1666 = arith.addf %mul3A_1664, %mul3A_1665 : vector<16xf32>
        %mul3A_1667 = arith.mulf %get3A_1658, %get3A_723 : vector<16xf32>
        %mul3A_1668 = arith.mulf %get3A_1663, %get3A_726 : vector<16xf32>
        %add3A_1669 = arith.addf %mul3A_1667, %mul3A_1668 : vector<16xf32>
        %add3A_1670 = arith.addf %add3A_1666, %add3A_1669 : vector<16xf32>
        %add3A_1671 = arith.constant 6 : i32
        %add3A_1672 = arith.addi %mul3A_728, %add3A_1671 : i32
        %get3A_1673 = arith.index_cast %add3A_1672 : i32 to index
        %get3A_1674 = arith.constant 0 : index
        %get3A_1675 = tpu.vector_load %arg18[%get3A_1673, %get3A_1674] {strides = array<i32>} : memref<320x64xf32, #tpu.memory_space<vmem>>, vector<16xf32>,
        %add3A_1676 = arith.constant 6 : i32
        %add3A_1677 = arith.addi %mul3A_728, %add3A_1676 : i32
        %get3A_1678 = arith.index_cast %add3A_1677 : i32 to index
        %get3A_1679 = arith.constant 16 : index
        %get3A_1680 = tpu.vector_load %arg18[%get3A_1678, %get3A_1679] {strides = array<i32>} : memref<320x64xf32, #tpu.memory_space<vmem>>, vector<16xf32>,
        %add3A_1681 = arith.constant 6 : i32
        %add3A_1682 = arith.addi %mul3A_728, %add3A_1681 : i32
        %get3A_1683 = arith.index_cast %add3A_1682 : i32 to index
        %get3A_1684 = arith.constant 32 : index
        %get3A_1685 = tpu.vector_load %arg18[%get3A_1683, %get3A_1684] {strides = array<i32>} : memref<320x64xf32, #tpu.memory_space<vmem>>, vector<16xf32>,
        %add3A_1686 = arith.constant 6 : i32
        %add3A_1687 = arith.addi %mul3A_728, %add3A_1686 : i32
        %get3A_1688 = arith.index_cast %add3A_1687 : i32 to index
        %get3A_1689 = arith.constant 48 : index
        %get3A_1690 = tpu.vector_load %arg18[%get3A_1688, %get3A_1689] {strides = array<i32>} : memref<320x64xf32, #tpu.memory_space<vmem>>, vector<16xf32>,
        %mul3A_1691 = arith.mulf %get3A_1675, %get3A_717 : vector<16xf32>
        %mul3A_1692 = arith.mulf %get3A_1680, %get3A_720 : vector<16xf32>
        %add3A_1693 = arith.addf %mul3A_1691, %mul3A_1692 : vector<16xf32>
        %mul3A_1694 = arith.mulf %get3A_1685, %get3A_723 : vector<16xf32>
        %mul3A_1695 = arith.mulf %get3A_1690, %get3A_726 : vector<16xf32>
        %add3A_1696 = arith.addf %mul3A_1694, %mul3A_1695 : vector<16xf32>
        %add3A_1697 = arith.addf %add3A_1693, %add3A_1696 : vector<16xf32>
        %add3A_1698 = arith.constant 7 : i32
        %add3A_1699 = arith.addi %mul3A_728, %add3A_1698 : i32
        %get3A_1700 = arith.index_cast %add3A_1699 : i32 to index
        %get3A_1701 = arith.constant 0 : index
        %get3A_1702 = tpu.vector_load %arg18[%get3A_1700, %get3A_1701] {strides = array<i32>} : memref<320x64xf32, #tpu.memory_space<vmem>>, vector<16xf32>,
        %add3A_1703 = arith.constant 7 : i32
        %add3A_1704 = arith.addi %mul3A_728, %add3A_1703 : i32
        %get3A_1705 = arith.index_cast %add3A_1704 : i32 to index
        %get3A_1706 = arith.constant 16 : index
        %get3A_1707 = tpu.vector_load %arg18[%get3A_1705, %get3A_1706] {strides = array<i32>} : memref<320x64xf32, #tpu.memory_space<vmem>>, vector<16xf32>,
        %add3A_1708 = arith.constant 7 : i32
        %add3A_1709 = arith.addi %mul3A_728, %add3A_1708 : i32
        %get3A_1710 = arith.index_cast %add3A_1709 : i32 to index
        %get3A_1711 = arith.constant 32 : index
        %get3A_1712 = tpu.vector_load %arg18[%get3A_1710, %get3A_1711] {strides = array<i32>} : memref<320x64xf32, #tpu.memory_space<vmem>>, vector<16xf32>,
        %add3A_1713 = arith.constant 7 : i32
        %add3A_1714 = arith.addi %mul3A_728, %add3A_1713 : i32
        %get3A_1715 = arith.index_cast %add3A_1714 : i32 to index
        %get3A_1716 = arith.constant 48 : index
        %get3A_1717 = tpu.vector_load %arg18[%get3A_1715, %get3A_1716] {strides = array<i32>} : memref<320x64xf32, #tpu.memory_space<vmem>>, vector<16xf32>,
        %mul3A_1718 = arith.mulf %get3A_1702, %get3A_717 : vector<16xf32>
        %mul3A_1719 = arith.mulf %get3A_1707, %get3A_720 : vector<16xf32>
        %add3A_1720 = arith.addf %mul3A_1718, %mul3A_1719 : vector<16xf32>
        %mul3A_1721 = arith.mulf %get3A_1712, %get3A_723 : vector<16xf32>
        %mul3A_1722 = arith.mulf %get3A_1717, %get3A_726 : vector<16xf32>
        %add3A_1723 = arith.addf %mul3A_1721, %mul3A_1722 : vector<16xf32>
        %add3A_1724 = arith.addf %add3A_1720, %add3A_1723 : vector<16xf32>
        %add3A_1725 = arith.constant 8 : i32
        %add3A_1726 = arith.addi %mul3A_728, %add3A_1725 : i32
        %get3A_1727 = arith.index_cast %add3A_1726 : i32 to index
        %get3A_1728 = arith.constant 0 : index
        %get3A_1729 = tpu.vector_load %arg18[%get3A_1727, %get3A_1728] {strides = array<i32>} : memref<320x64xf32, #tpu.memory_space<vmem>>, vector<16xf32>,
        %add3A_1730 = arith.constant 8 : i32
        %add3A_1731 = arith.addi %mul3A_728, %add3A_1730 : i32
        %get3A_1732 = arith.index_cast %add3A_1731 : i32 to index
        %get3A_1733 = arith.constant 16 : index
        %get3A_1734 = tpu.vector_load %arg18[%get3A_1732, %get3A_1733] {strides = array<i32>} : memref<320x64xf32, #tpu.memory_space<vmem>>, vector<16xf32>,
        %add3A_1735 = arith.constant 8 : i32
        %add3A_1736 = arith.addi %mul3A_728, %add3A_1735 : i32
        %get3A_1737 = arith.index_cast %add3A_1736 : i32 to index
        %get3A_1738 = arith.constant 32 : index
        %get3A_1739 = tpu.vector_load %arg18[%get3A_1737, %get3A_1738] {strides = array<i32>} : memref<320x64xf32, #tpu.memory_space<vmem>>, vector<16xf32>,
        %add3A_1740 = arith.constant 8 : i32
        %add3A_1741 = arith.addi %mul3A_728, %add3A_1740 : i32
        %get3A_1742 = arith.index_cast %add3A_1741 : i32 to index
        %get3A_1743 = arith.constant 48 : index
        %get3A_1744 = tpu.vector_load %arg18[%get3A_1742, %get3A_1743] {strides = array<i32>} : memref<320x64xf32, #tpu.memory_space<vmem>>, vector<16xf32>,
        %mul3A_1745 = arith.mulf %get3A_1729, %get3A_717 : vector<16xf32>
        %mul3A_1746 = arith.mulf %get3A_1734, %get3A_720 : vector<16xf32>
        %add3A_1747 = arith.addf %mul3A_1745, %mul3A_1746 : vector<16xf32>
        %mul3A_1748 = arith.mulf %get3A_1739, %get3A_723 : vector<16xf32>
        %mul3A_1749 = arith.mulf %get3A_1744, %get3A_726 : vector<16xf32>
        %add3A_1750 = arith.addf %mul3A_1748, %mul3A_1749 : vector<16xf32>
        %add3A_1751 = arith.addf %add3A_1747, %add3A_1750 : vector<16xf32>
        %add3A_1752 = arith.constant 9 : i32
        %add3A_1753 = arith.addi %mul3A_728, %add3A_1752 : i32
        %get3A_1754 = arith.index_cast %add3A_1753 : i32 to index
        %get3A_1755 = arith.constant 0 : index
        %get3A_1756 = tpu.vector_load %arg18[%get3A_1754, %get3A_1755] {strides = array<i32>} : memref<320x64xf32, #tpu.memory_space<vmem>>, vector<16xf32>,
        %add3A_1757 = arith.constant 9 : i32
        %add3A_1758 = arith.addi %mul3A_728, %add3A_1757 : i32
        %get3A_1759 = arith.index_cast %add3A_1758 : i32 to index
        %get3A_1760 = arith.constant 16 : index
        %get3A_1761 = tpu.vector_load %arg18[%get3A_1759, %get3A_1760] {strides = array<i32>} : memref<320x64xf32, #tpu.memory_space<vmem>>, vector<16xf32>,
        %add3A_1762 = arith.constant 9 : i32
        %add3A_1763 = arith.addi %mul3A_728, %add3A_1762 : i32
        %get3A_1764 = arith.index_cast %add3A_1763 : i32 to index
        %get3A_1765 = arith.constant 32 : index
        %get3A_1766 = tpu.vector_load %arg18[%get3A_1764, %get3A_1765] {strides = array<i32>} : memref<320x64xf32, #tpu.memory_space<vmem>>, vector<16xf32>,
        %add3A_1767 = arith.constant 9 : i32
        %add3A_1768 = arith.addi %mul3A_728, %add3A_1767 : i32
        %get3A_1769 = arith.index_cast %add3A_1768 : i32 to index
        %get3A_1770 = arith.constant 48 : index
        %get3A_1771 = tpu.vector_load %arg18[%get3A_1769, %get3A_1770] {strides = array<i32>} : memref<320x64xf32, #tpu.memory_space<vmem>>, vector<16xf32>,
        %mul3A_1772 = arith.mulf %get3A_1756, %get3A_717 : vector<16xf32>
        %mul3A_1773 = arith.mulf %get3A_1761, %get3A_720 : vector<16xf32>
        %add3A_1774 = arith.addf %mul3A_1772, %mul3A_1773 : vector<16xf32>
        %mul3A_1775 = arith.mulf %get3A_1766, %get3A_723 : vector<16xf32>
        %mul3A_1776 = arith.mulf %get3A_1771, %get3A_726 : vector<16xf32>
        %add3A_1777 = arith.addf %mul3A_1775, %mul3A_1776 : vector<16xf32>
        %add3A_1778 = arith.addf %add3A_1774, %add3A_1777 : vector<16xf32>
        %add3A_1779 = arith.constant 10 : i32
        %add3A_1780 = arith.addi %mul3A_728, %add3A_1779 : i32
        %get3A_1781 = arith.index_cast %add3A_1780 : i32 to index
        %get3A_1782 = arith.constant 0 : index
        %get3A_1783 = tpu.vector_load %arg18[%get3A_1781, %get3A_1782] {strides = array<i32>} : memref<320x64xf32, #tpu.memory_space<vmem>>, vector<16xf32>,
        %add3A_1784 = arith.constant 10 : i32
        %add3A_1785 = arith.addi %mul3A_728, %add3A_1784 : i32
        %get3A_1786 = arith.index_cast %add3A_1785 : i32 to index
        %get3A_1787 = arith.constant 16 : index
        %get3A_1788 = tpu.vector_load %arg18[%get3A_1786, %get3A_1787] {strides = array<i32>} : memref<320x64xf32, #tpu.memory_space<vmem>>, vector<16xf32>,
        %add3A_1789 = arith.constant 10 : i32
        %add3A_1790 = arith.addi %mul3A_728, %add3A_1789 : i32
        %get3A_1791 = arith.index_cast %add3A_1790 : i32 to index
        %get3A_1792 = arith.constant 32 : index
        %get3A_1793 = tpu.vector_load %arg18[%get3A_1791, %get3A_1792] {strides = array<i32>} : memref<320x64xf32, #tpu.memory_space<vmem>>, vector<16xf32>,
        %add3A_1794 = arith.constant 10 : i32
        %add3A_1795 = arith.addi %mul3A_728, %add3A_1794 : i32
        %get3A_1796 = arith.index_cast %add3A_1795 : i32 to index
        %get3A_1797 = arith.constant 48 : index
        %get3A_1798 = tpu.vector_load %arg18[%get3A_1796, %get3A_1797] {strides = array<i32>} : memref<320x64xf32, #tpu.memory_space<vmem>>, vector<16xf32>,
        %mul3A_1799 = arith.mulf %get3A_1783, %get3A_717 : vector<16xf32>
        %mul3A_1800 = arith.mulf %get3A_1788, %get3A_720 : vector<16xf32>
        %add3A_1801 = arith.addf %mul3A_1799, %mul3A_1800 : vector<16xf32>
        %mul3A_1802 = arith.mulf %get3A_1793, %get3A_723 : vector<16xf32>
        %mul3A_1803 = arith.mulf %get3A_1798, %get3A_726 : vector<16xf32>
        %add3A_1804 = arith.addf %mul3A_1802, %mul3A_1803 : vector<16xf32>
        %add3A_1805 = arith.addf %add3A_1801, %add3A_1804 : vector<16xf32>
        %add3A_1806 = arith.constant 11 : i32
        %add3A_1807 = arith.addi %mul3A_728, %add3A_1806 : i32
        %get3A_1808 = arith.index_cast %add3A_1807 : i32 to index
        %get3A_1809 = arith.constant 0 : index
        %get3A_1810 = tpu.vector_load %arg18[%get3A_1808, %get3A_1809] {strides = array<i32>} : memref<320x64xf32, #tpu.memory_space<vmem>>, vector<16xf32>,
        %add3A_1811 = arith.constant 11 : i32
        %add3A_1812 = arith.addi %mul3A_728, %add3A_1811 : i32
        %get3A_1813 = arith.index_cast %add3A_1812 : i32 to index
        %get3A_1814 = arith.constant 16 : index
        %get3A_1815 = tpu.vector_load %arg18[%get3A_1813, %get3A_1814] {strides = array<i32>} : memref<320x64xf32, #tpu.memory_space<vmem>>, vector<16xf32>,
        %add3A_1816 = arith.constant 11 : i32
        %add3A_1817 = arith.addi %mul3A_728, %add3A_1816 : i32
        %get3A_1818 = arith.index_cast %add3A_1817 : i32 to index
        %get3A_1819 = arith.constant 32 : index
        %get3A_1820 = tpu.vector_load %arg18[%get3A_1818, %get3A_1819] {strides = array<i32>} : memref<320x64xf32, #tpu.memory_space<vmem>>, vector<16xf32>,
        %add3A_1821 = arith.constant 11 : i32
        %add3A_1822 = arith.addi %mul3A_728, %add3A_1821 : i32
        %get3A_1823 = arith.index_cast %add3A_1822 : i32 to index
        %get3A_1824 = arith.constant 48 : index
        %get3A_1825 = tpu.vector_load %arg18[%get3A_1823, %get3A_1824] {strides = array<i32>} : memref<320x64xf32, #tpu.memory_space<vmem>>, vector<16xf32>,
        %mul3A_1826 = arith.mulf %get3A_1810, %get3A_717 : vector<16xf32>
        %mul3A_1827 = arith.mulf %get3A_1815, %get3A_720 : vector<16xf32>
        %add3A_1828 = arith.addf %mul3A_1826, %mul3A_1827 : vector<16xf32>
        %mul3A_1829 = arith.mulf %get3A_1820, %get3A_723 : vector<16xf32>
        %mul3A_1830 = arith.mulf %get3A_1825, %get3A_726 : vector<16xf32>
        %add3A_1831 = arith.addf %mul3A_1829, %mul3A_1830 : vector<16xf32>
        %add3A_1832 = arith.addf %add3A_1828, %add3A_1831 : vector<16xf32>
        %add3A_1833 = arith.constant 12 : i32
        %add3A_1834 = arith.addi %mul3A_728, %add3A_1833 : i32
        %get3A_1835 = arith.index_cast %add3A_1834 : i32 to index
        %get3A_1836 = arith.constant 0 : index
        %get3A_1837 = tpu.vector_load %arg18[%get3A_1835, %get3A_1836] {strides = array<i32>} : memref<320x64xf32, #tpu.memory_space<vmem>>, vector<16xf32>,
        %add3A_1838 = arith.constant 12 : i32
        %add3A_1839 = arith.addi %mul3A_728, %add3A_1838 : i32
        %get3A_1840 = arith.index_cast %add3A_1839 : i32 to index
        %get3A_1841 = arith.constant 16 : index
        %get3A_1842 = tpu.vector_load %arg18[%get3A_1840, %get3A_1841] {strides = array<i32>} : memref<320x64xf32, #tpu.memory_space<vmem>>, vector<16xf32>,
        %add3A_1843 = arith.constant 12 : i32
        %add3A_1844 = arith.addi %mul3A_728, %add3A_1843 : i32
        %get3A_1845 = arith.index_cast %add3A_1844 : i32 to index
        %get3A_1846 = arith.constant 32 : index
        %get3A_1847 = tpu.vector_load %arg18[%get3A_1845, %get3A_1846] {strides = array<i32>} : memref<320x64xf32, #tpu.memory_space<vmem>>, vector<16xf32>,
        %add3A_1848 = arith.constant 12 : i32
        %add3A_1849 = arith.addi %mul3A_728, %add3A_1848 : i32
        %get3A_1850 = arith.index_cast %add3A_1849 : i32 to index
        %get3A_1851 = arith.constant 48 : index
        %get3A_1852 = tpu.vector_load %arg18[%get3A_1850, %get3A_1851] {strides = array<i32>} : memref<320x64xf32, #tpu.memory_space<vmem>>, vector<16xf32>,
        %mul3A_1853 = arith.mulf %get3A_1837, %get3A_717 : vector<16xf32>
        %mul3A_1854 = arith.mulf %get3A_1842, %get3A_720 : vector<16xf32>
        %add3A_1855 = arith.addf %mul3A_1853, %mul3A_1854 : vector<16xf32>
        %mul3A_1856 = arith.mulf %get3A_1847, %get3A_723 : vector<16xf32>
        %mul3A_1857 = arith.mulf %get3A_1852, %get3A_726 : vector<16xf32>
        %add3A_1858 = arith.addf %mul3A_1856, %mul3A_1857 : vector<16xf32>
        %add3A_1859 = arith.addf %add3A_1855, %add3A_1858 : vector<16xf32>
        %add3A_1860 = arith.constant 13 : i32
        %add3A_1861 = arith.addi %mul3A_728, %add3A_1860 : i32
        %get3A_1862 = arith.index_cast %add3A_1861 : i32 to index
        %get3A_1863 = arith.constant 0 : index
        %get3A_1864 = tpu.vector_load %arg18[%get3A_1862, %get3A_1863] {strides = array<i32>} : memref<320x64xf32, #tpu.memory_space<vmem>>, vector<16xf32>,
        %add3A_1865 = arith.constant 13 : i32
        %add3A_1866 = arith.addi %mul3A_728, %add3A_1865 : i32
        %get3A_1867 = arith.index_cast %add3A_1866 : i32 to index
        %get3A_1868 = arith.constant 16 : index
        %get3A_1869 = tpu.vector_load %arg18[%get3A_1867, %get3A_1868] {strides = array<i32>} : memref<320x64xf32, #tpu.memory_space<vmem>>, vector<16xf32>,
        %add3A_1870 = arith.constant 13 : i32
        %add3A_1871 = arith.addi %mul3A_728, %add3A_1870 : i32
        %get3A_1872 = arith.index_cast %add3A_1871 : i32 to index
        %get3A_1873 = arith.constant 32 : index
        %get3A_1874 = tpu.vector_load %arg18[%get3A_1872, %get3A_1873] {strides = array<i32>} : memref<320x64xf32, #tpu.memory_space<vmem>>, vector<16xf32>,
        %add3A_1875 = arith.constant 13 : i32
        %add3A_1876 = arith.addi %mul3A_728, %add3A_1875 : i32
        %get3A_1877 = arith.index_cast %add3A_1876 : i32 to index
        %get3A_1878 = arith.constant 48 : index
        %get3A_1879 = tpu.vector_load %arg18[%get3A_1877, %get3A_1878] {strides = array<i32>} : memref<320x64xf32, #tpu.memory_space<vmem>>, vector<16xf32>,
        %mul3A_1880 = arith.mulf %get3A_1864, %get3A_717 : vector<16xf32>
        %mul3A_1881 = arith.mulf %get3A_1869, %get3A_720 : vector<16xf32>
        %add3A_1882 = arith.addf %mul3A_1880, %mul3A_1881 : vector<16xf32>
        %mul3A_1883 = arith.mulf %get3A_1874, %get3A_723 : vector<16xf32>
        %mul3A_1884 = arith.mulf %get3A_1879, %get3A_726 : vector<16xf32>
        %add3A_1885 = arith.addf %mul3A_1883, %mul3A_1884 : vector<16xf32>
        %add3A_1886 = arith.addf %add3A_1882, %add3A_1885 : vector<16xf32>
        %add3A_1887 = arith.constant 14 : i32
        %add3A_1888 = arith.addi %mul3A_728, %add3A_1887 : i32
        %get3A_1889 = arith.index_cast %add3A_1888 : i32 to index
        %get3A_1890 = arith.constant 0 : index
        %get3A_1891 = tpu.vector_load %arg18[%get3A_1889, %get3A_1890] {strides = array<i32>} : memref<320x64xf32, #tpu.memory_space<vmem>>, vector<16xf32>,
        %add3A_1892 = arith.constant 14 : i32
        %add3A_1893 = arith.addi %mul3A_728, %add3A_1892 : i32
        %get3A_1894 = arith.index_cast %add3A_1893 : i32 to index
        %get3A_1895 = arith.constant 16 : index
        %get3A_1896 = tpu.vector_load %arg18[%get3A_1894, %get3A_1895] {strides = array<i32>} : memref<320x64xf32, #tpu.memory_space<vmem>>, vector<16xf32>,
        %add3A_1897 = arith.constant 14 : i32
        %add3A_1898 = arith.addi %mul3A_728, %add3A_1897 : i32
        %get3A_1899 = arith.index_cast %add3A_1898 : i32 to index
        %get3A_1900 = arith.constant 32 : index
        %get3A_1901 = tpu.vector_load %arg18[%get3A_1899, %get3A_1900] {strides = array<i32>} : memref<320x64xf32, #tpu.memory_space<vmem>>, vector<16xf32>,
        %add3A_1902 = arith.constant 14 : i32
        %add3A_1903 = arith.addi %mul3A_728, %add3A_1902 : i32
        %get3A_1904 = arith.index_cast %add3A_1903 : i32 to index
        %get3A_1905 = arith.constant 48 : index
        %get3A_1906 = tpu.vector_load %arg18[%get3A_1904, %get3A_1905] {strides = array<i32>} : memref<320x64xf32, #tpu.memory_space<vmem>>, vector<16xf32>,
        %mul3A_1907 = arith.mulf %get3A_1891, %get3A_717 : vector<16xf32>
        %mul3A_1908 = arith.mulf %get3A_1896, %get3A_720 : vector<16xf32>
        %add3A_1909 = arith.addf %mul3A_1907, %mul3A_1908 : vector<16xf32>
        %mul3A_1910 = arith.mulf %get3A_1901, %get3A_723 : vector<16xf32>
        %mul3A_1911 = arith.mulf %get3A_1906, %get3A_726 : vector<16xf32>
        %add3A_1912 = arith.addf %mul3A_1910, %mul3A_1911 : vector<16xf32>
        %add3A_1913 = arith.addf %add3A_1909, %add3A_1912 : vector<16xf32>
        %add3A_1914 = arith.constant 15 : i32
        %add3A_1915 = arith.addi %mul3A_728, %add3A_1914 : i32
        %get3A_1916 = arith.index_cast %add3A_1915 : i32 to index
        %get3A_1917 = arith.constant 0 : index
        %get3A_1918 = tpu.vector_load %arg18[%get3A_1916, %get3A_1917] {strides = array<i32>} : memref<320x64xf32, #tpu.memory_space<vmem>>, vector<16xf32>,
        %add3A_1919 = arith.constant 15 : i32
        %add3A_1920 = arith.addi %mul3A_728, %add3A_1919 : i32
        %get3A_1921 = arith.index_cast %add3A_1920 : i32 to index
        %get3A_1922 = arith.constant 16 : index
        %get3A_1923 = tpu.vector_load %arg18[%get3A_1921, %get3A_1922] {strides = array<i32>} : memref<320x64xf32, #tpu.memory_space<vmem>>, vector<16xf32>,
        %add3A_1924 = arith.constant 15 : i32
        %add3A_1925 = arith.addi %mul3A_728, %add3A_1924 : i32
        %get3A_1926 = arith.index_cast %add3A_1925 : i32 to index
        %get3A_1927 = arith.constant 32 : index
        %get3A_1928 = tpu.vector_load %arg18[%get3A_1926, %get3A_1927] {strides = array<i32>} : memref<320x64xf32, #tpu.memory_space<vmem>>, vector<16xf32>,
        %add3A_1929 = arith.constant 15 : i32
        %add3A_1930 = arith.addi %mul3A_728, %add3A_1929 : i32
        %get3A_1931 = arith.index_cast %add3A_1930 : i32 to index
        %get3A_1932 = arith.constant 48 : index
        %get3A_1933 = tpu.vector_load %arg18[%get3A_1931, %get3A_1932] {strides = array<i32>} : memref<320x64xf32, #tpu.memory_space<vmem>>, vector<16xf32>,
        %mul3A_1934 = arith.mulf %get3A_1918, %get3A_717 : vector<16xf32>
        %mul3A_1935 = arith.mulf %get3A_1923, %get3A_720 : vector<16xf32>
        %add3A_1936 = arith.addf %mul3A_1934, %mul3A_1935 : vector<16xf32>
        %mul3A_1937 = arith.mulf %get3A_1928, %get3A_723 : vector<16xf32>
        %mul3A_1938 = arith.mulf %get3A_1933, %get3A_726 : vector<16xf32>
        %add3A_1939 = arith.addf %mul3A_1937, %mul3A_1938 : vector<16xf32>
        %add3A_1940 = arith.addf %add3A_1936, %add3A_1939 : vector<16xf32>
        %add3A_1941 = arith.constant 16 : i32
        %add3A_1942 = arith.addi %mul3A_728, %add3A_1941 : i32
        %get3A_1943 = arith.index_cast %add3A_1942 : i32 to index
        %get3A_1944 = arith.constant 0 : index
        %get3A_1945 = tpu.vector_load %arg18[%get3A_1943, %get3A_1944] {strides = array<i32>} : memref<320x64xf32, #tpu.memory_space<vmem>>, vector<16xf32>,
        %add3A_1946 = arith.constant 16 : i32
        %add3A_1947 = arith.addi %mul3A_728, %add3A_1946 : i32
        %get3A_1948 = arith.index_cast %add3A_1947 : i32 to index
        %get3A_1949 = arith.constant 16 : index
        %get3A_1950 = tpu.vector_load %arg18[%get3A_1948, %get3A_1949] {strides = array<i32>} : memref<320x64xf32, #tpu.memory_space<vmem>>, vector<16xf32>,
        %add3A_1951 = arith.constant 16 : i32
        %add3A_1952 = arith.addi %mul3A_728, %add3A_1951 : i32
        %get3A_1953 = arith.index_cast %add3A_1952 : i32 to index
        %get3A_1954 = arith.constant 32 : index
        %get3A_1955 = tpu.vector_load %arg18[%get3A_1953, %get3A_1954] {strides = array<i32>} : memref<320x64xf32, #tpu.memory_space<vmem>>, vector<16xf32>,
        %add3A_1956 = arith.constant 16 : i32
        %add3A_1957 = arith.addi %mul3A_728, %add3A_1956 : i32
        %get3A_1958 = arith.index_cast %add3A_1957 : i32 to index
        %get3A_1959 = arith.constant 48 : index
        %get3A_1960 = tpu.vector_load %arg18[%get3A_1958, %get3A_1959] {strides = array<i32>} : memref<320x64xf32, #tpu.memory_space<vmem>>, vector<16xf32>,
        %mul3A_1961 = arith.mulf %get3A_1945, %get3A_717 : vector<16xf32>
        %mul3A_1962 = arith.mulf %get3A_1950, %get3A_720 : vector<16xf32>
        %add3A_1963 = arith.addf %mul3A_1961, %mul3A_1962 : vector<16xf32>
        %mul3A_1964 = arith.mulf %get3A_1955, %get3A_723 : vector<16xf32>
        %mul3A_1965 = arith.mulf %get3A_1960, %get3A_726 : vector<16xf32>
        %add3A_1966 = arith.addf %mul3A_1964, %mul3A_1965 : vector<16xf32>
        %add3A_1967 = arith.addf %add3A_1963, %add3A_1966 : vector<16xf32>
        %add3A_1968 = arith.constant 17 : i32
        %add3A_1969 = arith.addi %mul3A_728, %add3A_1968 : i32
        %get3A_1970 = arith.index_cast %add3A_1969 : i32 to index
        %get3A_1971 = arith.constant 0 : index
        %get3A_1972 = tpu.vector_load %arg18[%get3A_1970, %get3A_1971] {strides = array<i32>} : memref<320x64xf32, #tpu.memory_space<vmem>>, vector<16xf32>,
        %add3A_1973 = arith.constant 17 : i32
        %add3A_1974 = arith.addi %mul3A_728, %add3A_1973 : i32
        %get3A_1975 = arith.index_cast %add3A_1974 : i32 to index
        %get3A_1976 = arith.constant 16 : index
        %get3A_1977 = tpu.vector_load %arg18[%get3A_1975, %get3A_1976] {strides = array<i32>} : memref<320x64xf32, #tpu.memory_space<vmem>>, vector<16xf32>,
        %add3A_1978 = arith.constant 17 : i32
        %add3A_1979 = arith.addi %mul3A_728, %add3A_1978 : i32
        %get3A_1980 = arith.index_cast %add3A_1979 : i32 to index
        %get3A_1981 = arith.constant 32 : index
        %get3A_1982 = tpu.vector_load %arg18[%get3A_1980, %get3A_1981] {strides = array<i32>} : memref<320x64xf32, #tpu.memory_space<vmem>>, vector<16xf32>,
        %add3A_1983 = arith.constant 17 : i32
        %add3A_1984 = arith.addi %mul3A_728, %add3A_1983 : i32
        %get3A_1985 = arith.index_cast %add3A_1984 : i32 to index
        %get3A_1986 = arith.constant 48 : index
        %get3A_1987 = tpu.vector_load %arg18[%get3A_1985, %get3A_1986] {strides = array<i32>} : memref<320x64xf32, #tpu.memory_space<vmem>>, vector<16xf32>,
        %mul3A_1988 = arith.mulf %get3A_1972, %get3A_717 : vector<16xf32>
        %mul3A_1989 = arith.mulf %get3A_1977, %get3A_720 : vector<16xf32>
        %add3A_1990 = arith.addf %mul3A_1988, %mul3A_1989 : vector<16xf32>
        %mul3A_1991 = arith.mulf %get3A_1982, %get3A_723 : vector<16xf32>
        %mul3A_1992 = arith.mulf %get3A_1987, %get3A_726 : vector<16xf32>
        %add3A_1993 = arith.addf %mul3A_1991, %mul3A_1992 : vector<16xf32>
        %add3A_1994 = arith.addf %add3A_1990, %add3A_1993 : vector<16xf32>
        %add3A_1995 = arith.constant 18 : i32
        %add3A_1996 = arith.addi %mul3A_728, %add3A_1995 : i32
        %get3A_1997 = arith.index_cast %add3A_1996 : i32 to index
        %get3A_1998 = arith.constant 0 : index
        %get3A_1999 = tpu.vector_load %arg18[%get3A_1997, %get3A_1998] {strides = array<i32>} : memref<320x64xf32, #tpu.memory_space<vmem>>, vector<16xf32>,
        %add3A_2000 = arith.constant 18 : i32
        %add3A_2001 = arith.addi %mul3A_728, %add3A_2000 : i32
        %get3A_2002 = arith.index_cast %add3A_2001 : i32 to index
        %get3A_2003 = arith.constant 16 : index
        %get3A_2004 = tpu.vector_load %arg18[%get3A_2002, %get3A_2003] {strides = array<i32>} : memref<320x64xf32, #tpu.memory_space<vmem>>, vector<16xf32>,
        %add3A_2005 = arith.constant 18 : i32
        %add3A_2006 = arith.addi %mul3A_728, %add3A_2005 : i32
        %get3A_2007 = arith.index_cast %add3A_2006 : i32 to index
        %get3A_2008 = arith.constant 32 : index
        %get3A_2009 = tpu.vector_load %arg18[%get3A_2007, %get3A_2008] {strides = array<i32>} : memref<320x64xf32, #tpu.memory_space<vmem>>, vector<16xf32>,
        %add3A_2010 = arith.constant 18 : i32
        %add3A_2011 = arith.addi %mul3A_728, %add3A_2010 : i32
        %get3A_2012 = arith.index_cast %add3A_2011 : i32 to index
        %get3A_2013 = arith.constant 48 : index
        %get3A_2014 = tpu.vector_load %arg18[%get3A_2012, %get3A_2013] {strides = array<i32>} : memref<320x64xf32, #tpu.memory_space<vmem>>, vector<16xf32>,
        %mul3A_2015 = arith.mulf %get3A_1999, %get3A_717 : vector<16xf32>
        %mul3A_2016 = arith.mulf %get3A_2004, %get3A_720 : vector<16xf32>
        %add3A_2017 = arith.addf %mul3A_2015, %mul3A_2016 : vector<16xf32>
        %mul3A_2018 = arith.mulf %get3A_2009, %get3A_723 : vector<16xf32>
        %mul3A_2019 = arith.mulf %get3A_2014, %get3A_726 : vector<16xf32>
        %add3A_2020 = arith.addf %mul3A_2018, %mul3A_2019 : vector<16xf32>
        %add3A_2021 = arith.addf %add3A_2017, %add3A_2020 : vector<16xf32>
        %add3A_2022 = arith.constant 19 : i32
        %add3A_2023 = arith.addi %mul3A_728, %add3A_2022 : i32
        %get3A_2024 = arith.index_cast %add3A_2023 : i32 to index
        %get3A_2025 = arith.constant 0 : index
        %get3A_2026 = tpu.vector_load %arg18[%get3A_2024, %get3A_2025] {strides = array<i32>} : memref<320x64xf32, #tpu.memory_space<vmem>>, vector<16xf32>,
        %add3A_2027 = arith.constant 19 : i32
        %add3A_2028 = arith.addi %mul3A_728, %add3A_2027 : i32
        %get3A_2029 = arith.index_cast %add3A_2028 : i32 to index
        %get3A_2030 = arith.constant 16 : index
        %get3A_2031 = tpu.vector_load %arg18[%get3A_2029, %get3A_2030] {strides = array<i32>} : memref<320x64xf32, #tpu.memory_space<vmem>>, vector<16xf32>,
        %add3A_2032 = arith.constant 19 : i32
        %add3A_2033 = arith.addi %mul3A_728, %add3A_2032 : i32
        %get3A_2034 = arith.index_cast %add3A_2033 : i32 to index
        %get3A_2035 = arith.constant 32 : index
        %get3A_2036 = tpu.vector_load %arg18[%get3A_2034, %get3A_2035] {strides = array<i32>} : memref<320x64xf32, #tpu.memory_space<vmem>>, vector<16xf32>,
        %add3A_2037 = arith.constant 19 : i32
        %add3A_2038 = arith.addi %mul3A_728, %add3A_2037 : i32
        %get3A_2039 = arith.index_cast %add3A_2038 : i32 to index
        %get3A_2040 = arith.constant 48 : index
        %get3A_2041 = tpu.vector_load %arg18[%get3A_2039, %get3A_2040] {strides = array<i32>} : memref<320x64xf32, #tpu.memory_space<vmem>>, vector<16xf32>,
        %mul3A_2042 = arith.mulf %get3A_2026, %get3A_717 : vector<16xf32>
        %mul3A_2043 = arith.mulf %get3A_2031, %get3A_720 : vector<16xf32>
        %add3A_2044 = arith.addf %mul3A_2042, %mul3A_2043 : vector<16xf32>
        %mul3A_2045 = arith.mulf %get3A_2036, %get3A_723 : vector<16xf32>
        %mul3A_2046 = arith.mulf %get3A_2041, %get3A_726 : vector<16xf32>
        %add3A_2047 = arith.addf %mul3A_2045, %mul3A_2046 : vector<16xf32>
        %add3A_2048 = arith.addf %add3A_2044, %add3A_2047 : vector<16xf32>
        %gather3A_2049 = vector.shape_cast %reshape3A : vector<16x1xi32> to vector<16xi32>
        %gather3A_2050 = tpu.dynamic_gather %add3A_755[%gather3A_2049] in [0] : vector<16xf32>, vector<16xi32> -> vector<16xf32>
        %add3A_2051 = arith.addf %add3A_755, %gather3A_2050 : vector<16xf32>
        %gather3A_2052 = vector.shape_cast %reshape3A : vector<16x1xi32> to vector<16xi32>
        %gather3A_2053 = tpu.dynamic_gather %add3A_794[%gather3A_2052] in [0] : vector<16xf32>, vector<16xi32> -> vector<16xf32>
        %add3A_2054 = arith.addf %add3A_794, %gather3A_2053 : vector<16xf32>
        %select_n3A = arith.select %eq3A_22, %add3A_2051, %add3A_2054 : vector<16xi1>, vector<16xf32>
        %gather3A_2055 = vector.shape_cast %reshape3A : vector<16x1xi32> to vector<16xi32>
        %gather3A_2056 = tpu.dynamic_gather %add3A_833[%gather3A_2055] in [0] : vector<16xf32>, vector<16xi32> -> vector<16xf32>
        %add3A_2057 = arith.addf %add3A_833, %gather3A_2056 : vector<16xf32>
        %gather3A_2058 = vector.shape_cast %reshape3A : vector<16x1xi32> to vector<16xi32>
        %gather3A_2059 = tpu.dynamic_gather %add3A_872[%gather3A_2058] in [0] : vector<16xf32>, vector<16xi32> -> vector<16xf32>
        %add3A_2060 = arith.addf %add3A_872, %gather3A_2059 : vector<16xf32>
        %select_n3A_2061 = arith.select %eq3A_22, %add3A_2057, %add3A_2060 : vector<16xi1>, vector<16xf32>
        %gather3A_2062 = vector.shape_cast %reshape3A : vector<16x1xi32> to vector<16xi32>
        %gather3A_2063 = tpu.dynamic_gather %add3A_911[%gather3A_2062] in [0] : vector<16xf32>, vector<16xi32> -> vector<16xf32>
        %add3A_2064 = arith.addf %add3A_911, %gather3A_2063 : vector<16xf32>
        %gather3A_2065 = vector.shape_cast %reshape3A : vector<16x1xi32> to vector<16xi32>
        %gather3A_2066 = tpu.dynamic_gather %add3A_950[%gather3A_2065] in [0] : vector<16xf32>, vector<16xi32> -> vector<16xf32>
        %add3A_2067 = arith.addf %add3A_950, %gather3A_2066 : vector<16xf32>
        %select_n3A_2068 = arith.select %eq3A_22, %add3A_2064, %add3A_2067 : vector<16xi1>, vector<16xf32>
        %gather3A_2069 = vector.shape_cast %reshape3A : vector<16x1xi32> to vector<16xi32>
        %gather3A_2070 = tpu.dynamic_gather %add3A_989[%gather3A_2069] in [0] : vector<16xf32>, vector<16xi32> -> vector<16xf32>
        %add3A_2071 = arith.addf %add3A_989, %gather3A_2070 : vector<16xf32>
        %gather3A_2072 = vector.shape_cast %reshape3A : vector<16x1xi32> to vector<16xi32>
        %gather3A_2073 = tpu.dynamic_gather %add3A_1028[%gather3A_2072] in [0] : vector<16xf32>, vector<16xi32> -> vector<16xf32>
        %add3A_2074 = arith.addf %add3A_1028, %gather3A_2073 : vector<16xf32>
        %select_n3A_2075 = arith.select %eq3A_22, %add3A_2071, %add3A_2074 : vector<16xi1>, vector<16xf32>
        %gather3A_2076 = vector.shape_cast %reshape3A : vector<16x1xi32> to vector<16xi32>
        %gather3A_2077 = tpu.dynamic_gather %add3A_1067[%gather3A_2076] in [0] : vector<16xf32>, vector<16xi32> -> vector<16xf32>
        %add3A_2078 = arith.addf %add3A_1067, %gather3A_2077 : vector<16xf32>
        %gather3A_2079 = vector.shape_cast %reshape3A : vector<16x1xi32> to vector<16xi32>
        %gather3A_2080 = tpu.dynamic_gather %add3A_1106[%gather3A_2079] in [0] : vector<16xf32>, vector<16xi32> -> vector<16xf32>
        %add3A_2081 = arith.addf %add3A_1106, %gather3A_2080 : vector<16xf32>
        %select_n3A_2082 = arith.select %eq3A_22, %add3A_2078, %add3A_2081 : vector<16xi1>, vector<16xf32>
        %gather3A_2083 = vector.shape_cast %reshape3A : vector<16x1xi32> to vector<16xi32>
        %gather3A_2084 = tpu.dynamic_gather %add3A_1145[%gather3A_2083] in [0] : vector<16xf32>, vector<16xi32> -> vector<16xf32>
        %add3A_2085 = arith.addf %add3A_1145, %gather3A_2084 : vector<16xf32>
        %gather3A_2086 = vector.shape_cast %reshape3A : vector<16x1xi32> to vector<16xi32>
        %gather3A_2087 = tpu.dynamic_gather %add3A_1184[%gather3A_2086] in [0] : vector<16xf32>, vector<16xi32> -> vector<16xf32>
        %add3A_2088 = arith.addf %add3A_1184, %gather3A_2087 : vector<16xf32>
        %select_n3A_2089 = arith.select %eq3A_22, %add3A_2085, %add3A_2088 : vector<16xi1>, vector<16xf32>
        %gather3A_2090 = vector.shape_cast %reshape3A : vector<16x1xi32> to vector<16xi32>
        %gather3A_2091 = tpu.dynamic_gather %add3A_1223[%gather3A_2090] in [0] : vector<16xf32>, vector<16xi32> -> vector<16xf32>
        %add3A_2092 = arith.addf %add3A_1223, %gather3A_2091 : vector<16xf32>
        %gather3A_2093 = vector.shape_cast %reshape3A : vector<16x1xi32> to vector<16xi32>
        %gather3A_2094 = tpu.dynamic_gather %add3A_1262[%gather3A_2093] in [0] : vector<16xf32>, vector<16xi32> -> vector<16xf32>
        %add3A_2095 = arith.addf %add3A_1262, %gather3A_2094 : vector<16xf32>
        %select_n3A_2096 = arith.select %eq3A_22, %add3A_2092, %add3A_2095 : vector<16xi1>, vector<16xf32>
        %gather3A_2097 = vector.shape_cast %reshape3A : vector<16x1xi32> to vector<16xi32>
        %gather3A_2098 = tpu.dynamic_gather %add3A_1301[%gather3A_2097] in [0] : vector<16xf32>, vector<16xi32> -> vector<16xf32>
        %add3A_2099 = arith.addf %add3A_1301, %gather3A_2098 : vector<16xf32>
        %gather3A_2100 = vector.shape_cast %reshape3A : vector<16x1xi32> to vector<16xi32>
        %gather3A_2101 = tpu.dynamic_gather %add3A_1340[%gather3A_2100] in [0] : vector<16xf32>, vector<16xi32> -> vector<16xf32>
        %add3A_2102 = arith.addf %add3A_1340, %gather3A_2101 : vector<16xf32>
        %select_n3A_2103 = arith.select %eq3A_22, %add3A_2099, %add3A_2102 : vector<16xi1>, vector<16xf32>
        %gather3A_2104 = vector.shape_cast %reshape3A_10 : vector<16x1xi32> to vector<16xi32>
        %gather3A_2105 = tpu.dynamic_gather %select_n3A[%gather3A_2104] in [0] : vector<16xf32>, vector<16xi32> -> vector<16xf32>
        %add3A_2106 = arith.addf %select_n3A, %gather3A_2105 : vector<16xf32>
        %gather3A_2107 = vector.shape_cast %reshape3A_10 : vector<16x1xi32> to vector<16xi32>
        %gather3A_2108 = tpu.dynamic_gather %select_n3A_2061[%gather3A_2107] in [0] : vector<16xf32>, vector<16xi32> -> vector<16xf32>
        %add3A_2109 = arith.addf %select_n3A_2061, %gather3A_2108 : vector<16xf32>
        %select_n3A_2110 = arith.select %eq3A_28, %add3A_2106, %add3A_2109 : vector<16xi1>, vector<16xf32>
        %gather3A_2111 = vector.shape_cast %reshape3A_10 : vector<16x1xi32> to vector<16xi32>
        %gather3A_2112 = tpu.dynamic_gather %select_n3A_2068[%gather3A_2111] in [0] : vector<16xf32>, vector<16xi32> -> vector<16xf32>
        %add3A_2113 = arith.addf %select_n3A_2068, %gather3A_2112 : vector<16xf32>
        %gather3A_2114 = vector.shape_cast %reshape3A_10 : vector<16x1xi32> to vector<16xi32>
        %gather3A_2115 = tpu.dynamic_gather %select_n3A_2075[%gather3A_2114] in [0] : vector<16xf32>, vector<16xi32> -> vector<16xf32>
        %add3A_2116 = arith.addf %select_n3A_2075, %gather3A_2115 : vector<16xf32>
        %select_n3A_2117 = arith.select %eq3A_28, %add3A_2113, %add3A_2116 : vector<16xi1>, vector<16xf32>
        %gather3A_2118 = vector.shape_cast %reshape3A_10 : vector<16x1xi32> to vector<16xi32>
        %gather3A_2119 = tpu.dynamic_gather %select_n3A_2082[%gather3A_2118] in [0] : vector<16xf32>, vector<16xi32> -> vector<16xf32>
        %add3A_2120 = arith.addf %select_n3A_2082, %gather3A_2119 : vector<16xf32>
        %gather3A_2121 = vector.shape_cast %reshape3A_10 : vector<16x1xi32> to vector<16xi32>
        %gather3A_2122 = tpu.dynamic_gather %select_n3A_2089[%gather3A_2121] in [0] : vector<16xf32>, vector<16xi32> -> vector<16xf32>
        %add3A_2123 = arith.addf %select_n3A_2089, %gather3A_2122 : vector<16xf32>
        %select_n3A_2124 = arith.select %eq3A_28, %add3A_2120, %add3A_2123 : vector<16xi1>, vector<16xf32>
        %gather3A_2125 = vector.shape_cast %reshape3A_10 : vector<16x1xi32> to vector<16xi32>
        %gather3A_2126 = tpu.dynamic_gather %select_n3A_2096[%gather3A_2125] in [0] : vector<16xf32>, vector<16xi32> -> vector<16xf32>
        %add3A_2127 = arith.addf %select_n3A_2096, %gather3A_2126 : vector<16xf32>
        %gather3A_2128 = vector.shape_cast %reshape3A_10 : vector<16x1xi32> to vector<16xi32>
        %gather3A_2129 = tpu.dynamic_gather %select_n3A_2103[%gather3A_2128] in [0] : vector<16xf32>, vector<16xi32> -> vector<16xf32>
        %add3A_2130 = arith.addf %select_n3A_2103, %gather3A_2129 : vector<16xf32>
        %select_n3A_2131 = arith.select %eq3A_28, %add3A_2127, %add3A_2130 : vector<16xi1>, vector<16xf32>
        %gather3A_2132 = vector.shape_cast %reshape3A_14 : vector<16x1xi32> to vector<16xi32>
        %gather3A_2133 = tpu.dynamic_gather %select_n3A_2110[%gather3A_2132] in [0] : vector<16xf32>, vector<16xi32> -> vector<16xf32>
        %add3A_2134 = arith.addf %select_n3A_2110, %gather3A_2133 : vector<16xf32>
        %gather3A_2135 = vector.shape_cast %reshape3A_14 : vector<16x1xi32> to vector<16xi32>
        %gather3A_2136 = tpu.dynamic_gather %select_n3A_2117[%gather3A_2135] in [0] : vector<16xf32>, vector<16xi32> -> vector<16xf32>
        %add3A_2137 = arith.addf %select_n3A_2117, %gather3A_2136 : vector<16xf32>
        %select_n3A_2138 = arith.select %eq3A_34, %add3A_2134, %add3A_2137 : vector<16xi1>, vector<16xf32>
        %gather3A_2139 = vector.shape_cast %reshape3A_14 : vector<16x1xi32> to vector<16xi32>
        %gather3A_2140 = tpu.dynamic_gather %select_n3A_2124[%gather3A_2139] in [0] : vector<16xf32>, vector<16xi32> -> vector<16xf32>
        %add3A_2141 = arith.addf %select_n3A_2124, %gather3A_2140 : vector<16xf32>
        %gather3A_2142 = vector.shape_cast %reshape3A_14 : vector<16x1xi32> to vector<16xi32>
        %gather3A_2143 = tpu.dynamic_gather %select_n3A_2131[%gather3A_2142] in [0] : vector<16xf32>, vector<16xi32> -> vector<16xf32>
        %add3A_2144 = arith.addf %select_n3A_2131, %gather3A_2143 : vector<16xf32>
        %select_n3A_2145 = arith.select %eq3A_34, %add3A_2141, %add3A_2144 : vector<16xi1>, vector<16xf32>
        %gather3A_2146 = vector.shape_cast %reshape3A_18 : vector<16x1xi32> to vector<16xi32>
        %gather3A_2147 = tpu.dynamic_gather %select_n3A_2138[%gather3A_2146] in [0] : vector<16xf32>, vector<16xi32> -> vector<16xf32>
        %add3A_2148 = arith.addf %select_n3A_2138, %gather3A_2147 : vector<16xf32>
        %gather3A_2149 = vector.shape_cast %reshape3A_18 : vector<16x1xi32> to vector<16xi32>
        %gather3A_2150 = tpu.dynamic_gather %select_n3A_2145[%gather3A_2149] in [0] : vector<16xf32>, vector<16xi32> -> vector<16xf32>
        %add3A_2151 = arith.addf %select_n3A_2145, %gather3A_2150 : vector<16xf32>
        %select_n3A_2152 = arith.select %eq3A_40, %add3A_2148, %add3A_2151 : vector<16xi1>, vector<16xf32>
        %gather3A_2153 = vector.shape_cast %reshape3A : vector<16x1xi32> to vector<16xi32>
        %gather3A_2154 = tpu.dynamic_gather %add3A_1379[%gather3A_2153] in [0] : vector<16xf32>, vector<16xi32> -> vector<16xf32>
        %add3A_2155 = arith.addf %add3A_1379, %gather3A_2154 : vector<16xf32>
        %gather3A_2156 = vector.shape_cast %reshape3A : vector<16x1xi32> to vector<16xi32>
        %gather3A_2157 = tpu.dynamic_gather %add3A_1418[%gather3A_2156] in [0] : vector<16xf32>, vector<16xi32> -> vector<16xf32>
        %add3A_2158 = arith.addf %add3A_1418, %gather3A_2157 : vector<16xf32>
        %select_n3A_2159 = arith.select %eq3A_22, %add3A_2155, %add3A_2158 : vector<16xi1>, vector<16xf32>
        %gather3A_2160 = vector.shape_cast %reshape3A : vector<16x1xi32> to vector<16xi32>
        %gather3A_2161 = tpu.dynamic_gather %add3A_1457[%gather3A_2160] in [0] : vector<16xf32>, vector<16xi32> -> vector<16xf32>
        %add3A_2162 = arith.addf %add3A_1457, %gather3A_2161 : vector<16xf32>
        %gather3A_2163 = vector.shape_cast %reshape3A : vector<16x1xi32> to vector<16xi32>
        %gather3A_2164 = tpu.dynamic_gather %add3A_1496[%gather3A_2163] in [0] : vector<16xf32>, vector<16xi32> -> vector<16xf32>
        %add3A_2165 = arith.addf %add3A_1496, %gather3A_2164 : vector<16xf32>
        %select_n3A_2166 = arith.select %eq3A_22, %add3A_2162, %add3A_2165 : vector<16xi1>, vector<16xf32>
        %gather3A_2167 = vector.shape_cast %reshape3A_10 : vector<16x1xi32> to vector<16xi32>
        %gather3A_2168 = tpu.dynamic_gather %select_n3A_2159[%gather3A_2167] in [0] : vector<16xf32>, vector<16xi32> -> vector<16xf32>
        %add3A_2169 = arith.addf %select_n3A_2159, %gather3A_2168 : vector<16xf32>
        %gather3A_2170 = vector.shape_cast %reshape3A_10 : vector<16x1xi32> to vector<16xi32>
        %gather3A_2171 = tpu.dynamic_gather %select_n3A_2166[%gather3A_2170] in [0] : vector<16xf32>, vector<16xi32> -> vector<16xf32>
        %add3A_2172 = arith.addf %select_n3A_2166, %gather3A_2171 : vector<16xf32>
        %gather3A_2173 = vector.shape_cast %reshape3A_14 : vector<16x1xi32> to vector<16xi32>
        %gather3A_2174 = tpu.dynamic_gather %add3A_2169[%gather3A_2173] in [0] : vector<16xf32>, vector<16xi32> -> vector<16xf32>
        %add3A_2175 = arith.addf %add3A_2169, %gather3A_2174 : vector<16xf32>
        %gather3A_2176 = vector.shape_cast %reshape3A_14 : vector<16x1xi32> to vector<16xi32>
        %gather3A_2177 = tpu.dynamic_gather %add3A_2172[%gather3A_2176] in [0] : vector<16xf32>, vector<16xi32> -> vector<16xf32>
        %add3A_2178 = arith.addf %add3A_2172, %gather3A_2177 : vector<16xf32>
        %gather3A_2179 = vector.shape_cast %reshape3A_18 : vector<16x1xi32> to vector<16xi32>
        %gather3A_2180 = tpu.dynamic_gather %add3A_2175[%gather3A_2179] in [0] : vector<16xf32>, vector<16xi32> -> vector<16xf32>
        %add3A_2181 = arith.addf %add3A_2175, %gather3A_2180 : vector<16xf32>
        %gather3A_2182 = vector.shape_cast %reshape3A_18 : vector<16x1xi32> to vector<16xi32>
        %gather3A_2183 = tpu.dynamic_gather %add3A_2178[%gather3A_2182] in [0] : vector<16xf32>, vector<16xi32> -> vector<16xf32>
        %add3A_2184 = arith.addf %add3A_2178, %gather3A_2183 : vector<16xf32>
        %select_n3A_2185 = arith.select %eq3A_28, %add3A_2181, %add3A_2184 : vector<16xi1>, vector<16xf32>
        %exp3A = math.exp %select_n3A_2152 : vector<16xf32>
        %exp3A_2186 = math.exp %select_n3A_2185 : vector<16xf32>
        %select_n3A_2187 = arith.select %eq3A_46, %exp3A_2186, %broadcast_in_dim3A_48 : vector<16xi1>, vector<16xf32>
        %gather3A_2188 = vector.shape_cast %reshape3A : vector<16x1xi32> to vector<16xi32>
        %gather3A_2189 = tpu.dynamic_gather %add3A_1535[%gather3A_2188] in [0] : vector<16xf32>, vector<16xi32> -> vector<16xf32>
        %add3A_2190 = arith.addf %add3A_1535, %gather3A_2189 : vector<16xf32>
        %gather3A_2191 = vector.shape_cast %reshape3A : vector<16x1xi32> to vector<16xi32>
        %gather3A_2192 = tpu.dynamic_gather %add3A_1562[%gather3A_2191] in [0] : vector<16xf32>, vector<16xi32> -> vector<16xf32>
        %add3A_2193 = arith.addf %add3A_1562, %gather3A_2192 : vector<16xf32>
        %select_n3A_2194 = arith.select %eq3A_22, %add3A_2190, %add3A_2193 : vector<16xi1>, vector<16xf32>
        %gather3A_2195 = vector.shape_cast %reshape3A : vector<16x1xi32> to vector<16xi32>
        %gather3A_2196 = tpu.dynamic_gather %add3A_1589[%gather3A_2195] in [0] : vector<16xf32>, vector<16xi32> -> vector<16xf32>
        %add3A_2197 = arith.addf %add3A_1589, %gather3A_2196 : vector<16xf32>
        %gather3A_2198 = vector.shape_cast %reshape3A : vector<16x1xi32> to vector<16xi32>
        %gather3A_2199 = tpu.dynamic_gather %add3A_1616[%gather3A_2198] in [0] : vector<16xf32>, vector<16xi32> -> vector<16xf32>
        %add3A_2200 = arith.addf %add3A_1616, %gather3A_2199 : vector<16xf32>
        %select_n3A_2201 = arith.select %eq3A_22, %add3A_2197, %add3A_2200 : vector<16xi1>, vector<16xf32>
        %gather3A_2202 = vector.shape_cast %reshape3A : vector<16x1xi32> to vector<16xi32>
        %gather3A_2203 = tpu.dynamic_gather %add3A_1643[%gather3A_2202] in [0] : vector<16xf32>, vector<16xi32> -> vector<16xf32>
        %add3A_2204 = arith.addf %add3A_1643, %gather3A_2203 : vector<16xf32>
        %gather3A_2205 = vector.shape_cast %reshape3A : vector<16x1xi32> to vector<16xi32>
        %gather3A_2206 = tpu.dynamic_gather %add3A_1670[%gather3A_2205] in [0] : vector<16xf32>, vector<16xi32> -> vector<16xf32>
        %add3A_2207 = arith.addf %add3A_1670, %gather3A_2206 : vector<16xf32>
        %select_n3A_2208 = arith.select %eq3A_22, %add3A_2204, %add3A_2207 : vector<16xi1>, vector<16xf32>
        %gather3A_2209 = vector.shape_cast %reshape3A : vector<16x1xi32> to vector<16xi32>
        %gather3A_2210 = tpu.dynamic_gather %add3A_1697[%gather3A_2209] in [0] : vector<16xf32>, vector<16xi32> -> vector<16xf32>
        %add3A_2211 = arith.addf %add3A_1697, %gather3A_2210 : vector<16xf32>
        %gather3A_2212 = vector.shape_cast %reshape3A : vector<16x1xi32> to vector<16xi32>
        %gather3A_2213 = tpu.dynamic_gather %add3A_1724[%gather3A_2212] in [0] : vector<16xf32>, vector<16xi32> -> vector<16xf32>
        %add3A_2214 = arith.addf %add3A_1724, %gather3A_2213 : vector<16xf32>
        %select_n3A_2215 = arith.select %eq3A_22, %add3A_2211, %add3A_2214 : vector<16xi1>, vector<16xf32>
        %gather3A_2216 = vector.shape_cast %reshape3A : vector<16x1xi32> to vector<16xi32>
        %gather3A_2217 = tpu.dynamic_gather %add3A_1751[%gather3A_2216] in [0] : vector<16xf32>, vector<16xi32> -> vector<16xf32>
        %add3A_2218 = arith.addf %add3A_1751, %gather3A_2217 : vector<16xf32>
        %gather3A_2219 = vector.shape_cast %reshape3A : vector<16x1xi32> to vector<16xi32>
        %gather3A_2220 = tpu.dynamic_gather %add3A_1778[%gather3A_2219] in [0] : vector<16xf32>, vector<16xi32> -> vector<16xf32>
        %add3A_2221 = arith.addf %add3A_1778, %gather3A_2220 : vector<16xf32>
        %select_n3A_2222 = arith.select %eq3A_22, %add3A_2218, %add3A_2221 : vector<16xi1>, vector<16xf32>
        %gather3A_2223 = vector.shape_cast %reshape3A : vector<16x1xi32> to vector<16xi32>
        %gather3A_2224 = tpu.dynamic_gather %add3A_1805[%gather3A_2223] in [0] : vector<16xf32>, vector<16xi32> -> vector<16xf32>
        %add3A_2225 = arith.addf %add3A_1805, %gather3A_2224 : vector<16xf32>
        %gather3A_2226 = vector.shape_cast %reshape3A : vector<16x1xi32> to vector<16xi32>
        %gather3A_2227 = tpu.dynamic_gather %add3A_1832[%gather3A_2226] in [0] : vector<16xf32>, vector<16xi32> -> vector<16xf32>
        %add3A_2228 = arith.addf %add3A_1832, %gather3A_2227 : vector<16xf32>
        %select_n3A_2229 = arith.select %eq3A_22, %add3A_2225, %add3A_2228 : vector<16xi1>, vector<16xf32>
        %gather3A_2230 = vector.shape_cast %reshape3A : vector<16x1xi32> to vector<16xi32>
        %gather3A_2231 = tpu.dynamic_gather %add3A_1859[%gather3A_2230] in [0] : vector<16xf32>, vector<16xi32> -> vector<16xf32>
        %add3A_2232 = arith.addf %add3A_1859, %gather3A_2231 : vector<16xf32>
        %gather3A_2233 = vector.shape_cast %reshape3A : vector<16x1xi32> to vector<16xi32>
        %gather3A_2234 = tpu.dynamic_gather %add3A_1886[%gather3A_2233] in [0] : vector<16xf32>, vector<16xi32> -> vector<16xf32>
        %add3A_2235 = arith.addf %add3A_1886, %gather3A_2234 : vector<16xf32>
        %select_n3A_2236 = arith.select %eq3A_22, %add3A_2232, %add3A_2235 : vector<16xi1>, vector<16xf32>
        %gather3A_2237 = vector.shape_cast %reshape3A : vector<16x1xi32> to vector<16xi32>
        %gather3A_2238 = tpu.dynamic_gather %add3A_1913[%gather3A_2237] in [0] : vector<16xf32>, vector<16xi32> -> vector<16xf32>
        %add3A_2239 = arith.addf %add3A_1913, %gather3A_2238 : vector<16xf32>
        %gather3A_2240 = vector.shape_cast %reshape3A : vector<16x1xi32> to vector<16xi32>
        %gather3A_2241 = tpu.dynamic_gather %add3A_1940[%gather3A_2240] in [0] : vector<16xf32>, vector<16xi32> -> vector<16xf32>
        %add3A_2242 = arith.addf %add3A_1940, %gather3A_2241 : vector<16xf32>
        %select_n3A_2243 = arith.select %eq3A_22, %add3A_2239, %add3A_2242 : vector<16xi1>, vector<16xf32>
        %gather3A_2244 = vector.shape_cast %reshape3A_10 : vector<16x1xi32> to vector<16xi32>
        %gather3A_2245 = tpu.dynamic_gather %select_n3A_2194[%gather3A_2244] in [0] : vector<16xf32>, vector<16xi32> -> vector<16xf32>
        %add3A_2246 = arith.addf %select_n3A_2194, %gather3A_2245 : vector<16xf32>
        %gather3A_2247 = vector.shape_cast %reshape3A_10 : vector<16x1xi32> to vector<16xi32>
        %gather3A_2248 = tpu.dynamic_gather %select_n3A_2201[%gather3A_2247] in [0] : vector<16xf32>, vector<16xi32> -> vector<16xf32>
        %add3A_2249 = arith.addf %select_n3A_2201, %gather3A_2248 : vector<16xf32>
        %select_n3A_2250 = arith.select %eq3A_28, %add3A_2246, %add3A_2249 : vector<16xi1>, vector<16xf32>
        %gather3A_2251 = vector.shape_cast %reshape3A_10 : vector<16x1xi32> to vector<16xi32>
        %gather3A_2252 = tpu.dynamic_gather %select_n3A_2208[%gather3A_2251] in [0] : vector<16xf32>, vector<16xi32> -> vector<16xf32>
        %add3A_2253 = arith.addf %select_n3A_2208, %gather3A_2252 : vector<16xf32>
        %gather3A_2254 = vector.shape_cast %reshape3A_10 : vector<16x1xi32> to vector<16xi32>
        %gather3A_2255 = tpu.dynamic_gather %select_n3A_2215[%gather3A_2254] in [0] : vector<16xf32>, vector<16xi32> -> vector<16xf32>
        %add3A_2256 = arith.addf %select_n3A_2215, %gather3A_2255 : vector<16xf32>
        %select_n3A_2257 = arith.select %eq3A_28, %add3A_2253, %add3A_2256 : vector<16xi1>, vector<16xf32>
        %gather3A_2258 = vector.shape_cast %reshape3A_10 : vector<16x1xi32> to vector<16xi32>
        %gather3A_2259 = tpu.dynamic_gather %select_n3A_2222[%gather3A_2258] in [0] : vector<16xf32>, vector<16xi32> -> vector<16xf32>
        %add3A_2260 = arith.addf %select_n3A_2222, %gather3A_2259 : vector<16xf32>
        %gather3A_2261 = vector.shape_cast %reshape3A_10 : vector<16x1xi32> to vector<16xi32>
        %gather3A_2262 = tpu.dynamic_gather %select_n3A_2229[%gather3A_2261] in [0] : vector<16xf32>, vector<16xi32> -> vector<16xf32>
        %add3A_2263 = arith.addf %select_n3A_2229, %gather3A_2262 : vector<16xf32>
        %select_n3A_2264 = arith.select %eq3A_28, %add3A_2260, %add3A_2263 : vector<16xi1>, vector<16xf32>
        %gather3A_2265 = vector.shape_cast %reshape3A_10 : vector<16x1xi32> to vector<16xi32>
        %gather3A_2266 = tpu.dynamic_gather %select_n3A_2236[%gather3A_2265] in [0] : vector<16xf32>, vector<16xi32> -> vector<16xf32>
        %add3A_2267 = arith.addf %select_n3A_2236, %gather3A_2266 : vector<16xf32>
        %gather3A_2268 = vector.shape_cast %reshape3A_10 : vector<16x1xi32> to vector<16xi32>
        %gather3A_2269 = tpu.dynamic_gather %select_n3A_2243[%gather3A_2268] in [0] : vector<16xf32>, vector<16xi32> -> vector<16xf32>
        %add3A_2270 = arith.addf %select_n3A_2243, %gather3A_2269 : vector<16xf32>
        %select_n3A_2271 = arith.select %eq3A_28, %add3A_2267, %add3A_2270 : vector<16xi1>, vector<16xf32>
        %gather3A_2272 = vector.shape_cast %reshape3A_14 : vector<16x1xi32> to vector<16xi32>
        %gather3A_2273 = tpu.dynamic_gather %select_n3A_2250[%gather3A_2272] in [0] : vector<16xf32>, vector<16xi32> -> vector<16xf32>
        %add3A_2274 = arith.addf %select_n3A_2250, %gather3A_2273 : vector<16xf32>
        %gather3A_2275 = vector.shape_cast %reshape3A_14 : vector<16x1xi32> to vector<16xi32>
        %gather3A_2276 = tpu.dynamic_gather %select_n3A_2257[%gather3A_2275] in [0] : vector<16xf32>, vector<16xi32> -> vector<16xf32>
        %add3A_2277 = arith.addf %select_n3A_2257, %gather3A_2276 : vector<16xf32>
        %select_n3A_2278 = arith.select %eq3A_34, %add3A_2274, %add3A_2277 : vector<16xi1>, vector<16xf32>
        %gather3A_2279 = vector.shape_cast %reshape3A_14 : vector<16x1xi32> to vector<16xi32>
        %gather3A_2280 = tpu.dynamic_gather %select_n3A_2264[%gather3A_2279] in [0] : vector<16xf32>, vector<16xi32> -> vector<16xf32>
        %add3A_2281 = arith.addf %select_n3A_2264, %gather3A_2280 : vector<16xf32>
        %gather3A_2282 = vector.shape_cast %reshape3A_14 : vector<16x1xi32> to vector<16xi32>
        %gather3A_2283 = tpu.dynamic_gather %select_n3A_2271[%gather3A_2282] in [0] : vector<16xf32>, vector<16xi32> -> vector<16xf32>
        %add3A_2284 = arith.addf %select_n3A_2271, %gather3A_2283 : vector<16xf32>
        %select_n3A_2285 = arith.select %eq3A_34, %add3A_2281, %add3A_2284 : vector<16xi1>, vector<16xf32>
        %gather3A_2286 = vector.shape_cast %reshape3A_18 : vector<16x1xi32> to vector<16xi32>
        %gather3A_2287 = tpu.dynamic_gather %select_n3A_2278[%gather3A_2286] in [0] : vector<16xf32>, vector<16xi32> -> vector<16xf32>
        %add3A_2288 = arith.addf %select_n3A_2278, %gather3A_2287 : vector<16xf32>
        %gather3A_2289 = vector.shape_cast %reshape3A_18 : vector<16x1xi32> to vector<16xi32>
        %gather3A_2290 = tpu.dynamic_gather %select_n3A_2285[%gather3A_2289] in [0] : vector<16xf32>, vector<16xi32> -> vector<16xf32>
        %add3A_2291 = arith.addf %select_n3A_2285, %gather3A_2290 : vector<16xf32>
        %select_n3A_2292 = arith.select %eq3A_40, %add3A_2288, %add3A_2291 : vector<16xi1>, vector<16xf32>
        %gather3A_2293 = vector.shape_cast %reshape3A : vector<16x1xi32> to vector<16xi32>
        %gather3A_2294 = tpu.dynamic_gather %add3A_1967[%gather3A_2293] in [0] : vector<16xf32>, vector<16xi32> -> vector<16xf32>
        %add3A_2295 = arith.addf %add3A_1967, %gather3A_2294 : vector<16xf32>
        %gather3A_2296 = vector.shape_cast %reshape3A : vector<16x1xi32> to vector<16xi32>
        %gather3A_2297 = tpu.dynamic_gather %add3A_1994[%gather3A_2296] in [0] : vector<16xf32>, vector<16xi32> -> vector<16xf32>
        %add3A_2298 = arith.addf %add3A_1994, %gather3A_2297 : vector<16xf32>
        %select_n3A_2299 = arith.select %eq3A_22, %add3A_2295, %add3A_2298 : vector<16xi1>, vector<16xf32>
        %gather3A_2300 = vector.shape_cast %reshape3A : vector<16x1xi32> to vector<16xi32>
        %gather3A_2301 = tpu.dynamic_gather %add3A_2021[%gather3A_2300] in [0] : vector<16xf32>, vector<16xi32> -> vector<16xf32>
        %add3A_2302 = arith.addf %add3A_2021, %gather3A_2301 : vector<16xf32>
        %gather3A_2303 = vector.shape_cast %reshape3A : vector<16x1xi32> to vector<16xi32>
        %gather3A_2304 = tpu.dynamic_gather %add3A_2048[%gather3A_2303] in [0] : vector<16xf32>, vector<16xi32> -> vector<16xf32>
        %add3A_2305 = arith.addf %add3A_2048, %gather3A_2304 : vector<16xf32>
        %select_n3A_2306 = arith.select %eq3A_22, %add3A_2302, %add3A_2305 : vector<16xi1>, vector<16xf32>
        %gather3A_2307 = vector.shape_cast %reshape3A_10 : vector<16x1xi32> to vector<16xi32>
        %gather3A_2308 = tpu.dynamic_gather %select_n3A_2299[%gather3A_2307] in [0] : vector<16xf32>, vector<16xi32> -> vector<16xf32>
        %add3A_2309 = arith.addf %select_n3A_2299, %gather3A_2308 : vector<16xf32>
        %gather3A_2310 = vector.shape_cast %reshape3A_10 : vector<16x1xi32> to vector<16xi32>
        %gather3A_2311 = tpu.dynamic_gather %select_n3A_2306[%gather3A_2310] in [0] : vector<16xf32>, vector<16xi32> -> vector<16xf32>
        %add3A_2312 = arith.addf %select_n3A_2306, %gather3A_2311 : vector<16xf32>
        %gather3A_2313 = vector.shape_cast %reshape3A_14 : vector<16x1xi32> to vector<16xi32>
        %gather3A_2314 = tpu.dynamic_gather %add3A_2309[%gather3A_2313] in [0] : vector<16xf32>, vector<16xi32> -> vector<16xf32>
        %add3A_2315 = arith.addf %add3A_2309, %gather3A_2314 : vector<16xf32>
        %gather3A_2316 = vector.shape_cast %reshape3A_14 : vector<16x1xi32> to vector<16xi32>
        %gather3A_2317 = tpu.dynamic_gather %add3A_2312[%gather3A_2316] in [0] : vector<16xf32>, vector<16xi32> -> vector<16xf32>
        %add3A_2318 = arith.addf %add3A_2312, %gather3A_2317 : vector<16xf32>
        %gather3A_2319 = vector.shape_cast %reshape3A_18 : vector<16x1xi32> to vector<16xi32>
        %gather3A_2320 = tpu.dynamic_gather %add3A_2315[%gather3A_2319] in [0] : vector<16xf32>, vector<16xi32> -> vector<16xf32>
        %add3A_2321 = arith.addf %add3A_2315, %gather3A_2320 : vector<16xf32>
        %gather3A_2322 = vector.shape_cast %reshape3A_18 : vector<16x1xi32> to vector<16xi32>
        %gather3A_2323 = tpu.dynamic_gather %add3A_2318[%gather3A_2322] in [0] : vector<16xf32>, vector<16xi32> -> vector<16xf32>
        %add3A_2324 = arith.addf %add3A_2318, %gather3A_2323 : vector<16xf32>
        %select_n3A_2325 = arith.select %eq3A_28, %add3A_2321, %add3A_2324 : vector<16xi1>, vector<16xf32>
        %exp3A_2326 = math.exp %select_n3A_2292 : vector<16xf32>
        %exp3A_2327 = math.exp %select_n3A_2325 : vector<16xf32>
        %select_n3A_2328 = arith.select %eq3A_46, %exp3A_2327, %broadcast_in_dim3A_48 : vector<16xi1>, vector<16xf32>
        %add3A_2329 = arith.addf %exp3A, %select_n3A_2187 : vector<16xf32>
        %mul3A_2330 = arith.constant 16 : i32
        %mul3A_2331 = arith.muli %add3A_715, %mul3A_2330 : i32
        %swap3A_2332 = arith.index_cast %mul3A_2331 : i32 to index
        %swap3A_2333 = tpu.vector_load %arg20[%swap3A_2332] {strides = array<i32>} : memref<256xf32, #tpu.memory_space<vmem>>, vector<16xf32>,
        tpu.vector_store %arg20[%swap3A_2332], %add3A_2329 {strides = array<i32>} : memref<256xf32, #tpu.memory_space<vmem>>, vector<16xf32>,
        %add3A_2334 = arith.addf %exp3A_2326, %select_n3A_2328 : vector<16xf32>
        %mul3A_2335 = arith.constant 16 : i32
        %mul3A_2336 = arith.muli %add3A_715, %mul3A_2335 : i32
        %swap3A_2337 = arith.index_cast %mul3A_2336 : i32 to index
        %swap3A_2338 = tpu.vector_load %arg21[%swap3A_2337] {strides = array<i32>} : memref<256xf32, #tpu.memory_space<vmem>>, vector<16xf32>,
        tpu.vector_store %arg21[%swap3A_2337], %add3A_2334 {strides = array<i32>} : memref<256xf32, #tpu.memory_space<vmem>>, vector<16xf32>,
      }
      %scan3A_545 = arith.constant 16 : i32
      %add3A_546 = arith.constant 0 : i32
      %add3A_547 = vector.broadcast %add3A_546 : i32 to vector<16xi32>
      %add3A_548 = arith.addi %mul3A_3, %add3A_547 : vector<16xi32>
      %gather3A_549 = tpu.vector_load_idx %arg20[%add3A_548] : memref<256xf32, #tpu.memory_space<vmem>>[vector<16xi32>], vector<16xf32>,
      %add3A_550 = arith.constant 1 : i32
      %add3A_551 = vector.broadcast %add3A_550 : i32 to vector<16xi32>
      %add3A_552 = arith.addi %add3A_548, %add3A_551 : vector<16xi32>
      %gather3A_553 = tpu.vector_load_idx %arg20[%add3A_552] : memref<256xf32, #tpu.memory_space<vmem>>[vector<16xi32>], vector<16xf32>,
      %add3A_554 = arith.addf %gather3A_549, %gather3A_553 : vector<16xf32>
      %add3A_555 = arith.constant 2 : i32
      %add3A_556 = vector.broadcast %add3A_555 : i32 to vector<16xi32>
      %add3A_557 = arith.addi %add3A_548, %add3A_556 : vector<16xi32>
      %gather3A_558 = tpu.vector_load_idx %arg20[%add3A_557] : memref<256xf32, #tpu.memory_space<vmem>>[vector<16xi32>], vector<16xf32>,
      %add3A_559 = arith.addf %add3A_554, %gather3A_558 : vector<16xf32>
      %add3A_560 = arith.constant 3 : i32
      %add3A_561 = vector.broadcast %add3A_560 : i32 to vector<16xi32>
      %add3A_562 = arith.addi %add3A_548, %add3A_561 : vector<16xi32>
      %gather3A_563 = tpu.vector_load_idx %arg20[%add3A_562] : memref<256xf32, #tpu.memory_space<vmem>>[vector<16xi32>], vector<16xf32>,
      %add3A_564 = arith.addf %add3A_559, %gather3A_563 : vector<16xf32>
      %add3A_565 = arith.constant 4 : i32
      %add3A_566 = vector.broadcast %add3A_565 : i32 to vector<16xi32>
      %add3A_567 = arith.addi %add3A_548, %add3A_566 : vector<16xi32>
      %gather3A_568 = tpu.vector_load_idx %arg20[%add3A_567] : memref<256xf32, #tpu.memory_space<vmem>>[vector<16xi32>], vector<16xf32>,
      %add3A_569 = arith.addf %add3A_564, %gather3A_568 : vector<16xf32>
      %add3A_570 = arith.constant 5 : i32
      %add3A_571 = vector.broadcast %add3A_570 : i32 to vector<16xi32>
      %add3A_572 = arith.addi %add3A_548, %add3A_571 : vector<16xi32>
      %gather3A_573 = tpu.vector_load_idx %arg20[%add3A_572] : memref<256xf32, #tpu.memory_space<vmem>>[vector<16xi32>], vector<16xf32>,
      %add3A_574 = arith.addf %add3A_569, %gather3A_573 : vector<16xf32>
      %add3A_575 = arith.constant 6 : i32
      %add3A_576 = vector.broadcast %add3A_575 : i32 to vector<16xi32>
      %add3A_577 = arith.addi %add3A_548, %add3A_576 : vector<16xi32>
      %gather3A_578 = tpu.vector_load_idx %arg20[%add3A_577] : memref<256xf32, #tpu.memory_space<vmem>>[vector<16xi32>], vector<16xf32>,
      %add3A_579 = arith.addf %add3A_574, %gather3A_578 : vector<16xf32>
      %add3A_580 = arith.constant 7 : i32
      %add3A_581 = vector.broadcast %add3A_580 : i32 to vector<16xi32>
      %add3A_582 = arith.addi %add3A_548, %add3A_581 : vector<16xi32>
      %gather3A_583 = tpu.vector_load_idx %arg20[%add3A_582] : memref<256xf32, #tpu.memory_space<vmem>>[vector<16xi32>], vector<16xf32>,
      %add3A_584 = arith.addf %add3A_579, %gather3A_583 : vector<16xf32>
      %add3A_585 = arith.constant 8 : i32
      %add3A_586 = vector.broadcast %add3A_585 : i32 to vector<16xi32>
      %add3A_587 = arith.addi %add3A_548, %add3A_586 : vector<16xi32>
      %gather3A_588 = tpu.vector_load_idx %arg20[%add3A_587] : memref<256xf32, #tpu.memory_space<vmem>>[vector<16xi32>], vector<16xf32>,
      %add3A_589 = arith.addf %add3A_584, %gather3A_588 : vector<16xf32>
      %add3A_590 = arith.constant 9 : i32
      %add3A_591 = vector.broadcast %add3A_590 : i32 to vector<16xi32>
      %add3A_592 = arith.addi %add3A_548, %add3A_591 : vector<16xi32>
      %gather3A_593 = tpu.vector_load_idx %arg20[%add3A_592] : memref<256xf32, #tpu.memory_space<vmem>>[vector<16xi32>], vector<16xf32>,
      %add3A_594 = arith.addf %add3A_589, %gather3A_593 : vector<16xf32>
      %add3A_595 = arith.constant 10 : i32
      %add3A_596 = vector.broadcast %add3A_595 : i32 to vector<16xi32>
      %add3A_597 = arith.addi %add3A_548, %add3A_596 : vector<16xi32>
      %gather3A_598 = tpu.vector_load_idx %arg20[%add3A_597] : memref<256xf32, #tpu.memory_space<vmem>>[vector<16xi32>], vector<16xf32>,
      %add3A_599 = arith.addf %add3A_594, %gather3A_598 : vector<16xf32>
      %add3A_600 = arith.constant 11 : i32
      %add3A_601 = vector.broadcast %add3A_600 : i32 to vector<16xi32>
      %add3A_602 = arith.addi %add3A_548, %add3A_601 : vector<16xi32>
      %gather3A_603 = tpu.vector_load_idx %arg20[%add3A_602] : memref<256xf32, #tpu.memory_space<vmem>>[vector<16xi32>], vector<16xf32>,
      %add3A_604 = arith.addf %add3A_599, %gather3A_603 : vector<16xf32>
      %add3A_605 = arith.constant 12 : i32
      %add3A_606 = vector.broadcast %add3A_605 : i32 to vector<16xi32>
      %add3A_607 = arith.addi %add3A_548, %add3A_606 : vector<16xi32>
      %gather3A_608 = tpu.vector_load_idx %arg20[%add3A_607] : memref<256xf32, #tpu.memory_space<vmem>>[vector<16xi32>], vector<16xf32>,
      %add3A_609 = arith.addf %add3A_604, %gather3A_608 : vector<16xf32>
      %add3A_610 = arith.constant 13 : i32
      %add3A_611 = vector.broadcast %add3A_610 : i32 to vector<16xi32>
      %add3A_612 = arith.addi %add3A_548, %add3A_611 : vector<16xi32>
      %gather3A_613 = tpu.vector_load_idx %arg20[%add3A_612] : memref<256xf32, #tpu.memory_space<vmem>>[vector<16xi32>], vector<16xf32>,
      %add3A_614 = arith.addf %add3A_609, %gather3A_613 : vector<16xf32>
      %add3A_615 = arith.constant 14 : i32
      %add3A_616 = vector.broadcast %add3A_615 : i32 to vector<16xi32>
      %add3A_617 = arith.addi %add3A_548, %add3A_616 : vector<16xi32>
      %gather3A_618 = tpu.vector_load_idx %arg20[%add3A_617] : memref<256xf32, #tpu.memory_space<vmem>>[vector<16xi32>], vector<16xf32>,
      %add3A_619 = arith.addf %add3A_614, %gather3A_618 : vector<16xf32>
      %add3A_620 = arith.constant 15 : i32
      %add3A_621 = vector.broadcast %add3A_620 : i32 to vector<16xi32>
      %add3A_622 = arith.addi %add3A_548, %add3A_621 : vector<16xi32>
      %gather3A_623 = tpu.vector_load_idx %arg20[%add3A_622] : memref<256xf32, #tpu.memory_space<vmem>>[vector<16xi32>], vector<16xf32>,
      %add3A_624 = arith.addf %add3A_619, %gather3A_623 : vector<16xf32>
      %add3A_625 = arith.constant 0 : i32
      %add3A_626 = vector.broadcast %add3A_625 : i32 to vector<16xi32>
      %add3A_627 = arith.addi %mul3A_3, %add3A_626 : vector<16xi32>
      %gather3A_628 = tpu.vector_load_idx %arg21[%add3A_627] : memref<256xf32, #tpu.memory_space<vmem>>[vector<16xi32>], vector<16xf32>,
      %add3A_629 = arith.constant 1 : i32
      %add3A_630 = vector.broadcast %add3A_629 : i32 to vector<16xi32>
      %add3A_631 = arith.addi %add3A_627, %add3A_630 : vector<16xi32>
      %gather3A_632 = tpu.vector_load_idx %arg21[%add3A_631] : memref<256xf32, #tpu.memory_space<vmem>>[vector<16xi32>], vector<16xf32>,
      %add3A_633 = arith.addf %gather3A_628, %gather3A_632 : vector<16xf32>
      %add3A_634 = arith.constant 2 : i32
      %add3A_635 = vector.broadcast %add3A_634 : i32 to vector<16xi32>
      %add3A_636 = arith.addi %add3A_627, %add3A_635 : vector<16xi32>
      %gather3A_637 = tpu.vector_load_idx %arg21[%add3A_636] : memref<256xf32, #tpu.memory_space<vmem>>[vector<16xi32>], vector<16xf32>,
      %add3A_638 = arith.addf %add3A_633, %gather3A_637 : vector<16xf32>
      %add3A_639 = arith.constant 3 : i32
      %add3A_640 = vector.broadcast %add3A_639 : i32 to vector<16xi32>
      %add3A_641 = arith.addi %add3A_627, %add3A_640 : vector<16xi32>
      %gather3A_642 = tpu.vector_load_idx %arg21[%add3A_641] : memref<256xf32, #tpu.memory_space<vmem>>[vector<16xi32>], vector<16xf32>,
      %add3A_643 = arith.addf %add3A_638, %gather3A_642 : vector<16xf32>
      %add3A_644 = arith.constant 4 : i32
      %add3A_645 = vector.broadcast %add3A_644 : i32 to vector<16xi32>
      %add3A_646 = arith.addi %add3A_627, %add3A_645 : vector<16xi32>
      %gather3A_647 = tpu.vector_load_idx %arg21[%add3A_646] : memref<256xf32, #tpu.memory_space<vmem>>[vector<16xi32>], vector<16xf32>,
      %add3A_648 = arith.addf %add3A_643, %gather3A_647 : vector<16xf32>
      %add3A_649 = arith.constant 5 : i32
      %add3A_650 = vector.broadcast %add3A_649 : i32 to vector<16xi32>
      %add3A_651 = arith.addi %add3A_627, %add3A_650 : vector<16xi32>
      %gather3A_652 = tpu.vector_load_idx %arg21[%add3A_651] : memref<256xf32, #tpu.memory_space<vmem>>[vector<16xi32>], vector<16xf32>,
      %add3A_653 = arith.addf %add3A_648, %gather3A_652 : vector<16xf32>
      %add3A_654 = arith.constant 6 : i32
      %add3A_655 = vector.broadcast %add3A_654 : i32 to vector<16xi32>
      %add3A_656 = arith.addi %add3A_627, %add3A_655 : vector<16xi32>
      %gather3A_657 = tpu.vector_load_idx %arg21[%add3A_656] : memref<256xf32, #tpu.memory_space<vmem>>[vector<16xi32>], vector<16xf32>,
      %add3A_658 = arith.addf %add3A_653, %gather3A_657 : vector<16xf32>
      %add3A_659 = arith.constant 7 : i32
      %add3A_660 = vector.broadcast %add3A_659 : i32 to vector<16xi32>
      %add3A_661 = arith.addi %add3A_627, %add3A_660 : vector<16xi32>
      %gather3A_662 = tpu.vector_load_idx %arg21[%add3A_661] : memref<256xf32, #tpu.memory_space<vmem>>[vector<16xi32>], vector<16xf32>,
      %add3A_663 = arith.addf %add3A_658, %gather3A_662 : vector<16xf32>
      %add3A_664 = arith.constant 8 : i32
      %add3A_665 = vector.broadcast %add3A_664 : i32 to vector<16xi32>
      %add3A_666 = arith.addi %add3A_627, %add3A_665 : vector<16xi32>
      %gather3A_667 = tpu.vector_load_idx %arg21[%add3A_666] : memref<256xf32, #tpu.memory_space<vmem>>[vector<16xi32>], vector<16xf32>,
      %add3A_668 = arith.addf %add3A_663, %gather3A_667 : vector<16xf32>
      %add3A_669 = arith.constant 9 : i32
      %add3A_670 = vector.broadcast %add3A_669 : i32 to vector<16xi32>
      %add3A_671 = arith.addi %add3A_627, %add3A_670 : vector<16xi32>
      %gather3A_672 = tpu.vector_load_idx %arg21[%add3A_671] : memref<256xf32, #tpu.memory_space<vmem>>[vector<16xi32>], vector<16xf32>,
      %add3A_673 = arith.addf %add3A_668, %gather3A_672 : vector<16xf32>
      %add3A_674 = arith.constant 10 : i32
      %add3A_675 = vector.broadcast %add3A_674 : i32 to vector<16xi32>
      %add3A_676 = arith.addi %add3A_627, %add3A_675 : vector<16xi32>
      %gather3A_677 = tpu.vector_load_idx %arg21[%add3A_676] : memref<256xf32, #tpu.memory_space<vmem>>[vector<16xi32>], vector<16xf32>,
      %add3A_678 = arith.addf %add3A_673, %gather3A_677 : vector<16xf32>
      %add3A_679 = arith.constant 11 : i32
      %add3A_680 = vector.broadcast %add3A_679 : i32 to vector<16xi32>
      %add3A_681 = arith.addi %add3A_627, %add3A_680 : vector<16xi32>
      %gather3A_682 = tpu.vector_load_idx %arg21[%add3A_681] : memref<256xf32, #tpu.memory_space<vmem>>[vector<16xi32>], vector<16xf32>,
      %add3A_683 = arith.addf %add3A_678, %gather3A_682 : vector<16xf32>
      %add3A_684 = arith.constant 12 : i32
      %add3A_685 = vector.broadcast %add3A_684 : i32 to vector<16xi32>
      %add3A_686 = arith.addi %add3A_627, %add3A_685 : vector<16xi32>
      %gather3A_687 = tpu.vector_load_idx %arg21[%add3A_686] : memref<256xf32, #tpu.memory_space<vmem>>[vector<16xi32>], vector<16xf32>,
      %add3A_688 = arith.addf %add3A_683, %gather3A_687 : vector<16xf32>
      %add3A_689 = arith.constant 13 : i32
      %add3A_690 = vector.broadcast %add3A_689 : i32 to vector<16xi32>
      %add3A_691 = arith.addi %add3A_627, %add3A_690 : vector<16xi32>
      %gather3A_692 = tpu.vector_load_idx %arg21[%add3A_691] : memref<256xf32, #tpu.memory_space<vmem>>[vector<16xi32>], vector<16xf32>,
      %add3A_693 = arith.addf %add3A_688, %gather3A_692 : vector<16xf32>
      %add3A_694 = arith.constant 14 : i32
      %add3A_695 = vector.broadcast %add3A_694 : i32 to vector<16xi32>
      %add3A_696 = arith.addi %add3A_627, %add3A_695 : vector<16xi32>
      %gather3A_697 = tpu.vector_load_idx %arg21[%add3A_696] : memref<256xf32, #tpu.memory_space<vmem>>[vector<16xi32>], vector<16xf32>,
      %add3A_698 = arith.addf %add3A_693, %gather3A_697 : vector<16xf32>
      %add3A_699 = arith.constant 15 : i32
      %add3A_700 = vector.broadcast %add3A_699 : i32 to vector<16xi32>
      %add3A_701 = arith.addi %add3A_627, %add3A_700 : vector<16xi32>
      %gather3A_702 = tpu.vector_load_idx %arg21[%add3A_701] : memref<256xf32, #tpu.memory_space<vmem>>[vector<16xi32>], vector<16xf32>,
      %add3A_703 = arith.addf %add3A_698, %gather3A_702 : vector<16xf32>
      %mul3A_704 = arith.constant 512 : i32
      %mul3A_705 = arith.muli %add3A, %mul3A_704 : i32
      %mul3A_706 = arith.constant 16 : i32
      %mul3A_707 = arith.muli %add3A_447, %mul3A_706 : i32
      %add3A_708 = arith.addi %mul3A_705, %mul3A_707 : i32
      "tpu.region"() ({
        %run_scoped3A = tpu.sem_alloc : memref<!tpu.dma_semaphore, #tpu.memory_space<semaphore_mem>>
        %dma_start3A_711 = arith.constant 0 : i32
        %dma_start3A_712 = tpu.memref_slice %arg6[%add3A_708, %dma_start3A_711] : memref<16384x64xf32, #tpu.memory_space<hbm>> -> memref<16x64xf32, #tpu.memory_space<hbm>>
        %dma_start3A_713 = arith.constant 0 : i32
        %dma_start3A_714 = tpu.memref_slice %arg6[%add3A_708, %dma_start3A_713] : memref<16384x64xf32, #tpu.memory_space<hbm>> -> memref<16x64xf32, #tpu.memory_space<hbm>>
        tpu.enqueue_dma source(%arg22 : memref<16x64xf32, #tpu.memory_space<vmem>>) target(%dma_start3A_714 : memref<16x64xf32, #tpu.memory_space<hbm>>) target_semaphore(%run_scoped3A : memref<!tpu.dma_semaphore, #tpu.memory_space<semaphore_mem>>)
        %dma_wait3A_715 = arith.constant 0 : i32
        %dma_wait3A_716 = tpu.memref_slice %arg6[%add3A_708, %dma_wait3A_715] : memref<16384x64xf32, #tpu.memory_space<hbm>> -> memref<16x64xf32, #tpu.memory_space<hbm>>
        %dma_wait3A_717 = arith.constant 0 : i32
        %dma_wait3A_718 = tpu.memref_slice %arg6[%add3A_708, %dma_wait3A_717] : memref<16384x64xf32, #tpu.memory_space<hbm>> -> memref<16x64xf32, #tpu.memory_space<hbm>>
        tpu.wait_dma2 semaphore(%run_scoped3A : memref<!tpu.dma_semaphore, #tpu.memory_space<semaphore_mem>>) src(%arg22 : memref<16x64xf32, #tpu.memory_space<vmem>>) dst(%dma_wait3A_718 : memref<16x64xf32, #tpu.memory_space<hbm>>)
        tpu.yield
      }) : () -> ()
      %div3A_709 = arith.divf %add3A_624, %add3A_703 : vector<16xf32>
      %add3A_710 = arith.addf %add3A_443, %div3A_709 : vector<16xf32>
      scf.yield %add3A_710 : vector<16xf32>
    }
    %scan3A_176 = arith.constant 16 : i32
    %swap3A = arith.constant 0 : index
    %swap3A_177 = tpu.vector_load %arg20[%swap3A] {strides = array<i32>} : memref<256xf32, #tpu.memory_space<vmem>>, vector<16xf32>,
    tpu.vector_store %arg20[%swap3A], %scan3A_175 {strides = array<i32>} : memref<256xf32, #tpu.memory_space<vmem>>, vector<16xf32>,
    %mul3A_178 = arith.constant 16 : i32
    %mul3A_179 = arith.muli %add3A, %mul3A_178 : i32
    "tpu.region"() ({
      %run_scoped3A = tpu.sem_alloc : memref<!tpu.dma_semaphore, #tpu.memory_space<semaphore_mem>>
      %dma_start3A_180 = arith.constant 0 : i32
      %dma_start3A_181 = tpu.memref_slice %arg20[%dma_start3A_180] : memref<256xf32, #tpu.memory_space<vmem>> -> memref<16xf32, #tpu.memory_space<vmem>>
      %dma_start3A_182 = tpu.memref_slice %arg7[%mul3A_179] : memref<512xf32, #tpu.memory_space<hbm>> -> memref<16xf32, #tpu.memory_space<hbm>>
      %dma_start3A_183 = tpu.memref_slice %arg7[%mul3A_179] : memref<512xf32, #tpu.memory_space<hbm>> -> memref<16xf32, #tpu.memory_space<hbm>>
      %dma_start3A_184 = arith.constant 0 : i32
      %dma_start3A_185 = tpu.memref_slice %arg20[%dma_start3A_184] : memref<256xf32, #tpu.memory_space<vmem>> -> memref<16xf32, #tpu.memory_space<vmem>>
      tpu.enqueue_dma source(%dma_start3A_185 : memref<16xf32, #tpu.memory_space<vmem>>) target(%dma_start3A_183 : memref<16xf32, #tpu.memory_space<hbm>>) target_semaphore(%run_scoped3A : memref<!tpu.dma_semaphore, #tpu.memory_space<semaphore_mem>>)
      %dma_wait3A_186 = arith.constant 0 : i32
      %dma_wait3A_187 = tpu.memref_slice %arg20[%dma_wait3A_186] : memref<256xf32, #tpu.memory_space<vmem>> -> memref<16xf32, #tpu.memory_space<vmem>>
      %dma_wait3A_188 = tpu.memref_slice %arg7[%mul3A_179] : memref<512xf32, #tpu.memory_space<hbm>> -> memref<16xf32, #tpu.memory_space<hbm>>
      %dma_wait3A_189 = tpu.memref_slice %arg7[%mul3A_179] : memref<512xf32, #tpu.memory_space<hbm>> -> memref<16xf32, #tpu.memory_space<hbm>>
      %dma_wait3A_190 = arith.constant 0 : i32
      %dma_wait3A_191 = tpu.memref_slice %arg20[%dma_wait3A_190] : memref<256xf32, #tpu.memory_space<vmem>> -> memref<16xf32, #tpu.memory_space<vmem>>
      tpu.wait_dma2 semaphore(%run_scoped3A : memref<!tpu.dma_semaphore, #tpu.memory_space<semaphore_mem>>) src(%dma_wait3A_191 : memref<16xf32, #tpu.memory_space<vmem>>) dst(%dma_wait3A_189 : memref<16xf32, #tpu.memory_space<hbm>>)
      tpu.yield
    }) : () -> ()
    return
  }
}

</mosaic_0001>

<sc_bundles>
// kernel: _run.3.cloned.1.call-start
scs
__scs_entry_jumppad:
0x0: {  	(pc) =	sbr.rel $0x88, $3  }
0x1: {  	(tag) =	ssettag $0x0;
	lr =	simm.s32 $0x1  }
0x2: {  	[smem:$0x3F9D] =	sst lr;
	_ =	strace $0xD0000000  }
0x3: {  	_ = 	snop  }
0x4: {  	_ = 	snop  }
0x5: {  	_ = 	snop  }
0x6: {  	_ = 	snop  }
0x7: {  	_ = 	snop  }
__scs_overlays_trampoline_lowered:
0x8: {  	[smem:$0x3FAC] =	sst s0  }
0x9: {  	[smem:$0x3FAD] =	sst s1  }
0xa: {  	[smem:$0x3FAE] =	sst s2  }
0xb: {  	[smem:$0x3FAF] =	sst s3  }
0xc: {  	[smem:$0x3FB0] =	sst s4  }
0xd: {  	[smem:$0x3FB1] =	sst s5  }
0xe: {  	[smem:$0x3FB2] =	sst s6  }
0xf: {  	[smem:$0x3FB3] =	sst s7  }
0x10: {  	[smem:$0x3FB4] =	sst s8  }
0x11: {  	[smem:$0x3FB5] =	sst s9;
	s0 =	simm.s32 @!p0 $0x0  }
0x12: {  	s1 =	sld [smem:$0x3F9B];
	s0 =	simm.s32 @p0 $0x1  }
0x13: {  	[smem:$0x3FB6] =	sst s0;
	s0 =	simm.s32 @!p1 $0x0  }
0x14: {  	s2 =	sld [smem:$0x3F9A];
	s0 =	simm.s32 @p1 $0x1  }
0x15: {  	[smem:$0x3FB7] =	sst s0;
	s0 =	simm.s32 @!p2 $0x0  }
0x16: {  	s3 =	sld [smem:$0x3FDB];
	s0 =	simm.s32 @p2 $0x1  }
0x17: {  	s4 =	simm.s32 $0x1BF5;
	[smem:$0x3FB9] =	sst s0  }
0x18: {  	s0 =	sld [smem:$0x3F9C];
	_ =	swait.ge [sflag:s4], $0x0  }
0x19: {  	s7 =	sld [smem:$0x3F9D]  }
0x1a: {  	s8 =	sadd.s32 $0xFFFFE003, lr  }
0x1b: {  	s9 =	sadd.s32 $0xFFFFFEF7, lr;
	s5 =	simm.s32 $0xFFFFFFFF;
	p2 =	slt.u32 s8, $0xFFFFF086  }
0x1c: {  	p1 =	slt.u32 s9, $0xF7A;
	s5 =	simm.s32 @!p2 $0x0  }
0x1d: {  	s5 =	simm.s32 @p1 $0x1;
	p0 =	seq.s32 s7, s2  }
0x1e: {  	s7 =	smul.u32 @!p0 $0xF7A, s2;
	p2 =	seq.s32 @!p0 s5, $0x0  }
0x1f: {  	s9 =	smul.u32 $0xF7A, s1;
	s8 =	simm.s32 @!p0 $0x1BF5;
	p2 =	por !p2, p0  }
0x20: {  	[sflag:s8] =	ssyncset.s32 @!p0 $0xFFFFF086;
	s6 =	sadd.s32 @!p0 s3, s7;
	s7 =	simm.s32 @!p0 $0x108  }
0x21: {  	s3 =	sadd.s32 s3, s9;
	s6 =	sadd.s32 @!p0 $0x88, s6;
	s7 =	simm.s32 @p2 $0x1082  }
0x22: {  	[simem:s7], [sflag:s8] =	dma.local @!p0 [hbm:s6], $0xF7A  }
0x23: {  	s9 =	sor.u32 $0xD0000000, s2;
	s6 =	simm.s32 $0x108;
	_ =	swait.ge @!p0 [sflag:s8], $0x0  }
0x24: {  	s3 =	sadd.s32 $0x88, s3;
	s6 =	simm.s32 @!p1 $0x1082;
	[sflag:s4] =	ssyncset.s32 $0xFFFFF086  }
0x25: {  	[simem:s6], [sflag:s4] =	dma.local [hbm:s3], $0xF7A  }
0x26: {  	[smem:$0x3F9D] =	sst s1;
	(tag) =	ssettag s2;
	_ =	strace s9  }
0x27: {  	s1 =	sld [smem:$0x3FAD]  }
0x28: {  	s2 =	sld [smem:$0x3FAE]  }
0x29: {  	s4 =	sld [smem:$0x3FB0]  }
0x2a: {  	p0 =	seq.s32 s5, $0x0;
	s5 =	sld [smem:$0x3FB1]  }
0x2b: {  	s6 =	sld [smem:$0x3FB2]  }
0x2c: {  	s7 =	sld [smem:$0x3FB3]  }
0x2d: {  	s3 =	simm.s32 $0x108;
	s8 =	sld [smem:$0x3FB4]  }
0x2e: {  	s3 =	simm.s32 @!p0 $0x1082;
	s9 =	sld [smem:$0x3FB5]  }
0x2f: {  	lr =	sadd.s32 s0, s3;
	s0 =	sld [smem:$0x3FAC]  }
0x30: {  	s3 =	sld [smem:$0x3FAF]  }
0x31: {  	[smem:$0x3FB8] =	sst s10  }
0x32: {  	s10 =	sld [smem:$0x3FB6];
	_ =	sdelay $0x3  }
0x33: {  	p0 =	seq.s32 s10, $0x1;
	s10 =	sld [smem:$0x3FB8];
	_ =	sdelay $0x3  }
0x34: {  	[smem:$0x3FB8] =	sst s10  }
0x35: {  	s10 =	sld [smem:$0x3FB7];
	_ =	sdelay $0x3  }
0x36: {  	p1 =	seq.s32 s10, $0x1;
	s10 =	sld [smem:$0x3FB8];
	_ =	sdelay $0x3  }
0x37: {  	[smem:$0x3FB8] =	sst s10  }
0x38: {  	s10 =	sld [smem:$0x3FB9]  }
0x39: {  	_ = 	snop;
	(pc) =	sbr.ind lr, $3  }
0x3a: {  	_ = 	snop  }
0x3b: {  	_ = 	snop  }
0x3c: {  	p2 =	seq.s32 s10, $0x1;
	s10 =	sld [smem:$0x3FB8]  }
0x3d: {  	_ =	shalt  }
0x3e: {  	_ =	shalt  }
0x3f: {  	_ =	shalt  }
0x40: {  	_ =	shalt  }
0x41: {  	_ =	shalt  }
0x42: {  	_ =	shalt  }
0x43: {  	_ =	shalt  }
0x44: {  	_ =	shalt  }
0x45: {  	_ =	shalt  }
0x46: {  	_ =	shalt  }
0x47: {  	_ =	shalt  }
0x48: {  	_ =	shalt  }
0x49: {  	_ =	shalt  }
0x4a: {  	_ =	shalt  }
0x4b: {  	_ =	shalt  }
0x4c: {  	_ =	shalt  }
0x4d: {  	_ =	shalt  }
0x4e: {  	_ =	shalt  }
0x4f: {  	_ =	shalt  }
0x50: {  	_ =	shalt  }
0x51: {  	_ =	shalt  }
0x52: {  	_ =	shalt  }
0x53: {  	_ =	shalt  }
0x54: {  	_ =	shalt  }
0x55: {  	_ =	shalt  }
0x56: {  	_ =	shalt  }
0x57: {  	_ =	shalt  }
0x58: {  	_ =	shalt  }
0x59: {  	_ =	shalt  }
0x5a: {  	_ =	shalt  }
0x5b: {  	_ =	shalt  }
0x5c: {  	_ =	shalt  }
0x5d: {  	_ =	shalt  }
0x5e: {  	_ =	shalt  }
0x5f: {  	_ =	shalt  }
0x60: {  	_ =	shalt  }
0x61: {  	_ =	shalt  }
0x62: {  	_ =	shalt  }
0x63: {  	_ =	shalt  }
0x64: {  	_ =	shalt  }
0x65: {  	_ =	shalt  }
0x66: {  	_ =	shalt  }
0x67: {  	_ =	shalt  }
0x68: {  	_ =	shalt  }
0x69: {  	_ =	shalt  }
0x6a: {  	_ =	shalt  }
0x6b: {  	_ =	shalt  }
0x6c: {  	_ =	shalt  }
0x6d: {  	_ =	shalt  }
0x6e: {  	_ =	shalt  }
0x6f: {  	_ =	shalt  }
0x70: {  	_ =	shalt  }
0x71: {  	_ =	shalt  }
0x72: {  	_ =	shalt  }
0x73: {  	_ =	shalt  }
0x74: {  	_ =	shalt  }
0x75: {  	_ =	shalt  }
0x76: {  	_ =	shalt  }
0x77: {  	_ =	shalt  }
0x78: {  	_ =	shalt  }
0x79: {  	_ =	shalt  }
0x7a: {  	_ =	shalt  }
0x7b: {  	_ =	shalt  }
0x7c: {  	_ =	shalt  }
0x7d: {  	_ =	shalt  }
0x7e: {  	_ =	shalt  }
0x7f: {  	_ =	shalt  }
0x80: {  	_ =	shalt  }
0x81: {  	_ =	shalt  }
0x82: {  	_ =	shalt  }
0x83: {  	_ =	shalt  }
0x84: {  	_ =	shalt  }
0x85: {  	_ =	shalt  }
0x86: {  	_ =	shalt  }
0x87: {  	_ =	shalt  }
.Lfunc_end0:
.L_simem_size_0:
called_computation_lowered:
.L_overlay_start_0:
0x88: {  	s2 =	sld [smem:$0x3FD9]  }
0x89: {  	s3 =	sld [smem:$0x3FFE];
	_ =	sdelay $0x1  }
0x8a: {  	s1 =	srdreg.scid  }
0x8b: {  	s0 =	sand.u32 $0x1, s1  }
0x8c: {  	s14 =	sshll.u32 s0, $0xA;
	s2 =	sadd.s32 s3, s2  }
0x8d: {  	s2 =	sadd.s32 s2, s14  }
0x8e: {  	[smem:$0x3FC4] =	sst s2  }
0x8f: {  	_ = 	snop  }
0x90: {  	s2 =	sld [smem:$0x3FD0];
	_ =	sdelay $0x2  }
0x91: {  	s4 =	simm.s32 $0xA;
	s5 =	simm.s32 $0x10;
	s15 =	sld [smem:$0x3FC8]  }
0x92: {  	[smem:s5], [sflag:s4] =	dma.local [hbm:s2], $0x1  }
0x93: {  	_ =	swait.eq [sflag:s4], $0x1  }
0x94: {  	[sflag:s4] =	ssyncset.done $0x0  }
0x95: {  	[sflag:s4] =	ssyncadd.s32 $0xFFFFFFFF  }
0x96: {  	s16 =	sld [smem:$0x10];
	(tm) =	ssettm $0x1  }
0x97: {  	s17 =	sld [smem:$0x3FFB];
	_ =	sdelay $0x3  }
0x98: {  	_ =	strace s17  }
0x99: {  	s4 =	sld [smem:$0x3FFC];
	_ =	sdelay $0x3  }
0x9a: {  	_ =	strace s4  }
0x9b: {  	s4 =	sld [smem:$0x3FFD];
	_ =	sdelay $0x3  }
0x9c: {  	_ =	strace s4  }
0x9d: {  	_ =	strace $0x8FFFFFFF  }
0x9e: {  	s18 =	sld [smem:$0x3FDB];
	_ =	sdelay $0x1  }
0x9f: {  	s19 =	simm.s32 $_scs_section_size  }
0xa0: {  	s6 =	simm.s32 $_size__tile_overlayer_lowered;
	s7 =	simm.s32 $_tile_overlayer_lowered  }
0xa1: {  	s22 =	simm.s32 $0x1BFF;
	s21 =	sshll.u32 s7, $0x1;
	s4 =	sadd.s32 s19, s18  }
0xa2: {  	s8 =	simm.s32 $0x0;
	s20 =	sshll.u32 s6, $0x1;
	s6 =	sadd.s32 s21, s4  }
0xa3: {  	[timem:s8], [sflag:s22] =	dma.local [hbm:s6], s20  }
0xa4: {  	_ =	swait.ge [sflag:s22], s20  }
0xa5: {  	s5 =	ssub.s32 $0x0, s20;
	[sflag:s22] =	ssyncset.done $0x0  }
0xa6: {  	[sflag:s22] =	ssyncadd.s32 s5;
	_ =	sdelay $0x1  }
0xa7: {  	s23 =	simm.s32 $0x1B8B  }
0xa8: {  	_ =	swait.ge [sflag:s23], $0x1  }
0xa9: {  	[sflag:s23] =	ssyncset.done $0x0  }
0xaa: {  	s25 =	simm.s32 $0x1B8E;
	s24 =	sld [smem:$0x3FFE];
	[sflag:s23] =	ssyncadd.s32 $0xFFFFFFFF  }
0xab: {  	s26 =	simm.s32 $execute0_lowered;
	[smem:$0x3FD2] =	sst s25  }
0xac: {  	s6 =	sshll.u32 s26, $0x1;
	_ =	strace $0x80000046;
	[dreg:$0x1] =	wrdreg $0xFFFFFFFF  }
0xad: {  	s28 =	simm.s32 $_size_execute0_lowered;
	s4 =	sadd.s32 s4, s6;
	[dreg:$0x0] =	wrdreg $0x0  }
0xae: {  	s6 =	sshll.u32 s28, $0x1;
	[dreg:$0x2] =	wrdreg s4  }
0xaf: {  	[dreg:$0x3] =	wrdreg s6  }
0xb0: {  	[dreg:$0x4] =	wrdreg $0xC0  }
0xb1: {  	_ =	task [dreg:s8], $0x5FFFF  }
0xb2: {  	[dreg:$0x1] =	wrdreg $0xFFFFFFFF  }
0xb3: {  	[dreg:$0x0] =	wrdreg $0x60  }
0xb4: {  	[dreg:$0x2] =	wrdreg s24  }
0xb5: {  	[dreg:$0x3] =	wrdreg s15  }
0xb6: {  	[dreg:$0x4] =	wrdreg s16  }
0xb7: {  	[dreg:$0x5] =	wrdreg $0x9  }
0xb8: {  	_ =	task.clear_ibuf [dreg:s8], $0x6FFFF;
	_ =	strace $0x90000046  }
0xb9: {  	s29 =	simm.s32 $0x9;
	_ =	strace $0x80000048  }
0xba: {  	_ =	swait.ge [sflag:s29], $0x1  }
0xbb: {  	[sflag:s29] =	ssyncadd.s32 $0xFFFFFFFF  }
0xbc: {  	_ =	strace $0x90000048  }
0xbd: {  	_ =	sfence  }
0xbe: {  	s30 =	sld [smem:$0x0];
	_ =	sdelay $0x2  }
0xbf: {  	s31 =	sshll.u32 s1, $0xD;
	s1 =	sshrl.u32 s1, $0x2  }
0xc0: {  	s3 =	sand.u32 $0x4000, s31;
	s1 =	sadd.s32 s1, s30  }
0xc1: {  	s0 =	sor.u32 s3, s0;
	s1 =	sshll.u32 s1, $0x11  }
0xc2: {  	s0 =	sor.u32 s1, s0  }
0xc3: {  	s0 =	sadd.s32 $0x8F2B, s0  }
0xc4: {  	[sflag:s0] =	ssyncadd.remote.s32 $0x1  }
0xc5: {  	_ =	sfence.sel $0xFFFF  }
0xc6: {  	[dreg:$0x0] =	wrdreg $0xFFFFFFFF;
	(pc) =	sbr.abs _section_cstart, $3  }
0xc7: {  	[dreg:$0x1] =	wrdreg $0xFFFFFFFF  }
0xc8: {  	_ =	task.clear_ibuf [dreg:s8], $0x2FFFF;
	_ =	strace $0x9FFFFFFF  }
0xc9: {  	(tm) =	ssettm $0x7FFFFFFF  }
tec
execute0_lowered:
.L_overlay_start_1:
0x0: {  	(tag) =	ssettag $0x1  }
0x1: {  	s0 =	rddreg [dreg:$0x0];
	v0 =	vimm.s32 $0x76543210;
	v1 =	vimm.s32 $0xFEDCBA98;
	v2 =	vimm.s32 $0xBA98FEDC  }
0x2: {  	s1 =	rddreg [dreg:$0x1];
	v3 =	vimm.s32 $0x32107654;
	v4 =	vimm.s32 $0xDCFE98BA;
	v5 =	vimm.s32 $0x54761032  }
0x3: {  	s2 =	rddreg [dreg:$0x2];
	s3 =	simm.s32 $0x0;
	s4 =	srdreg.scid;
	vm1 =	vcmask $0x2F20;
	vm2 =	vcmask $0xF00;
	vm3 =	vcmask $0x700  }
0x4: {  	s5 =	stileid.u32;
	vm0 =	vmmov $0xff;
	v58 =	vimm.s32 $0xEFCDAB89;
	v60 =	vimm.s32 $0x67452301;
	s17 =	simm.s32 $0x12920;
	s20 =	simm.s32 $0xE920  }
0x5: {  	vm4 =	vcmask $0xB08;
	vm5 =	vcmask $0x1310;
	vm6 =	vcmask $0x1B18;
	s28 =	simm.s32 $0x3;
	s29 =	simm.s32 $0x14D20;
	s30 =	simm.s32 $0x14E20  }
0x6: {  	vm7 =	vcmask $0x3730;
	vm8 =	vcmask $0x2B28;
	v61 =	vlaneseq.u32;
	s31 =	simm.s32 $0x5;
	s18 =	simm.s32 $0x4;
	[smem:$0x7FF] =	sst s3  }
0x7: {  	s6 =	sand.u32 $0x1, s4;
	s5 =	sshll.u32 s5, $0x1;
	s4 =	sadd.s32 $0x187400, s0;
	v0 =	vunpack.c.l.s4.s8 v0;
	v1 =	vunpack.c.l.s4.s8 v1;
	v2 =	vunpack.c.l.s4.s8 v2  }
0x8: {  	s7 =	sadd.s32 $0xA00, s0;
	v3 =	vunpack.c.l.s4.s8 v3;
	v4 =	vunpack.c.l.s4.s8 v4;
	v5 =	vunpack.c.l.s4.s8 v5;
	_ =	strace $0x80000047;
	s9 =	sor.u32 s6, s5  }
0x9: {  	vm1 =	vmor vm2, vm1;
	vm2 =	vcmask $0x1710;
	v62 =	vmul.u32 $0x10, v61;
	s5 =	sadd.s32 $0xAA00, s0;
	s8 =	ssub.s32 $0x2, s6;
	s6 =	smul.u32 $0x2800, s9  }
0xa: {  	vm2 =	vmor vm3, vm2;
	vm3 =	vcmask $0x2720;
	s10 =	sshll.u32 s9, $0x1;
	s11 =	sshrl.u32 s8, $0x1;
	s23 =	sshll.u32 s9, $0x6;
	v1 =	vunpack.c.0.s8.s32 v1  }
0xb: {  	v0 =	vunpack.c.0.s8.s32 v0;
	v2 =	vunpack.c.0.s8.s32 v2;
	v3 =	vunpack.c.0.s8.s32 v3;
	s0 =	sadd.s32 s10, s0;
	s21 =	ssub.s32 s8, s11;
	s8 =	sshll.u32 s9, $0x9  }
0xc: {  	v4 =	vunpack.c.0.s8.s32 v4;
	vm2 =	vmor vm2, vm3;
	vm3 =	vcmask $0x300;
	s9 =	sshll.u32 s9, $0xC;
	s10 =	simm.s32 $0x0;
	s22 =	sshrl.u32 s6, $0x3  }
0xd: {  	v5 =	vunpack.c.0.s8.s32 v5;
	vm4 =	vmor vm3, vm4;
	vm2 =	vmor vm2, vm7;
	s15 =	sadd.s32 s2, s9;
	s0 =	sadd.s32 $0x14A00, s0;
	s26 =	smax.u32 s21, $0x1  }
0xe: {  	v56 =	vcombine.low v3, v2;
	v2 =	vunpack.c.l.s4.s8 v58;
	s2 =	simm.s32 $0x3D0;
	v3 =	vunpack.c.l.s4.s8 v60;
	s21 =	simm.s32 $0x14F20;
	[dreg:$0xa] =	wrdreg s0  }
0xf: {  	vm7 =	vcmask $0x3330;
	vm3 =	vmor vm3, vm5;
	v1 =	vand.u32 $0xF, v1;
	s12 =	sadd.s32 s5, s22;
	s13 =	sadd.s32 s7, s22;
	[dreg:$0xb] =	wrdreg s26  }
0x10: {  	vm4 =	vmor vm4, vm5;
	s11 =	sor.u32 $0x28, s22;
	s0 =	simm.s32 $0x290;
	[dreg:$0x4] =	wrdreg s12;
	v2 =	vunpack.c.0.s8.s32 v2;
	v3 =	vunpack.c.0.s8.s32 v3  }
0x11: {  	v57 =	vcombine.low v5, v4;
	s22 =	simm.s32 $0x510;
	vm4 =	vmor vm4, vm6;
	vm6 =	vcmask $0x2320;
	[dreg:$0x5] =	wrdreg s13;
	s24 =	sadd.s32 s5, s11  }
0x12: {  	vm5 =	vcmask $0x3B38;
	s26 =	simm.s32 $0x13920;
	s11 =	sadd.s32 s7, s11;
	vm4 =	vmor vm4, vm6;
	[dreg:$0x7] =	wrdreg s24;
	v2 =	vcombine.low v3, v2  }
0x13: {  	[tilespmem:$0x1FFD0] =	vst v62;
	v59 =	vcombine.low v1, v0;
	s12 =	sadd.s32 s1, s23;
	s23 =	simm.s32 $0x40;
	v24 =	vand.u32 $0xF, v57;
	[dreg:$0x8] =	wrdreg s11;
	vm4 =	vmor vm4, vm8  }
0x14: {  	vm6 =	vmor vm3, vm6;
	[dreg:$0x6] =	wrdreg s12;
	s25 =	sadd.s32 $0x2, s12;
	s24 =	simm.s32 $0x2;
	[tilespmem:$0x1FFE0] =	vst v24;
	vm4 =	vmor vm4, vm7;
	v23 =	vand.u32 $0xF, v2  }
0x15: {  	v63 =	vand.u32 $0xF, v56;
	s11 =	simm.s32 $0x390;
	[dreg:$0x9] =	wrdreg s25;
	s25 =	simm.s32 $0x4D0;
	vm3 =	vmor vm4, vm5;
	vm4 =	vmor vm6, vm7;
	[tilespmem:$0x1FFF0] =	vst v23  }
.LBB2_1:
0x16: {  	[dreg:$0xc] =	wrdreg s10  }
0x17: {  	s9 =	rddreg [dreg:$0x4]  }
0x18: {  	[tilespmem:s3], [sflag:$0x1] =	stream.linear.gather [hbm4b:s9+s3], $0x140, $0x38;
	[tilespmem:$0x15320] =	vst v63  }
0x19: {  	s13 =	rddreg [dreg:$0x5];
	s10 =	simm.s32 $0x140  }
0x1a: {  	[tilespmem:s10], [sflag:$0x1] =	stream.linear.gather [hbm4b:s13+s3], $0x140, $0x38;
	[tilespmem:$0x15320] =	vst v63  }
0x1b: {  	s14 =	rddreg [dreg:$0x6];
	s12 =	simm.s32 $0x280;
	s16 =	simm.s32 $0x1  }
0x1c: {  	[tilespmem:s12], [sflag:$0x1] =	stream.linear.gather [hbm4b:s14+s3], $0x10, $0x38;
	[tilespmem:$0x15320] =	vst v63  }
0x1d: {  	_ =	swait.ge [sflag:s16], $0x140  }
0x1e: {  	[sflag:s16] =	ssyncset.done $0x0  }
0x1f: {  	[sflag:s16] =	ssyncadd.s32 $0xFFFFFEC0  }
0x20: {  	_ =	swait.ge [sflag:s16], $0x140  }
0x21: {  	[sflag:s16] =	ssyncset.done $0x0  }
0x22: {  	[sflag:s16] =	ssyncadd.s32 $0xFFFFFEC0  }
0x23: {  	_ =	swait.ge [sflag:s16], $0x10  }
0x24: {  	[sflag:s16] =	ssyncset.done $0x0  }
0x25: {  	s19 =	simm.s32 $0x10;
	s13 =	simm.s32 $0xA520;
	[sflag:s16] =	ssyncadd.s32 $0xFFFFFFF0  }
0x26: {  	[tilespmem:s13], [sflag:$0x3] =	stream.indirect.gather [hbm4b:s4+s19], $0x40, s12, s19, $0xb8;
	[tilespmem:$0x15320] =	vst v63  }
0x27: {  	s14 =	simm.s32 $0x520  }
0x28: {  	[tilespmem:s14], [sflag:$0x3] =	stream.indirect.gather [hbm4b:s4+s23], $0x40, s3, s23, $0xb8;
	[tilespmem:$0x15320] =	vst v63  }
0x29: {  	s16 =	simm.s32 $0x5520  }
0x2a: {  	[tilespmem:s16], [sflag:$0x3] =	stream.indirect.gather [hbm4b:s4+s23], $0x40, s10, s23, $0xb8;
	[tilespmem:$0x15320] =	vst v63  }
0x2b: {  	s19 =	simm.s32 $0x1520  }
0x2c: {  	[tilespmem:s19], [sflag:$0x3] =	stream.indirect.gather [hbm4b:s4+s23], $0x40, s23, s23, $0xb8;
	[tilespmem:$0x15320] =	vst v63  }
0x2d: {  	s12 =	simm.s32 $0x6520;
	s10 =	simm.s32 $0x180  }
0x2e: {  	[tilespmem:s12], [sflag:$0x3] =	stream.indirect.gather [hbm4b:s4+s23], $0x40, s10, s23, $0xb8;
	[tilespmem:$0x15320] =	vst v63  }
0x2f: {  	s13 =	simm.s32 $0x80;
	s14 =	simm.s32 $0x2520  }
0x30: {  	[tilespmem:s14], [sflag:$0x3] =	stream.indirect.gather [hbm4b:s4+s23], $0x40, s13, s23, $0xb8;
	[tilespmem:$0x15320] =	vst v63  }
0x31: {  	s16 =	simm.s32 $0x1C0;
	s19 =	simm.s32 $0x7520  }
0x32: {  	[tilespmem:s19], [sflag:$0x3] =	stream.indirect.gather [hbm4b:s4+s23], $0x40, s16, s23, $0xb8;
	[tilespmem:$0x15320] =	vst v63  }
0x33: {  	s10 =	simm.s32 $0xC0;
	s12 =	simm.s32 $0x3520  }
0x34: {  	[tilespmem:s12], [sflag:$0x3] =	stream.indirect.gather [hbm4b:s4+s23], $0x40, s10, s23, $0xb8;
	[tilespmem:$0x15320] =	vst v63  }
0x35: {  	s13 =	simm.s32 $0x200;
	s14 =	simm.s32 $0x8520  }
0x36: {  	[tilespmem:s14], [sflag:$0x3] =	stream.indirect.gather [hbm4b:s4+s23], $0x40, s13, s23, $0xb8;
	[tilespmem:$0x15320] =	vst v63  }
0x37: {  	s16 =	simm.s32 $0x100;
	s19 =	simm.s32 $0x4520  }
0x38: {  	[tilespmem:s19], [sflag:$0x3] =	stream.indirect.gather [hbm4b:s4+s23], $0x40, s16, s23, $0xb8;
	[tilespmem:$0x15320] =	vst v63  }
0x39: {  	s12 =	simm.s32 $0x240;
	s13 =	simm.s32 $0x9520  }
0x3a: {  	[tilespmem:s13], [sflag:$0x3] =	stream.indirect.gather [hbm4b:s4+s23], $0x40, s12, s23, $0xb8;
	[tilespmem:$0x15320] =	vst v63  }
0x3b: {  	s14 =	rddreg [dreg:$0x7]  }
0x3c: {  	[tilespmem:s0], [sflag:$0x2] =	stream.linear.gather [hbm4b:s14+s3], $0x140, $0x38;
	[tilespmem:$0x15320] =	vst v63  }
0x3d: {  	s16 =	rddreg [dreg:$0x8]  }
0x3e: {  	[tilespmem:s2], [sflag:$0x2] =	stream.linear.gather [hbm4b:s16+s3], $0x140, $0x38;
	[tilespmem:$0x15320] =	vst v63  }
0x3f: {  	s19 =	rddreg [dreg:$0x9]  }
0x40: {  	[tilespmem:s22], [sflag:$0x2] =	stream.linear.gather [hbm4b:s19+s3], $0x10, $0x38;
	[tilespmem:$0x15320] =	vst v63  }
0x41: {  	v1 =	vimm.f32 $0.0e+00;
	s19 =	simm.s32 $0x0  }
.LBB2_2:
0x42: {  	[tilespmem:$0x1FFC0] =	vst v1  }
0x43: {  	_ =	swait.ge [sflag:s24], $0x140  }
0x44: {  	[sflag:s24] =	ssyncset.done $0x0  }
0x45: {  	[sflag:s24] =	ssyncadd.s32 $0xFFFFFEC0  }
0x46: {  	_ =	swait.ge [sflag:s24], $0x140  }
0x47: {  	[sflag:s24] =	ssyncset.done $0x0  }
0x48: {  	[sflag:s24] =	ssyncadd.s32 $0xFFFFFEC0  }
0x49: {  	_ =	swait.ge [sflag:s24], $0x10  }
0x4a: {  	[sflag:s24] =	ssyncset.done $0x0  }
0x4b: {  	s9 =	simm.s32 $0x10;
	s10 =	simm.s32 $0x14920;
	[sflag:s24] =	ssyncadd.s32 $0xFFFFFFF0  }
0x4c: {  	[tilespmem:s10], [sflag:$0x4] =	stream.indirect.gather [hbm4b:s4+s9], $0x40, s22, s9, $0xb8;
	[tilespmem:$0x15320] =	vst v63  }
0x4d: {  	s12 =	simm.s32 $0xA920  }
0x4e: {  	[tilespmem:s12], [sflag:$0x4] =	stream.indirect.gather [hbm4b:s4+s23], $0x40, s0, s23, $0xb8;
	[tilespmem:$0x15320] =	vst v63  }
0x4f: {  	s13 =	simm.s32 $0xF920  }
0x50: {  	[tilespmem:s13], [sflag:$0x4] =	stream.indirect.gather [hbm4b:s4+s23], $0x40, s2, s23, $0xb8;
	[tilespmem:$0x15320] =	vst v63  }
0x51: {  	s14 =	simm.s32 $0x2D0;
	s16 =	simm.s32 $0xB920  }
0x52: {  	[tilespmem:s16], [sflag:$0x4] =	stream.indirect.gather [hbm4b:s4+s23], $0x40, s14, s23, $0xb8;
	[tilespmem:$0x15320] =	vst v63  }
0x53: {  	s12 =	simm.s32 $0x410;
	s13 =	simm.s32 $0x10920  }
0x54: {  	[tilespmem:s13], [sflag:$0x4] =	stream.indirect.gather [hbm4b:s4+s23], $0x40, s12, s23, $0xb8;
	[tilespmem:$0x15320] =	vst v63  }
0x55: {  	s14 =	simm.s32 $0x310;
	s16 =	simm.s32 $0xC920  }
0x56: {  	[tilespmem:s16], [sflag:$0x4] =	stream.indirect.gather [hbm4b:s4+s23], $0x40, s14, s23, $0xb8;
	[tilespmem:$0x15320] =	vst v63  }
0x57: {  	s10 =	simm.s32 $0x450;
	s12 =	simm.s32 $0x11920  }
0x58: {  	[tilespmem:s12], [sflag:$0x4] =	stream.indirect.gather [hbm4b:s4+s23], $0x40, s10, s23, $0xb8;
	[tilespmem:$0x15320] =	vst v63  }
0x59: {  	s13 =	simm.s32 $0x350;
	s14 =	simm.s32 $0xD920  }
0x5a: {  	[tilespmem:s14], [sflag:$0x4] =	stream.indirect.gather [hbm4b:s4+s23], $0x40, s13, s23, $0xb8;
	[tilespmem:$0x15320] =	vst v63  }
0x5b: {  	s16 =	simm.s32 $0x490  }
0x5c: {  	[tilespmem:s17], [sflag:$0x4] =	stream.indirect.gather [hbm4b:s4+s23], $0x40, s16, s23, $0xb8;
	[tilespmem:$0x15320] =	vst v63  }
0x5d: {  	_ = 	snop  }
0x5e: {  	[tilespmem:s20], [sflag:$0x4] =	stream.indirect.gather [hbm4b:s4+s23], $0x40, s11, s23, $0xb8;
	[tilespmem:$0x15320] =	vst v63  }
0x5f: {  	_ = 	snop  }
0x60: {  	[tilespmem:s26], [sflag:$0x4] =	stream.indirect.gather [hbm4b:s4+s23], $0x40, s25, s23, $0xb8;
	[tilespmem:$0x15320] =	vst v63  }
0x61: {  	_ =	swait.ge [sflag:s28], $0x400  }
0x62: {  	[sflag:s28] =	ssyncset.done $0x0  }
0x63: {  	[sflag:s28] =	ssyncadd.s32 $0xFFFFFC00  }
0x64: {  	_ =	swait.ge [sflag:s28], $0x1000  }
0x65: {  	[sflag:s28] =	ssyncset.done $0x0  }
0x66: {  	[sflag:s28] =	ssyncadd.s32 $0xFFFFF000  }
0x67: {  	_ =	swait.ge [sflag:s28], $0x1000  }
0x68: {  	[sflag:s28] =	ssyncset.done $0x0  }
0x69: {  	[sflag:s28] =	ssyncadd.s32 $0xFFFFF000  }
0x6a: {  	_ =	swait.ge [sflag:s28], $0x1000  }
0x6b: {  	[sflag:s28] =	ssyncset.done $0x0  }
0x6c: {  	[sflag:s28] =	ssyncadd.s32 $0xFFFFF000  }
0x6d: {  	_ =	swait.ge [sflag:s28], $0x1000  }
0x6e: {  	[sflag:s28] =	ssyncset.done $0x0  }
0x6f: {  	[sflag:s28] =	ssyncadd.s32 $0xFFFFF000  }
0x70: {  	_ =	swait.ge [sflag:s28], $0x1000  }
0x71: {  	[sflag:s28] =	ssyncset.done $0x0  }
0x72: {  	[sflag:s28] =	ssyncadd.s32 $0xFFFFF000  }
0x73: {  	_ =	swait.ge [sflag:s28], $0x1000  }
0x74: {  	[sflag:s28] =	ssyncset.done $0x0  }
0x75: {  	[sflag:s28] =	ssyncadd.s32 $0xFFFFF000  }
0x76: {  	_ =	swait.ge [sflag:s28], $0x1000  }
0x77: {  	[sflag:s28] =	ssyncset.done $0x0  }
0x78: {  	[sflag:s28] =	ssyncadd.s32 $0xFFFFF000  }
0x79: {  	_ =	swait.ge [sflag:s28], $0x1000  }
0x7a: {  	[sflag:s28] =	ssyncset.done $0x0  }
0x7b: {  	p0 =	seq.s32 s19, $0xF;
	s9 =	sshll.u32 s19, $0x1;
	[sflag:s28] =	ssyncadd.s32 $0xFFFFF000  }
0x7c: {  	s10 =	sadd.s32 @!p0 $0x2, s9;
	_ =	swait.ge [sflag:s28], $0x1000  }
0x7d: {  	s12 =	smul.u32 @!p0 $0x140, s10;
	[sflag:s28] =	ssyncset.done $0x0  }
0x7e: {  	[sflag:s28] =	ssyncadd.s32 $0xFFFFF000  }
0x7f: {  	s10 =	sshll.u32 @!p0 s10, $0x4;
	s12 =	sadd.s32 @!p0 s6, s12;
	_ =	swait.ge [sflag:s28], $0x1000  }
0x80: {  	s14 =	simm.s32 @!p0 $0x0;
	s12 =	sshrl.u32 @!p0 s12, $0x3;
	[sflag:s28] =	ssyncset.done $0x0  }
0x81: {  	s10 =	sadd.s32 @!p0 s8, s10;
	s13 =	sadd.s32 @!p0 s5, s12;
	[sflag:s28] =	ssyncadd.s32 $0xFFFFF000  }
0x82: {  	[tilespmem:s14], [sflag:$0x1] =	stream.linear.gather @!p0 [hbm4b:s13+s14], $0x140, $0x38;
	[tilespmem:$0x15320] =	vst v63  }
0x83: {  	s10 =	sshrl.u32 @!p0 s10, $0x3;
	s12 =	sadd.s32 @!p0 s7, s12;
	s13 =	simm.s32 @!p0 $0x140  }
0x84: {  	[tilespmem:s13], [sflag:$0x1] =	stream.linear.gather @!p0 [hbm4b:s12+s14], $0x140, $0x38;
	[tilespmem:$0x15320] =	vst v63  }
0x85: {  	s10 =	sadd.s32 @!p0 s1, s10;
	s12 =	simm.s32 @!p0 $0x280  }
0x86: {  	[tilespmem:s12], [sflag:$0x1] =	stream.linear.gather @!p0 [hbm4b:s10+s14], $0x10, $0x38;
	[tilespmem:$0x15320] =	vst v63  }
0x87: {  	s10 =	simm.s32 $0x0  }
.LBB2_3:
0x88: {  	s12 =	smul.u32 $0x500, s10;
	_ =	sdelay $0x1  }
0x89: {  	v35 =	vld [tilespmem:s12+$0x520]  }
0x8a: {  	v10 =	vld [tilespmem:s12+$0x530]  }
0x8b: {  	v42 =	vld [tilespmem:s12+$0x540]  }
0x8c: {  	v13 =	vld [tilespmem:s12+$0x550]  }
0x8d: {  	s13 =	sshll.u32 s10, $0x6  }
0x8e: {  	[tilespmem:s13+$0x14F20] =	vst v35  }
0x8f: {  	[tilespmem:s13+$0x14F30] =	vst v10  }
0x90: {  	[tilespmem:s13+$0x14F40] =	vst v42  }
0x91: {  	[tilespmem:s13+$0x14F50] =	vst v13  }
0x92: {  	v2 =	vld [tilespmem:s12+$0x560]  }
0x93: {  	v3 =	vld [tilespmem:s12+$0x570]  }
0x94: {  	v4 =	vld [tilespmem:s12+$0x580]  }
0x95: {  	v5 =	vld [tilespmem:s12+$0x590];
	_ =	sdelay $0x1  }
0x96: {  	[tilespmem:s13+$0x14F20] =	vst.add.f32.msk $0xffff, v2  }
0x97: {  	[tilespmem:s13+$0x14F30] =	vst.add.f32.msk $0xffff, v3  }
0x98: {  	[tilespmem:s13+$0x14F40] =	vst.add.f32.msk $0xffff, v4  }
0x99: {  	[tilespmem:s13+$0x14F50] =	vst.add.f32.msk $0xffff, v5  }
0x9a: {  	v14 =	vld [tilespmem:s12+$0x5A0]  }
0x9b: {  	v15 =	vld [tilespmem:s12+$0x5B0]  }
0x9c: {  	v26 =	vld [tilespmem:s12+$0x5C0]  }
0x9d: {  	v24 =	vld [tilespmem:s12+$0x5D0];
	_ =	sdelay $0x1  }
0x9e: {  	[tilespmem:s13+$0x14F20] =	vst.add.f32.msk $0xffff, v14  }
0x9f: {  	[tilespmem:s13+$0x14F30] =	vst.add.f32.msk $0xffff, v15  }
0xa0: {  	[tilespmem:s13+$0x14F40] =	vst.add.f32.msk $0xffff, v26  }
0xa1: {  	[tilespmem:s13+$0x14F50] =	vst.add.f32.msk $0xffff, v24  }
0xa2: {  	v16 =	vld [tilespmem:s12+$0x5E0]  }
0xa3: {  	v19 =	vld [tilespmem:s12+$0x5F0]  }
0xa4: {  	v25 =	vld [tilespmem:s12+$0x600]  }
0xa5: {  	v27 =	vld [tilespmem:s12+$0x610];
	_ =	sdelay $0x1  }
0xa6: {  	[tilespmem:s13+$0x14F20] =	vst.add.f32.msk $0xffff, v16  }
0xa7: {  	[tilespmem:s13+$0x14F30] =	vst.add.f32.msk $0xffff, v19  }
0xa8: {  	[tilespmem:s13+$0x14F40] =	vst.add.f32.msk $0xffff, v25  }
0xa9: {  	[tilespmem:s13+$0x14F50] =	vst.add.f32.msk $0xffff, v27  }
0xaa: {  	v17 =	vld [tilespmem:s12+$0x620]  }
0xab: {  	v18 =	vld [tilespmem:s12+$0x630]  }
0xac: {  	v22 =	vld [tilespmem:s12+$0x640]  }
0xad: {  	v23 =	vld [tilespmem:s12+$0x650];
	_ =	sdelay $0x1  }
0xae: {  	[tilespmem:s13+$0x14F20] =	vst.add.f32.msk $0xffff, v17  }
0xaf: {  	[tilespmem:s13+$0x14F30] =	vst.add.f32.msk $0xffff, v18  }
0xb0: {  	[tilespmem:s13+$0x14F40] =	vst.add.f32.msk $0xffff, v22  }
0xb1: {  	[tilespmem:s13+$0x14F50] =	vst.add.f32.msk $0xffff, v23  }
0xb2: {  	v11 =	vld [tilespmem:s12+$0x660]  }
0xb3: {  	v12 =	vld [tilespmem:s12+$0x670]  }
0xb4: {  	v21 =	vld [tilespmem:s12+$0x680]  }
0xb5: {  	v20 =	vld [tilespmem:s12+$0x690];
	_ =	sdelay $0x1  }
0xb6: {  	[tilespmem:s13+$0x14F20] =	vst.add.f32.msk $0xffff, v11  }
0xb7: {  	[tilespmem:s13+$0x14F30] =	vst.add.f32.msk $0xffff, v12  }
0xb8: {  	[tilespmem:s13+$0x14F40] =	vst.add.f32.msk $0xffff, v21  }
0xb9: {  	[tilespmem:s13+$0x14F50] =	vst.add.f32.msk $0xffff, v20  }
0xba: {  	v30 =	vld [tilespmem:s12+$0x6A0]  }
0xbb: {  	v60 =	vld [tilespmem:s12+$0x6B0]  }
0xbc: {  	v34 =	vld [tilespmem:s12+$0x6C0]  }
0xbd: {  	v36 =	vld [tilespmem:s12+$0x6D0];
	_ =	sdelay $0x1  }
0xbe: {  	[tilespmem:s13+$0x14F20] =	vst.add.f32.msk $0xffff, v30  }
0xbf: {  	[tilespmem:s13+$0x14F30] =	vst.add.f32.msk $0xffff, v60  }
0xc0: {  	[tilespmem:s13+$0x14F40] =	vst.add.f32.msk $0xffff, v34  }
0xc1: {  	[tilespmem:s13+$0x14F50] =	vst.add.f32.msk $0xffff, v36  }
0xc2: {  	v32 =	vld [tilespmem:s12+$0x6E0]  }
0xc3: {  	v33 =	vld [tilespmem:s12+$0x6F0]  }
0xc4: {  	v37 =	vld [tilespmem:s12+$0x700]  }
0xc5: {  	v55 =	vld [tilespmem:s12+$0x710];
	_ =	sdelay $0x1  }
0xc6: {  	[tilespmem:s13+$0x14F20] =	vst.add.f32.msk $0xffff, v32  }
0xc7: {  	[tilespmem:s13+$0x14F30] =	vst.add.f32.msk $0xffff, v33  }
0xc8: {  	[tilespmem:s13+$0x14F40] =	vst.add.f32.msk $0xffff, v37  }
0xc9: {  	[tilespmem:s13+$0x14F50] =	vst.add.f32.msk $0xffff, v55  }
0xca: {  	v62 =	vld [tilespmem:s12+$0x720]  }
0xcb: {  	v28 =	vld [tilespmem:s12+$0x730]  }
0xcc: {  	v56 =	vld [tilespmem:s12+$0x740]  }
0xcd: {  	v57 =	vld [tilespmem:s12+$0x750];
	_ =	sdelay $0x1  }
0xce: {  	[tilespmem:s13+$0x14F20] =	vst.add.f32.msk $0xffff, v62  }
0xcf: {  	[tilespmem:s13+$0x14F30] =	vst.add.f32.msk $0xffff, v28  }
0xd0: {  	[tilespmem:s13+$0x14F40] =	vst.add.f32.msk $0xffff, v56  }
0xd1: {  	[tilespmem:s13+$0x14F50] =	vst.add.f32.msk $0xffff, v57  }
0xd2: {  	v45 =	vld [tilespmem:s12+$0x760]  }
0xd3: {  	v29 =	vld [tilespmem:s12+$0x770]  }
0xd4: {  	v58 =	vld [tilespmem:s12+$0x780]  }
0xd5: {  	v0 =	vld [tilespmem:s12+$0x790];
	_ =	sdelay $0x1  }
0xd6: {  	[tilespmem:s13+$0x14F20] =	vst.add.f32.msk $0xffff, v45  }
0xd7: {  	[tilespmem:s13+$0x14F30] =	vst.add.f32.msk $0xffff, v29  }
0xd8: {  	[tilespmem:s13+$0x14F40] =	vst.add.f32.msk $0xffff, v58  }
0xd9: {  	[tilespmem:s13+$0x14F50] =	vst.add.f32.msk $0xffff, v0  }
0xda: {  	v38 =	vld [tilespmem:s12+$0x7A0]  }
0xdb: {  	v48 =	vld [tilespmem:s12+$0x7B0]  }
0xdc: {  	v39 =	vld [tilespmem:s12+$0x7C0]  }
0xdd: {  	v1 =	vld [tilespmem:s12+$0x7D0];
	_ =	sdelay $0x1  }
0xde: {  	[tilespmem:s13+$0x14F20] =	vst.add.f32.msk $0xffff, v38  }
0xdf: {  	[tilespmem:s13+$0x14F30] =	vst.add.f32.msk $0xffff, v48  }
0xe0: {  	[tilespmem:s13+$0x14F40] =	vst.add.f32.msk $0xffff, v39  }
0xe1: {  	[tilespmem:s13+$0x14F50] =	vst.add.f32.msk $0xffff, v1  }
0xe2: {  	v49 =	vld [tilespmem:s12+$0x7E0]  }
0xe3: {  	v50 =	vld [tilespmem:s12+$0x7F0]  }
0xe4: {  	[tilespmem:$0x1FE60] =	vst v1;
	v1 =	vld [tilespmem:s12+$0x800]  }
0xe5: {  	v43 =	vld [tilespmem:s12+$0x810];
	_ =	sdelay $0x1  }
0xe6: {  	[tilespmem:s13+$0x14F20] =	vst.add.f32.msk $0xffff, v49  }
0xe7: {  	[tilespmem:s13+$0x14F30] =	vst.add.f32.msk $0xffff, v50  }
0xe8: {  	[tilespmem:s13+$0x14F40] =	vst.add.f32.msk $0xffff, v1  }
0xe9: {  	[tilespmem:s13+$0x14F50] =	vst.add.f32.msk $0xffff, v43  }
0xea: {  	v51 =	vld [tilespmem:s12+$0x820]  }
0xeb: {  	v52 =	vld [tilespmem:s12+$0x830]  }
0xec: {  	v40 =	vld [tilespmem:s12+$0x840]  }
0xed: {  	v41 =	vld [tilespmem:s12+$0x850];
	_ =	sdelay $0x1  }
0xee: {  	[tilespmem:s13+$0x14F20] =	vst.add.f32.msk $0xffff, v51  }
0xef: {  	[tilespmem:s13+$0x14F30] =	vst.add.f32.msk $0xffff, v52  }
0xf0: {  	[tilespmem:s13+$0x14F40] =	vst.add.f32.msk $0xffff, v40  }
0xf1: {  	[tilespmem:s13+$0x14F50] =	vst.add.f32.msk $0xffff, v41  }
0xf2: {  	v53 =	vld [tilespmem:s12+$0x860]  }
0xf3: {  	v54 =	vld [tilespmem:s12+$0x870]  }
0xf4: {  	v46 =	vld [tilespmem:s12+$0x880]  }
0xf5: {  	v47 =	vld [tilespmem:s12+$0x890];
	_ =	sdelay $0x1  }
0xf6: {  	[tilespmem:s13+$0x14F20] =	vst.add.f32.msk $0xffff, v53  }
0xf7: {  	[tilespmem:s13+$0x14F30] =	vst.add.f32.msk $0xffff, v54  }
0xf8: {  	[tilespmem:s13+$0x14F40] =	vst.add.f32.msk $0xffff, v46  }
0xf9: {  	[tilespmem:s13+$0x14F50] =	vst.add.f32.msk $0xffff, v47  }
0xfa: {  	v7 =	vld [tilespmem:s12+$0x8A0]  }
0xfb: {  	v8 =	vld [tilespmem:s12+$0x8B0]  }
0xfc: {  	[tilespmem:$0x1FE70] =	vst v1;
	v1 =	vld [tilespmem:s12+$0x8C0]  }
0xfd: {  	v6 =	vld [tilespmem:s12+$0x8D0];
	_ =	sdelay $0x1  }
0xfe: {  	[tilespmem:s13+$0x14F20] =	vst.add.f32.msk $0xffff, v7  }
0xff: {  	[tilespmem:s13+$0x14F30] =	vst.add.f32.msk $0xffff, v8  }
0x100: {  	[tilespmem:s13+$0x14F40] =	vst.add.f32.msk $0xffff, v1  }
0x101: {  	[tilespmem:s13+$0x14F50] =	vst.add.f32.msk $0xffff, v6  }
0x102: {  	[tilespmem:$0x1FE80] =	vst v7;
	v7 =	vld [tilespmem:s12+$0x8E0]  }
0x103: {  	[tilespmem:$0x1FE90] =	vst v8;
	v8 =	vld [tilespmem:s12+$0x8F0]  }
0x104: {  	[tilespmem:$0x1FEA0] =	vst v1;
	v1 =	vld [tilespmem:s12+$0x900]  }
0x105: {  	[tilespmem:$0x1FEB0] =	vst v6;
	v6 =	vld [tilespmem:s12+$0x910];
	_ =	sdelay $0x1  }
0x106: {  	[tilespmem:s13+$0x14F20] =	vst.add.f32.msk $0xffff, v7  }
0x107: {  	[tilespmem:s13+$0x14F30] =	vst.add.f32.msk $0xffff, v8  }
0x108: {  	[tilespmem:s13+$0x14F40] =	vst.add.f32.msk $0xffff, v1  }
0x109: {  	[tilespmem:s13+$0x14F50] =	vst.add.f32.msk $0xffff, v6  }
0x10a: {  	[tilespmem:$0x1FEC0] =	vst v7;
	v7 =	vld [tilespmem:s12+$0x920]  }
0x10b: {  	[tilespmem:$0x1FED0] =	vst v8;
	v8 =	vld [tilespmem:s12+$0x930]  }
0x10c: {  	[tilespmem:$0x1FEE0] =	vst v1;
	v1 =	vld [tilespmem:s12+$0x940]  }
0x10d: {  	[tilespmem:$0x1FEF0] =	vst v6;
	v6 =	vld [tilespmem:s12+$0x950]  }
0x10e: {  	v9 =	vld [tilespmem:s13+$0xA520]  }
0x10f: {  	[tilespmem:s13+$0x14F20] =	vst.add.f32.msk $0xffff, v7  }
0x110: {  	[tilespmem:s13+$0x14F30] =	vst.add.f32.msk $0xffff, v8  }
0x111: {  	[tilespmem:s13+$0x14F40] =	vst.add.f32.msk $0xffff, v1  }
0x112: {  	[tilespmem:s13+$0x14F50] =	vst.add.f32.msk $0xffff, v6  }
0x113: {  	[tilespmem:$0x1FF30] =	vst v6;
	v6 =	vld [tilespmem:s12+$0x960]  }
0x114: {  	[tilespmem:$0x1FF00] =	vst v7;
	v7 =	vld [tilespmem:s12+$0x970]  }
0x115: {  	[tilespmem:$0x1FF20] =	vst v1;
	v1 =	vld [tilespmem:s12+$0x980]  }
0x116: {  	[tilespmem:$0x1FF10] =	vst v8;
	v8 =	vld [tilespmem:s13+$0xA530]  }
0x117: {  	v31 =	vld [tilespmem:s12+$0x990]  }
0x118: {  	[tilespmem:s13+$0x14F20] =	vst.add.f32.msk $0xffff, v6  }
0x119: {  	[tilespmem:s13+$0x14F30] =	vst.add.f32.msk $0xffff, v7  }
0x11a: {  	[tilespmem:s13+$0x14F40] =	vst.add.f32.msk $0xffff, v1  }
0x11b: {  	[tilespmem:$0x1FF50] =	vst v7;
	v7 =	vld [tilespmem:s13+$0xA540]  }
0x11c: {  	[tilespmem:$0x1FF40] =	vst v6;
	v6 =	vld [tilespmem:s13+$0xA550]  }
0x11d: {  	[tilespmem:s13+$0x14F50] =	vst.add.f32.msk $0xffff, v31  }
0x11e: {  	[tilespmem:$0x1FF70] =	vst v31;
	v31 =	vld [tilespmem:s12+$0x9A0];
	_ =	sdelay $0x1  }
0x11f: {  	v2 =	vmul.f32 v2, v9;
	v10 =	vmul.f32 v10, v8;
	v61 =	vld [tilespmem:s12+$0x9B0]  }
0x120: {  	v3 =	vmul.f32 v3, v8;
	[tilespmem:$0x1FF60] =	vst v1;
	v1 =	vmul.f32 v35, v9;
	v35 =	vld [tilespmem:s12+$0x9C0]  }
0x121: {  	v44 =	vmul.f32 v42, v7;
	v13 =	vmul.f32 v13, v6;
	v42 =	vld [tilespmem:s12+$0x9D0]  }
0x122: {  	v4 =	vmul.f32 v4, v7;
	v5 =	vmul.f32 v5, v6;
	[tilespmem:$0x1FF80] =	vst v31  }
0x123: {  	v1 =	vadd.f32 v10, v1;
	[tilespmem:s13+$0x14F20] =	vst.add.f32.msk $0xffff, v31;
	v44 =	vadd.f32 v13, v44  }
0x124: {  	v2 =	vadd.f32 v3, v2;
	[tilespmem:s13+$0x14F30] =	vst.add.f32.msk $0xffff, v61;
	v13 =	vadd.f32 v5, v4  }
0x125: {  	[tilespmem:s13+$0x14F40] =	vst.add.f32.msk $0xffff, v35;
	v1 =	vadd.f32 v44, v1  }
0x126: {  	v10 =	vmul.f32 v24, v6;
	v2 =	vadd.f32 v13, v2;
	v44 =	vmul.f32 v26, v7;
	[tilespmem:s13+$0x14F50] =	vst.add.f32.msk $0xffff, v42  }
0x127: {  	v24 =	vmul.f32 v16, v9;
	v26 =	vmul.f32 v19, v8;
	[tilespmem:$0x1FF90] =	vst v1  }
0x128: {  	v31 =	vmul.f32 v15, v8;
	v1 =	vmul.f32 v14, v9;
	[tilespmem:$0x1FFA0] =	vst v2;
	v13 =	vld [tilespmem:s12+$0x9E0];
	v2 =	vadd.f32 v10, v44  }
0x129: {  	v5 =	vld [tilespmem:s12+$0x9F0];
	v44 =	vmul.f32 v27, v6;
	v4 =	vadd.f32 v26, v24;
	v26 =	vmul.f32 v23, v6  }
0x12a: {  	v10 =	vld [tilespmem:s12+$0xA00];
	v23 =	vmul.f32 v30, v9;
	v30 =	vmul.f32 v60, v8  }
0x12b: {  	v3 =	vld [tilespmem:s12+$0xA10];
	v60 =	vmul.f32 v37, v7;
	v37 =	vmul.f32 v45, v9  }
0x12c: {  	v45 =	vmul.f32 v49, v9;
	v49 =	vld [tilespmem:$0x1FE70];
	v1 =	vadd.f32 v31, v1;
	v31 =	vmul.f32 v25, v7  }
0x12d: {  	[tilespmem:s13+$0x14F20] =	vst.add.f32.msk $0xffff, v13  }
0x12e: {  	v27 =	vmul.f32 v11, v9;
	v25 =	vmul.f32 v22, v7;
	v15 =	vadd.f32 v44, v31;
	[tilespmem:s13+$0x14F30] =	vst.add.f32.msk $0xffff, v5  }
0x12f: {  	v31 =	vmul.f32 v12, v8;
	v12 =	vadd.f32 v30, v23;
	v30 =	vmul.f32 v28, v8;
	[tilespmem:s13+$0x14F40] =	vst.add.f32.msk $0xffff, v10  }
0x130: {  	v28 =	vmul.f32 v48, v8;
	v48 =	vmul.f32 v50, v8;
	[tilespmem:s13+$0x14F50] =	vst.add.f32.msk $0xffff, v3  }
0x131: {  	v1 =	vadd.f32 v2, v1;
	v50 =	vmul.f32 v49, v7;
	v49 =	vmul.f32 v53, v9;
	v53 =	vld [tilespmem:$0x1FE80]  }
0x132: {  	v14 =	vmul.f32 v17, v9;
	v16 =	vadd.f32 v26, v25;
	v26 =	vld [tilespmem:s12+$0x5520]  }
0x133: {  	v24 =	vmul.f32 v18, v8;
	v44 =	vmul.f32 v21, v7;
	[tilespmem:$0x1FFB0] =	vst v1;
	v1 =	vadd.f32 v31, v27;
	v27 =	vld [tilespmem:s12+$0x5530]  }
0x134: {  	v21 =	vmul.f32 v20, v6;
	v31 =	vmul.f32 v34, v7;
	v2 =	vld [tilespmem:s12+$0x5540]  }
0x135: {  	v34 =	vmul.f32 v36, v6;
	v36 =	vmul.f32 v32, v9;
	v32 =	vld [tilespmem:s12+$0x5550]  }
0x136: {  	v25 =	vmul.f32 v62, v9;
	v22 =	vadd.f32 v21, v44;
	v44 =	vmul.f32 v33, v8;
	v33 =	vld [tilespmem:s12+$0x5560]  }
0x137: {  	v14 =	vadd.f32 v24, v14;
	v24 =	vmul.f32 v55, v6;
	v55 =	vld [tilespmem:s12+$0x5590]  }
0x138: {  	v19 =	vadd.f32 v30, v25;
	v30 =	vld [tilespmem:$0x1FE60]  }
0x139: {  	v11 =	vadd.f32 v24, v60;
	v60 =	vmul.f32 v29, v8;
	v29 =	vmul.f32 v39, v7;
	v39 =	vld [tilespmem:s12+$0x55E0]  }
0x13a: {  	v25 =	vmul.f32 v38, v9;
	v38 =	vld [tilespmem:s12+$0x55F0]  }
0x13b: {  	v62 =	vmul.f32 v58, v7;
	v21 =	vadd.f32 v48, v45;
	v48 =	vmul.f32 v41, v6;
	v41 =	vld [tilespmem:s12+$0x5620]  }
0x13c: {  	v58 =	vmul.f32 v51, v9;
	v51 =	vmul.f32 v46, v7;
	v46 =	vld [tilespmem:s12+$0x5630]  }
0x13d: {  	v24 =	vmul.f32 v0, v6;
	v4 =	vadd.f32 v15, v4;
	v0 =	vld [tilespmem:s12+$0x56B0]  }
0x13e: {  	v15 =	vadd.f32 v22, v1;
	v1 =	vadd.f32 v34, v31;
	v34 =	vld [tilespmem:s12+$0x5570]  }
0x13f: {  	v17 =	vadd.f32 v44, v36;
	v44 =	vld [tilespmem:s12+$0x5580]  }
0x140: {  	v31 =	vmul.f32 v56, v7;
	v56 =	vld [tilespmem:s12+$0x55A0]  }
0x141: {  	v36 =	vmul.f32 v57, v6;
	v57 =	vmul.f32 v43, v6;
	v43 =	vld [tilespmem:s12+$0x5600]  }
0x142: {  	v14 =	vadd.f32 v16, v14;
	v16 =	vadd.f32 v1, v12;
	v12 =	vld [tilespmem:s12+$0x55B0]  }
0x143: {  	v18 =	vadd.f32 v36, v31;
	v36 =	vld [tilespmem:s12+$0x55C0]  }
0x144: {  	v10 =	vmul.f32 v10, v7;
	v3 =	vmul.f32 v3, v6;
	v1 =	vadd.f32 v60, v37;
	v37 =	vld [tilespmem:s12+$0x55D0]  }
0x145: {  	v17 =	vadd.f32 v11, v17;
	v11 =	vadd.f32 v24, v62;
	v62 =	vmul.f32 v40, v7;
	v40 =	vld [tilespmem:s12+$0x5610]  }
0x146: {  	v60 =	vmul.f32 v52, v8;
	v52 =	vmul.f32 v47, v6;
	v47 =	vld [tilespmem:s12+$0x5640]  }
0x147: {  	v13 =	vmul.f32 v13, v9;
	v31 =	vmul.f32 v30, v6;
	v30 =	vld [tilespmem:$0x1FF50]  }
0x148: {  	v3 =	vadd.f32 v3, v10;
	v10 =	vmul.f32 v2, v7;
	v2 =	vld [tilespmem:s12+$0x5750];
	v18 =	vadd.f32 v18, v19  }
0x149: {  	v5 =	vmul.f32 v5, v8;
	v19 =	vadd.f32 v11, v1;
	v11 =	vadd.f32 v57, v50;
	v57 =	vld [tilespmem:$0x1FE90]  }
0x14a: {  	v22 =	vadd.f32 v60, v58;
	v60 =	vld [tilespmem:$0x1FEA0]  }
0x14b: {  	v5 =	vadd.f32 v5, v13;
	v13 =	vmul.f32 v26, v9;
	v1 =	vadd.f32 v31, v29;
	v31 =	vld [tilespmem:$0x1FEB0]  }
0x14c: {  	v26 =	vmul.f32 v27, v8;
	v27 =	vmul.f32 v32, v6;
	v23 =	vadd.f32 v48, v62;
	v48 =	vld [tilespmem:s12+$0x5650]  }
0x14d: {  	v32 =	vmul.f32 v34, v8;
	v34 =	vmul.f32 v55, v6;
	v55 =	vld [tilespmem:s12+$0x5780]  }
0x14e: {  	v50 =	vmul.f32 v54, v8;
	v58 =	vmul.f32 v57, v8;
	v57 =	vld [tilespmem:$0x1FED0]  }
0x14f: {  	v20 =	vadd.f32 v28, v25;
	v54 =	vmul.f32 v53, v9;
	v62 =	vmul.f32 v60, v7;
	v60 =	vld [tilespmem:$0x1FEE0]  }
0x150: {  	v21 =	vadd.f32 v11, v21;
	v11 =	vadd.f32 v52, v51;
	v45 =	vmul.f32 v31, v6;
	v31 =	vld [tilespmem:$0x1FEF0]  }
0x151: {  	v22 =	vadd.f32 v23, v22;
	v23 =	vadd.f32 v58, v54;
	v54 =	vld [tilespmem:$0x1FEC0]  }
0x152: {  	v51 =	vld [tilespmem:s12+$0x5680];
	v20 =	vadd.f32 v1, v20;
	v1 =	vadd.f32 v50, v49  }
0x153: {  	v52 =	vld [tilespmem:s12+$0x5690]  }
0x154: {  	v49 =	vld [tilespmem:s12+$0x5660];
	v24 =	vadd.f32 v11, v1;
	v58 =	vmul.f32 v57, v8  }
0x155: {  	v1 =	vadd.f32 v45, v62;
	v62 =	vmul.f32 v60, v7;
	v57 =	vld [tilespmem:$0x1FF00];
	v45 =	vmul.f32 v31, v6  }
0x156: {  	v60 =	vld [tilespmem:$0x1FF20];
	v25 =	vmul.f32 v54, v9  }
0x157: {  	v11 =	vadd.f32 v45, v62;
	v62 =	vld [tilespmem:$0x1FF30]  }
0x158: {  	v13 =	vadd.f32 v26, v13;
	v25 =	vadd.f32 v58, v25;
	v58 =	vld [tilespmem:$0x1FF10]  }
0x159: {  	v10 =	vadd.f32 v27, v10;
	v28 =	vadd.f32 v1, v23;
	v23 =	vld [tilespmem:$0x1FF40]  }
0x15a: {  	v50 =	vld [tilespmem:s12+$0x5670]  }
0x15b: {  	v26 =	vadd.f32 v10, v13;
	v13 =	vld [tilespmem:s12+$0x57A0]  }
0x15c: {  	v31 =	vld [tilespmem:$0x1FF60];
	v53 =	vmul.f32 v57, v9;
	v29 =	vmul.f32 v60, v7  }
0x15d: {  	v57 =	vld [tilespmem:s12+$0x56A0];
	v54 =	vmul.f32 v58, v8;
	v58 =	vmul.f32 v62, v6  }
0x15e: {  	v1 =	vmul.f32 v23, v9;
	v62 =	vld [tilespmem:$0x1FF70]  }
0x15f: {  	v23 =	vmul.f32 v30, v8;
	v60 =	vld [tilespmem:s12+$0x56C0];
	v53 =	vadd.f32 v54, v53;
	v29 =	vadd.f32 v58, v29  }
0x160: {  	v30 =	vmul.f32 v61, v8;
	v61 =	vld [tilespmem:s12+$0x5700]  }
0x161: {  	v1 =	vadd.f32 v23, v1;
	v23 =	vadd.f32 v29, v53;
	v29 =	vld [tilespmem:$0x1FF80]  }
0x162: {  	v45 =	vadd.f32 v11, v25;
	v11 =	vmul.f32 v31, v7;
	v31 =	vld [tilespmem:s12+$0x56D0]  }
0x163: {  	v54 =	vld [tilespmem:s12+$0x56E0];
	v25 =	vmul.f32 v62, v6  }
0x164: {  	v58 =	vld [tilespmem:s12+$0x56F0]  }
0x165: {  	v35 =	vmul.f32 v35, v7;
	v53 =	vld [tilespmem:s12+$0x5720];
	v11 =	vadd.f32 v25, v11  }
0x166: {  	v62 =	vmul.f32 v42, v6;
	v42 =	vld [tilespmem:s12+$0x5710];
	v29 =	vmul.f32 v29, v9  }
0x167: {  	v25 =	vadd.f32 v11, v1;
	v11 =	vld [tilespmem:s12+$0x5730]  }
0x168: {  	v1 =	vadd.f32 v62, v35;
	v62 =	vld [tilespmem:s12+$0x5740];
	v29 =	vadd.f32 v30, v29  }
0x169: {  	v38 =	vmul.f32 v38, v8;
	v35 =	vmul.f32 v44, v7;
	v44 =	vld [tilespmem:s12+$0x5770]  }
0x16a: {  	v30 =	vadd.f32 v3, v5;
	v5 =	vld [tilespmem:s12+$0x5790];
	v29 =	vadd.f32 v1, v29;
	v1 =	vmul.f32 v33, v9  }
0x16b: {  	v12 =	vmul.f32 v12, v8;
	v3 =	vadd.f32 v34, v35;
	v35 =	vmul.f32 v56, v9;
	v56 =	vld [tilespmem:s12+$0x57B0]  }
0x16c: {  	v2 =	vmul.f32 v2, v6;
	v48 =	vmul.f32 v48, v6;
	v34 =	vld [tilespmem:s12+$0x57C0];
	v1 =	vadd.f32 v32, v1  }
0x16d: {  	v52 =	vmul.f32 v52, v6;
	v33 =	vld [tilespmem:s12+$0x5760];
	v10 =	vadd.f32 v12, v35;
	v35 =	vmul.f32 v40, v6  }
0x16e: {  	v40 =	vld [tilespmem:s12+$0x57D0];
	v27 =	vadd.f32 v3, v1;
	v1 =	vmul.f32 v36, v7;
	v36 =	vmul.f32 v37, v6  }
0x16f: {  	v37 =	vmul.f32 v39, v9;
	v3 =	vmul.f32 v43, v7;
	v43 =	vld [tilespmem:s12+$0x57F0]  }
0x170: {  	v11 =	vmul.f32 v11, v8;
	v39 =	vmul.f32 v50, v8;
	v50 =	vld [tilespmem:s12+$0x5840];
	v1 =	vadd.f32 v36, v1  }
0x171: {  	v12 =	vadd.f32 v38, v37;
	v36 =	vmul.f32 v41, v9;
	v41 =	vld [tilespmem:s12+$0x57E0];
	v3 =	vadd.f32 v35, v3  }
0x172: {  	v37 =	vmul.f32 v46, v8;
	v35 =	vmul.f32 v47, v7;
	v46 =	vld [tilespmem:s12+$0x5800]  }
0x173: {  	v47 =	vld [tilespmem:s12+$0x5810];
	v32 =	vadd.f32 v1, v10;
	v1 =	vmul.f32 v49, v9;
	v10 =	vadd.f32 v3, v12  }
0x174: {  	v5 =	vmul.f32 v5, v6;
	v36 =	vadd.f32 v37, v36;
	v35 =	vadd.f32 v48, v35;
	v48 =	vld [tilespmem:s12+$0x5820]  }
0x175: {  	v3 =	vmul.f32 v51, v7;
	v49 =	vld [tilespmem:s12+$0x5830];
	v37 =	vmul.f32 v0, v8;
	v1 =	vadd.f32 v39, v1  }
0x176: {  	v51 =	vld [tilespmem:s12+$0x5850];
	v12 =	vadd.f32 v35, v36;
	v36 =	vmul.f32 v57, v9;
	v57 =	vmul.f32 v31, v6  }
0x177: {  	v3 =	vadd.f32 v52, v3;
	v52 =	vld [tilespmem:s12+$0x5860];
	v31 =	vmul.f32 v61, v7;
	v61 =	vmul.f32 v62, v7  }
0x178: {  	v62 =	vmul.f32 v33, v9;
	v33 =	vld [tilespmem:s12+$0x58F0];
	v0 =	vmul.f32 v47, v6  }
0x179: {  	v47 =	vld [tilespmem:s12+$0x5920];
	v35 =	vadd.f32 v3, v1;
	v1 =	vmul.f32 v60, v7;
	v36 =	vadd.f32 v37, v36  }
0x17a: {  	v37 =	vmul.f32 v54, v9;
	v2 =	vadd.f32 v2, v61;
	v61 =	vmul.f32 v13, v9;
	v13 =	vld [tilespmem:s12+$0x58E0]  }
0x17b: {  	v60 =	vmul.f32 v58, v8;
	v58 =	vmul.f32 v53, v9;
	v53 =	vld [tilespmem:s12+$0x5880]  }
0x17c: {  	v40 =	vmul.f32 v40, v6;
	v54 =	vld [tilespmem:s12+$0x5890];
	v1 =	vadd.f32 v57, v1;
	v57 =	vmul.f32 v42, v6  }
0x17d: {  	v42 =	vld [tilespmem:s12+$0x5870];
	v37 =	vadd.f32 v60, v37;
	v60 =	vmul.f32 v55, v7;
	v11 =	vadd.f32 v11, v58  }
0x17e: {  	v55 =	vld [tilespmem:s12+$0x58B0];
	v58 =	vmul.f32 v52, v9;
	v3 =	vadd.f32 v57, v31;
	v31 =	vmul.f32 v44, v8  }
0x17f: {  	v52 =	vld [tilespmem:s12+$0x5950];
	v33 =	vmul.f32 v33, v8;
	v36 =	vadd.f32 v1, v36;
	v13 =	vmul.f32 v13, v9  }
0x180: {  	v44 =	vld [tilespmem:s12+$0x58A0];
	v37 =	vadd.f32 v3, v37;
	v1 =	vadd.f32 v31, v62;
	v62 =	vmul.f32 v56, v8  }
0x181: {  	v57 =	vld [tilespmem:s12+$0x58C0];
	v3 =	vadd.f32 v5, v60;
	v31 =	vmul.f32 v34, v7;
	v60 =	vmul.f32 v41, v9  }
0x182: {  	v38 =	vadd.f32 v2, v11;
	v5 =	vld [tilespmem:s12+$0x58D0];
	v34 =	vmul.f32 v48, v9;
	v48 =	vmul.f32 v50, v7  }
0x183: {  	v56 =	vld [tilespmem:s12+$0x5900];
	v55 =	vmul.f32 v55, v8;
	v13 =	vadd.f32 v33, v13;
	v39 =	vadd.f32 v3, v1  }
0x184: {  	v50 =	vld [tilespmem:s12+$0x5930];
	v2 =	vadd.f32 v62, v61;
	v61 =	vmul.f32 v43, v8;
	v62 =	vmul.f32 v46, v7  }
0x185: {  	v1 =	vadd.f32 v40, v31;
	v46 =	vld [tilespmem:s12+$0x5910];
	v43 =	vmul.f32 v49, v8;
	v31 =	vmul.f32 v51, v6  }
0x186: {  	v51 =	vld [tilespmem:s12+$0x5940];
	v52 =	vmul.f32 v52, v6;
	v11 =	vadd.f32 v61, v60;
	v3 =	vadd.f32 v0, v62  }
0x187: {  	v49 =	vld [tilespmem:s12+$0x59B0];
	v40 =	vadd.f32 v1, v2;
	v60 =	vmul.f32 v42, v8;
	v61 =	vmul.f32 v53, v7  }
0x188: {  	v62 =	vmul.f32 v54, v6;
	v34 =	vadd.f32 v43, v34;
	v31 =	vadd.f32 v31, v48;
	v48 =	vld [tilespmem:s12+$0x5960]  }
0x189: {  	v54 =	vmul.f32 v44, v9;
	v44 =	vld [tilespmem:s12+$0x5980];
	v0 =	vperm.xlane v14, v59;
	v41 =	vadd.f32 v3, v11  }
0x18a: {  	v1 =	vadd.f32 v60, v58;
	v53 =	vadd.f32 v62, v61;
	v3 =	vld [tilespmem:s12+$0x5970];
	v58 =	vmul.f32 v57, v7  }
0x18b: {  	v42 =	vadd.f32 v31, v34;
	v60 =	vmul.f32 v5, v6;
	v5 =	vld [tilespmem:s12+$0x5990];
	v61 =	vmul.f32 v56, v7  }
0x18c: {  	v11 =	vadd.f32 v55, v54;
	v34 =	vld [tilespmem:s12+$0x59A0];
	v62 =	vmul.f32 v47, v9;
	v31 =	vmul.f32 v50, v8  }
0x18d: {  	v50 =	vld [tilespmem:s12+$0x59C0];
	v14 =	vadd.f32 v0, v14;
	v46 =	vmul.f32 v46, v6;
	v43 =	vadd.f32 v53, v1  }
0x18e: {  	v55 =	vld [tilespmem:$0x1FF90];
	v51 =	vmul.f32 v51, v7;
	v1 =	vadd.f32 v60, v58;
	v33 =	vadd.f32 v31, v62  }
0x18f: {  	v53 =	vld [tilespmem:s12+$0x59D0];
	v2 =	vadd.f32 v46, v61;
	v56 =	vmul.f32 v48, v9;
	v60 =	vmul.f32 v44, v7  }
0x190: {  	v58 =	vld [tilespmem:s12+$0x59E0];
	v62 =	vadd.f32 v52, v51;
	v51 =	vmul.f32 v49, v8;
	v48 =	vperm.xlane v16, v59  }
0x191: {  	v31 =	vld [tilespmem:s12+$0x5A00];
	v49 =	vperm.xlane v17, v59;
	v46 =	vadd.f32 v1, v11;
	v57 =	vmul.f32 v3, v8  }
0x192: {  	v54 =	vld [tilespmem:s12+$0x5A10];
	v3 =	vadd.f32 v2, v13;
	v5 =	vmul.f32 v5, v6;
	v34 =	vmul.f32 v34, v9  }
0x193: {  	v1 =	vadd.f32 v62, v33;
	v52 =	vmul.f32 v50, v7;
	v62 =	vperm.xlane v4, v59  }
0x194: {  	v61 =	vld [tilespmem:s12+$0x59F0];
	v50 =	vperm.xlane v18, v59;
	v11 =	vadd.f32 v57, v56;
	v53 =	vmul.f32 v53, v6  }
0x195: {  	v2 =	vadd.f32 v5, v60;
	v9 =	vmul.f32 v58, v9;
	v56 =	vperm.xlane v55, v59  }
0x196: {  	v33 =	vadd.f32 v51, v34;
	v7 =	vmul.f32 v31, v7;
	v31 =	vperm.xlane v15, v59  }
0x197: {  	v6 =	vmul.f32 v54, v6;
	v4 =	vadd.f32 v62, v4;
	v5 =	vadd.f32 v2, v11  }
0x198: {  	v57 =	vld [tilespmem:$0x1FFA0];
	v51 =	vperm.xlane v19, v59;
	v2 =	vadd.f32 v53, v52;
	v13 =	vadd.f32 v56, v55  }
0x199: {  	v60 =	vld [tilespmem:$0x1FFB0];
	v8 =	vmul.f32 v61, v8;
	v15 =	vadd.f32 v31, v15;
	v11 =	vadd.f32 v48, v16  }
0x19a: {  	v52 =	vadd.f32 v49, v17;
	v53 =	vperm.xlane v20, v59;
	v54 =	vadd.f32 v51, v19  }
0x19b: {  	v55 =	vperm.xlane v21, v59;
	v56 =	vperm.xlane v22, v59;
	v6 =	vadd.f32 v6, v7  }
0x19c: {  	v8 =	vadd.f32 v8, v9;
	v14 =	vsel vm0, v14, v15;
	v15 =	vadd.f32 v50, v18  }
0x19d: {  	v17 =	vadd.f32 v53, v20;
	v19 =	vadd.f32 v55, v21;
	v58 =	vperm.xlane v57, v59  }
0x19e: {  	v11 =	vsel vm0, v11, v52;
	v2 =	vadd.f32 v2, v33;
	v61 =	vperm.xlane v60, v59  }
0x19f: {  	v15 =	vsel vm0, v15, v54;
	v17 =	vsel vm0, v17, v19;
	v34 =	vadd.f32 v58, v57  }
0x1a0: {  	v44 =	vadd.f32 v61, v60;
	v57 =	vperm.xlane v24, v59;
	v58 =	vperm.xlane v28, v59  }
0x1a1: {  	v60 =	vperm.xlane v45, v59;
	v61 =	vadd.f32 v56, v22;
	v47 =	vperm.xlane v15, v63  }
0x1a2: {  	v48 =	vperm.xlane v17, v63;
	v13 =	vsel vm0, v13, v34;
	v4 =	vsel vm0, v44, v4  }
0x1a3: {  	v62 =	vadd.f32 v57, v24;
	v0 =	vadd.f32 v58, v28;
	v44 =	vperm.xlane v14, v63  }
0x1a4: {  	v28 =	vadd.f32 v60, v45;
	v45 =	vperm.xlane v11, v63;
	v57 =	vperm.xlane v23, v59  }
0x1a5: {  	v51 =	vadd.f32 v47, v15;
	v58 =	vperm.xlane v25, v59;
	v60 =	vperm.xlane v29, v59  }
0x1a6: {  	v52 =	vadd.f32 v48, v17;
	v47 =	vperm.xlane v32, v59;
	v48 =	vperm.xlane v10, v59  }
0x1a7: {  	v6 =	vadd.f32 v6, v8;
	v31 =	vperm.xlane v13, v63;
	v34 =	vperm.xlane v4, v63  }
0x1a8: {  	v16 =	vsel vm0, v61, v62;
	v18 =	vsel vm0, v0, v28;
	v14 =	vadd.f32 v44, v14  }
0x1a9: {  	v24 =	vld [tilespmem:$0x1FFE0];
	v11 =	vadd.f32 v45, v11;
	v61 =	vperm.xlane v30, v59;
	v15 =	vadd.f32 v60, v29  }
0x1aa: {  	v44 =	vperm.xlane v26, v59;
	v45 =	vperm.xlane v27, v59;
	v10 =	vadd.f32 v48, v10  }
0x1ab: {  	v60 =	vperm.xlane v40, v59;
	v13 =	vadd.f32 v31, v13;
	v4 =	vadd.f32 v34, v4  }
0x1ac: {  	v49 =	vperm.xlane v16, v63;
	v50 =	vperm.xlane v18, v63;
	v11 =	vsel vm1, v14, v11  }
0x1ad: {  	v19 =	vadd.f32 v61, v30;
	v61 =	vperm.xlane v41, v59;
	v4 =	vsel vm1, v13, v4  }
0x1ae: {  	v53 =	vadd.f32 v49, v16;
	v54 =	vadd.f32 v50, v18;
	v56 =	vperm.xlane v11, v24  }
0x1af: {  	v13 =	vsel vm1, v51, v52;
	v49 =	vperm.xlane v12, v59;
	v50 =	vperm.xlane v35, v59  }
0x1b0: {  	v16 =	vadd.f32 v57, v23;
	v51 =	vperm.xlane v36, v59;
	v52 =	vperm.xlane v37, v59  }
0x1b1: {  	v18 =	vadd.f32 v58, v25;
	v55 =	vperm.xlane v4, v24;
	v62 =	vperm.xlane v13, v24  }
0x1b2: {  	v15 =	vsel vm0, v15, v19;
	v14 =	vsel vm1, v53, v54;
	v11 =	vadd.f32 v56, v11  }
0x1b3: {  	v16 =	vsel vm0, v16, v18;
	v28 =	vperm.xlane v15, v63;
	v12 =	vadd.f32 v49, v12  }
0x1b4: {  	v53 =	vperm.xlane v38, v59;
	v54 =	vperm.xlane v39, v59;
	v56 =	vadd.f32 v52, v37  }
0x1b5: {  	v37 =	vperm.xlane v5, v59;
	v4 =	vadd.f32 v55, v4;
	v0 =	vperm.xlane v14, v24  }
0x1b6: {  	v13 =	vadd.f32 v62, v13;
	v25 =	vperm.xlane v16, v63;
	v55 =	vadd.f32 v51, v36  }
0x1b7: {  	v62 =	vperm.xlane v42, v59;
	v7 =	vadd.f32 v28, v15;
	v15 =	vadd.f32 v50, v35  }
0x1b8: {  	v23 =	vld [tilespmem:$0x1FFF0];
	v36 =	vperm.xlane v1, v59;
	v57 =	vadd.f32 v53, v38;
	v58 =	vadd.f32 v54, v39  }
0x1b9: {  	v38 =	vperm.xlane v2, v59;
	v39 =	vperm.xlane v6, v59;
	v5 =	vadd.f32 v37, v5  }
0x1ba: {  	v14 =	vadd.f32 v0, v14;
	v4 =	vsel vm2, v4, v11;
	v30 =	vadd.f32 v25, v16  }
0x1bb: {  	v11 =	vadd.f32 v44, v26;
	v0 =	vadd.f32 v61, v41;
	v25 =	vperm.xlane v43, v59  }
0x1bc: {  	v16 =	vadd.f32 v62, v42;
	v26 =	vperm.xlane v46, v59;
	v1 =	vadd.f32 v36, v1  }
0x1bd: {  	v31 =	vperm.xlane v4, v23;
	v12 =	vsel vm0, v12, v15;
	v15 =	vadd.f32 v60, v40  }
0x1be: {  	v34 =	vperm.xlane v7, v24;
	v2 =	vadd.f32 v38, v2;
	v6 =	vadd.f32 v39, v6  }
0x1bf: {  	v29 =	vsel vm2, v13, v14;
	v33 =	vperm.xlane v30, v24;
	v13 =	vadd.f32 v47, v32  }
0x1c0: {  	v18 =	vadd.f32 v25, v43;
	v1 =	vsel vm0, v1, v5;
	v14 =	vperm.xlane v29, v23  }
0x1c1: {  	v4 =	vadd.f32 v31, v4;
	v7 =	vadd.f32 v34, v7;
	v15 =	vsel vm0, v15, v0  }
0x1c2: {  	v31 =	vperm.xlane v12, v63;
	v2 =	vsel vm0, v2, v6;
	v5 =	vperm.xlane v1, v63  }
0x1c3: {  	v8 =	vadd.f32 v33, v30;
	v10 =	vsel vm0, v13, v10;
	v13 =	vsel vm0, v57, v58  }
0x1c4: {  	v30 =	vadd.f32 v26, v46;
	v16 =	vsel vm0, v16, v18;
	v35 =	vperm.xlane v15, v63  }
0x1c5: {  	v9 =	vadd.f32 v14, v29;
	v14 =	vadd.f32 v45, v27;
	v27 =	vperm.xlane v3, v59  }
0x1c6: {  	v29 =	vperm.xlane v10, v63;
	v33 =	vadd.f32 v31, v12;
	v34 =	vperm.xlane v13, v63  }
0x1c7: {  	v18 =	vperm.xlane v16, v63;
	v1 =	vadd.f32 v5, v1;
	v3 =	vadd.f32 v27, v3  }
0x1c8: {  	v15 =	vadd.f32 v35, v15;
	v11 =	vsel vm0, v11, v14;
	v14 =	vsel vm0, v55, v56  }
0x1c9: {  	v10 =	vadd.f32 v29, v10;
	v28 =	vperm.xlane v11, v63;
	v3 =	vsel vm0, v30, v3  }
0x1ca: {  	v12 =	vadd.f32 v34, v13;
	v32 =	vperm.xlane v14, v63;
	v40 =	vperm.xlane v3, v63  }
0x1cb: {  	v6 =	vperm.xlane v2, v63;
	v41 =	vadd.f32 v18, v16;
	v11 =	vadd.f32 v28, v11  }
0x1cc: {  	v12 =	vsel vm1, v12, v15;
	v14 =	vadd.f32 v32, v14;
	v3 =	vadd.f32 v40, v3  }
0x1cd: {  	v51 =	vperm.xlane v7, v23;
	v44 =	vperm.xlane v12, v24;
	v10 =	vsel vm1, v11, v10  }
0x1ce: {  	v11 =	vsel vm1, v33, v14;
	v42 =	vperm.xlane v10, v24;
	v3 =	vsel vm1, v41, v3  }
0x1cf: {  	v2 =	vadd.f32 v6, v2;
	v43 =	vperm.xlane v11, v24;
	v45 =	vperm.xlane v3, v24  }
0x1d0: {  	v49 =	vperm.xlane v1, v24;
	v48 =	vadd.f32 v44, v12;
	v10 =	vadd.f32 v42, v10  }
0x1d1: {  	v50 =	vperm.xlane v2, v24;
	v47 =	vadd.f32 v43, v11;
	v3 =	vadd.f32 v45, v3  }
0x1d2: {  	v46 =	vperm.xlane v8, v23;
	v7 =	vadd.f32 v51, v7;
	v1 =	vadd.f32 v49, v1  }
0x1d3: {  	v2 =	vadd.f32 v50, v2;
	v6 =	vsel vm2, v10, v47;
	v3 =	vsel vm2, v48, v3  }
0x1d4: {  	v4 =	vsel vm3, v4, v9;
	v52 =	vperm.xlane v6, v23;
	v53 =	vperm.xlane v3, v23  }
0x1d5: {  	v5 =	vadd.f32 v46, v8;
	v54 =	vperm.xlane v1, v23;
	v55 =	vperm.xlane v2, v23  }
0x1d6: {  	v4 =	vmul.f32 $1.442695020e+00, v4;
	v6 =	vadd.f32 v52, v6;
	v3 =	vadd.f32 v53, v3  }
0x1d7: {  	v5 =	vsel vm1, v5, v7;
	v1 =	vadd.f32 v54, v1;
	v2 =	vadd.f32 v55, v2  }
0x1d8: {  	v5 =	vmul.f32 $1.442695020e+00, v5;
	v3 =	vsel vm3, v6, v3  }
0x1d9: {  	(erf) = vpow2.f32 v4;
	v1 =	vsel vm1, v1, v2;
	v56 =	vmul.f32 $1.442695020e+00, v3  }
0x1da: {  	(erf) = vpow2.f32 v5;
	v1 =	vmul.f32 $1.442695020e+00, v1  }
0x1db: {  	(erf) = vpow2.f32 v56  }
0x1dc: {  	(erf) = vpow2.f32 v1;
	_ =	sdelay $0x5  }
0x1dd: {  	v57 =	vpop (erf)  }
0x1de: {  	v58 =	vpop (erf)  }
0x1df: {  	p1 =	sne.s32 s10, $0xF;
	v60 =	vpop (erf)  }
.Ltmp0:
0x1e0: {  	v2 =	vnsel vm4, $0x0, v58;
	v61 =	vpop (erf);
	(pc) =	sbr.rel @p1 .LBB2_3-.Ltmp0, $4  }
0x1e1: {  	v1 =	vadd.f32 v2, v57;
	v4 =	vnsel vm4, $0x0, v61  }
0x1e2: {  	s16 =	sshll.u32 s10, $0x4;
	v62 =	vadd.f32 v4, v60  }
0x1e3: {  	[tilespmem:s16+$0x14D20] =	vst v1  }
0x1e4: {  	s10 =	sadd.s32 $0x1, s10;
	[tilespmem:s16+$0x14E20] =	vst v62  }
0x1e5: {  	v15 =	vld [tilespmem:$0x1FFD0];
	_ =	sdelay $0x4  }
0x1e6: {  	v6 =	vor.u32 $0x1, v15;
	_ =	sdelay $0x1  }
0x1e7: {  	v7 =	vor.u32 $0x2, v15;
	_ =	sdelay $0x1  }
0x1e8: {  	v8 =	vor.u32 $0x3, v15;
	v1 =	vld.idx.msk [tilespmem:v15+s30+$0x0], $0xffff  }
0x1e9: {  	v2 =	vld.idx.msk [tilespmem:v6+s30+$0x0], $0xffff  }
0x1ea: {  	v9 =	vor.u32 $0x4, v15  }
0x1eb: {  	v3 =	vld.idx.msk [tilespmem:v7+s30+$0x0], $0xffff  }
0x1ec: {  	v10 =	vor.u32 $0x5, v15  }
0x1ed: {  	v4 =	vld.idx.msk [tilespmem:v8+s30+$0x0], $0xffff  }
0x1ee: {  	v11 =	vor.u32 $0x6, v15;
	v1 =	vadd.f32 v2, v1  }
0x1ef: {  	v42 =	vld.idx.msk [tilespmem:v9+s30+$0x0], $0xffff  }
0x1f0: {  	v12 =	vor.u32 $0x7, v15;
	v5 =	vld.idx.msk [tilespmem:v15+s29+$0x0], $0xffff;
	v1 =	vadd.f32 v3, v1  }
0x1f1: {  	v43 =	vld.idx.msk [tilespmem:v10+s30+$0x0], $0xffff  }
0x1f2: {  	v13 =	vor.u32 $0x8, v15;
	[tilespmem:$0x1FD60] =	vst v6;
	v6 =	vld.idx.msk [tilespmem:v6+s29+$0x0], $0xffff;
	v1 =	vadd.f32 v4, v1  }
0x1f3: {  	v44 =	vld.idx.msk [tilespmem:v11+s30+$0x0], $0xffff  }
0x1f4: {  	v14 =	vor.u32 $0x9, v15;
	[tilespmem:$0x1FD70] =	vst v7;
	v7 =	vld.idx.msk [tilespmem:v7+s29+$0x0], $0xffff;
	v1 =	vadd.f32 v42, v1  }
0x1f5: {  	v45 =	vld.idx.msk [tilespmem:v12+s30+$0x0], $0xffff  }
0x1f6: {  	v16 =	vor.u32 $0xA, v15;
	[tilespmem:$0x1FD80] =	vst v8;
	v8 =	vld.idx.msk [tilespmem:v8+s29+$0x0], $0xffff;
	v1 =	vadd.f32 v43, v1  }
0x1f7: {  	v46 =	vld.idx.msk [tilespmem:v13+s30+$0x0], $0xffff  }
0x1f8: {  	v17 =	vor.u32 $0xB, v15;
	[tilespmem:$0x1FD90] =	vst v9;
	v9 =	vld.idx.msk [tilespmem:v9+s29+$0x0], $0xffff;
	v1 =	vadd.f32 v44, v1  }
0x1f9: {  	v47 =	vld.idx.msk [tilespmem:v14+s30+$0x0], $0xffff  }
0x1fa: {  	v18 =	vor.u32 $0xC, v15;
	[tilespmem:$0x1FDA0] =	vst v10;
	v10 =	vld.idx.msk [tilespmem:v10+s29+$0x0], $0xffff;
	v1 =	vadd.f32 v45, v1  }
0x1fb: {  	v48 =	vld.idx.msk [tilespmem:v16+s30+$0x0], $0xffff  }
0x1fc: {  	v19 =	vor.u32 $0xD, v15;
	[tilespmem:$0x1FDB0] =	vst v11;
	v11 =	vld.idx.msk [tilespmem:v11+s29+$0x0], $0xffff;
	v1 =	vadd.f32 v46, v1  }
0x1fd: {  	v49 =	vld.idx.msk [tilespmem:v17+s30+$0x0], $0xffff  }
0x1fe: {  	v20 =	vor.u32 $0xE, v15;
	[tilespmem:$0x1FDC0] =	vst v12;
	v12 =	vld.idx.msk [tilespmem:v12+s29+$0x0], $0xffff;
	v1 =	vadd.f32 v47, v1  }
0x1ff: {  	v50 =	vld.idx.msk [tilespmem:v18+s30+$0x0], $0xffff  }
0x200: {  	v21 =	vor.u32 $0xF, v15;
	[tilespmem:$0x1FDD0] =	vst v13;
	v13 =	vld.idx.msk [tilespmem:v13+s29+$0x0], $0xffff;
	v1 =	vadd.f32 v48, v1  }
0x201: {  	v51 =	vld.idx.msk [tilespmem:v19+s30+$0x0], $0xffff  }
0x202: {  	[tilespmem:$0x1FDE0] =	vst v14;
	v14 =	vld.idx.msk [tilespmem:v14+s29+$0x0], $0xffff;
	v1 =	vadd.f32 v49, v1  }
0x203: {  	v53 =	vld.idx.msk [tilespmem:v20+s30+$0x0], $0xffff  }
0x204: {  	v52 =	vld.idx.msk [tilespmem:v16+s29+$0x0], $0xffff;
	v1 =	vadd.f32 v50, v1  }
0x205: {  	[tilespmem:$0x1FDF0] =	vst v16;
	v55 =	vld.idx.msk [tilespmem:v21+s30+$0x0], $0xffff  }
0x206: {  	[tilespmem:$0x1FE00] =	vst v17;
	v54 =	vld.idx.msk [tilespmem:v17+s29+$0x0], $0xffff;
	v1 =	vadd.f32 v51, v1  }
0x207: {  	[tilespmem:$0x1FE10] =	vst v18;
	v56 =	vld.idx.msk [tilespmem:v18+s29+$0x0], $0xffff  }
0x208: {  	s10 =	sshll.u32 s19, $0x8;
	[tilespmem:$0x1FE20] =	vst v19;
	v57 =	vld.idx.msk [tilespmem:v19+s29+$0x0], $0xffff;
	v1 =	vadd.f32 v53, v1  }
0x209: {  	s10 =	sadd.s32 s10, s15;
	[tilespmem:$0x1FE30] =	vst v20;
	v58 =	vld.idx.msk [tilespmem:v20+s29+$0x0], $0xffff  }
0x20a: {  	[tilespmem:$0x1FE40] =	vst v21;
	v60 =	vld.idx.msk [tilespmem:v21+s29+$0x0], $0xffff;
	[hbm4b:s10+s3] =	stream.linear.scatter [tilespmem:s21], [sflag:$0x5], $0x400, $0x38;
	v1 =	vadd.f32 v55, v1  }
0x20b: {  	_ =	swait.ge [sflag:s31], $0x400  }
0x20c: {  	(erf) = vrcp.f32 v1;
	_ =	sdelay $0x6  }
0x20d: {  	s10 =	sor.u32 $0x1, s9  }
0x20e: {  	p1 =	sgt.u32 s10, $0x1E;
	[sflag:s31] =	ssyncset.done $0x0  }
0x20f: {  	s12 =	simm.s32 @!p1 $0x1;
	[sflag:s31] =	ssyncadd.s32 $0xFFFFFC00;
	v1 =	vpop (erf)  }
0x210: {  	_ =	swait.ge @!p1 [sflag:s12], $0x140  }
0x211: {  	[sflag:s12] =	ssyncset.done @!p1 $0x0  }
0x212: {  	[sflag:s12] =	ssyncadd.s32 @!p1 $0xFFFFFEC0  }
0x213: {  	_ =	swait.ge @!p1 [sflag:s12], $0x140  }
0x214: {  	[sflag:s12] =	ssyncset.done @!p1 $0x0  }
0x215: {  	[sflag:s12] =	ssyncadd.s32 @!p1 $0xFFFFFEC0  }
0x216: {  	_ =	swait.ge @!p1 [sflag:s12], $0x10  }
0x217: {  	s13 =	simm.s32 @!p1 $0x280;
	[sflag:s12] =	ssyncset.done @!p1 $0x0  }
0x218: {  	s14 =	simm.s32 @!p1 $0xA520;
	[sflag:s12] =	ssyncadd.s32 @!p1 $0xFFFFFFF0;
	s12 =	simm.s32 @!p1 $0x10  }
0x219: {  	[tilespmem:s14], [sflag:$0x3] =	stream.indirect.gather @!p1 [hbm4b:s4+s12], $0x40, s13, s12, $0xb8;
	[tilespmem:$0x15320] =	vst v63  }
0x21a: {  	s12 =	simm.s32 @!p1 $0x40;
	s13 =	simm.s32 @!p1 $0x0;
	s14 =	simm.s32 @!p1 $0x520  }
0x21b: {  	[tilespmem:s14], [sflag:$0x3] =	stream.indirect.gather @!p1 [hbm4b:s4+s12], $0x40, s13, s12, $0xb8;
	[tilespmem:$0x15320] =	vst v63  }
0x21c: {  	s13 =	simm.s32 @!p1 $0x140;
	s14 =	simm.s32 @!p1 $0x5520  }
0x21d: {  	[tilespmem:s14], [sflag:$0x3] =	stream.indirect.gather @!p1 [hbm4b:s4+s12], $0x40, s13, s12, $0xb8;
	[tilespmem:$0x15320] =	vst v63  }
0x21e: {  	s13 =	simm.s32 @!p1 $0x1520  }
0x21f: {  	[tilespmem:s13], [sflag:$0x3] =	stream.indirect.gather @!p1 [hbm4b:s4+s12], $0x40, s12, s12, $0xb8;
	[tilespmem:$0x15320] =	vst v63  }
0x220: {  	s14 =	simm.s32 @!p1 $0x6520;
	s13 =	simm.s32 @!p1 $0x180  }
0x221: {  	[tilespmem:s14], [sflag:$0x3] =	stream.indirect.gather @!p1 [hbm4b:s4+s12], $0x40, s13, s12, $0xb8;
	[tilespmem:$0x15320] =	vst v63  }
0x222: {  	s13 =	simm.s32 @!p1 $0x80;
	s14 =	simm.s32 @!p1 $0x2520  }
0x223: {  	[tilespmem:s14], [sflag:$0x3] =	stream.indirect.gather @!p1 [hbm4b:s4+s12], $0x40, s13, s12, $0xb8;
	[tilespmem:$0x15320] =	vst v63  }
0x224: {  	s13 =	simm.s32 @!p1 $0x1C0;
	s14 =	simm.s32 @!p1 $0x7520  }
0x225: {  	[tilespmem:s14], [sflag:$0x3] =	stream.indirect.gather @!p1 [hbm4b:s4+s12], $0x40, s13, s12, $0xb8;
	[tilespmem:$0x15320] =	vst v63  }
0x226: {  	s13 =	simm.s32 @!p1 $0xC0;
	s14 =	simm.s32 @!p1 $0x3520  }
0x227: {  	[tilespmem:s14], [sflag:$0x3] =	stream.indirect.gather @!p1 [hbm4b:s4+s12], $0x40, s13, s12, $0xb8;
	[tilespmem:$0x15320] =	vst v63  }
0x228: {  	s13 =	simm.s32 @!p1 $0x200;
	s14 =	simm.s32 @!p1 $0x8520  }
0x229: {  	[tilespmem:s14], [sflag:$0x3] =	stream.indirect.gather @!p1 [hbm4b:s4+s12], $0x40, s13, s12, $0xb8;
	[tilespmem:$0x15320] =	vst v63  }
0x22a: {  	s13 =	simm.s32 @!p1 $0x100;
	s14 =	simm.s32 @!p1 $0x4520  }
0x22b: {  	[tilespmem:s14], [sflag:$0x3] =	stream.indirect.gather @!p1 [hbm4b:s4+s12], $0x40, s13, s12, $0xb8;
	[tilespmem:$0x15320] =	vst v63  }
0x22c: {  	s13 =	simm.s32 @!p1 $0x240;
	s14 =	simm.s32 @!p1 $0x9520  }
0x22d: {  	[tilespmem:s14], [sflag:$0x3] =	stream.indirect.gather @!p1 [hbm4b:s4+s12], $0x40, s13, s12, $0xb8;
	[tilespmem:$0x15320] =	vst v63  }
0x22e: {  	_ =	swait.ge [sflag:s18], $0x400  }
0x22f: {  	[sflag:s18] =	ssyncset.done $0x0  }
0x230: {  	[sflag:s18] =	ssyncadd.s32 $0xFFFFFC00  }
0x231: {  	_ =	swait.ge [sflag:s18], $0x1000  }
0x232: {  	v61 =	vadd.f32 v6, v5;
	[sflag:s18] =	ssyncset.done $0x0  }
0x233: {  	[sflag:s18] =	ssyncadd.s32 $0xFFFFF000  }
0x234: {  	v4 =	vadd.f32 v7, v61;
	_ =	swait.ge [sflag:s18], $0x1000  }
0x235: {  	[sflag:s18] =	ssyncset.done $0x0  }
0x236: {  	v4 =	vadd.f32 v8, v4;
	[sflag:s18] =	ssyncadd.s32 $0xFFFFF000  }
0x237: {  	_ =	swait.ge [sflag:s18], $0x1000  }
0x238: {  	v4 =	vadd.f32 v9, v4;
	[sflag:s18] =	ssyncset.done $0x0  }
0x239: {  	[sflag:s18] =	ssyncadd.s32 $0xFFFFF000  }
0x23a: {  	v4 =	vadd.f32 v10, v4;
	_ =	swait.ge [sflag:s18], $0x1000  }
0x23b: {  	[sflag:s18] =	ssyncset.done $0x0  }
0x23c: {  	v4 =	vadd.f32 v11, v4;
	[sflag:s18] =	ssyncadd.s32 $0xFFFFF000  }
0x23d: {  	_ =	swait.ge [sflag:s18], $0x1000  }
0x23e: {  	v4 =	vadd.f32 v12, v4;
	[sflag:s18] =	ssyncset.done $0x0  }
0x23f: {  	[sflag:s18] =	ssyncadd.s32 $0xFFFFF000  }
0x240: {  	v4 =	vadd.f32 v13, v4;
	_ =	swait.ge [sflag:s18], $0x1000  }
0x241: {  	[sflag:s18] =	ssyncset.done $0x0  }
0x242: {  	v4 =	vadd.f32 v14, v4;
	[sflag:s18] =	ssyncadd.s32 $0xFFFFF000  }
0x243: {  	_ =	swait.ge [sflag:s18], $0x1000  }
0x244: {  	v4 =	vadd.f32 v52, v4;
	[sflag:s18] =	ssyncset.done $0x0  }
0x245: {  	[sflag:s18] =	ssyncadd.s32 $0xFFFFF000  }
0x246: {  	v4 =	vadd.f32 v54, v4;
	_ =	swait.ge [sflag:s18], $0x1000  }
0x247: {  	[sflag:s18] =	ssyncset.done $0x0  }
0x248: {  	v4 =	vadd.f32 v56, v4;
	[sflag:s18] =	ssyncadd.s32 $0xFFFFF000  }
0x249: {  	s9 =	sadd.s32 @!p0 $0x3, s9;
	_ =	swait.ge [sflag:s18], $0x1000  }
0x24a: {  	v2 =	vadd.f32 v57, v4;
	s12 =	smul.u32 @!p0 $0x140, s9;
	[sflag:s18] =	ssyncset.done $0x0  }
0x24b: {  	s16 =	simm.s32 @!p0 $0x290;
	[sflag:s18] =	ssyncadd.s32 $0xFFFFF000  }
0x24c: {  	v2 =	vadd.f32 v58, v2;
	s9 =	sshll.u32 @!p0 s9, $0x4;
	s12 =	sadd.s32 @!p0 s6, s12;
	_ =	swait.ge [sflag:s18], $0x1000  }
0x24d: {  	s14 =	simm.s32 @!p0 $0x0;
	s12 =	sshrl.u32 @!p0 s12, $0x3;
	[sflag:s18] =	ssyncset.done $0x0;
	v62 =	vld [tilespmem:$0x1FFC0]  }
0x24e: {  	v2 =	vadd.f32 v60, v2;
	s9 =	sadd.s32 @!p0 s8, s9;
	s13 =	sadd.s32 @!p0 s5, s12;
	[sflag:s18] =	ssyncadd.s32 $0xFFFFF000  }
0x24f: {  	[tilespmem:s16], [sflag:$0x2] =	stream.linear.gather @!p0 [hbm4b:s13+s14], $0x140, $0x38;
	[tilespmem:$0x15320] =	vst v63  }
0x250: {  	v1 =	vmul.f32 v1, v2;
	s9 =	sshrl.u32 @!p0 s9, $0x3;
	s12 =	sadd.s32 @!p0 s7, s12;
	s13 =	simm.s32 @!p0 $0x3D0  }
0x251: {  	[tilespmem:s13], [sflag:$0x2] =	stream.linear.gather @!p0 [hbm4b:s12+s14], $0x140, $0x38;
	[tilespmem:$0x15320] =	vst v63  }
0x252: {  	s9 =	sadd.s32 @!p0 s1, s9;
	s12 =	simm.s32 @!p0 $0x510;
	v1 =	vadd.f32 v1, v62  }
0x253: {  	[tilespmem:s12], [sflag:$0x2] =	stream.linear.gather @!p0 [hbm4b:s9+s14], $0x10, $0x38;
	[tilespmem:$0x15320] =	vst v63  }
0x254: {  	s9 =	simm.s32 $0x0;
	[tilespmem:$0x1FE50] =	vst v1  }
.LBB2_5:
0x255: {  	s12 =	smul.u32 $0x500, s9;
	_ =	sdelay $0x1  }
0x256: {  	v50 =	vld [tilespmem:s12+$0xA920]  }
0x257: {  	v6 =	vld [tilespmem:s12+$0xA930]  }
0x258: {  	v57 =	vld [tilespmem:s12+$0xA940]  }
0x259: {  	v9 =	vld [tilespmem:s12+$0xA950]  }
0x25a: {  	s13 =	sshll.u32 s9, $0x6  }
0x25b: {  	[tilespmem:s13+$0x14F20] =	vst v50  }
0x25c: {  	[tilespmem:s13+$0x14F30] =	vst v6  }
0x25d: {  	[tilespmem:s13+$0x14F40] =	vst v57  }
0x25e: {  	[tilespmem:s13+$0x14F50] =	vst v9  }
0x25f: {  	v2 =	vld [tilespmem:s12+$0xA960]  }
0x260: {  	v3 =	vld [tilespmem:s12+$0xA970]  }
0x261: {  	v4 =	vld [tilespmem:s12+$0xA980]  }
0x262: {  	v5 =	vld [tilespmem:s12+$0xA990];
	_ =	sdelay $0x1  }
0x263: {  	[tilespmem:s13+$0x14F20] =	vst.add.f32.msk $0xffff, v2  }
0x264: {  	[tilespmem:s13+$0x14F30] =	vst.add.f32.msk $0xffff, v3  }
0x265: {  	[tilespmem:s13+$0x14F40] =	vst.add.f32.msk $0xffff, v4  }
0x266: {  	[tilespmem:s13+$0x14F50] =	vst.add.f32.msk $0xffff, v5  }
0x267: {  	v10 =	vld [tilespmem:s12+$0xA9A0]  }
0x268: {  	v11 =	vld [tilespmem:s12+$0xA9B0]  }
0x269: {  	v19 =	vld [tilespmem:s12+$0xA9C0]  }
0x26a: {  	v27 =	vld [tilespmem:s12+$0xA9D0];
	_ =	sdelay $0x1  }
0x26b: {  	[tilespmem:s13+$0x14F20] =	vst.add.f32.msk $0xffff, v10  }
0x26c: {  	[tilespmem:s13+$0x14F30] =	vst.add.f32.msk $0xffff, v11  }
0x26d: {  	[tilespmem:s13+$0x14F40] =	vst.add.f32.msk $0xffff, v19  }
0x26e: {  	[tilespmem:s13+$0x14F50] =	vst.add.f32.msk $0xffff, v27  }
0x26f: {  	v12 =	vld [tilespmem:s12+$0xA9E0]  }
0x270: {  	v15 =	vld [tilespmem:s12+$0xA9F0]  }
0x271: {  	v28 =	vld [tilespmem:s12+$0xAA00]  }
0x272: {  	v29 =	vld [tilespmem:s12+$0xAA10];
	_ =	sdelay $0x1  }
0x273: {  	[tilespmem:s13+$0x14F20] =	vst.add.f32.msk $0xffff, v12  }
0x274: {  	[tilespmem:s13+$0x14F30] =	vst.add.f32.msk $0xffff, v15  }
0x275: {  	[tilespmem:s13+$0x14F40] =	vst.add.f32.msk $0xffff, v28  }
0x276: {  	[tilespmem:s13+$0x14F50] =	vst.add.f32.msk $0xffff, v29  }
0x277: {  	v13 =	vld [tilespmem:s12+$0xAA20]  }
0x278: {  	v14 =	vld [tilespmem:s12+$0xAA30]  }
0x279: {  	v20 =	vld [tilespmem:s12+$0xAA40]  }
0x27a: {  	v18 =	vld [tilespmem:s12+$0xAA50];
	_ =	sdelay $0x1  }
0x27b: {  	[tilespmem:s13+$0x14F20] =	vst.add.f32.msk $0xffff, v13  }
0x27c: {  	[tilespmem:s13+$0x14F30] =	vst.add.f32.msk $0xffff, v14  }
0x27d: {  	[tilespmem:s13+$0x14F40] =	vst.add.f32.msk $0xffff, v20  }
0x27e: {  	[tilespmem:s13+$0x14F50] =	vst.add.f32.msk $0xffff, v18  }
0x27f: {  	v7 =	vld [tilespmem:s12+$0xAA60]  }
0x280: {  	v8 =	vld [tilespmem:s12+$0xAA70]  }
0x281: {  	v17 =	vld [tilespmem:s12+$0xAA80]  }
0x282: {  	v16 =	vld [tilespmem:s12+$0xAA90];
	_ =	sdelay $0x1  }
0x283: {  	[tilespmem:s13+$0x14F20] =	vst.add.f32.msk $0xffff, v7  }
0x284: {  	[tilespmem:s13+$0x14F30] =	vst.add.f32.msk $0xffff, v8  }
0x285: {  	[tilespmem:s13+$0x14F40] =	vst.add.f32.msk $0xffff, v17  }
0x286: {  	[tilespmem:s13+$0x14F50] =	vst.add.f32.msk $0xffff, v16  }
0x287: {  	v26 =	vld [tilespmem:s12+$0xAAA0]  }
0x288: {  	v25 =	vld [tilespmem:s12+$0xAAB0]  }
0x289: {  	v39 =	vld [tilespmem:s12+$0xAAC0]  }
0x28a: {  	v40 =	vld [tilespmem:s12+$0xAAD0];
	_ =	sdelay $0x1  }
0x28b: {  	[tilespmem:s13+$0x14F20] =	vst.add.f32.msk $0xffff, v26  }
0x28c: {  	[tilespmem:s13+$0x14F30] =	vst.add.f32.msk $0xffff, v25  }
0x28d: {  	[tilespmem:s13+$0x14F40] =	vst.add.f32.msk $0xffff, v39  }
0x28e: {  	[tilespmem:s13+$0x14F50] =	vst.add.f32.msk $0xffff, v40  }
0x28f: {  	v36 =	vld [tilespmem:s12+$0xAAE0]  }
0x290: {  	v32 =	vld [tilespmem:s12+$0xAAF0]  }
0x291: {  	v41 =	vld [tilespmem:s12+$0xAB00]  }
0x292: {  	v37 =	vld [tilespmem:s12+$0xAB10];
	_ =	sdelay $0x1  }
0x293: {  	[tilespmem:s13+$0x14F20] =	vst.add.f32.msk $0xffff, v36  }
0x294: {  	[tilespmem:s13+$0x14F30] =	vst.add.f32.msk $0xffff, v32  }
0x295: {  	[tilespmem:s13+$0x14F40] =	vst.add.f32.msk $0xffff, v41  }
0x296: {  	[tilespmem:s13+$0x14F50] =	vst.add.f32.msk $0xffff, v37  }
0x297: {  	v33 =	vld [tilespmem:s12+$0xAB20]  }
0x298: {  	v34 =	vld [tilespmem:s12+$0xAB30]  }
0x299: {  	v38 =	vld [tilespmem:s12+$0xAB40]  }
0x29a: {  	v42 =	vld [tilespmem:s12+$0xAB50];
	_ =	sdelay $0x1  }
0x29b: {  	[tilespmem:s13+$0x14F20] =	vst.add.f32.msk $0xffff, v33  }
0x29c: {  	[tilespmem:s13+$0x14F30] =	vst.add.f32.msk $0xffff, v34  }
0x29d: {  	[tilespmem:s13+$0x14F40] =	vst.add.f32.msk $0xffff, v38  }
0x29e: {  	[tilespmem:s13+$0x14F50] =	vst.add.f32.msk $0xffff, v42  }
0x29f: {  	v35 =	vld [tilespmem:s12+$0xAB60]  }
0x2a0: {  	v1 =	vld [tilespmem:s12+$0xAB70]  }
0x2a1: {  	v43 =	vld [tilespmem:s12+$0xAB80]  }
0x2a2: {  	v44 =	vld [tilespmem:s12+$0xAB90];
	_ =	sdelay $0x1  }
0x2a3: {  	[tilespmem:s13+$0x14F20] =	vst.add.f32.msk $0xffff, v35  }
0x2a4: {  	[tilespmem:s13+$0x14F30] =	vst.add.f32.msk $0xffff, v1  }
0x2a5: {  	[tilespmem:s13+$0x14F40] =	vst.add.f32.msk $0xffff, v43  }
0x2a6: {  	[tilespmem:s13+$0x14F50] =	vst.add.f32.msk $0xffff, v44  }
0x2a7: {  	v48 =	vld [tilespmem:s12+$0xABA0]  }
0x2a8: {  	v31 =	vld [tilespmem:s12+$0xABB0]  }
0x2a9: {  	v54 =	vld [tilespmem:s12+$0xABC0]  }
0x2aa: {  	v55 =	vld [tilespmem:s12+$0xABD0];
	_ =	sdelay $0x1  }
0x2ab: {  	[tilespmem:s13+$0x14F20] =	vst.add.f32.msk $0xffff, v48  }
0x2ac: {  	[tilespmem:s13+$0x14F30] =	vst.add.f32.msk $0xffff, v31  }
0x2ad: {  	[tilespmem:s13+$0x14F40] =	vst.add.f32.msk $0xffff, v54  }
0x2ae: {  	[tilespmem:s13+$0x14F50] =	vst.add.f32.msk $0xffff, v55  }
0x2af: {  	v46 =	vld [tilespmem:s12+$0xABE0]  }
0x2b0: {  	v47 =	vld [tilespmem:s12+$0xABF0]  }
0x2b1: {  	v56 =	vld [tilespmem:s12+$0xAC00]  }
0x2b2: {  	v58 =	vld [tilespmem:s12+$0xAC10];
	_ =	sdelay $0x1  }
0x2b3: {  	[tilespmem:s13+$0x14F20] =	vst.add.f32.msk $0xffff, v46  }
0x2b4: {  	[tilespmem:s13+$0x14F30] =	vst.add.f32.msk $0xffff, v47  }
0x2b5: {  	[tilespmem:s13+$0x14F40] =	vst.add.f32.msk $0xffff, v56  }
0x2b6: {  	[tilespmem:s13+$0x14F50] =	vst.add.f32.msk $0xffff, v58  }
0x2b7: {  	v49 =	vld [tilespmem:s12+$0xAC20]  }
0x2b8: {  	v51 =	vld [tilespmem:s12+$0xAC30]  }
0x2b9: {  	v0 =	vld [tilespmem:s12+$0xAC40]  }
0x2ba: {  	v60 =	vld [tilespmem:s12+$0xAC50];
	_ =	sdelay $0x1  }
0x2bb: {  	[tilespmem:s13+$0x14F20] =	vst.add.f32.msk $0xffff, v49  }
0x2bc: {  	[tilespmem:s13+$0x14F30] =	vst.add.f32.msk $0xffff, v51  }
0x2bd: {  	[tilespmem:s13+$0x14F40] =	vst.add.f32.msk $0xffff, v0  }
0x2be: {  	[tilespmem:s13+$0x14F50] =	vst.add.f32.msk $0xffff, v60  }
0x2bf: {  	v52 =	vld [tilespmem:s12+$0xAC60]  }
0x2c0: {  	v53 =	vld [tilespmem:s12+$0xAC70]  }
0x2c1: {  	[tilespmem:$0x1FBF0] =	vst v0;
	v0 =	vld [tilespmem:s12+$0xAC80]  }
0x2c2: {  	v61 =	vld [tilespmem:s12+$0xAC90];
	_ =	sdelay $0x1  }
0x2c3: {  	[tilespmem:s13+$0x14F20] =	vst.add.f32.msk $0xffff, v52  }
0x2c4: {  	[tilespmem:s13+$0x14F30] =	vst.add.f32.msk $0xffff, v53  }
0x2c5: {  	[tilespmem:s13+$0x14F40] =	vst.add.f32.msk $0xffff, v0  }
0x2c6: {  	[tilespmem:s13+$0x14F50] =	vst.add.f32.msk $0xffff, v61  }
0x2c7: {  	[tilespmem:$0x1FC00] =	vst v0;
	v0 =	vld [tilespmem:s12+$0xACA0]  }
0x2c8: {  	v23 =	vld [tilespmem:s12+$0xACB0]  }
0x2c9: {  	v21 =	vld [tilespmem:s12+$0xACC0]  }
0x2ca: {  	v22 =	vld [tilespmem:s12+$0xACD0];
	_ =	sdelay $0x1  }
0x2cb: {  	[tilespmem:s13+$0x14F20] =	vst.add.f32.msk $0xffff, v0  }
0x2cc: {  	[tilespmem:s13+$0x14F30] =	vst.add.f32.msk $0xffff, v23  }
0x2cd: {  	[tilespmem:s13+$0x14F40] =	vst.add.f32.msk $0xffff, v21  }
0x2ce: {  	[tilespmem:s13+$0x14F50] =	vst.add.f32.msk $0xffff, v22  }
0x2cf: {  	[tilespmem:$0x1FC10] =	vst v0;
	v0 =	vld [tilespmem:s12+$0xACE0]  }
0x2d0: {  	[tilespmem:$0x1FC20] =	vst v23;
	v23 =	vld [tilespmem:s12+$0xACF0]  }
0x2d1: {  	[tilespmem:$0x1FC30] =	vst v21;
	v21 =	vld [tilespmem:s12+$0xAD00]  }
0x2d2: {  	[tilespmem:$0x1FC40] =	vst v22;
	v22 =	vld [tilespmem:s12+$0xAD10];
	_ =	sdelay $0x1  }
0x2d3: {  	[tilespmem:s13+$0x14F20] =	vst.add.f32.msk $0xffff, v0  }
0x2d4: {  	[tilespmem:s13+$0x14F30] =	vst.add.f32.msk $0xffff, v23  }
0x2d5: {  	[tilespmem:s13+$0x14F40] =	vst.add.f32.msk $0xffff, v21  }
0x2d6: {  	[tilespmem:s13+$0x14F50] =	vst.add.f32.msk $0xffff, v22  }
0x2d7: {  	[tilespmem:$0x1FC50] =	vst v0;
	v0 =	vld [tilespmem:s12+$0xAD20]  }
0x2d8: {  	[tilespmem:$0x1FC60] =	vst v23;
	v23 =	vld [tilespmem:s12+$0xAD30]  }
0x2d9: {  	[tilespmem:$0x1FC70] =	vst v21;
	v21 =	vld [tilespmem:s12+$0xAD40]  }
0x2da: {  	[tilespmem:$0x1FC80] =	vst v22;
	v22 =	vld [tilespmem:s12+$0xAD50]  }
0x2db: {  	v24 =	vld [tilespmem:s13+$0x14920]  }
0x2dc: {  	[tilespmem:s13+$0x14F20] =	vst.add.f32.msk $0xffff, v0  }
0x2dd: {  	[tilespmem:s13+$0x14F30] =	vst.add.f32.msk $0xffff, v23  }
0x2de: {  	[tilespmem:s13+$0x14F40] =	vst.add.f32.msk $0xffff, v21  }
0x2df: {  	[tilespmem:s13+$0x14F50] =	vst.add.f32.msk $0xffff, v22  }
0x2e0: {  	[tilespmem:$0x1FC90] =	vst v0;
	v0 =	vld [tilespmem:s12+$0xAD60]  }
0x2e1: {  	[tilespmem:$0x1FCC0] =	vst v22;
	v22 =	vld [tilespmem:s12+$0xAD70]  }
0x2e2: {  	[tilespmem:$0x1FCB0] =	vst v21;
	v21 =	vld [tilespmem:s12+$0xAD80]  }
0x2e3: {  	[tilespmem:$0x1FCA0] =	vst v23;
	v23 =	vld [tilespmem:s13+$0x14930]  }
0x2e4: {  	v30 =	vld [tilespmem:s12+$0xAD90]  }
0x2e5: {  	[tilespmem:s13+$0x14F20] =	vst.add.f32.msk $0xffff, v0  }
0x2e6: {  	[tilespmem:s13+$0x14F30] =	vst.add.f32.msk $0xffff, v22  }
0x2e7: {  	[tilespmem:s13+$0x14F40] =	vst.add.f32.msk $0xffff, v21  }
0x2e8: {  	[tilespmem:$0x1FCE0] =	vst v22;
	v22 =	vld [tilespmem:s13+$0x14940]  }
0x2e9: {  	[tilespmem:$0x1FCF0] =	vst v21;
	v21 =	vld [tilespmem:s13+$0x14950]  }
0x2ea: {  	[tilespmem:s13+$0x14F50] =	vst.add.f32.msk $0xffff, v30  }
0x2eb: {  	v45 =	vmul.f32 v50, v24;
	v62 =	vld [tilespmem:s12+$0xADA0]  }
0x2ec: {  	v2 =	vmul.f32 v2, v24;
	v10 =	vmul.f32 v10, v24  }
0x2ed: {  	v6 =	vmul.f32 v6, v23;
	v3 =	vmul.f32 v3, v23;
	[tilespmem:$0x1FCD0] =	vst v0;
	v0 =	vmov v63;
	v63 =	vld [tilespmem:s12+$0xADB0]  }
0x2ee: {  	[tilespmem:$0x1FD00] =	vst v30;
	v50 =	vld [tilespmem:s12+$0xADC0];
	v57 =	vmul.f32 v57, v22;
	v30 =	vmul.f32 v9, v21  }
0x2ef: {  	v9 =	vld [tilespmem:s12+$0xADD0];
	v4 =	vmul.f32 v4, v22;
	v5 =	vmul.f32 v5, v21  }
0x2f0: {  	v11 =	vmul.f32 v11, v23;
	v6 =	vadd.f32 v6, v45;
	[tilespmem:$0x1FD10] =	vst v62;
	v30 =	vadd.f32 v30, v57  }
0x2f1: {  	v2 =	vadd.f32 v3, v2;
	v19 =	vmul.f32 v19, v22;
	[tilespmem:s13+$0x14F20] =	vst.add.f32.msk $0xffff, v62;
	v57 =	vadd.f32 v5, v4  }
0x2f2: {  	[tilespmem:s13+$0x14F30] =	vst.add.f32.msk $0xffff, v63;
	v62 =	vmovc v63;
	v63 =	vmov v0;
	v0 =	vadd.f32 v30, v6;
	v30 =	vmul.f32 v27, v21  }
0x2f3: {  	[tilespmem:s13+$0x14F40] =	vst.add.f32.msk $0xffff, v50;
	v2 =	vadd.f32 v57, v2  }
0x2f4: {  	v10 =	vadd.f32 v11, v10;
	[tilespmem:s13+$0x14F50] =	vst.add.f32.msk $0xffff, v9;
	v3 =	vadd.f32 v30, v19  }
0x2f5: {  	v27 =	vmul.f32 v29, v21;
	[tilespmem:$0x1FD30] =	vst v2;
	v2 =	vld [tilespmem:s12+$0xADE0]  }
0x2f6: {  	v29 =	vmul.f32 v7, v24;
	v5 =	vld [tilespmem:s12+$0xADF0];
	v30 =	vmul.f32 v8, v23;
	v3 =	vadd.f32 v3, v10  }
0x2f7: {  	v45 =	vmul.f32 v12, v24;
	v6 =	vld [tilespmem:s12+$0xAE00]  }
0x2f8: {  	v4 =	vld [tilespmem:s12+$0xAE10];
	[tilespmem:$0x1FD40] =	vst v3;
	v3 =	vadd.f32 v30, v29;
	v30 =	vmul.f32 v36, v24;
	v36 =	vmul.f32 v41, v22  }
0x2f9: {  	v41 =	vmul.f32 v38, v22;
	v38 =	vmul.f32 v54, v22;
	v54 =	vld [tilespmem:$0x1FBF0]  }
0x2fa: {  	v57 =	vmul.f32 v15, v23;
	v19 =	vmul.f32 v28, v22;
	[tilespmem:s13+$0x14F20] =	vst.add.f32.msk $0xffff, v2  }
0x2fb: {  	v13 =	vmul.f32 v13, v24;
	[tilespmem:s13+$0x14F30] =	vst.add.f32.msk $0xffff, v5  }
0x2fc: {  	v14 =	vmul.f32 v14, v23;
	v11 =	vadd.f32 v57, v45;
	v12 =	vadd.f32 v27, v19;
	[tilespmem:s13+$0x14F40] =	vst.add.f32.msk $0xffff, v6  }
0x2fd: {  	v18 =	vmul.f32 v18, v21;
	v28 =	vmul.f32 v20, v22;
	[tilespmem:s13+$0x14F50] =	vst.add.f32.msk $0xffff, v4  }
0x2fe: {  	v16 =	vmul.f32 v16, v21;
	v57 =	vmul.f32 v17, v22;
	v45 =	vadd.f32 v12, v11;
	v11 =	vld [tilespmem:s12+$0xF920]  }
0x2ff: {  	v17 =	vadd.f32 v14, v13;
	v18 =	vadd.f32 v18, v28;
	v13 =	vld [tilespmem:s12+$0xF930]  }
0x300: {  	v19 =	vadd.f32 v16, v57;
	v15 =	vld [tilespmem:s12+$0xF940]  }
0x301: {  	v25 =	vmul.f32 v25, v23;
	v20 =	vmul.f32 v26, v24;
	v29 =	vadd.f32 v18, v17;
	v17 =	vld [tilespmem:s12+$0xF950]  }
0x302: {  	v26 =	vmul.f32 v39, v22;
	v27 =	vmul.f32 v40, v21;
	v28 =	vadd.f32 v19, v3;
	v19 =	vld [tilespmem:s12+$0xF960]  }
0x303: {  	v32 =	vmul.f32 v32, v23;
	v8 =	vadd.f32 v25, v20;
	v25 =	vld [tilespmem:s12+$0xF970]  }
0x304: {  	v7 =	vadd.f32 v27, v26;
	v26 =	vld [tilespmem:s12+$0xF980]  }
0x305: {  	v37 =	vmul.f32 v37, v21;
	v10 =	vadd.f32 v32, v30;
	v30 =	vld [tilespmem:s12+$0xF990]  }
0x306: {  	v42 =	vmul.f32 v42, v21;
	v39 =	vmul.f32 v33, v24;
	v18 =	vld [tilespmem:s12+$0xF9A0]  }
0x307: {  	v40 =	vmul.f32 v34, v23;
	v27 =	vadd.f32 v7, v8;
	v8 =	vmul.f32 v44, v21;
	v44 =	vld [tilespmem:s12+$0xF9E0]  }
0x308: {  	v57 =	vmul.f32 v43, v22;
	v16 =	vadd.f32 v42, v41;
	v41 =	vmul.f32 v47, v23;
	v47 =	vld [tilespmem:s12+$0xFA00]  }
0x309: {  	v14 =	vadd.f32 v40, v39;
	v40 =	vmul.f32 v46, v24;
	v46 =	vmul.f32 v52, v24;
	v52 =	vld [tilespmem:s12+$0xFA40]  }
0x30a: {  	v43 =	vmul.f32 v56, v22;
	v56 =	vmul.f32 v53, v23;
	v53 =	vld [tilespmem:s12+$0xFA60]  }
0x30b: {  	[tilespmem:$0x1FD20] =	vst v0;
	v12 =	vadd.f32 v37, v36;
	v0 =	vld [tilespmem:s12+$0xFAC0]  }
0x30c: {  	v3 =	vld [tilespmem:s12+$0xFB20]  }
0x30d: {  	v1 =	vmul.f32 v1, v23;
	[tilespmem:$0x1FD50] =	vst v45;
	v45 =	vmul.f32 v35, v24;
	v32 =	vadd.f32 v12, v10;
	v10 =	vld [tilespmem:s12+$0xF9B0]  }
0x30e: {  	v36 =	vmul.f32 v48, v24;
	v48 =	vmul.f32 v58, v21;
	v33 =	vadd.f32 v16, v14;
	v16 =	vld [tilespmem:s12+$0xF9C0]  }
0x30f: {  	v37 =	vmul.f32 v31, v23;
	v1 =	vadd.f32 v1, v45;
	v45 =	vld [tilespmem:s12+$0xF9F0]  }
0x310: {  	v7 =	vadd.f32 v48, v43;
	v48 =	vld [tilespmem:s12+$0xFA10]  }
0x311: {  	v12 =	vadd.f32 v37, v36;
	v37 =	vmul.f32 v49, v24;
	v49 =	vld [tilespmem:s12+$0xFA20]  }
0x312: {  	v20 =	vadd.f32 v8, v57;
	v57 =	vld [tilespmem:$0x1FC00]  }
0x313: {  	v14 =	vadd.f32 v41, v40;
	v41 =	vld [tilespmem:$0x1FC20]  }
0x314: {  	v43 =	vld [tilespmem:$0x1FC30]  }
0x315: {  	v8 =	vld [tilespmem:$0x1FC70]  }
0x316: {  	v39 =	vmul.f32 v55, v21;
	v55 =	vmul.f32 v54, v22;
	v54 =	vld [tilespmem:s12+$0xFA70]  }
0x317: {  	v2 =	vmul.f32 v2, v24;
	v34 =	vadd.f32 v20, v1;
	v20 =	vld [tilespmem:s12+$0xF9D0]  }
0x318: {  	v31 =	vmul.f32 v60, v21;
	v1 =	vadd.f32 v39, v38;
	v38 =	vmul.f32 v51, v23;
	v51 =	vld [tilespmem:s12+$0xFA30]  }
0x319: {  	v5 =	vmul.f32 v5, v23;
	v6 =	vmul.f32 v6, v22;
	v36 =	vadd.f32 v7, v14;
	v14 =	vld [tilespmem:$0x1FC10]  }
0x31a: {  	v4 =	vmul.f32 v4, v21;
	v60 =	vmul.f32 v61, v21;
	v61 =	vadd.f32 v31, v55;
	v55 =	vld [tilespmem:s12+$0xFA80]  }
0x31b: {  	v2 =	vadd.f32 v5, v2;
	v5 =	vmul.f32 v11, v24;
	v11 =	vmul.f32 v13, v23;
	v13 =	vld [tilespmem:s12+$0xFB40]  }
0x31c: {  	v4 =	vadd.f32 v4, v6;
	v6 =	vmul.f32 v15, v22;
	v15 =	vmul.f32 v17, v21;
	v17 =	vld [tilespmem:s12+$0xFB50]  }
0x31d: {  	v35 =	vadd.f32 v1, v12;
	v1 =	vadd.f32 v56, v46;
	v56 =	vld [tilespmem:$0x1FC40];
	v58 =	vmul.f32 v57, v22  }
0x31e: {  	v12 =	vld [tilespmem:s12+$0xFA50]  }
0x31f: {  	v7 =	vadd.f32 v60, v58;
	v58 =	vld [tilespmem:$0x1FC50]  }
0x320: {  	v60 =	vld [tilespmem:$0x1FC60]  }
0x321: {  	v42 =	vmul.f32 v41, v23;
	v46 =	vmul.f32 v43, v22;
	v43 =	vld [tilespmem:$0x1FC80]  }
0x322: {  	v5 =	vadd.f32 v11, v5;
	v11 =	vld [tilespmem:s12+$0xFB80];
	v31 =	vmul.f32 v14, v24;
	v57 =	vmul.f32 v56, v21  }
0x323: {  	v37 =	vadd.f32 v38, v37;
	v39 =	vadd.f32 v7, v1;
	v56 =	vld [tilespmem:s12+$0xFA90]  }
0x324: {  	v14 =	vadd.f32 v42, v31;
	v1 =	vadd.f32 v57, v46;
	v38 =	vmul.f32 v58, v24;
	v58 =	vld [tilespmem:$0x1FC90]  }
0x325: {  	v37 =	vadd.f32 v61, v37;
	v61 =	vmul.f32 v60, v23;
	v60 =	vld [tilespmem:$0x1FCA0]  }
0x326: {  	v31 =	vmul.f32 v8, v22;
	v46 =	vmul.f32 v43, v21;
	v43 =	vadd.f32 v1, v14;
	v14 =	vld [tilespmem:$0x1FCD0]  }
0x327: {  	v38 =	vadd.f32 v61, v38;
	v61 =	vld [tilespmem:$0x1FCB0]  }
0x328: {  	v7 =	vadd.f32 v46, v31;
	v31 =	vld [tilespmem:$0x1FCE0]  }
0x329: {  	v8 =	vld [tilespmem:$0x1FCC0]  }
0x32a: {  	v57 =	vld [tilespmem:s12+$0xFAA0]  }
0x32b: {  	v42 =	vmul.f32 v60, v23;
	v60 =	vld [tilespmem:$0x1FCF0]  }
0x32c: {  	v40 =	vmul.f32 v58, v24;
	v41 =	vmul.f32 v61, v22;
	v61 =	vld [tilespmem:$0x1FD00]  }
0x32d: {  	v58 =	vld [tilespmem:s12+$0xFAB0];
	v1 =	vmul.f32 v14, v24;
	v14 =	vmul.f32 v31, v23  }
0x32e: {  	v46 =	vmul.f32 v8, v21;
	v31 =	vld [tilespmem:s12+$0xFAD0]  }
0x32f: {  	v40 =	vadd.f32 v42, v40;
	v42 =	vld [tilespmem:$0x1FD10];
	v1 =	vadd.f32 v14, v1  }
0x330: {  	v14 =	vld [tilespmem:s12+$0xFB10];
	v41 =	vadd.f32 v46, v41;
	v46 =	vmul.f32 v50, v22;
	v50 =	vmul.f32 v26, v22  }
0x331: {  	v7 =	vadd.f32 v7, v38;
	v26 =	vld [tilespmem:s12+$0xFB70];
	v38 =	vmul.f32 v60, v22;
	v8 =	vmul.f32 v61, v21  }
0x332: {  	v9 =	vmul.f32 v9, v21;
	v60 =	vld [tilespmem:s12+$0xFAF0]  }
0x333: {  	v19 =	vmul.f32 v19, v24;
	v25 =	vmul.f32 v25, v23;
	v61 =	vld [tilespmem:s12+$0xFAE0];
	v8 =	vadd.f32 v8, v38  }
0x334: {  	v38 =	vadd.f32 v41, v40;
	v41 =	vmul.f32 v42, v24;
	v42 =	vmul.f32 v62, v23;
	v62 =	vld [tilespmem:s12+$0xFB00]  }
0x335: {  	v30 =	vmul.f32 v30, v21;
	v40 =	vadd.f32 v8, v1;
	v1 =	vadd.f32 v9, v46;
	v9 =	vld [tilespmem:s12+$0xFB30]  }
0x336: {  	v44 =	vmul.f32 v44, v24;
	v41 =	vadd.f32 v42, v41;
	v42 =	vadd.f32 v25, v19;
	v19 =	vld [tilespmem:s12+$0xFB90]  }
0x337: {  	v6 =	vadd.f32 v15, v6;
	v45 =	vmul.f32 v45, v23;
	v25 =	vmul.f32 v16, v22;
	v16 =	vld [tilespmem:s12+$0xFBB0]  }
0x338: {  	v46 =	vadd.f32 v4, v2;
	v4 =	vadd.f32 v30, v50;
	v30 =	vmul.f32 v20, v21;
	v20 =	vld [tilespmem:s12+$0xFBC0]  }
0x339: {  	v0 =	vmul.f32 v0, v22;
	v2 =	vadd.f32 v6, v5;
	v6 =	vadd.f32 v45, v44;
	v45 =	vld [tilespmem:s12+$0xFBE0]  }
0x33a: {  	v50 =	vmul.f32 v18, v24;
	v18 =	vmul.f32 v49, v24;
	v8 =	vadd.f32 v1, v41;
	v41 =	vld [tilespmem:s12+$0xFB60]  }
0x33b: {  	v44 =	vmul.f32 v51, v23;
	v1 =	vmul.f32 v10, v23;
	v10 =	vld [tilespmem:s12+$0xFBA0]  }
0x33c: {  	v12 =	vmul.f32 v12, v21;
	v42 =	vadd.f32 v4, v42;
	v4 =	vadd.f32 v30, v25;
	v30 =	vld [tilespmem:s12+$0xFBD0]  }
0x33d: {  	v25 =	vmul.f32 v52, v22;
	v18 =	vadd.f32 v44, v18;
	v52 =	vmul.f32 v57, v24;
	v44 =	vld [tilespmem:s12+$0xFC40]  }
0x33e: {  	v57 =	vld [tilespmem:s12+$0xFC60];
	v5 =	vadd.f32 v1, v50;
	v1 =	vmul.f32 v47, v22;
	v50 =	vmul.f32 v48, v21  }
0x33f: {  	v3 =	vmul.f32 v3, v24;
	v13 =	vmul.f32 v13, v22;
	v48 =	vld [tilespmem:s12+$0xFC00]  }
0x340: {  	v14 =	vmul.f32 v14, v21;
	v12 =	vadd.f32 v12, v25;
	v25 =	vld [tilespmem:s12+$0xFC20];
	v15 =	vadd.f32 v50, v1  }
0x341: {  	v1 =	vld [tilespmem:s12+$0xFBF0];
	v47 =	vadd.f32 v4, v5;
	v4 =	vmul.f32 v53, v24;
	v5 =	vmul.f32 v54, v23  }
0x342: {  	v53 =	vmul.f32 v58, v23;
	v54 =	vmul.f32 v61, v24;
	v58 =	vld [tilespmem:s12+$0xFC70]  }
0x343: {  	v61 =	vmul.f32 v62, v22;
	v62 =	vmul.f32 v17, v21;
	v17 =	vld [tilespmem:s12+$0xFC90]  }
0x344: {  	v6 =	vadd.f32 v15, v6;
	v15 =	vmul.f32 v55, v22;
	v55 =	vld [tilespmem:s12+$0xFC10];
	v4 =	vadd.f32 v5, v4  }
0x345: {  	v9 =	vmul.f32 v9, v23;
	v5 =	vadd.f32 v14, v61;
	v61 =	vadd.f32 v62, v13;
	v13 =	vld [tilespmem:s12+$0xFCC0]  }
0x346: {  	v49 =	vmul.f32 v56, v21;
	v62 =	vmul.f32 v10, v24;
	v10 =	vld [tilespmem:s12+$0xFCE0]  }
0x347: {  	v31 =	vmul.f32 v31, v21;
	v60 =	vmul.f32 v60, v23;
	v3 =	vadd.f32 v9, v3;
	v14 =	vld [tilespmem:s12+$0xFD00]  }
0x348: {  	v16 =	vmul.f32 v16, v23;
	v56 =	vadd.f32 v49, v15;
	v15 =	vld [tilespmem:s12+$0xFC30];
	v49 =	vadd.f32 v12, v18  }
0x349: {  	v12 =	vadd.f32 v53, v52;
	v18 =	vadd.f32 v60, v54;
	v54 =	vmul.f32 v11, v22;
	v11 =	vld [tilespmem:s12+$0xFCD0]  }
0x34a: {  	v60 =	vmul.f32 v19, v21;
	v53 =	vadd.f32 v61, v3;
	v3 =	vadd.f32 v16, v62;
	v16 =	vld [tilespmem:s12+$0xFD60]  }
0x34b: {  	v19 =	vmul.f32 v20, v22;
	v20 =	vmul.f32 v30, v21;
	v50 =	vadd.f32 v56, v4;
	v56 =	vld [tilespmem:s12+$0xFC50]  }
0x34c: {  	v30 =	vmul.f32 v45, v24;
	v1 =	vmul.f32 v1, v23;
	v4 =	vadd.f32 v31, v0;
	v0 =	vld [tilespmem:s12+$0xFC80]  }
0x34d: {  	v31 =	vmul.f32 v41, v24;
	v41 =	vmul.f32 v26, v23;
	v26 =	vld [tilespmem:s12+$0xFCA0];
	v52 =	vadd.f32 v5, v18  }
0x34e: {  	v45 =	vmul.f32 v25, v24;
	v18 =	vld [tilespmem:s12+$0xFCB0];
	v5 =	vadd.f32 v60, v54;
	v1 =	vadd.f32 v1, v30  }
0x34f: {  	v30 =	vld [tilespmem:s12+$0xFD30];
	v51 =	vadd.f32 v4, v12;
	v4 =	vadd.f32 v41, v31;
	v31 =	vmul.f32 v48, v22  }
0x350: {  	v12 =	vld [tilespmem:s12+$0xFCF0];
	v41 =	vmul.f32 v55, v21;
	v48 =	vmul.f32 v44, v22  }
0x351: {  	v44 =	vmul.f32 v17, v21;
	v17 =	vld [tilespmem:s12+$0xFD50];
	v15 =	vmul.f32 v15, v23;
	v54 =	vadd.f32 v5, v4  }
0x352: {  	v61 =	vmul.f32 v57, v24;
	v4 =	vadd.f32 v20, v19;
	v19 =	vld [tilespmem:s12+$0xFD10];
	v5 =	vadd.f32 v41, v31  }
0x353: {  	v62 =	vmul.f32 v58, v23;
	v20 =	vld [tilespmem:s12+$0xFD20];
	v60 =	vmul.f32 v56, v21;
	v9 =	vadd.f32 v15, v45  }
0x354: {  	v41 =	vld [tilespmem:s12+$0xFD40];
	v31 =	vmul.f32 v0, v22;
	v55 =	vadd.f32 v4, v3;
	v56 =	vadd.f32 v5, v1  }
0x355: {  	v15 =	vld [tilespmem:s12+$0xFD80];
	v3 =	vadd.f32 v62, v61;
	v61 =	vmul.f32 v13, v22;
	v62 =	vmul.f32 v11, v21  }
0x356: {  	v4 =	vld [tilespmem:s12+$0xFD70];
	v45 =	vadd.f32 v60, v48;
	v48 =	vmul.f32 v26, v24;
	v60 =	vmul.f32 v18, v23  }
0x357: {  	v11 =	vld [tilespmem:s12+$0xFD90];
	v1 =	vadd.f32 v44, v31;
	v18 =	vmul.f32 v10, v24;
	v25 =	vmul.f32 v12, v23  }
0x358: {  	v12 =	vld [tilespmem:s12+$0xFDA0];
	v26 =	vmul.f32 v14, v22;
	v17 =	vmul.f32 v17, v21;
	v57 =	vadd.f32 v45, v9  }
0x359: {  	v14 =	vld [tilespmem:s12+$0xFDB0];
	v58 =	vadd.f32 v1, v3;
	v5 =	vadd.f32 v60, v48;
	v31 =	vmul.f32 v19, v21  }
0x35a: {  	v1 =	vadd.f32 v62, v61;
	v44 =	vmul.f32 v20, v24;
	v45 =	vmul.f32 v30, v23;
	v48 =	vld [tilespmem:s12+$0xFDC0]  }
0x35b: {  	v9 =	vadd.f32 v25, v18;
	v60 =	vmul.f32 v41, v22;
	v20 =	vld [tilespmem:s12+$0xFDD0];
	v61 =	vmul.f32 v16, v24  }
0x35c: {  	v25 =	vld [tilespmem:s12+$0xFDE0];
	v30 =	vmul.f32 v15, v22;
	v3 =	vadd.f32 v31, v26;
	v5 =	vadd.f32 v1, v5  }
0x35d: {  	v41 =	vld [tilespmem:s12+$0xFDF0];
	v62 =	vmul.f32 v4, v23;
	v31 =	vmul.f32 v11, v21;
	v10 =	vadd.f32 v45, v44  }
0x35e: {  	v15 =	vld [tilespmem:s12+$0xFE00];
	v13 =	vadd.f32 v17, v60;
	v44 =	vmul.f32 v12, v24;
	v4 =	vadd.f32 v3, v9  }
0x35f: {  	v45 =	vmul.f32 v14, v23;
	v1 =	vadd.f32 v62, v61;
	v3 =	vadd.f32 v31, v30;
	v31 =	vld [tilespmem:$0x1FD20]  }
0x360: {  	v0 =	vadd.f32 v13, v10;
	v62 =	vld [tilespmem:$0x1FD50];
	v48 =	vmul.f32 v48, v22;
	v26 =	vmul.f32 v20, v21  }
0x361: {  	v30 =	vld [tilespmem:s12+$0xFE10];
	v60 =	vadd.f32 v3, v1;
	v3 =	vmul.f32 v25, v24;
	v24 =	vperm.xlane v29, v59  }
0x362: {  	v9 =	vadd.f32 v45, v44;
	v10 =	vmul.f32 v41, v23;
	v44 =	vld [tilespmem:$0x1FD30];
	v25 =	vperm.xlane v28, v59  }
0x363: {  	v12 =	vmul.f32 v15, v22;
	v1 =	vadd.f32 v26, v48;
	v26 =	vadd.f32 v24, v29  }
0x364: {  	v48 =	vld [tilespmem:$0x1FD40];
	v28 =	vadd.f32 v25, v28;
	v29 =	vperm.xlane v27, v59;
	v25 =	vperm.xlane v40, v59  }
0x365: {  	v41 =	vperm.xlane v31, v59;
	v23 =	vperm.xlane v62, v59  }
0x366: {  	v3 =	vadd.f32 v10, v3;
	v13 =	vmul.f32 v30, v21;
	v30 =	vperm.xlane v32, v59  }
0x367: {  	v1 =	vadd.f32 v1, v9;
	v45 =	vperm.xlane v44, v59;
	v11 =	vadd.f32 v41, v31  }
0x368: {  	v16 =	vadd.f32 v23, v62;
	v31 =	vperm.xlane v33, v59;
	v41 =	vperm.xlane v34, v59  }
0x369: {  	v18 =	vadd.f32 v30, v32;
	v62 =	vperm.xlane v43, v59;
	v61 =	vperm.xlane v48, v59  }
0x36a: {  	v14 =	vadd.f32 v45, v44;
	v44 =	vperm.xlane v35, v59;
	v17 =	vadd.f32 v31, v33  }
0x36b: {  	v45 =	vperm.xlane v36, v59;
	v19 =	vadd.f32 v41, v34;
	v31 =	vadd.f32 v62, v43  }
0x36c: {  	v62 =	vperm.xlane v38, v59;
	v15 =	vadd.f32 v61, v48;
	v11 =	vsel vm0, v11, v14  }
0x36d: {  	v14 =	vsel vm0, v26, v28;
	v20 =	vadd.f32 v44, v35;
	v48 =	vperm.xlane v37, v59  }
0x36e: {  	v61 =	vperm.xlane v39, v59;
	v21 =	vadd.f32 v45, v36;
	v28 =	vperm.xlane v7, v59  }
0x36f: {  	v26 =	vperm.xlane v8, v59;
	v17 =	vsel vm0, v17, v19;
	v32 =	vperm.xlane v11, v63  }
0x370: {  	v34 =	vperm.xlane v14, v63;
	v19 =	vadd.f32 v25, v40;
	v40 =	vperm.xlane v6, v59  }
0x371: {  	v15 =	vsel vm0, v15, v16;
	v16 =	vadd.f32 v29, v27;
	v29 =	vadd.f32 v48, v37  }
0x372: {  	v30 =	vadd.f32 v61, v39;
	v7 =	vadd.f32 v28, v7;
	v20 =	vsel vm0, v20, v21  }
0x373: {  	v36 =	vperm.xlane v17, v63;
	v27 =	vperm.xlane v46, v59;
	v8 =	vadd.f32 v26, v8  }
0x374: {  	v33 =	vperm.xlane v15, v63;
	v11 =	vadd.f32 v32, v11;
	v14 =	vadd.f32 v34, v14  }
0x375: {  	v37 =	vperm.xlane v20, v63;
	v32 =	vadd.f32 v13, v12;
	v6 =	vadd.f32 v40, v6  }
0x376: {  	v16 =	vsel vm0, v16, v18;
	v18 =	vsel vm0, v29, v30;
	v7 =	vsel vm0, v31, v7  }
0x377: {  	v43 =	vadd.f32 v36, v17;
	v30 =	vadd.f32 v27, v46;
	v46 =	vperm.xlane v53, v59  }
0x378: {  	v15 =	vadd.f32 v33, v15;
	v35 =	vperm.xlane v16, v63;
	v39 =	vperm.xlane v18, v63  }
0x379: {  	v24 =	vld [tilespmem:$0x1FFE0];
	v41 =	vperm.xlane v7, v63;
	v44 =	vadd.f32 v37, v20;
	v3 =	vadd.f32 v32, v3  }
0x37a: {  	v37 =	vperm.xlane v2, v59;
	v8 =	vsel vm0, v8, v30;
	v16 =	vadd.f32 v35, v16  }
0x37b: {  	v11 =	vsel vm1, v11, v15;
	v45 =	vadd.f32 v39, v18;
	v7 =	vadd.f32 v41, v7  }
0x37c: {  	v15 =	vsel vm1, v43, v44;
	v33 =	vperm.xlane v8, v63;
	v39 =	vperm.xlane v47, v59  }
0x37d: {  	v2 =	vadd.f32 v37, v2;
	v43 =	vperm.xlane v50, v59;
	v44 =	vperm.xlane v51, v59  }
0x37e: {  	v48 =	vperm.xlane v11, v24;
	v28 =	vperm.xlane v15, v24;
	v14 =	vsel vm1, v14, v16  }
0x37f: {  	v7 =	vsel vm1, v45, v7;
	v16 =	vadd.f32 v62, v38;
	v38 =	vperm.xlane v42, v59  }
0x380: {  	v8 =	vadd.f32 v33, v8;
	v45 =	vperm.xlane v52, v59;
	v62 =	vperm.xlane v4, v59  }
0x381: {  	v33 =	vperm.xlane v0, v59;
	v61 =	vperm.xlane v14, v24;
	v11 =	vadd.f32 v48, v11  }
0x382: {  	v29 =	vperm.xlane v7, v24;
	v15 =	vadd.f32 v28, v15;
	v48 =	vadd.f32 v44, v51  }
0x383: {  	v16 =	vsel vm0, v16, v19;
	v36 =	vperm.xlane v8, v24;
	v41 =	vadd.f32 v38, v42  }
0x384: {  	v23 =	vld [tilespmem:$0x1FFF0];
	v42 =	vperm.xlane v49, v59;
	v4 =	vadd.f32 v62, v4;
	v14 =	vadd.f32 v61, v14  }
0x385: {  	v7 =	vadd.f32 v29, v7;
	v31 =	vperm.xlane v16, v63;
	v61 =	vperm.xlane v5, v59  }
0x386: {  	v8 =	vadd.f32 v36, v8;
	v13 =	vadd.f32 v42, v49;
	v2 =	vsel vm0, v2, v41  }
0x387: {  	v49 =	vadd.f32 v45, v52;
	v52 =	vperm.xlane v55, v59;
	v36 =	vperm.xlane v3, v59  }
0x388: {  	v11 =	vsel vm2, v11, v14;
	v7 =	vsel vm2, v15, v7;
	v34 =	vadd.f32 v31, v16  }
0x389: {  	v25 =	vperm.xlane v2, v63;
	v5 =	vadd.f32 v61, v5;
	v14 =	vperm.xlane v11, v23  }
0x38a: {  	v15 =	vperm.xlane v7, v23;
	v12 =	vsel vm0, v48, v49;
	v3 =	vadd.f32 v36, v3  }
0x38b: {  	v35 =	vperm.xlane v34, v24;
	v2 =	vadd.f32 v25, v2;
	v4 =	vsel vm0, v5, v4  }
0x38c: {  	v28 =	vperm.xlane v12, v63;
	v10 =	vadd.f32 v14, v11;
	v7 =	vadd.f32 v15, v7  }
0x38d: {  	v11 =	vadd.f32 v39, v47;
	v14 =	vadd.f32 v43, v50;
	v47 =	vperm.xlane v54, v59  }
0x38e: {  	v50 =	vadd.f32 v46, v53;
	v53 =	vperm.xlane v56, v59;
	v37 =	vperm.xlane v4, v63  }
0x38f: {  	v9 =	vadd.f32 v35, v34;
	v5 =	vadd.f32 v28, v12;
	v34 =	vperm.xlane v60, v59  }
0x390: {  	v35 =	vperm.xlane v1, v59;
	v6 =	vsel vm0, v11, v6;
	v51 =	vadd.f32 v47, v54  }
0x391: {  	v13 =	vsel vm0, v13, v14;
	v54 =	vperm.xlane v57, v59;
	v14 =	vadd.f32 v52, v55  }
0x392: {  	v55 =	vadd.f32 v53, v56;
	v56 =	vperm.xlane v58, v59;
	v4 =	vadd.f32 v37, v4  }
0x393: {  	v26 =	vperm.xlane v6, v63;
	v27 =	vperm.xlane v13, v63;
	v1 =	vadd.f32 v35, v1  }
0x394: {  	v11 =	vsel vm0, v50, v51;
	v15 =	vadd.f32 v54, v57;
	v17 =	vadd.f32 v56, v58  }
0x395: {  	v14 =	vsel vm0, v14, v55;
	v6 =	vadd.f32 v26, v6;
	v29 =	vadd.f32 v27, v13  }
0x396: {  	v30 =	vperm.xlane v11, v63;
	v31 =	vperm.xlane v14, v63;
	v13 =	vadd.f32 v33, v0  }
0x397: {  	v1 =	vsel vm0, v1, v3;
	v15 =	vsel vm0, v15, v17;
	v17 =	vadd.f32 v34, v60  }
0x398: {  	v43 =	vperm.xlane v1, v63;
	v2 =	vsel vm1, v2, v6;
	v32 =	vperm.xlane v15, v63  }
0x399: {  	v11 =	vadd.f32 v30, v11;
	v12 =	vadd.f32 v31, v14;
	v5 =	vsel vm1, v29, v5  }
0x39a: {  	v40 =	vperm.xlane v2, v24;
	v13 =	vsel vm0, v13, v17;
	v39 =	vadd.f32 v32, v15  }
0x39b: {  	v7 =	vsel vm3, v10, v7;
	v44 =	vperm.xlane v5, v24;
	v42 =	vperm.xlane v13, v63  }
0x39c: {  	v1 =	vadd.f32 v43, v1;
	v38 =	vsel vm1, v11, v12;
	v41 =	vsel vm1, v39, v4  }
0x39d: {  	v45 =	vperm.xlane v38, v24;
	v4 =	vadd.f32 v42, v13;
	v46 =	vperm.xlane v41, v24  }
0x39e: {  	v2 =	vadd.f32 v40, v2;
	v5 =	vadd.f32 v44, v5;
	v49 =	vperm.xlane v1, v24  }
0x39f: {  	v6 =	vadd.f32 v45, v38;
	v48 =	vperm.xlane v4, v24;
	v3 =	vadd.f32 v46, v41  }
0x3a0: {  	v47 =	vperm.xlane v9, v23;
	v50 =	vperm.xlane v8, v23;
	v2 =	vsel vm2, v2, v5  }
0x3a1: {  	v1 =	vadd.f32 v49, v1;
	v4 =	vadd.f32 v48, v4;
	v3 =	vsel vm2, v6, v3  }
0x3a2: {  	v9 =	vadd.f32 v47, v9;
	v52 =	vperm.xlane v2, v23;
	v53 =	vperm.xlane v3, v23  }
0x3a3: {  	v51 =	vadd.f32 v50, v8;
	v55 =	vperm.xlane v1, v23;
	v54 =	vperm.xlane v4, v23  }
0x3a4: {  	v56 =	vmul.f32 $1.442695020e+00, v7;
	v2 =	vadd.f32 v52, v2;
	v3 =	vadd.f32 v53, v3  }
0x3a5: {  	v5 =	vsel vm1, v9, v51;
	v1 =	vadd.f32 v55, v1;
	v4 =	vadd.f32 v54, v4  }
0x3a6: {  	v5 =	vmul.f32 $1.442695020e+00, v5;
	v2 =	vsel vm3, v2, v3  }
0x3a7: {  	(erf) = vpow2.f32 v56;
	v1 =	vsel vm1, v4, v1;
	v2 =	vmul.f32 $1.442695020e+00, v2  }
0x3a8: {  	(erf) = vpow2.f32 v5;
	v1 =	vmul.f32 $1.442695020e+00, v1  }
0x3a9: {  	(erf) = vpow2.f32 v2  }
0x3aa: {  	(erf) = vpow2.f32 v1;
	_ =	sdelay $0x5  }
0x3ab: {  	v57 =	vpop (erf)  }
0x3ac: {  	v58 =	vpop (erf)  }
0x3ad: {  	p0 =	sne.s32 s9, $0xF;
	v60 =	vpop (erf)  }
.Ltmp1:
0x3ae: {  	v2 =	vnsel vm4, $0x0, v58;
	v61 =	vpop (erf);
	(pc) =	sbr.rel @p0 .LBB2_5-.Ltmp1, $4  }
0x3af: {  	v1 =	vadd.f32 v2, v57;
	v4 =	vnsel vm4, $0x0, v61  }
0x3b0: {  	s16 =	sshll.u32 s9, $0x4;
	v62 =	vadd.f32 v4, v60  }
0x3b1: {  	[tilespmem:s16+$0x14D20] =	vst v1  }
0x3b2: {  	s9 =	sadd.s32 $0x1, s9;
	[tilespmem:s16+$0x14E20] =	vst v62  }
0x3b3: {  	v5 =	vld [tilespmem:$0x1FFD0]  }
0x3b4: {  	v6 =	vld [tilespmem:$0x1FD60]  }
0x3b5: {  	v7 =	vld [tilespmem:$0x1FD70]  }
0x3b6: {  	v8 =	vld [tilespmem:$0x1FD80]  }
0x3b7: {  	v9 =	vld [tilespmem:$0x1FD90]  }
0x3b8: {  	v10 =	vld [tilespmem:$0x1FDA0]  }
0x3b9: {  	v11 =	vld [tilespmem:$0x1FDB0]  }
0x3ba: {  	v12 =	vld [tilespmem:$0x1FDC0]  }
0x3bb: {  	v13 =	vld [tilespmem:$0x1FDD0]  }
0x3bc: {  	v14 =	vld [tilespmem:$0x1FDE0]  }
0x3bd: {  	v44 =	vld [tilespmem:$0x1FDF0]  }
0x3be: {  	v47 =	vld [tilespmem:$0x1FE00]  }
0x3bf: {  	v49 =	vld [tilespmem:$0x1FE10]  }
0x3c0: {  	v1 =	vld.idx.msk [tilespmem:v5+s30+$0x0], $0xffff  }
0x3c1: {  	v2 =	vld.idx.msk [tilespmem:v6+s30+$0x0], $0xffff  }
0x3c2: {  	v52 =	vld [tilespmem:$0x1FE20]  }
0x3c3: {  	v3 =	vld.idx.msk [tilespmem:v7+s30+$0x0], $0xffff  }
0x3c4: {  	v55 =	vld [tilespmem:$0x1FE30]  }
0x3c5: {  	v4 =	vld.idx.msk [tilespmem:v8+s30+$0x0], $0xffff  }
0x3c6: {  	v57 =	vld [tilespmem:$0x1FE40];
	v1 =	vadd.f32 v2, v1  }
0x3c7: {  	v2 =	vld.idx.msk [tilespmem:v9+s30+$0x0], $0xffff  }
0x3c8: {  	v5 =	vld.idx.msk [tilespmem:v5+s29+$0x0], $0xffff;
	v1 =	vadd.f32 v3, v1  }
0x3c9: {  	v3 =	vld.idx.msk [tilespmem:v10+s30+$0x0], $0xffff  }
0x3ca: {  	v6 =	vld.idx.msk [tilespmem:v6+s29+$0x0], $0xffff;
	v1 =	vadd.f32 v4, v1  }
0x3cb: {  	v40 =	vld.idx.msk [tilespmem:v11+s30+$0x0], $0xffff  }
0x3cc: {  	v7 =	vld.idx.msk [tilespmem:v7+s29+$0x0], $0xffff;
	v1 =	vadd.f32 v2, v1  }
0x3cd: {  	v2 =	vld.idx.msk [tilespmem:v12+s30+$0x0], $0xffff  }
0x3ce: {  	v8 =	vld.idx.msk [tilespmem:v8+s29+$0x0], $0xffff;
	v1 =	vadd.f32 v3, v1  }
0x3cf: {  	v3 =	vld.idx.msk [tilespmem:v13+s30+$0x0], $0xffff  }
0x3d0: {  	v42 =	vld.idx.msk [tilespmem:v14+s30+$0x0], $0xffff;
	v41 =	vadd.f32 v6, v5;
	v1 =	vadd.f32 v40, v1  }
0x3d1: {  	v9 =	vld.idx.msk [tilespmem:v9+s29+$0x0], $0xffff  }
0x3d2: {  	v45 =	vld.idx.msk [tilespmem:v44+s30+$0x0], $0xffff;
	v1 =	vadd.f32 v2, v1;
	v2 =	vadd.f32 v7, v41  }
0x3d3: {  	v10 =	vld.idx.msk [tilespmem:v10+s29+$0x0], $0xffff  }
0x3d4: {  	v43 =	vld.idx.msk [tilespmem:v11+s29+$0x0], $0xffff;
	v1 =	vadd.f32 v3, v1;
	v2 =	vadd.f32 v8, v2  }
0x3d5: {  	v3 =	vld.idx.msk [tilespmem:v47+s30+$0x0], $0xffff  }
0x3d6: {  	v46 =	vld.idx.msk [tilespmem:v12+s29+$0x0], $0xffff;
	v1 =	vadd.f32 v42, v1;
	v2 =	vadd.f32 v9, v2  }
0x3d7: {  	v50 =	vld.idx.msk [tilespmem:v49+s30+$0x0], $0xffff  }
0x3d8: {  	v48 =	vld.idx.msk [tilespmem:v13+s29+$0x0], $0xffff;
	v1 =	vadd.f32 v45, v1;
	v2 =	vadd.f32 v10, v2  }
0x3d9: {  	v53 =	vld.idx.msk [tilespmem:v52+s30+$0x0], $0xffff  }
0x3da: {  	v51 =	vld.idx.msk [tilespmem:v14+s29+$0x0], $0xffff;
	v1 =	vadd.f32 v3, v1;
	v2 =	vadd.f32 v43, v2  }
0x3db: {  	v3 =	vld.idx.msk [tilespmem:v55+s30+$0x0], $0xffff  }
0x3dc: {  	v54 =	vld.idx.msk [tilespmem:v44+s29+$0x0], $0xffff;
	v1 =	vadd.f32 v50, v1;
	v2 =	vadd.f32 v46, v2  }
0x3dd: {  	v58 =	vld.idx.msk [tilespmem:v57+s30+$0x0], $0xffff  }
0x3de: {  	v56 =	vld.idx.msk [tilespmem:v47+s29+$0x0], $0xffff;
	v1 =	vadd.f32 v53, v1;
	v2 =	vadd.f32 v48, v2  }
0x3df: {  	v60 =	vld.idx.msk [tilespmem:v49+s29+$0x0], $0xffff  }
0x3e0: {  	s9 =	sshll.u32 s10, $0x7;
	v61 =	vld.idx.msk [tilespmem:v52+s29+$0x0], $0xffff;
	v1 =	vadd.f32 v3, v1;
	v2 =	vadd.f32 v51, v2  }
0x3e1: {  	s9 =	sadd.s32 s9, s15;
	v62 =	vld.idx.msk [tilespmem:v55+s29+$0x0], $0xffff  }
0x3e2: {  	v3 =	vld.idx.msk [tilespmem:v57+s29+$0x0], $0xffff;
	[hbm4b:s9+s3] =	stream.linear.scatter [tilespmem:s21], [sflag:$0x5], $0x400, $0x38;
	v1 =	vadd.f32 v58, v1;
	v2 =	vadd.f32 v54, v2  }
0x3e3: {  	_ =	swait.ge [sflag:s31], $0x400  }
0x3e4: {  	v2 =	vadd.f32 v56, v2;
	(erf) = vrcp.f32 v1;
	_ =	sdelay $0x1  }
0x3e5: {  	v1 =	vadd.f32 v60, v2;
	_ =	sdelay $0x1  }
0x3e6: {  	v1 =	vadd.f32 v61, v1;
	_ =	sdelay $0x1  }
0x3e7: {  	v1 =	vadd.f32 v62, v1;
	_ =	sdelay $0x1  }
0x3e8: {  	v1 =	vadd.f32 v3, v1  }
0x3e9: {  	v2 =	vpop (erf)  }
0x3ea: {  	s19 =	sadd.s32 $0x1, s19;
	v1 =	vmul.f32 v2, v1;
	v2 =	vld [tilespmem:$0x1FE50]  }
0x3eb: {  	p0 =	sne.s32 s19, $0x10  }
.Ltmp2:
0x3ec: {  	_ = 	snop;
	(pc) =	sbr.rel @p0 .LBB2_2-.Ltmp2, $3  }
0x3ed: {  	_ =	sdelay $0x1  }
0x3ee: {  	[sflag:s31] =	ssyncset.done $0x0;
	v1 =	vadd.f32 v1, v2  }
0x3ef: {  	[sflag:s31] =	ssyncadd.s32 $0xFFFFFC00  }
0x3f0: {  	[tilespmem:$0x14D20] =	vst v1;
	s9 =	rddreg [dreg:$0xa]  }
0x3f1: {  	[hbm4b:s9+s3] =	stream.linear.scatter [tilespmem:s29], [sflag:$0x5], $0x10, $0x38;
	[tilespmem:$0x15320] =	vst v63  }
0x3f2: {  	_ =	swait.ge [sflag:s31], $0x10  }
0x3f3: {  	s10 =	rddreg [dreg:$0xc]  }
0x3f4: {  	s19 =	rddreg [dreg:$0xb];
	s10 =	sadd.s32 $0x1, s10  }
0x3f5: {  	p0 =	sne.s32 s10, s19  }
.Ltmp3:
0x3f6: {  	_ = 	snop;
	(pc) =	sbr.rel @p0 .LBB2_1-.Ltmp3, $3  }
0x3f7: {  	_ =	sdelay $0x1  }
0x3f8: {  	[sflag:s31] =	ssyncset.done $0x0  }
0x3f9: {  	[sflag:s31] =	ssyncadd.s32 $0xFFFFFFF0  }
0x3fa: {  	_ =	sfence.sel $0x180000  }
0x3fb: {  	[bflag:$0x0] =	sbarrier.arrive $0xFFFF  }
0x3fc: {  	_ =	strace $0x90000047  }
0x3fd: {  	s0 =	stileid.u32;
	[bflag:$0x2] =	sbarrier.arrive $0xFFFF  }
0x3fe: {  	p0 =	sne.s32 s0, $0x0;
	s0 =	rddreg [dreg:$0x3]  }
0x3ff: {  	s0 =	sadd.s32 @!p0 $0x100000, s0  }
0x400: {  	[sflag:s0] =	ssyncadd.tile.s32 @!p0 $0x1;
	_ =	shalt  }
.Lfunc_end2:
_tile_overlayer_lowered:
.L_overlay_start_2:
0x401: {  	(tag) =	ssettag $0x2  }
0x402: {  	s0 =	rddreg [dreg:$0x0];
	s2 =	stileid.u32  }
0x403: {  	s1 =	rddreg [dreg:$0x1];
	p0 =	sne.s32 s2, $0x0  }
0x404: {  	s3 =	rddreg [dreg:$0x2];
	[bflag:$0x3] =	sbarrier.arrive $0xFFFF;
	s2 =	simm.s32 @!p0 $0x1C05  }
0x405: {  	[timem:s3], [sflag:s2] =	dma.local @!p0 [hbm:s0], s1  }
0x406: {  	s0 =	simm.s32 @!p0 $0x5  }
0x407: {  	_ =	swait.ge @!p0 [sflag:s0], s1  }
0x408: {  	s1 =	ssub.s32 @!p0 $0x0, s1;
	[sflag:s0] =	ssyncset.done @!p0 $0x0  }
0x409: {  	[sflag:s0] =	ssyncadd.s32 @!p0 s1  }
0x40a: {  	[bflag:$0x3] =	sbarrier.arrive $0xFFFF  }
0x40b: {  	_ =	shalt  }

</sc_bundles>
